<compile_context>
chip_gen: v7x
topology: tpu7x:2x2x1
jax: 0.10.2.dev20260603
libtpu: 0.0.44.dev20260713+nightly
codegen_flags: <defaults>
</compile_context>

<pallas_src>
import functools

import jax
import jax.numpy as jnp
from jax import lax
from jax.experimental import pallas as pl
from jax.experimental.pallas import tpu as pltpu
from jax.experimental.pallas import tpu_sc as plsc

_HIDDEN = 64
_LANES = 16
_TH = 8
_TB = 128

_NC = 2
_NS = 16
_NW = _NC * _NS
_BLK = 128

_GR = 4
_WR = 2


def _body(nbatch, seq, table_hbm, labels_hbm, out_hbm,
          idx_v, r0, r1, r2, r3, ob0, ob1,
          gs0, gs1, gs2, gs3, ws0, ws1):
    wid = lax.axis_index("s") * _NC + lax.axis_index("c")

    rows = (r0, r1, r2, r3)
    obuf = (ob0, ob1)
    gsem = (gs0, gs1, gs2, gs3)
    wsem = (ws0, ws1)

    pltpu.sync_copy(labels_hbm.at[:, pl.ds(wid * _BLK, _BLK)], idx_v)

    iota = lax.broadcasted_iota(jnp.int32, (_LANES,), 0)
    ngrp = _BLK // _LANES
    rowidx = [iota + m * _LANES for m in range(ngrp)]

    def out_slice(s):
        return out_hbm.at[s, :, wid]

    def gather(s, r):
        return pltpu.async_copy(
            table_hbm.at[idx_v.at[s]], rows[r], gsem[r])

    def transpose_block(rv, ob):
        @plsc.parallel_loop(0, _LANES, unroll=2)
        def d_body(d):
            rot = (iota + d) & (_LANES - 1)
            for hb in range(_HIDDEN // _LANES):
                hvec = rot + hb * _LANES
                th = hvec >> 3
                hh = hvec & (_TH - 1)
                for rb in range(ngrp):
                    v = plsc.load_gather(rv, [rowidx[rb], hvec])
                    plsc.store_scatter(ob, [th, hh, rowidx[rb]], v)

    gather(0, 0)
    gather(1, 1)

    def step(j, carry):
        for b in range(_GR):
            s = _GR * j + b
            wb = b % _WR
            @pl.when(s + 2 < seq)
            def _fire():
                gather(s + 2, (b + 2) % _GR)
            pltpu.make_async_copy(
                table_hbm.at[idx_v.at[s]], rows[b], gsem[b]).wait()
            @pl.when(s >= _WR)
            def _drain():
                pltpu.make_async_copy(
                    obuf[wb], out_slice(s - _WR), wsem[wb]).wait()
            transpose_block(rows[b], obuf[wb])
            pltpu.async_copy(obuf[wb], out_slice(s), wsem[wb])
        return carry

    lax.fori_loop(0, seq // _GR, step, 0)

    pltpu.make_async_copy(ob0, out_slice(seq - 2), ws0).wait()
    pltpu.make_async_copy(ob1, out_slice(seq - 1), ws1).wait()


def kernel(pos_embedding_matrix, position_labels):
    b, s = position_labels.shape
    assert b == _NW * _BLK and s % _GR == 0
    ntb = b // _TB

    labels_t = position_labels.astype(jnp.int32).T

    mesh = plsc.VectorSubcoreMesh(core_axis_name="c", subcore_axis_name="s")
    run = pl.kernel(
        functools.partial(_body, b, s),
        mesh=mesh,
        compiler_params=pltpu.CompilerParams(
            use_tc_tiling_on_sc=False, needs_layout_passes=False),
        out_type=jax.ShapeDtypeStruct(
            (s, _HIDDEN // _TH, ntb, _TH, _TB), jnp.float32),
        scratch_types=(
            [pltpu.VMEM((s, _BLK), jnp.int32)]
            + [pltpu.VMEM((_BLK, _HIDDEN), jnp.float32)] * _GR
            + [pltpu.VMEM((_HIDDEN // _TH, _TH, _TB), jnp.float32)] * _WR
            + [pltpu.SemaphoreType.DMA] * (_GR + _WR)
        ),
    )
    raw = run(pos_embedding_matrix, labels_t)
    return jnp.transpose(raw, (2, 4, 0, 1, 3)).reshape(b, s, _HIDDEN)

# --- scband reference (transcript-rebuilt; emitter-appended) ---
"""Pipeline reference for scband-sketch-sin-position-embedding-26319559590399 (READ-ONLY COPY).

The authoritative reference and input builder live on the scoring server;
editing this copy changes nothing except your own understanding.
"""

import jax, jax.numpy as jnp
import numpy as np

MAX_LENGTH = 2048
POS_HIDDEN_DIM = 64
BATCH = 4096
SEQ_LEN = 200


def build_pos_embedding_matrix(max_length, pos_hidden_dim):
    pos_vector = jnp.arange(max_length, dtype=jnp.float32).reshape(max_length, 1)
    dim_vector = jnp.arange(pos_hidden_dim, dtype=jnp.float32) + 1.0
    mat = jnp.zeros((max_length, pos_hidden_dim), dtype=jnp.float32)
    even = jnp.sin(pos_vector / (dim_vector[::2] / 2.0).reshape(1, -1))
    odd = jnp.cos(pos_vector / ((dim_vector[1::2] - 1.0) / 2.0).reshape(1, -1))
    mat = mat.at[:, ::2].set(even)
    mat = mat.at[:, 1::2].set(odd)
    return mat


def setup_inputs(seed: int = 0) -> dict:
    key = jax.random.key(seed)
    position_labels = jax.random.randint(key, (BATCH, SEQ_LEN), 0, MAX_LENGTH, dtype=jnp.int64 if jax.config.jax_enable_x64 else jnp.int32)
    pos_embedding_matrix = build_pos_embedding_matrix(MAX_LENGTH, POS_HIDDEN_DIM)
    return {"pos_embedding_matrix": pos_embedding_matrix, "position_labels": position_labels}


def reference(pos_embedding_matrix, position_labels):
    b, s = position_labels.shape
    flat = position_labels.reshape(-1)
    gathered = jnp.take(pos_embedding_matrix, flat, axis=0)
    return gathered.reshape(b, s, -1)

if __name__ == "__main__":
    import jax
    _d = setup_inputs()
    print(jax.jit(kernel)(*tuple(_d.values())))

</pallas_src>

<mosaic_0001>
#map = affine_map<(d0, d1) -> (0, 0)>
#map1 = affine_map<(d0, d1) -> (0, 0, 0, 0, 0)>
module attributes {stable_mosaic.version = 14 : i64} {
  func.func @_body(%arg0: i32, %arg1: i32, %arg2: memref<2048x64xf32, #tpu.memory_space<hbm>>, %arg3: memref<200x4096xi32, #tpu.memory_space<hbm>>, %arg4: memref<200x8x32x8x128xf32, #tpu.memory_space<hbm>>, %arg5: memref<200x128xi32, #tpu.memory_space<vmem>>, %arg6: memref<128x64xf32, #tpu.memory_space<vmem>>, %arg7: memref<128x64xf32, #tpu.memory_space<vmem>>, %arg8: memref<128x64xf32, #tpu.memory_space<vmem>>, %arg9: memref<128x64xf32, #tpu.memory_space<vmem>>, %arg10: memref<8x8x128xf32, #tpu.memory_space<vmem>>, %arg11: memref<8x8x128xf32, #tpu.memory_space<vmem>>, %arg12: memref<!tpu.dma_semaphore, #tpu.memory_space<semaphore_mem>>, %arg13: memref<!tpu.dma_semaphore, #tpu.memory_space<semaphore_mem>>, %arg14: memref<!tpu.dma_semaphore, #tpu.memory_space<semaphore_mem>>, %arg15: memref<!tpu.dma_semaphore, #tpu.memory_space<semaphore_mem>>, %arg16: memref<!tpu.dma_semaphore, #tpu.memory_space<semaphore_mem>>, %arg17: memref<!tpu.dma_semaphore, #tpu.memory_space<semaphore_mem>>) attributes {dimension_semantics = [#tpu.dimension_semantics<core_parallel>, #tpu.dimension_semantics<subcore_parallel>], iteration_bounds = array<i64: 2, 16>, scalar_prefetch = 0 : i64, scratch_operands = 13 : i64, tpu.core_type = #tpu.core_type<sc_vector_subcore>, window_params = [{transform_indices = #map}, {transform_indices = #map}, {transform_indices = #map1}]} {
    %mul3A = arith.constant 2 : i32
    %mul3A_0 = arith.muli %arg1, %mul3A : i32
    %add3A = arith.addi %mul3A_0, %arg0 : i32
    %mul3A_1 = arith.constant 128 : i32
    %mul3A_2 = arith.muli %add3A, %mul3A_1 : i32
    "tpu.region"() ({
      %run_scoped3A = tpu.sem_alloc : memref<!tpu.dma_semaphore, #tpu.memory_space<semaphore_mem>>
      %dma_start3A_66 = arith.constant 0 : i32
      %dma_start3A_67 = tpu.memref_slice %arg3[%dma_start3A_66, %mul3A_2] : memref<200x4096xi32, #tpu.memory_space<hbm>> -> memref<200x128xi32, #tpu.memory_space<hbm>>
      %dma_start3A_68 = arith.constant 0 : i32
      %dma_start3A_69 = tpu.memref_slice %arg3[%dma_start3A_68, %mul3A_2] : memref<200x4096xi32, #tpu.memory_space<hbm>> -> memref<200x128xi32, #tpu.memory_space<hbm>>
      tpu.enqueue_dma source(%dma_start3A_69 : memref<200x128xi32, #tpu.memory_space<hbm>>) target(%arg5 : memref<200x128xi32, #tpu.memory_space<vmem>>) target_semaphore(%run_scoped3A : memref<!tpu.dma_semaphore, #tpu.memory_space<semaphore_mem>>)
      %dma_wait3A_70 = arith.constant 0 : i32
      %dma_wait3A_71 = tpu.memref_slice %arg3[%dma_wait3A_70, %mul3A_2] : memref<200x4096xi32, #tpu.memory_space<hbm>> -> memref<200x128xi32, #tpu.memory_space<hbm>>
      %dma_wait3A_72 = arith.constant 0 : i32
      %dma_wait3A_73 = tpu.memref_slice %arg3[%dma_wait3A_72, %mul3A_2] : memref<200x4096xi32, #tpu.memory_space<hbm>> -> memref<200x128xi32, #tpu.memory_space<hbm>>
      tpu.wait_dma2 semaphore(%run_scoped3A : memref<!tpu.dma_semaphore, #tpu.memory_space<semaphore_mem>>) src(%dma_wait3A_73 : memref<200x128xi32, #tpu.memory_space<hbm>>) dst(%arg5 : memref<200x128xi32, #tpu.memory_space<vmem>>)
      tpu.yield
    }) : () -> ()
    %iota3A = tpu.iota {dimensions = array<i32: 0>} : vector<16xi32>
    %add3A_3 = arith.constant 0 : i32
    %add3A_4 = vector.broadcast %add3A_3 : i32 to vector<16xi32>
    %add3A_5 = arith.addi %iota3A, %add3A_4 : vector<16xi32>
    %add3A_6 = arith.constant 16 : i32
    %add3A_7 = vector.broadcast %add3A_6 : i32 to vector<16xi32>
    %add3A_8 = arith.addi %iota3A, %add3A_7 : vector<16xi32>
    %add3A_9 = arith.constant 32 : i32
    %add3A_10 = vector.broadcast %add3A_9 : i32 to vector<16xi32>
    %add3A_11 = arith.addi %iota3A, %add3A_10 : vector<16xi32>
    %add3A_12 = arith.constant 48 : i32
    %add3A_13 = vector.broadcast %add3A_12 : i32 to vector<16xi32>
    %add3A_14 = arith.addi %iota3A, %add3A_13 : vector<16xi32>
    %add3A_15 = arith.constant 64 : i32
    %add3A_16 = vector.broadcast %add3A_15 : i32 to vector<16xi32>
    %add3A_17 = arith.addi %iota3A, %add3A_16 : vector<16xi32>
    %add3A_18 = arith.constant 80 : i32
    %add3A_19 = vector.broadcast %add3A_18 : i32 to vector<16xi32>
    %add3A_20 = arith.addi %iota3A, %add3A_19 : vector<16xi32>
    %add3A_21 = arith.constant 96 : i32
    %add3A_22 = vector.broadcast %add3A_21 : i32 to vector<16xi32>
    %add3A_23 = arith.addi %iota3A, %add3A_22 : vector<16xi32>
    %add3A_24 = arith.constant 112 : i32
    %add3A_25 = vector.broadcast %add3A_24 : i32 to vector<16xi32>
    %add3A_26 = arith.addi %iota3A, %add3A_25 : vector<16xi32>
    %dma_start3A = arith.constant 0 : i32
    %dma_start3A_27 = arith.constant 0 : i32
    %dma_start3A_28 = tpu.memref_slice %arg5[%dma_start3A, %dma_start3A_27] : memref<200x128xi32, #tpu.memory_space<vmem>> -> memref<1x128xi32, #tpu.memory_space<vmem>>
    %dma_start3A_29 = tpu.memref_squeeze %dma_start3A_28 : memref<1x128xi32, #tpu.memory_space<vmem>> -> memref<128xi32, #tpu.memory_space<vmem>>
    %dma_start3A_30 = arith.constant 0 : i32
    %dma_start3A_31 = arith.constant 0 : i32
    %dma_start3A_32 = tpu.memref_slice %arg2[%dma_start3A_30, %dma_start3A_31] : memref<2048x64xf32, #tpu.memory_space<hbm>> -> memref<2048x64xf32, #tpu.memory_space<hbm>>
    tpu.enqueue_indirect_dma source(%dma_start3A_32 : memref<2048x64xf32, #tpu.memory_space<hbm>>) target(%arg6 : memref<128x64xf32, #tpu.memory_space<vmem>>) offsets(%dma_start3A_29 : memref<128xi32, #tpu.memory_space<vmem>>) semaphore(%arg12 : memref<!tpu.dma_semaphore, #tpu.memory_space<semaphore_mem>>)
    %dma_start3A_33 = arith.constant 1 : i32
    %dma_start3A_34 = arith.constant 0 : i32
    %dma_start3A_35 = tpu.memref_slice %arg5[%dma_start3A_33, %dma_start3A_34] : memref<200x128xi32, #tpu.memory_space<vmem>> -> memref<1x128xi32, #tpu.memory_space<vmem>>
    %dma_start3A_36 = tpu.memref_squeeze %dma_start3A_35 : memref<1x128xi32, #tpu.memory_space<vmem>> -> memref<128xi32, #tpu.memory_space<vmem>>
    %dma_start3A_37 = arith.constant 0 : i32
    %dma_start3A_38 = arith.constant 0 : i32
    %dma_start3A_39 = tpu.memref_slice %arg2[%dma_start3A_37, %dma_start3A_38] : memref<2048x64xf32, #tpu.memory_space<hbm>> -> memref<2048x64xf32, #tpu.memory_space<hbm>>
    tpu.enqueue_indirect_dma source(%dma_start3A_39 : memref<2048x64xf32, #tpu.memory_space<hbm>>) target(%arg7 : memref<128x64xf32, #tpu.memory_space<vmem>>) offsets(%dma_start3A_36 : memref<128xi32, #tpu.memory_space<vmem>>) semaphore(%arg13 : memref<!tpu.dma_semaphore, #tpu.memory_space<semaphore_mem>>)
    %scan3A = arith.constant 0 : i32
    %scan3A_40 = arith.constant 0 : i32
    %scan3A_41 = arith.constant 50 : i32
    %scan3A_42 = arith.addi %scan3A_40, %scan3A_41 : i32
    %scan3A_43 = arith.constant 1 : i32
    scf.for %scan3A_66 = %scan3A_40 to %scan3A_42 step %scan3A_43  : i32 {
      %mul3A_67 = arith.constant 4 : i32
      %mul3A_68 = arith.muli %mul3A_67, %scan3A_66 : i32
      %add3A_69 = arith.constant 0 : i32
      %add3A_70 = arith.addi %mul3A_68, %add3A_69 : i32
      %add3A_71 = arith.constant 2 : i32
      %add3A_72 = arith.addi %add3A_70, %add3A_71 : i32
      %lt3A = arith.constant 200 : i32
      %lt3A_73 = arith.cmpi slt, %add3A_72, %lt3A : i32
      %convert_element_type3A = arith.extui %lt3A_73 : i1 to i32
      %cond3A = arith.constant 0 : i32
      %cond3A_74 = arith.cmpi ne, %convert_element_type3A, %cond3A : i32
      scf.if %cond3A_74 {
        %add3A_202 = arith.constant 2 : i32
        %add3A_203 = arith.addi %add3A_70, %add3A_202 : i32
        %dma_start3A_204 = arith.constant 0 : i32
        %dma_start3A_205 = tpu.memref_slice %arg5[%add3A_203, %dma_start3A_204] : memref<200x128xi32, #tpu.memory_space<vmem>> -> memref<1x128xi32, #tpu.memory_space<vmem>>
        %dma_start3A_206 = tpu.memref_squeeze %dma_start3A_205 : memref<1x128xi32, #tpu.memory_space<vmem>> -> memref<128xi32, #tpu.memory_space<vmem>>
        %dma_start3A_207 = arith.constant 0 : i32
        %dma_start3A_208 = arith.constant 0 : i32
        %dma_start3A_209 = tpu.memref_slice %arg2[%dma_start3A_207, %dma_start3A_208] : memref<2048x64xf32, #tpu.memory_space<hbm>> -> memref<2048x64xf32, #tpu.memory_space<hbm>>
        tpu.enqueue_indirect_dma source(%dma_start3A_209 : memref<2048x64xf32, #tpu.memory_space<hbm>>) target(%arg8 : memref<128x64xf32, #tpu.memory_space<vmem>>) offsets(%dma_start3A_206 : memref<128xi32, #tpu.memory_space<vmem>>) semaphore(%arg14 : memref<!tpu.dma_semaphore, #tpu.memory_space<semaphore_mem>>)
      } else {
      }
      %dma_wait3A_75 = arith.constant 0 : i32
      %dma_wait3A_76 = tpu.memref_slice %arg5[%add3A_70, %dma_wait3A_75] : memref<200x128xi32, #tpu.memory_space<vmem>> -> memref<1x128xi32, #tpu.memory_space<vmem>>
      %dma_wait3A_77 = tpu.memref_squeeze %dma_wait3A_76 : memref<1x128xi32, #tpu.memory_space<vmem>> -> memref<128xi32, #tpu.memory_space<vmem>>
      %dma_wait3A_78 = arith.constant 0 : i32
      %dma_wait3A_79 = arith.constant 0 : i32
      %dma_wait3A_80 = tpu.memref_slice %arg2[%dma_wait3A_78, %dma_wait3A_79] : memref<2048x64xf32, #tpu.memory_space<hbm>> -> memref<2048x64xf32, #tpu.memory_space<hbm>>
      tpu.wait_indirect_dma semaphore(%arg12 : memref<!tpu.dma_semaphore, #tpu.memory_space<semaphore_mem>>) src(%dma_wait3A_80 : memref<2048x64xf32, #tpu.memory_space<hbm>>) dst(%arg6 : memref<128x64xf32, #tpu.memory_space<vmem>>)
      %ge3A = arith.constant 2 : i32
      %ge3A_81 = arith.cmpi sge, %add3A_70, %ge3A : i32
      %convert_element_type3A_82 = arith.extui %ge3A_81 : i1 to i32
      %cond3A_83 = arith.constant 0 : i32
      %cond3A_84 = arith.cmpi ne, %convert_element_type3A_82, %cond3A_83 : i32
      scf.if %cond3A_84 {
        %sub3A = arith.constant 2 : i32
        %sub3A_202 = arith.subi %add3A_70, %sub3A : i32
        %dma_wait3A_203 = arith.constant 0 : i32
        %dma_wait3A_204 = arith.constant 0 : i32
        %dma_wait3A_205 = arith.constant 0 : i32
        %dma_wait3A_206 = tpu.memref_slice %arg4[%sub3A_202, %dma_wait3A_203, %add3A, %dma_wait3A_204, %dma_wait3A_205] : memref<200x8x32x8x128xf32, #tpu.memory_space<hbm>> -> memref<1x8x1x8x128xf32, #tpu.memory_space<hbm>>
        %dma_wait3A_207 = tpu.memref_squeeze %dma_wait3A_206 : memref<1x8x1x8x128xf32, #tpu.memory_space<hbm>> -> memref<8x8x128xf32, #tpu.memory_space<hbm>>
        %dma_wait3A_208 = arith.constant 0 : i32
        %dma_wait3A_209 = arith.constant 0 : i32
        %dma_wait3A_210 = arith.constant 0 : i32
        %dma_wait3A_211 = tpu.memref_slice %arg4[%sub3A_202, %dma_wait3A_208, %add3A, %dma_wait3A_209, %dma_wait3A_210] : memref<200x8x32x8x128xf32, #tpu.memory_space<hbm>> -> memref<1x8x1x8x128xf32, #tpu.memory_space<hbm>>
        %dma_wait3A_212 = tpu.memref_squeeze %dma_wait3A_211 : memref<1x8x1x8x128xf32, #tpu.memory_space<hbm>> -> memref<8x8x128xf32, #tpu.memory_space<hbm>>
        tpu.wait_dma2 semaphore(%arg16 : memref<!tpu.dma_semaphore, #tpu.memory_space<semaphore_mem>>) src(%arg10 : memref<8x8x128xf32, #tpu.memory_space<vmem>>) dst(%dma_wait3A_212 : memref<8x8x128xf32, #tpu.memory_space<hbm>>)
      } else {
      }
      %parallel_loop3A = arith.constant 0 : i32
      %parallel_loop3A_85 = arith.constant 16 : i32
      %parallel_loop3A_86 = arith.constant 1 : i32
      scf.for %parallel_loop3A_202 = %parallel_loop3A to %parallel_loop3A_85 step %parallel_loop3A_86  : i32 {
        %parallel_loop3A_203 = vector.broadcast %parallel_loop3A_202 : i32 to vector<16xi32>
        %parallel_loop3A_204 = arith.addi %iota3A, %parallel_loop3A_203 : vector<16xi32>
        %parallel_loop3A_205 = arith.constant 15 : i32
        %parallel_loop3A_206 = vector.broadcast %parallel_loop3A_205 : i32 to vector<16xi32>
        %parallel_loop3A_207 = arith.andi %parallel_loop3A_204, %parallel_loop3A_206 : vector<16xi32>
        %parallel_loop3A_208 = arith.constant 0 : i32
        %parallel_loop3A_209 = vector.broadcast %parallel_loop3A_208 : i32 to vector<16xi32>
        %parallel_loop3A_210 = arith.addi %parallel_loop3A_207, %parallel_loop3A_209 : vector<16xi32>
        %parallel_loop3A_211 = arith.constant 3 : i32
        %parallel_loop3A_212 = vector.broadcast %parallel_loop3A_211 : i32 to vector<16xi32>
        %parallel_loop3A_213 = arith.shrsi %parallel_loop3A_210, %parallel_loop3A_212 : vector<16xi32>
        %parallel_loop3A_214 = arith.constant 7 : i32
        %parallel_loop3A_215 = vector.broadcast %parallel_loop3A_214 : i32 to vector<16xi32>
        %parallel_loop3A_216 = arith.andi %parallel_loop3A_210, %parallel_loop3A_215 : vector<16xi32>
        %parallel_loop3A_217 = tpu.vector_load_idx %arg6[%add3A_5, %parallel_loop3A_210] : memref<128x64xf32, #tpu.memory_space<vmem>>[vector<16xi32>, vector<16xi32>], vector<16xf32>,
        tpu.vector_store_idx %arg10[%parallel_loop3A_213, %parallel_loop3A_216, %add3A_5], %parallel_loop3A_217 : memref<8x8x128xf32, #tpu.memory_space<vmem>>[vector<16xi32>, vector<16xi32>, vector<16xi32>], vector<16xf32>,
        %parallel_loop3A_218 = tpu.vector_load_idx %arg6[%add3A_8, %parallel_loop3A_210] : memref<128x64xf32, #tpu.memory_space<vmem>>[vector<16xi32>, vector<16xi32>], vector<16xf32>,
        tpu.vector_store_idx %arg10[%parallel_loop3A_213, %parallel_loop3A_216, %add3A_8], %parallel_loop3A_218 : memref<8x8x128xf32, #tpu.memory_space<vmem>>[vector<16xi32>, vector<16xi32>, vector<16xi32>], vector<16xf32>,
        %parallel_loop3A_219 = tpu.vector_load_idx %arg6[%add3A_11, %parallel_loop3A_210] : memref<128x64xf32, #tpu.memory_space<vmem>>[vector<16xi32>, vector<16xi32>], vector<16xf32>,
        tpu.vector_store_idx %arg10[%parallel_loop3A_213, %parallel_loop3A_216, %add3A_11], %parallel_loop3A_219 : memref<8x8x128xf32, #tpu.memory_space<vmem>>[vector<16xi32>, vector<16xi32>, vector<16xi32>], vector<16xf32>,
        %parallel_loop3A_220 = tpu.vector_load_idx %arg6[%add3A_14, %parallel_loop3A_210] : memref<128x64xf32, #tpu.memory_space<vmem>>[vector<16xi32>, vector<16xi32>], vector<16xf32>,
        tpu.vector_store_idx %arg10[%parallel_loop3A_213, %parallel_loop3A_216, %add3A_14], %parallel_loop3A_220 : memref<8x8x128xf32, #tpu.memory_space<vmem>>[vector<16xi32>, vector<16xi32>, vector<16xi32>], vector<16xf32>,
        %parallel_loop3A_221 = tpu.vector_load_idx %arg6[%add3A_17, %parallel_loop3A_210] : memref<128x64xf32, #tpu.memory_space<vmem>>[vector<16xi32>, vector<16xi32>], vector<16xf32>,
        tpu.vector_store_idx %arg10[%parallel_loop3A_213, %parallel_loop3A_216, %add3A_17], %parallel_loop3A_221 : memref<8x8x128xf32, #tpu.memory_space<vmem>>[vector<16xi32>, vector<16xi32>, vector<16xi32>], vector<16xf32>,
        %parallel_loop3A_222 = tpu.vector_load_idx %arg6[%add3A_20, %parallel_loop3A_210] : memref<128x64xf32, #tpu.memory_space<vmem>>[vector<16xi32>, vector<16xi32>], vector<16xf32>,
        tpu.vector_store_idx %arg10[%parallel_loop3A_213, %parallel_loop3A_216, %add3A_20], %parallel_loop3A_222 : memref<8x8x128xf32, #tpu.memory_space<vmem>>[vector<16xi32>, vector<16xi32>, vector<16xi32>], vector<16xf32>,
        %parallel_loop3A_223 = tpu.vector_load_idx %arg6[%add3A_23, %parallel_loop3A_210] : memref<128x64xf32, #tpu.memory_space<vmem>>[vector<16xi32>, vector<16xi32>], vector<16xf32>,
        tpu.vector_store_idx %arg10[%parallel_loop3A_213, %parallel_loop3A_216, %add3A_23], %parallel_loop3A_223 : memref<8x8x128xf32, #tpu.memory_space<vmem>>[vector<16xi32>, vector<16xi32>, vector<16xi32>], vector<16xf32>,
        %parallel_loop3A_224 = tpu.vector_load_idx %arg6[%add3A_26, %parallel_loop3A_210] : memref<128x64xf32, #tpu.memory_space<vmem>>[vector<16xi32>, vector<16xi32>], vector<16xf32>,
        tpu.vector_store_idx %arg10[%parallel_loop3A_213, %parallel_loop3A_216, %add3A_26], %parallel_loop3A_224 : memref<8x8x128xf32, #tpu.memory_space<vmem>>[vector<16xi32>, vector<16xi32>, vector<16xi32>], vector<16xf32>,
        %parallel_loop3A_225 = arith.constant 16 : i32
        %parallel_loop3A_226 = vector.broadcast %parallel_loop3A_225 : i32 to vector<16xi32>
        %parallel_loop3A_227 = arith.addi %parallel_loop3A_207, %parallel_loop3A_226 : vector<16xi32>
        %parallel_loop3A_228 = arith.constant 3 : i32
        %parallel_loop3A_229 = vector.broadcast %parallel_loop3A_228 : i32 to vector<16xi32>
        %parallel_loop3A_230 = arith.shrsi %parallel_loop3A_227, %parallel_loop3A_229 : vector<16xi32>
        %parallel_loop3A_231 = arith.constant 7 : i32
        %parallel_loop3A_232 = vector.broadcast %parallel_loop3A_231 : i32 to vector<16xi32>
        %parallel_loop3A_233 = arith.andi %parallel_loop3A_227, %parallel_loop3A_232 : vector<16xi32>
        %parallel_loop3A_234 = tpu.vector_load_idx %arg6[%add3A_5, %parallel_loop3A_227] : memref<128x64xf32, #tpu.memory_space<vmem>>[vector<16xi32>, vector<16xi32>], vector<16xf32>,
        tpu.vector_store_idx %arg10[%parallel_loop3A_230, %parallel_loop3A_233, %add3A_5], %parallel_loop3A_234 : memref<8x8x128xf32, #tpu.memory_space<vmem>>[vector<16xi32>, vector<16xi32>, vector<16xi32>], vector<16xf32>,
        %parallel_loop3A_235 = tpu.vector_load_idx %arg6[%add3A_8, %parallel_loop3A_227] : memref<128x64xf32, #tpu.memory_space<vmem>>[vector<16xi32>, vector<16xi32>], vector<16xf32>,
        tpu.vector_store_idx %arg10[%parallel_loop3A_230, %parallel_loop3A_233, %add3A_8], %parallel_loop3A_235 : memref<8x8x128xf32, #tpu.memory_space<vmem>>[vector<16xi32>, vector<16xi32>, vector<16xi32>], vector<16xf32>,
        %parallel_loop3A_236 = tpu.vector_load_idx %arg6[%add3A_11, %parallel_loop3A_227] : memref<128x64xf32, #tpu.memory_space<vmem>>[vector<16xi32>, vector<16xi32>], vector<16xf32>,
        tpu.vector_store_idx %arg10[%parallel_loop3A_230, %parallel_loop3A_233, %add3A_11], %parallel_loop3A_236 : memref<8x8x128xf32, #tpu.memory_space<vmem>>[vector<16xi32>, vector<16xi32>, vector<16xi32>], vector<16xf32>,
        %parallel_loop3A_237 = tpu.vector_load_idx %arg6[%add3A_14, %parallel_loop3A_227] : memref<128x64xf32, #tpu.memory_space<vmem>>[vector<16xi32>, vector<16xi32>], vector<16xf32>,
        tpu.vector_store_idx %arg10[%parallel_loop3A_230, %parallel_loop3A_233, %add3A_14], %parallel_loop3A_237 : memref<8x8x128xf32, #tpu.memory_space<vmem>>[vector<16xi32>, vector<16xi32>, vector<16xi32>], vector<16xf32>,
        %parallel_loop3A_238 = tpu.vector_load_idx %arg6[%add3A_17, %parallel_loop3A_227] : memref<128x64xf32, #tpu.memory_space<vmem>>[vector<16xi32>, vector<16xi32>], vector<16xf32>,
        tpu.vector_store_idx %arg10[%parallel_loop3A_230, %parallel_loop3A_233, %add3A_17], %parallel_loop3A_238 : memref<8x8x128xf32, #tpu.memory_space<vmem>>[vector<16xi32>, vector<16xi32>, vector<16xi32>], vector<16xf32>,
        %parallel_loop3A_239 = tpu.vector_load_idx %arg6[%add3A_20, %parallel_loop3A_227] : memref<128x64xf32, #tpu.memory_space<vmem>>[vector<16xi32>, vector<16xi32>], vector<16xf32>,
        tpu.vector_store_idx %arg10[%parallel_loop3A_230, %parallel_loop3A_233, %add3A_20], %parallel_loop3A_239 : memref<8x8x128xf32, #tpu.memory_space<vmem>>[vector<16xi32>, vector<16xi32>, vector<16xi32>], vector<16xf32>,
        %parallel_loop3A_240 = tpu.vector_load_idx %arg6[%add3A_23, %parallel_loop3A_227] : memref<128x64xf32, #tpu.memory_space<vmem>>[vector<16xi32>, vector<16xi32>], vector<16xf32>,
        tpu.vector_store_idx %arg10[%parallel_loop3A_230, %parallel_loop3A_233, %add3A_23], %parallel_loop3A_240 : memref<8x8x128xf32, #tpu.memory_space<vmem>>[vector<16xi32>, vector<16xi32>, vector<16xi32>], vector<16xf32>,
        %parallel_loop3A_241 = tpu.vector_load_idx %arg6[%add3A_26, %parallel_loop3A_227] : memref<128x64xf32, #tpu.memory_space<vmem>>[vector<16xi32>, vector<16xi32>], vector<16xf32>,
        tpu.vector_store_idx %arg10[%parallel_loop3A_230, %parallel_loop3A_233, %add3A_26], %parallel_loop3A_241 : memref<8x8x128xf32, #tpu.memory_space<vmem>>[vector<16xi32>, vector<16xi32>, vector<16xi32>], vector<16xf32>,
        %parallel_loop3A_242 = arith.constant 32 : i32
        %parallel_loop3A_243 = vector.broadcast %parallel_loop3A_242 : i32 to vector<16xi32>
        %parallel_loop3A_244 = arith.addi %parallel_loop3A_207, %parallel_loop3A_243 : vector<16xi32>
        %parallel_loop3A_245 = arith.constant 3 : i32
        %parallel_loop3A_246 = vector.broadcast %parallel_loop3A_245 : i32 to vector<16xi32>
        %parallel_loop3A_247 = arith.shrsi %parallel_loop3A_244, %parallel_loop3A_246 : vector<16xi32>
        %parallel_loop3A_248 = arith.constant 7 : i32
        %parallel_loop3A_249 = vector.broadcast %parallel_loop3A_248 : i32 to vector<16xi32>
        %parallel_loop3A_250 = arith.andi %parallel_loop3A_244, %parallel_loop3A_249 : vector<16xi32>
        %parallel_loop3A_251 = tpu.vector_load_idx %arg6[%add3A_5, %parallel_loop3A_244] : memref<128x64xf32, #tpu.memory_space<vmem>>[vector<16xi32>, vector<16xi32>], vector<16xf32>,
        tpu.vector_store_idx %arg10[%parallel_loop3A_247, %parallel_loop3A_250, %add3A_5], %parallel_loop3A_251 : memref<8x8x128xf32, #tpu.memory_space<vmem>>[vector<16xi32>, vector<16xi32>, vector<16xi32>], vector<16xf32>,
        %parallel_loop3A_252 = tpu.vector_load_idx %arg6[%add3A_8, %parallel_loop3A_244] : memref<128x64xf32, #tpu.memory_space<vmem>>[vector<16xi32>, vector<16xi32>], vector<16xf32>,
        tpu.vector_store_idx %arg10[%parallel_loop3A_247, %parallel_loop3A_250, %add3A_8], %parallel_loop3A_252 : memref<8x8x128xf32, #tpu.memory_space<vmem>>[vector<16xi32>, vector<16xi32>, vector<16xi32>], vector<16xf32>,
        %parallel_loop3A_253 = tpu.vector_load_idx %arg6[%add3A_11, %parallel_loop3A_244] : memref<128x64xf32, #tpu.memory_space<vmem>>[vector<16xi32>, vector<16xi32>], vector<16xf32>,
        tpu.vector_store_idx %arg10[%parallel_loop3A_247, %parallel_loop3A_250, %add3A_11], %parallel_loop3A_253 : memref<8x8x128xf32, #tpu.memory_space<vmem>>[vector<16xi32>, vector<16xi32>, vector<16xi32>], vector<16xf32>,
        %parallel_loop3A_254 = tpu.vector_load_idx %arg6[%add3A_14, %parallel_loop3A_244] : memref<128x64xf32, #tpu.memory_space<vmem>>[vector<16xi32>, vector<16xi32>], vector<16xf32>,
        tpu.vector_store_idx %arg10[%parallel_loop3A_247, %parallel_loop3A_250, %add3A_14], %parallel_loop3A_254 : memref<8x8x128xf32, #tpu.memory_space<vmem>>[vector<16xi32>, vector<16xi32>, vector<16xi32>], vector<16xf32>,
        %parallel_loop3A_255 = tpu.vector_load_idx %arg6[%add3A_17, %parallel_loop3A_244] : memref<128x64xf32, #tpu.memory_space<vmem>>[vector<16xi32>, vector<16xi32>], vector<16xf32>,
        tpu.vector_store_idx %arg10[%parallel_loop3A_247, %parallel_loop3A_250, %add3A_17], %parallel_loop3A_255 : memref<8x8x128xf32, #tpu.memory_space<vmem>>[vector<16xi32>, vector<16xi32>, vector<16xi32>], vector<16xf32>,
        %parallel_loop3A_256 = tpu.vector_load_idx %arg6[%add3A_20, %parallel_loop3A_244] : memref<128x64xf32, #tpu.memory_space<vmem>>[vector<16xi32>, vector<16xi32>], vector<16xf32>,
        tpu.vector_store_idx %arg10[%parallel_loop3A_247, %parallel_loop3A_250, %add3A_20], %parallel_loop3A_256 : memref<8x8x128xf32, #tpu.memory_space<vmem>>[vector<16xi32>, vector<16xi32>, vector<16xi32>], vector<16xf32>,
        %parallel_loop3A_257 = tpu.vector_load_idx %arg6[%add3A_23, %parallel_loop3A_244] : memref<128x64xf32, #tpu.memory_space<vmem>>[vector<16xi32>, vector<16xi32>], vector<16xf32>,
        tpu.vector_store_idx %arg10[%parallel_loop3A_247, %parallel_loop3A_250, %add3A_23], %parallel_loop3A_257 : memref<8x8x128xf32, #tpu.memory_space<vmem>>[vector<16xi32>, vector<16xi32>, vector<16xi32>], vector<16xf32>,
        %parallel_loop3A_258 = tpu.vector_load_idx %arg6[%add3A_26, %parallel_loop3A_244] : memref<128x64xf32, #tpu.memory_space<vmem>>[vector<16xi32>, vector<16xi32>], vector<16xf32>,
        tpu.vector_store_idx %arg10[%parallel_loop3A_247, %parallel_loop3A_250, %add3A_26], %parallel_loop3A_258 : memref<8x8x128xf32, #tpu.memory_space<vmem>>[vector<16xi32>, vector<16xi32>, vector<16xi32>], vector<16xf32>,
        %parallel_loop3A_259 = arith.constant 48 : i32
        %parallel_loop3A_260 = vector.broadcast %parallel_loop3A_259 : i32 to vector<16xi32>
        %parallel_loop3A_261 = arith.addi %parallel_loop3A_207, %parallel_loop3A_260 : vector<16xi32>
        %parallel_loop3A_262 = arith.constant 3 : i32
        %parallel_loop3A_263 = vector.broadcast %parallel_loop3A_262 : i32 to vector<16xi32>
        %parallel_loop3A_264 = arith.shrsi %parallel_loop3A_261, %parallel_loop3A_263 : vector<16xi32>
        %parallel_loop3A_265 = arith.constant 7 : i32
        %parallel_loop3A_266 = vector.broadcast %parallel_loop3A_265 : i32 to vector<16xi32>
        %parallel_loop3A_267 = arith.andi %parallel_loop3A_261, %parallel_loop3A_266 : vector<16xi32>
        %parallel_loop3A_268 = tpu.vector_load_idx %arg6[%add3A_5, %parallel_loop3A_261] : memref<128x64xf32, #tpu.memory_space<vmem>>[vector<16xi32>, vector<16xi32>], vector<16xf32>,
        tpu.vector_store_idx %arg10[%parallel_loop3A_264, %parallel_loop3A_267, %add3A_5], %parallel_loop3A_268 : memref<8x8x128xf32, #tpu.memory_space<vmem>>[vector<16xi32>, vector<16xi32>, vector<16xi32>], vector<16xf32>,
        %parallel_loop3A_269 = tpu.vector_load_idx %arg6[%add3A_8, %parallel_loop3A_261] : memref<128x64xf32, #tpu.memory_space<vmem>>[vector<16xi32>, vector<16xi32>], vector<16xf32>,
        tpu.vector_store_idx %arg10[%parallel_loop3A_264, %parallel_loop3A_267, %add3A_8], %parallel_loop3A_269 : memref<8x8x128xf32, #tpu.memory_space<vmem>>[vector<16xi32>, vector<16xi32>, vector<16xi32>], vector<16xf32>,
        %parallel_loop3A_270 = tpu.vector_load_idx %arg6[%add3A_11, %parallel_loop3A_261] : memref<128x64xf32, #tpu.memory_space<vmem>>[vector<16xi32>, vector<16xi32>], vector<16xf32>,
        tpu.vector_store_idx %arg10[%parallel_loop3A_264, %parallel_loop3A_267, %add3A_11], %parallel_loop3A_270 : memref<8x8x128xf32, #tpu.memory_space<vmem>>[vector<16xi32>, vector<16xi32>, vector<16xi32>], vector<16xf32>,
        %parallel_loop3A_271 = tpu.vector_load_idx %arg6[%add3A_14, %parallel_loop3A_261] : memref<128x64xf32, #tpu.memory_space<vmem>>[vector<16xi32>, vector<16xi32>], vector<16xf32>,
        tpu.vector_store_idx %arg10[%parallel_loop3A_264, %parallel_loop3A_267, %add3A_14], %parallel_loop3A_271 : memref<8x8x128xf32, #tpu.memory_space<vmem>>[vector<16xi32>, vector<16xi32>, vector<16xi32>], vector<16xf32>,
        %parallel_loop3A_272 = tpu.vector_load_idx %arg6[%add3A_17, %parallel_loop3A_261] : memref<128x64xf32, #tpu.memory_space<vmem>>[vector<16xi32>, vector<16xi32>], vector<16xf32>,
        tpu.vector_store_idx %arg10[%parallel_loop3A_264, %parallel_loop3A_267, %add3A_17], %parallel_loop3A_272 : memref<8x8x128xf32, #tpu.memory_space<vmem>>[vector<16xi32>, vector<16xi32>, vector<16xi32>], vector<16xf32>,
        %parallel_loop3A_273 = tpu.vector_load_idx %arg6[%add3A_20, %parallel_loop3A_261] : memref<128x64xf32, #tpu.memory_space<vmem>>[vector<16xi32>, vector<16xi32>], vector<16xf32>,
        tpu.vector_store_idx %arg10[%parallel_loop3A_264, %parallel_loop3A_267, %add3A_20], %parallel_loop3A_273 : memref<8x8x128xf32, #tpu.memory_space<vmem>>[vector<16xi32>, vector<16xi32>, vector<16xi32>], vector<16xf32>,
        %parallel_loop3A_274 = tpu.vector_load_idx %arg6[%add3A_23, %parallel_loop3A_261] : memref<128x64xf32, #tpu.memory_space<vmem>>[vector<16xi32>, vector<16xi32>], vector<16xf32>,
        tpu.vector_store_idx %arg10[%parallel_loop3A_264, %parallel_loop3A_267, %add3A_23], %parallel_loop3A_274 : memref<8x8x128xf32, #tpu.memory_space<vmem>>[vector<16xi32>, vector<16xi32>, vector<16xi32>], vector<16xf32>,
        %parallel_loop3A_275 = tpu.vector_load_idx %arg6[%add3A_26, %parallel_loop3A_261] : memref<128x64xf32, #tpu.memory_space<vmem>>[vector<16xi32>, vector<16xi32>], vector<16xf32>,
        tpu.vector_store_idx %arg10[%parallel_loop3A_264, %parallel_loop3A_267, %add3A_26], %parallel_loop3A_275 : memref<8x8x128xf32, #tpu.memory_space<vmem>>[vector<16xi32>, vector<16xi32>, vector<16xi32>], vector<16xf32>,
      } {sc.loop_unroll_factor = 2 : i64, sc.parallel_access}
      %dma_start3A_87 = arith.constant 0 : i32
      %dma_start3A_88 = arith.constant 0 : i32
      %dma_start3A_89 = arith.constant 0 : i32
      %dma_start3A_90 = tpu.memref_slice %arg4[%add3A_70, %dma_start3A_87, %add3A, %dma_start3A_88, %dma_start3A_89] : memref<200x8x32x8x128xf32, #tpu.memory_space<hbm>> -> memref<1x8x1x8x128xf32, #tpu.memory_space<hbm>>
      %dma_start3A_91 = tpu.memref_squeeze %dma_start3A_90 : memref<1x8x1x8x128xf32, #tpu.memory_space<hbm>> -> memref<8x8x128xf32, #tpu.memory_space<hbm>>
      %dma_start3A_92 = arith.constant 0 : i32
      %dma_start3A_93 = arith.constant 0 : i32
      %dma_start3A_94 = arith.constant 0 : i32
      %dma_start3A_95 = tpu.memref_slice %arg4[%add3A_70, %dma_start3A_92, %add3A, %dma_start3A_93, %dma_start3A_94] : memref<200x8x32x8x128xf32, #tpu.memory_space<hbm>> -> memref<1x8x1x8x128xf32, #tpu.memory_space<hbm>>
      %dma_start3A_96 = tpu.memref_squeeze %dma_start3A_95 : memref<1x8x1x8x128xf32, #tpu.memory_space<hbm>> -> memref<8x8x128xf32, #tpu.memory_space<hbm>>
      tpu.enqueue_dma source(%arg10 : memref<8x8x128xf32, #tpu.memory_space<vmem>>) target(%dma_start3A_96 : memref<8x8x128xf32, #tpu.memory_space<hbm>>) target_semaphore(%arg16 : memref<!tpu.dma_semaphore, #tpu.memory_space<semaphore_mem>>)
      %mul3A_97 = arith.constant 4 : i32
      %mul3A_98 = arith.muli %mul3A_97, %scan3A_66 : i32
      %add3A_99 = arith.constant 1 : i32
      %add3A_100 = arith.addi %mul3A_98, %add3A_99 : i32
      %add3A_101 = arith.constant 2 : i32
      %add3A_102 = arith.addi %add3A_100, %add3A_101 : i32
      %lt3A_103 = arith.constant 200 : i32
      %lt3A_104 = arith.cmpi slt, %add3A_102, %lt3A_103 : i32
      %convert_element_type3A_105 = arith.extui %lt3A_104 : i1 to i32
      %cond3A_106 = arith.constant 0 : i32
      %cond3A_107 = arith.cmpi ne, %convert_element_type3A_105, %cond3A_106 : i32
      scf.if %cond3A_107 {
        %add3A_202 = arith.constant 2 : i32
        %add3A_203 = arith.addi %add3A_100, %add3A_202 : i32
        %dma_start3A_204 = arith.constant 0 : i32
        %dma_start3A_205 = tpu.memref_slice %arg5[%add3A_203, %dma_start3A_204] : memref<200x128xi32, #tpu.memory_space<vmem>> -> memref<1x128xi32, #tpu.memory_space<vmem>>
        %dma_start3A_206 = tpu.memref_squeeze %dma_start3A_205 : memref<1x128xi32, #tpu.memory_space<vmem>> -> memref<128xi32, #tpu.memory_space<vmem>>
        %dma_start3A_207 = arith.constant 0 : i32
        %dma_start3A_208 = arith.constant 0 : i32
        %dma_start3A_209 = tpu.memref_slice %arg2[%dma_start3A_207, %dma_start3A_208] : memref<2048x64xf32, #tpu.memory_space<hbm>> -> memref<2048x64xf32, #tpu.memory_space<hbm>>
        tpu.enqueue_indirect_dma source(%dma_start3A_209 : memref<2048x64xf32, #tpu.memory_space<hbm>>) target(%arg9 : memref<128x64xf32, #tpu.memory_space<vmem>>) offsets(%dma_start3A_206 : memref<128xi32, #tpu.memory_space<vmem>>) semaphore(%arg15 : memref<!tpu.dma_semaphore, #tpu.memory_space<semaphore_mem>>)
      } else {
      }
      %dma_wait3A_108 = arith.constant 0 : i32
      %dma_wait3A_109 = tpu.memref_slice %arg5[%add3A_100, %dma_wait3A_108] : memref<200x128xi32, #tpu.memory_space<vmem>> -> memref<1x128xi32, #tpu.memory_space<vmem>>
      %dma_wait3A_110 = tpu.memref_squeeze %dma_wait3A_109 : memref<1x128xi32, #tpu.memory_space<vmem>> -> memref<128xi32, #tpu.memory_space<vmem>>
      %dma_wait3A_111 = arith.constant 0 : i32
      %dma_wait3A_112 = arith.constant 0 : i32
      %dma_wait3A_113 = tpu.memref_slice %arg2[%dma_wait3A_111, %dma_wait3A_112] : memref<2048x64xf32, #tpu.memory_space<hbm>> -> memref<2048x64xf32, #tpu.memory_space<hbm>>
      tpu.wait_indirect_dma semaphore(%arg13 : memref<!tpu.dma_semaphore, #tpu.memory_space<semaphore_mem>>) src(%dma_wait3A_113 : memref<2048x64xf32, #tpu.memory_space<hbm>>) dst(%arg7 : memref<128x64xf32, #tpu.memory_space<vmem>>)
      %ge3A_114 = arith.constant 2 : i32
      %ge3A_115 = arith.cmpi sge, %add3A_100, %ge3A_114 : i32
      %convert_element_type3A_116 = arith.extui %ge3A_115 : i1 to i32
      %cond3A_117 = arith.constant 0 : i32
      %cond3A_118 = arith.cmpi ne, %convert_element_type3A_116, %cond3A_117 : i32
      scf.if %cond3A_118 {
        %sub3A = arith.constant 2 : i32
        %sub3A_202 = arith.subi %add3A_100, %sub3A : i32
        %dma_wait3A_203 = arith.constant 0 : i32
        %dma_wait3A_204 = arith.constant 0 : i32
        %dma_wait3A_205 = arith.constant 0 : i32
        %dma_wait3A_206 = tpu.memref_slice %arg4[%sub3A_202, %dma_wait3A_203, %add3A, %dma_wait3A_204, %dma_wait3A_205] : memref<200x8x32x8x128xf32, #tpu.memory_space<hbm>> -> memref<1x8x1x8x128xf32, #tpu.memory_space<hbm>>
        %dma_wait3A_207 = tpu.memref_squeeze %dma_wait3A_206 : memref<1x8x1x8x128xf32, #tpu.memory_space<hbm>> -> memref<8x8x128xf32, #tpu.memory_space<hbm>>
        %dma_wait3A_208 = arith.constant 0 : i32
        %dma_wait3A_209 = arith.constant 0 : i32
        %dma_wait3A_210 = arith.constant 0 : i32
        %dma_wait3A_211 = tpu.memref_slice %arg4[%sub3A_202, %dma_wait3A_208, %add3A, %dma_wait3A_209, %dma_wait3A_210] : memref<200x8x32x8x128xf32, #tpu.memory_space<hbm>> -> memref<1x8x1x8x128xf32, #tpu.memory_space<hbm>>
        %dma_wait3A_212 = tpu.memref_squeeze %dma_wait3A_211 : memref<1x8x1x8x128xf32, #tpu.memory_space<hbm>> -> memref<8x8x128xf32, #tpu.memory_space<hbm>>
        tpu.wait_dma2 semaphore(%arg17 : memref<!tpu.dma_semaphore, #tpu.memory_space<semaphore_mem>>) src(%arg11 : memref<8x8x128xf32, #tpu.memory_space<vmem>>) dst(%dma_wait3A_212 : memref<8x8x128xf32, #tpu.memory_space<hbm>>)
      } else {
      }
      %parallel_loop3A_119 = arith.constant 0 : i32
      %parallel_loop3A_120 = arith.constant 16 : i32
      %parallel_loop3A_121 = arith.constant 1 : i32
      scf.for %parallel_loop3A_202 = %parallel_loop3A_119 to %parallel_loop3A_120 step %parallel_loop3A_121  : i32 {
        %parallel_loop3A_203 = vector.broadcast %parallel_loop3A_202 : i32 to vector<16xi32>
        %parallel_loop3A_204 = arith.addi %iota3A, %parallel_loop3A_203 : vector<16xi32>
        %parallel_loop3A_205 = arith.constant 15 : i32
        %parallel_loop3A_206 = vector.broadcast %parallel_loop3A_205 : i32 to vector<16xi32>
        %parallel_loop3A_207 = arith.andi %parallel_loop3A_204, %parallel_loop3A_206 : vector<16xi32>
        %parallel_loop3A_208 = arith.constant 0 : i32
        %parallel_loop3A_209 = vector.broadcast %parallel_loop3A_208 : i32 to vector<16xi32>
        %parallel_loop3A_210 = arith.addi %parallel_loop3A_207, %parallel_loop3A_209 : vector<16xi32>
        %parallel_loop3A_211 = arith.constant 3 : i32
        %parallel_loop3A_212 = vector.broadcast %parallel_loop3A_211 : i32 to vector<16xi32>
        %parallel_loop3A_213 = arith.shrsi %parallel_loop3A_210, %parallel_loop3A_212 : vector<16xi32>
        %parallel_loop3A_214 = arith.constant 7 : i32
        %parallel_loop3A_215 = vector.broadcast %parallel_loop3A_214 : i32 to vector<16xi32>
        %parallel_loop3A_216 = arith.andi %parallel_loop3A_210, %parallel_loop3A_215 : vector<16xi32>
        %parallel_loop3A_217 = tpu.vector_load_idx %arg7[%add3A_5, %parallel_loop3A_210] : memref<128x64xf32, #tpu.memory_space<vmem>>[vector<16xi32>, vector<16xi32>], vector<16xf32>,
        tpu.vector_store_idx %arg11[%parallel_loop3A_213, %parallel_loop3A_216, %add3A_5], %parallel_loop3A_217 : memref<8x8x128xf32, #tpu.memory_space<vmem>>[vector<16xi32>, vector<16xi32>, vector<16xi32>], vector<16xf32>,
        %parallel_loop3A_218 = tpu.vector_load_idx %arg7[%add3A_8, %parallel_loop3A_210] : memref<128x64xf32, #tpu.memory_space<vmem>>[vector<16xi32>, vector<16xi32>], vector<16xf32>,
        tpu.vector_store_idx %arg11[%parallel_loop3A_213, %parallel_loop3A_216, %add3A_8], %parallel_loop3A_218 : memref<8x8x128xf32, #tpu.memory_space<vmem>>[vector<16xi32>, vector<16xi32>, vector<16xi32>], vector<16xf32>,
        %parallel_loop3A_219 = tpu.vector_load_idx %arg7[%add3A_11, %parallel_loop3A_210] : memref<128x64xf32, #tpu.memory_space<vmem>>[vector<16xi32>, vector<16xi32>], vector<16xf32>,
        tpu.vector_store_idx %arg11[%parallel_loop3A_213, %parallel_loop3A_216, %add3A_11], %parallel_loop3A_219 : memref<8x8x128xf32, #tpu.memory_space<vmem>>[vector<16xi32>, vector<16xi32>, vector<16xi32>], vector<16xf32>,
        %parallel_loop3A_220 = tpu.vector_load_idx %arg7[%add3A_14, %parallel_loop3A_210] : memref<128x64xf32, #tpu.memory_space<vmem>>[vector<16xi32>, vector<16xi32>], vector<16xf32>,
        tpu.vector_store_idx %arg11[%parallel_loop3A_213, %parallel_loop3A_216, %add3A_14], %parallel_loop3A_220 : memref<8x8x128xf32, #tpu.memory_space<vmem>>[vector<16xi32>, vector<16xi32>, vector<16xi32>], vector<16xf32>,
        %parallel_loop3A_221 = tpu.vector_load_idx %arg7[%add3A_17, %parallel_loop3A_210] : memref<128x64xf32, #tpu.memory_space<vmem>>[vector<16xi32>, vector<16xi32>], vector<16xf32>,
        tpu.vector_store_idx %arg11[%parallel_loop3A_213, %parallel_loop3A_216, %add3A_17], %parallel_loop3A_221 : memref<8x8x128xf32, #tpu.memory_space<vmem>>[vector<16xi32>, vector<16xi32>, vector<16xi32>], vector<16xf32>,
        %parallel_loop3A_222 = tpu.vector_load_idx %arg7[%add3A_20, %parallel_loop3A_210] : memref<128x64xf32, #tpu.memory_space<vmem>>[vector<16xi32>, vector<16xi32>], vector<16xf32>,
        tpu.vector_store_idx %arg11[%parallel_loop3A_213, %parallel_loop3A_216, %add3A_20], %parallel_loop3A_222 : memref<8x8x128xf32, #tpu.memory_space<vmem>>[vector<16xi32>, vector<16xi32>, vector<16xi32>], vector<16xf32>,
        %parallel_loop3A_223 = tpu.vector_load_idx %arg7[%add3A_23, %parallel_loop3A_210] : memref<128x64xf32, #tpu.memory_space<vmem>>[vector<16xi32>, vector<16xi32>], vector<16xf32>,
        tpu.vector_store_idx %arg11[%parallel_loop3A_213, %parallel_loop3A_216, %add3A_23], %parallel_loop3A_223 : memref<8x8x128xf32, #tpu.memory_space<vmem>>[vector<16xi32>, vector<16xi32>, vector<16xi32>], vector<16xf32>,
        %parallel_loop3A_224 = tpu.vector_load_idx %arg7[%add3A_26, %parallel_loop3A_210] : memref<128x64xf32, #tpu.memory_space<vmem>>[vector<16xi32>, vector<16xi32>], vector<16xf32>,
        tpu.vector_store_idx %arg11[%parallel_loop3A_213, %parallel_loop3A_216, %add3A_26], %parallel_loop3A_224 : memref<8x8x128xf32, #tpu.memory_space<vmem>>[vector<16xi32>, vector<16xi32>, vector<16xi32>], vector<16xf32>,
        %parallel_loop3A_225 = arith.constant 16 : i32
        %parallel_loop3A_226 = vector.broadcast %parallel_loop3A_225 : i32 to vector<16xi32>
        %parallel_loop3A_227 = arith.addi %parallel_loop3A_207, %parallel_loop3A_226 : vector<16xi32>
        %parallel_loop3A_228 = arith.constant 3 : i32
        %parallel_loop3A_229 = vector.broadcast %parallel_loop3A_228 : i32 to vector<16xi32>
        %parallel_loop3A_230 = arith.shrsi %parallel_loop3A_227, %parallel_loop3A_229 : vector<16xi32>
        %parallel_loop3A_231 = arith.constant 7 : i32
        %parallel_loop3A_232 = vector.broadcast %parallel_loop3A_231 : i32 to vector<16xi32>
        %parallel_loop3A_233 = arith.andi %parallel_loop3A_227, %parallel_loop3A_232 : vector<16xi32>
        %parallel_loop3A_234 = tpu.vector_load_idx %arg7[%add3A_5, %parallel_loop3A_227] : memref<128x64xf32, #tpu.memory_space<vmem>>[vector<16xi32>, vector<16xi32>], vector<16xf32>,
        tpu.vector_store_idx %arg11[%parallel_loop3A_230, %parallel_loop3A_233, %add3A_5], %parallel_loop3A_234 : memref<8x8x128xf32, #tpu.memory_space<vmem>>[vector<16xi32>, vector<16xi32>, vector<16xi32>], vector<16xf32>,
        %parallel_loop3A_235 = tpu.vector_load_idx %arg7[%add3A_8, %parallel_loop3A_227] : memref<128x64xf32, #tpu.memory_space<vmem>>[vector<16xi32>, vector<16xi32>], vector<16xf32>,
        tpu.vector_store_idx %arg11[%parallel_loop3A_230, %parallel_loop3A_233, %add3A_8], %parallel_loop3A_235 : memref<8x8x128xf32, #tpu.memory_space<vmem>>[vector<16xi32>, vector<16xi32>, vector<16xi32>], vector<16xf32>,
        %parallel_loop3A_236 = tpu.vector_load_idx %arg7[%add3A_11, %parallel_loop3A_227] : memref<128x64xf32, #tpu.memory_space<vmem>>[vector<16xi32>, vector<16xi32>], vector<16xf32>,
        tpu.vector_store_idx %arg11[%parallel_loop3A_230, %parallel_loop3A_233, %add3A_11], %parallel_loop3A_236 : memref<8x8x128xf32, #tpu.memory_space<vmem>>[vector<16xi32>, vector<16xi32>, vector<16xi32>], vector<16xf32>,
        %parallel_loop3A_237 = tpu.vector_load_idx %arg7[%add3A_14, %parallel_loop3A_227] : memref<128x64xf32, #tpu.memory_space<vmem>>[vector<16xi32>, vector<16xi32>], vector<16xf32>,
        tpu.vector_store_idx %arg11[%parallel_loop3A_230, %parallel_loop3A_233, %add3A_14], %parallel_loop3A_237 : memref<8x8x128xf32, #tpu.memory_space<vmem>>[vector<16xi32>, vector<16xi32>, vector<16xi32>], vector<16xf32>,
        %parallel_loop3A_238 = tpu.vector_load_idx %arg7[%add3A_17, %parallel_loop3A_227] : memref<128x64xf32, #tpu.memory_space<vmem>>[vector<16xi32>, vector<16xi32>], vector<16xf32>,
        tpu.vector_store_idx %arg11[%parallel_loop3A_230, %parallel_loop3A_233, %add3A_17], %parallel_loop3A_238 : memref<8x8x128xf32, #tpu.memory_space<vmem>>[vector<16xi32>, vector<16xi32>, vector<16xi32>], vector<16xf32>,
        %parallel_loop3A_239 = tpu.vector_load_idx %arg7[%add3A_20, %parallel_loop3A_227] : memref<128x64xf32, #tpu.memory_space<vmem>>[vector<16xi32>, vector<16xi32>], vector<16xf32>,
        tpu.vector_store_idx %arg11[%parallel_loop3A_230, %parallel_loop3A_233, %add3A_20], %parallel_loop3A_239 : memref<8x8x128xf32, #tpu.memory_space<vmem>>[vector<16xi32>, vector<16xi32>, vector<16xi32>], vector<16xf32>,
        %parallel_loop3A_240 = tpu.vector_load_idx %arg7[%add3A_23, %parallel_loop3A_227] : memref<128x64xf32, #tpu.memory_space<vmem>>[vector<16xi32>, vector<16xi32>], vector<16xf32>,
        tpu.vector_store_idx %arg11[%parallel_loop3A_230, %parallel_loop3A_233, %add3A_23], %parallel_loop3A_240 : memref<8x8x128xf32, #tpu.memory_space<vmem>>[vector<16xi32>, vector<16xi32>, vector<16xi32>], vector<16xf32>,
        %parallel_loop3A_241 = tpu.vector_load_idx %arg7[%add3A_26, %parallel_loop3A_227] : memref<128x64xf32, #tpu.memory_space<vmem>>[vector<16xi32>, vector<16xi32>], vector<16xf32>,
        tpu.vector_store_idx %arg11[%parallel_loop3A_230, %parallel_loop3A_233, %add3A_26], %parallel_loop3A_241 : memref<8x8x128xf32, #tpu.memory_space<vmem>>[vector<16xi32>, vector<16xi32>, vector<16xi32>], vector<16xf32>,
        %parallel_loop3A_242 = arith.constant 32 : i32
        %parallel_loop3A_243 = vector.broadcast %parallel_loop3A_242 : i32 to vector<16xi32>
        %parallel_loop3A_244 = arith.addi %parallel_loop3A_207, %parallel_loop3A_243 : vector<16xi32>
        %parallel_loop3A_245 = arith.constant 3 : i32
        %parallel_loop3A_246 = vector.broadcast %parallel_loop3A_245 : i32 to vector<16xi32>
        %parallel_loop3A_247 = arith.shrsi %parallel_loop3A_244, %parallel_loop3A_246 : vector<16xi32>
        %parallel_loop3A_248 = arith.constant 7 : i32
        %parallel_loop3A_249 = vector.broadcast %parallel_loop3A_248 : i32 to vector<16xi32>
        %parallel_loop3A_250 = arith.andi %parallel_loop3A_244, %parallel_loop3A_249 : vector<16xi32>
        %parallel_loop3A_251 = tpu.vector_load_idx %arg7[%add3A_5, %parallel_loop3A_244] : memref<128x64xf32, #tpu.memory_space<vmem>>[vector<16xi32>, vector<16xi32>], vector<16xf32>,
        tpu.vector_store_idx %arg11[%parallel_loop3A_247, %parallel_loop3A_250, %add3A_5], %parallel_loop3A_251 : memref<8x8x128xf32, #tpu.memory_space<vmem>>[vector<16xi32>, vector<16xi32>, vector<16xi32>], vector<16xf32>,
        %parallel_loop3A_252 = tpu.vector_load_idx %arg7[%add3A_8, %parallel_loop3A_244] : memref<128x64xf32, #tpu.memory_space<vmem>>[vector<16xi32>, vector<16xi32>], vector<16xf32>,
        tpu.vector_store_idx %arg11[%parallel_loop3A_247, %parallel_loop3A_250, %add3A_8], %parallel_loop3A_252 : memref<8x8x128xf32, #tpu.memory_space<vmem>>[vector<16xi32>, vector<16xi32>, vector<16xi32>], vector<16xf32>,
        %parallel_loop3A_253 = tpu.vector_load_idx %arg7[%add3A_11, %parallel_loop3A_244] : memref<128x64xf32, #tpu.memory_space<vmem>>[vector<16xi32>, vector<16xi32>], vector<16xf32>,
        tpu.vector_store_idx %arg11[%parallel_loop3A_247, %parallel_loop3A_250, %add3A_11], %parallel_loop3A_253 : memref<8x8x128xf32, #tpu.memory_space<vmem>>[vector<16xi32>, vector<16xi32>, vector<16xi32>], vector<16xf32>,
        %parallel_loop3A_254 = tpu.vector_load_idx %arg7[%add3A_14, %parallel_loop3A_244] : memref<128x64xf32, #tpu.memory_space<vmem>>[vector<16xi32>, vector<16xi32>], vector<16xf32>,
        tpu.vector_store_idx %arg11[%parallel_loop3A_247, %parallel_loop3A_250, %add3A_14], %parallel_loop3A_254 : memref<8x8x128xf32, #tpu.memory_space<vmem>>[vector<16xi32>, vector<16xi32>, vector<16xi32>], vector<16xf32>,
        %parallel_loop3A_255 = tpu.vector_load_idx %arg7[%add3A_17, %parallel_loop3A_244] : memref<128x64xf32, #tpu.memory_space<vmem>>[vector<16xi32>, vector<16xi32>], vector<16xf32>,
        tpu.vector_store_idx %arg11[%parallel_loop3A_247, %parallel_loop3A_250, %add3A_17], %parallel_loop3A_255 : memref<8x8x128xf32, #tpu.memory_space<vmem>>[vector<16xi32>, vector<16xi32>, vector<16xi32>], vector<16xf32>,
        %parallel_loop3A_256 = tpu.vector_load_idx %arg7[%add3A_20, %parallel_loop3A_244] : memref<128x64xf32, #tpu.memory_space<vmem>>[vector<16xi32>, vector<16xi32>], vector<16xf32>,
        tpu.vector_store_idx %arg11[%parallel_loop3A_247, %parallel_loop3A_250, %add3A_20], %parallel_loop3A_256 : memref<8x8x128xf32, #tpu.memory_space<vmem>>[vector<16xi32>, vector<16xi32>, vector<16xi32>], vector<16xf32>,
        %parallel_loop3A_257 = tpu.vector_load_idx %arg7[%add3A_23, %parallel_loop3A_244] : memref<128x64xf32, #tpu.memory_space<vmem>>[vector<16xi32>, vector<16xi32>], vector<16xf32>,
        tpu.vector_store_idx %arg11[%parallel_loop3A_247, %parallel_loop3A_250, %add3A_23], %parallel_loop3A_257 : memref<8x8x128xf32, #tpu.memory_space<vmem>>[vector<16xi32>, vector<16xi32>, vector<16xi32>], vector<16xf32>,
        %parallel_loop3A_258 = tpu.vector_load_idx %arg7[%add3A_26, %parallel_loop3A_244] : memref<128x64xf32, #tpu.memory_space<vmem>>[vector<16xi32>, vector<16xi32>], vector<16xf32>,
        tpu.vector_store_idx %arg11[%parallel_loop3A_247, %parallel_loop3A_250, %add3A_26], %parallel_loop3A_258 : memref<8x8x128xf32, #tpu.memory_space<vmem>>[vector<16xi32>, vector<16xi32>, vector<16xi32>], vector<16xf32>,
        %parallel_loop3A_259 = arith.constant 48 : i32
        %parallel_loop3A_260 = vector.broadcast %parallel_loop3A_259 : i32 to vector<16xi32>
        %parallel_loop3A_261 = arith.addi %parallel_loop3A_207, %parallel_loop3A_260 : vector<16xi32>
        %parallel_loop3A_262 = arith.constant 3 : i32
        %parallel_loop3A_263 = vector.broadcast %parallel_loop3A_262 : i32 to vector<16xi32>
        %parallel_loop3A_264 = arith.shrsi %parallel_loop3A_261, %parallel_loop3A_263 : vector<16xi32>
        %parallel_loop3A_265 = arith.constant 7 : i32
        %parallel_loop3A_266 = vector.broadcast %parallel_loop3A_265 : i32 to vector<16xi32>
        %parallel_loop3A_267 = arith.andi %parallel_loop3A_261, %parallel_loop3A_266 : vector<16xi32>
        %parallel_loop3A_268 = tpu.vector_load_idx %arg7[%add3A_5, %parallel_loop3A_261] : memref<128x64xf32, #tpu.memory_space<vmem>>[vector<16xi32>, vector<16xi32>], vector<16xf32>,
        tpu.vector_store_idx %arg11[%parallel_loop3A_264, %parallel_loop3A_267, %add3A_5], %parallel_loop3A_268 : memref<8x8x128xf32, #tpu.memory_space<vmem>>[vector<16xi32>, vector<16xi32>, vector<16xi32>], vector<16xf32>,
        %parallel_loop3A_269 = tpu.vector_load_idx %arg7[%add3A_8, %parallel_loop3A_261] : memref<128x64xf32, #tpu.memory_space<vmem>>[vector<16xi32>, vector<16xi32>], vector<16xf32>,
        tpu.vector_store_idx %arg11[%parallel_loop3A_264, %parallel_loop3A_267, %add3A_8], %parallel_loop3A_269 : memref<8x8x128xf32, #tpu.memory_space<vmem>>[vector<16xi32>, vector<16xi32>, vector<16xi32>], vector<16xf32>,
        %parallel_loop3A_270 = tpu.vector_load_idx %arg7[%add3A_11, %parallel_loop3A_261] : memref<128x64xf32, #tpu.memory_space<vmem>>[vector<16xi32>, vector<16xi32>], vector<16xf32>,
        tpu.vector_store_idx %arg11[%parallel_loop3A_264, %parallel_loop3A_267, %add3A_11], %parallel_loop3A_270 : memref<8x8x128xf32, #tpu.memory_space<vmem>>[vector<16xi32>, vector<16xi32>, vector<16xi32>], vector<16xf32>,
        %parallel_loop3A_271 = tpu.vector_load_idx %arg7[%add3A_14, %parallel_loop3A_261] : memref<128x64xf32, #tpu.memory_space<vmem>>[vector<16xi32>, vector<16xi32>], vector<16xf32>,
        tpu.vector_store_idx %arg11[%parallel_loop3A_264, %parallel_loop3A_267, %add3A_14], %parallel_loop3A_271 : memref<8x8x128xf32, #tpu.memory_space<vmem>>[vector<16xi32>, vector<16xi32>, vector<16xi32>], vector<16xf32>,
        %parallel_loop3A_272 = tpu.vector_load_idx %arg7[%add3A_17, %parallel_loop3A_261] : memref<128x64xf32, #tpu.memory_space<vmem>>[vector<16xi32>, vector<16xi32>], vector<16xf32>,
        tpu.vector_store_idx %arg11[%parallel_loop3A_264, %parallel_loop3A_267, %add3A_17], %parallel_loop3A_272 : memref<8x8x128xf32, #tpu.memory_space<vmem>>[vector<16xi32>, vector<16xi32>, vector<16xi32>], vector<16xf32>,
        %parallel_loop3A_273 = tpu.vector_load_idx %arg7[%add3A_20, %parallel_loop3A_261] : memref<128x64xf32, #tpu.memory_space<vmem>>[vector<16xi32>, vector<16xi32>], vector<16xf32>,
        tpu.vector_store_idx %arg11[%parallel_loop3A_264, %parallel_loop3A_267, %add3A_20], %parallel_loop3A_273 : memref<8x8x128xf32, #tpu.memory_space<vmem>>[vector<16xi32>, vector<16xi32>, vector<16xi32>], vector<16xf32>,
        %parallel_loop3A_274 = tpu.vector_load_idx %arg7[%add3A_23, %parallel_loop3A_261] : memref<128x64xf32, #tpu.memory_space<vmem>>[vector<16xi32>, vector<16xi32>], vector<16xf32>,
        tpu.vector_store_idx %arg11[%parallel_loop3A_264, %parallel_loop3A_267, %add3A_23], %parallel_loop3A_274 : memref<8x8x128xf32, #tpu.memory_space<vmem>>[vector<16xi32>, vector<16xi32>, vector<16xi32>], vector<16xf32>,
        %parallel_loop3A_275 = tpu.vector_load_idx %arg7[%add3A_26, %parallel_loop3A_261] : memref<128x64xf32, #tpu.memory_space<vmem>>[vector<16xi32>, vector<16xi32>], vector<16xf32>,
        tpu.vector_store_idx %arg11[%parallel_loop3A_264, %parallel_loop3A_267, %add3A_26], %parallel_loop3A_275 : memref<8x8x128xf32, #tpu.memory_space<vmem>>[vector<16xi32>, vector<16xi32>, vector<16xi32>], vector<16xf32>,
      } {sc.loop_unroll_factor = 2 : i64, sc.parallel_access}
      %dma_start3A_122 = arith.constant 0 : i32
      %dma_start3A_123 = arith.constant 0 : i32
      %dma_start3A_124 = arith.constant 0 : i32
      %dma_start3A_125 = tpu.memref_slice %arg4[%add3A_100, %dma_start3A_122, %add3A, %dma_start3A_123, %dma_start3A_124] : memref<200x8x32x8x128xf32, #tpu.memory_space<hbm>> -> memref<1x8x1x8x128xf32, #tpu.memory_space<hbm>>
      %dma_start3A_126 = tpu.memref_squeeze %dma_start3A_125 : memref<1x8x1x8x128xf32, #tpu.memory_space<hbm>> -> memref<8x8x128xf32, #tpu.memory_space<hbm>>
      %dma_start3A_127 = arith.constant 0 : i32
      %dma_start3A_128 = arith.constant 0 : i32
      %dma_start3A_129 = arith.constant 0 : i32
      %dma_start3A_130 = tpu.memref_slice %arg4[%add3A_100, %dma_start3A_127, %add3A, %dma_start3A_128, %dma_start3A_129] : memref<200x8x32x8x128xf32, #tpu.memory_space<hbm>> -> memref<1x8x1x8x128xf32, #tpu.memory_space<hbm>>
      %dma_start3A_131 = tpu.memref_squeeze %dma_start3A_130 : memref<1x8x1x8x128xf32, #tpu.memory_space<hbm>> -> memref<8x8x128xf32, #tpu.memory_space<hbm>>
      tpu.enqueue_dma source(%arg11 : memref<8x8x128xf32, #tpu.memory_space<vmem>>) target(%dma_start3A_131 : memref<8x8x128xf32, #tpu.memory_space<hbm>>) target_semaphore(%arg17 : memref<!tpu.dma_semaphore, #tpu.memory_space<semaphore_mem>>)
      %mul3A_132 = arith.constant 4 : i32
      %mul3A_133 = arith.muli %mul3A_132, %scan3A_66 : i32
      %add3A_134 = arith.constant 2 : i32
      %add3A_135 = arith.addi %mul3A_133, %add3A_134 : i32
      %add3A_136 = arith.constant 2 : i32
      %add3A_137 = arith.addi %add3A_135, %add3A_136 : i32
      %lt3A_138 = arith.constant 200 : i32
      %lt3A_139 = arith.cmpi slt, %add3A_137, %lt3A_138 : i32
      %convert_element_type3A_140 = arith.extui %lt3A_139 : i1 to i32
      %cond3A_141 = arith.constant 0 : i32
      %cond3A_142 = arith.cmpi ne, %convert_element_type3A_140, %cond3A_141 : i32
      scf.if %cond3A_142 {
        %add3A_202 = arith.constant 2 : i32
        %add3A_203 = arith.addi %add3A_135, %add3A_202 : i32
        %dma_start3A_204 = arith.constant 0 : i32
        %dma_start3A_205 = tpu.memref_slice %arg5[%add3A_203, %dma_start3A_204] : memref<200x128xi32, #tpu.memory_space<vmem>> -> memref<1x128xi32, #tpu.memory_space<vmem>>
        %dma_start3A_206 = tpu.memref_squeeze %dma_start3A_205 : memref<1x128xi32, #tpu.memory_space<vmem>> -> memref<128xi32, #tpu.memory_space<vmem>>
        %dma_start3A_207 = arith.constant 0 : i32
        %dma_start3A_208 = arith.constant 0 : i32
        %dma_start3A_209 = tpu.memref_slice %arg2[%dma_start3A_207, %dma_start3A_208] : memref<2048x64xf32, #tpu.memory_space<hbm>> -> memref<2048x64xf32, #tpu.memory_space<hbm>>
        tpu.enqueue_indirect_dma source(%dma_start3A_209 : memref<2048x64xf32, #tpu.memory_space<hbm>>) target(%arg6 : memref<128x64xf32, #tpu.memory_space<vmem>>) offsets(%dma_start3A_206 : memref<128xi32, #tpu.memory_space<vmem>>) semaphore(%arg12 : memref<!tpu.dma_semaphore, #tpu.memory_space<semaphore_mem>>)
      } else {
      }
      %dma_wait3A_143 = arith.constant 0 : i32
      %dma_wait3A_144 = tpu.memref_slice %arg5[%add3A_135, %dma_wait3A_143] : memref<200x128xi32, #tpu.memory_space<vmem>> -> memref<1x128xi32, #tpu.memory_space<vmem>>
      %dma_wait3A_145 = tpu.memref_squeeze %dma_wait3A_144 : memref<1x128xi32, #tpu.memory_space<vmem>> -> memref<128xi32, #tpu.memory_space<vmem>>
      %dma_wait3A_146 = arith.constant 0 : i32
      %dma_wait3A_147 = arith.constant 0 : i32
      %dma_wait3A_148 = tpu.memref_slice %arg2[%dma_wait3A_146, %dma_wait3A_147] : memref<2048x64xf32, #tpu.memory_space<hbm>> -> memref<2048x64xf32, #tpu.memory_space<hbm>>
      tpu.wait_indirect_dma semaphore(%arg14 : memref<!tpu.dma_semaphore, #tpu.memory_space<semaphore_mem>>) src(%dma_wait3A_148 : memref<2048x64xf32, #tpu.memory_space<hbm>>) dst(%arg8 : memref<128x64xf32, #tpu.memory_space<vmem>>)
      %ge3A_149 = arith.constant 2 : i32
      %ge3A_150 = arith.cmpi sge, %add3A_135, %ge3A_149 : i32
      %convert_element_type3A_151 = arith.extui %ge3A_150 : i1 to i32
      %cond3A_152 = arith.constant 0 : i32
      %cond3A_153 = arith.cmpi ne, %convert_element_type3A_151, %cond3A_152 : i32
      scf.if %cond3A_153 {
        %sub3A = arith.constant 2 : i32
        %sub3A_202 = arith.subi %add3A_135, %sub3A : i32
        %dma_wait3A_203 = arith.constant 0 : i32
        %dma_wait3A_204 = arith.constant 0 : i32
        %dma_wait3A_205 = arith.constant 0 : i32
        %dma_wait3A_206 = tpu.memref_slice %arg4[%sub3A_202, %dma_wait3A_203, %add3A, %dma_wait3A_204, %dma_wait3A_205] : memref<200x8x32x8x128xf32, #tpu.memory_space<hbm>> -> memref<1x8x1x8x128xf32, #tpu.memory_space<hbm>>
        %dma_wait3A_207 = tpu.memref_squeeze %dma_wait3A_206 : memref<1x8x1x8x128xf32, #tpu.memory_space<hbm>> -> memref<8x8x128xf32, #tpu.memory_space<hbm>>
        %dma_wait3A_208 = arith.constant 0 : i32
        %dma_wait3A_209 = arith.constant 0 : i32
        %dma_wait3A_210 = arith.constant 0 : i32
        %dma_wait3A_211 = tpu.memref_slice %arg4[%sub3A_202, %dma_wait3A_208, %add3A, %dma_wait3A_209, %dma_wait3A_210] : memref<200x8x32x8x128xf32, #tpu.memory_space<hbm>> -> memref<1x8x1x8x128xf32, #tpu.memory_space<hbm>>
        %dma_wait3A_212 = tpu.memref_squeeze %dma_wait3A_211 : memref<1x8x1x8x128xf32, #tpu.memory_space<hbm>> -> memref<8x8x128xf32, #tpu.memory_space<hbm>>
        tpu.wait_dma2 semaphore(%arg16 : memref<!tpu.dma_semaphore, #tpu.memory_space<semaphore_mem>>) src(%arg10 : memref<8x8x128xf32, #tpu.memory_space<vmem>>) dst(%dma_wait3A_212 : memref<8x8x128xf32, #tpu.memory_space<hbm>>)
      } else {
      }
      %parallel_loop3A_154 = arith.constant 0 : i32
      %parallel_loop3A_155 = arith.constant 16 : i32
      %parallel_loop3A_156 = arith.constant 1 : i32
      scf.for %parallel_loop3A_202 = %parallel_loop3A_154 to %parallel_loop3A_155 step %parallel_loop3A_156  : i32 {
        %parallel_loop3A_203 = vector.broadcast %parallel_loop3A_202 : i32 to vector<16xi32>
        %parallel_loop3A_204 = arith.addi %iota3A, %parallel_loop3A_203 : vector<16xi32>
        %parallel_loop3A_205 = arith.constant 15 : i32
        %parallel_loop3A_206 = vector.broadcast %parallel_loop3A_205 : i32 to vector<16xi32>
        %parallel_loop3A_207 = arith.andi %parallel_loop3A_204, %parallel_loop3A_206 : vector<16xi32>
        %parallel_loop3A_208 = arith.constant 0 : i32
        %parallel_loop3A_209 = vector.broadcast %parallel_loop3A_208 : i32 to vector<16xi32>
        %parallel_loop3A_210 = arith.addi %parallel_loop3A_207, %parallel_loop3A_209 : vector<16xi32>
        %parallel_loop3A_211 = arith.constant 3 : i32
        %parallel_loop3A_212 = vector.broadcast %parallel_loop3A_211 : i32 to vector<16xi32>
        %parallel_loop3A_213 = arith.shrsi %parallel_loop3A_210, %parallel_loop3A_212 : vector<16xi32>
        %parallel_loop3A_214 = arith.constant 7 : i32
        %parallel_loop3A_215 = vector.broadcast %parallel_loop3A_214 : i32 to vector<16xi32>
        %parallel_loop3A_216 = arith.andi %parallel_loop3A_210, %parallel_loop3A_215 : vector<16xi32>
        %parallel_loop3A_217 = tpu.vector_load_idx %arg8[%add3A_5, %parallel_loop3A_210] : memref<128x64xf32, #tpu.memory_space<vmem>>[vector<16xi32>, vector<16xi32>], vector<16xf32>,
        tpu.vector_store_idx %arg10[%parallel_loop3A_213, %parallel_loop3A_216, %add3A_5], %parallel_loop3A_217 : memref<8x8x128xf32, #tpu.memory_space<vmem>>[vector<16xi32>, vector<16xi32>, vector<16xi32>], vector<16xf32>,
        %parallel_loop3A_218 = tpu.vector_load_idx %arg8[%add3A_8, %parallel_loop3A_210] : memref<128x64xf32, #tpu.memory_space<vmem>>[vector<16xi32>, vector<16xi32>], vector<16xf32>,
        tpu.vector_store_idx %arg10[%parallel_loop3A_213, %parallel_loop3A_216, %add3A_8], %parallel_loop3A_218 : memref<8x8x128xf32, #tpu.memory_space<vmem>>[vector<16xi32>, vector<16xi32>, vector<16xi32>], vector<16xf32>,
        %parallel_loop3A_219 = tpu.vector_load_idx %arg8[%add3A_11, %parallel_loop3A_210] : memref<128x64xf32, #tpu.memory_space<vmem>>[vector<16xi32>, vector<16xi32>], vector<16xf32>,
        tpu.vector_store_idx %arg10[%parallel_loop3A_213, %parallel_loop3A_216, %add3A_11], %parallel_loop3A_219 : memref<8x8x128xf32, #tpu.memory_space<vmem>>[vector<16xi32>, vector<16xi32>, vector<16xi32>], vector<16xf32>,
        %parallel_loop3A_220 = tpu.vector_load_idx %arg8[%add3A_14, %parallel_loop3A_210] : memref<128x64xf32, #tpu.memory_space<vmem>>[vector<16xi32>, vector<16xi32>], vector<16xf32>,
        tpu.vector_store_idx %arg10[%parallel_loop3A_213, %parallel_loop3A_216, %add3A_14], %parallel_loop3A_220 : memref<8x8x128xf32, #tpu.memory_space<vmem>>[vector<16xi32>, vector<16xi32>, vector<16xi32>], vector<16xf32>,
        %parallel_loop3A_221 = tpu.vector_load_idx %arg8[%add3A_17, %parallel_loop3A_210] : memref<128x64xf32, #tpu.memory_space<vmem>>[vector<16xi32>, vector<16xi32>], vector<16xf32>,
        tpu.vector_store_idx %arg10[%parallel_loop3A_213, %parallel_loop3A_216, %add3A_17], %parallel_loop3A_221 : memref<8x8x128xf32, #tpu.memory_space<vmem>>[vector<16xi32>, vector<16xi32>, vector<16xi32>], vector<16xf32>,
        %parallel_loop3A_222 = tpu.vector_load_idx %arg8[%add3A_20, %parallel_loop3A_210] : memref<128x64xf32, #tpu.memory_space<vmem>>[vector<16xi32>, vector<16xi32>], vector<16xf32>,
        tpu.vector_store_idx %arg10[%parallel_loop3A_213, %parallel_loop3A_216, %add3A_20], %parallel_loop3A_222 : memref<8x8x128xf32, #tpu.memory_space<vmem>>[vector<16xi32>, vector<16xi32>, vector<16xi32>], vector<16xf32>,
        %parallel_loop3A_223 = tpu.vector_load_idx %arg8[%add3A_23, %parallel_loop3A_210] : memref<128x64xf32, #tpu.memory_space<vmem>>[vector<16xi32>, vector<16xi32>], vector<16xf32>,
        tpu.vector_store_idx %arg10[%parallel_loop3A_213, %parallel_loop3A_216, %add3A_23], %parallel_loop3A_223 : memref<8x8x128xf32, #tpu.memory_space<vmem>>[vector<16xi32>, vector<16xi32>, vector<16xi32>], vector<16xf32>,
        %parallel_loop3A_224 = tpu.vector_load_idx %arg8[%add3A_26, %parallel_loop3A_210] : memref<128x64xf32, #tpu.memory_space<vmem>>[vector<16xi32>, vector<16xi32>], vector<16xf32>,
        tpu.vector_store_idx %arg10[%parallel_loop3A_213, %parallel_loop3A_216, %add3A_26], %parallel_loop3A_224 : memref<8x8x128xf32, #tpu.memory_space<vmem>>[vector<16xi32>, vector<16xi32>, vector<16xi32>], vector<16xf32>,
        %parallel_loop3A_225 = arith.constant 16 : i32
        %parallel_loop3A_226 = vector.broadcast %parallel_loop3A_225 : i32 to vector<16xi32>
        %parallel_loop3A_227 = arith.addi %parallel_loop3A_207, %parallel_loop3A_226 : vector<16xi32>
        %parallel_loop3A_228 = arith.constant 3 : i32
        %parallel_loop3A_229 = vector.broadcast %parallel_loop3A_228 : i32 to vector<16xi32>
        %parallel_loop3A_230 = arith.shrsi %parallel_loop3A_227, %parallel_loop3A_229 : vector<16xi32>
        %parallel_loop3A_231 = arith.constant 7 : i32
        %parallel_loop3A_232 = vector.broadcast %parallel_loop3A_231 : i32 to vector<16xi32>
        %parallel_loop3A_233 = arith.andi %parallel_loop3A_227, %parallel_loop3A_232 : vector<16xi32>
        %parallel_loop3A_234 = tpu.vector_load_idx %arg8[%add3A_5, %parallel_loop3A_227] : memref<128x64xf32, #tpu.memory_space<vmem>>[vector<16xi32>, vector<16xi32>], vector<16xf32>,
        tpu.vector_store_idx %arg10[%parallel_loop3A_230, %parallel_loop3A_233, %add3A_5], %parallel_loop3A_234 : memref<8x8x128xf32, #tpu.memory_space<vmem>>[vector<16xi32>, vector<16xi32>, vector<16xi32>], vector<16xf32>,
        %parallel_loop3A_235 = tpu.vector_load_idx %arg8[%add3A_8, %parallel_loop3A_227] : memref<128x64xf32, #tpu.memory_space<vmem>>[vector<16xi32>, vector<16xi32>], vector<16xf32>,
        tpu.vector_store_idx %arg10[%parallel_loop3A_230, %parallel_loop3A_233, %add3A_8], %parallel_loop3A_235 : memref<8x8x128xf32, #tpu.memory_space<vmem>>[vector<16xi32>, vector<16xi32>, vector<16xi32>], vector<16xf32>,
        %parallel_loop3A_236 = tpu.vector_load_idx %arg8[%add3A_11, %parallel_loop3A_227] : memref<128x64xf32, #tpu.memory_space<vmem>>[vector<16xi32>, vector<16xi32>], vector<16xf32>,
        tpu.vector_store_idx %arg10[%parallel_loop3A_230, %parallel_loop3A_233, %add3A_11], %parallel_loop3A_236 : memref<8x8x128xf32, #tpu.memory_space<vmem>>[vector<16xi32>, vector<16xi32>, vector<16xi32>], vector<16xf32>,
        %parallel_loop3A_237 = tpu.vector_load_idx %arg8[%add3A_14, %parallel_loop3A_227] : memref<128x64xf32, #tpu.memory_space<vmem>>[vector<16xi32>, vector<16xi32>], vector<16xf32>,
        tpu.vector_store_idx %arg10[%parallel_loop3A_230, %parallel_loop3A_233, %add3A_14], %parallel_loop3A_237 : memref<8x8x128xf32, #tpu.memory_space<vmem>>[vector<16xi32>, vector<16xi32>, vector<16xi32>], vector<16xf32>,
        %parallel_loop3A_238 = tpu.vector_load_idx %arg8[%add3A_17, %parallel_loop3A_227] : memref<128x64xf32, #tpu.memory_space<vmem>>[vector<16xi32>, vector<16xi32>], vector<16xf32>,
        tpu.vector_store_idx %arg10[%parallel_loop3A_230, %parallel_loop3A_233, %add3A_17], %parallel_loop3A_238 : memref<8x8x128xf32, #tpu.memory_space<vmem>>[vector<16xi32>, vector<16xi32>, vector<16xi32>], vector<16xf32>,
        %parallel_loop3A_239 = tpu.vector_load_idx %arg8[%add3A_20, %parallel_loop3A_227] : memref<128x64xf32, #tpu.memory_space<vmem>>[vector<16xi32>, vector<16xi32>], vector<16xf32>,
        tpu.vector_store_idx %arg10[%parallel_loop3A_230, %parallel_loop3A_233, %add3A_20], %parallel_loop3A_239 : memref<8x8x128xf32, #tpu.memory_space<vmem>>[vector<16xi32>, vector<16xi32>, vector<16xi32>], vector<16xf32>,
        %parallel_loop3A_240 = tpu.vector_load_idx %arg8[%add3A_23, %parallel_loop3A_227] : memref<128x64xf32, #tpu.memory_space<vmem>>[vector<16xi32>, vector<16xi32>], vector<16xf32>,
        tpu.vector_store_idx %arg10[%parallel_loop3A_230, %parallel_loop3A_233, %add3A_23], %parallel_loop3A_240 : memref<8x8x128xf32, #tpu.memory_space<vmem>>[vector<16xi32>, vector<16xi32>, vector<16xi32>], vector<16xf32>,
        %parallel_loop3A_241 = tpu.vector_load_idx %arg8[%add3A_26, %parallel_loop3A_227] : memref<128x64xf32, #tpu.memory_space<vmem>>[vector<16xi32>, vector<16xi32>], vector<16xf32>,
        tpu.vector_store_idx %arg10[%parallel_loop3A_230, %parallel_loop3A_233, %add3A_26], %parallel_loop3A_241 : memref<8x8x128xf32, #tpu.memory_space<vmem>>[vector<16xi32>, vector<16xi32>, vector<16xi32>], vector<16xf32>,
        %parallel_loop3A_242 = arith.constant 32 : i32
        %parallel_loop3A_243 = vector.broadcast %parallel_loop3A_242 : i32 to vector<16xi32>
        %parallel_loop3A_244 = arith.addi %parallel_loop3A_207, %parallel_loop3A_243 : vector<16xi32>
        %parallel_loop3A_245 = arith.constant 3 : i32
        %parallel_loop3A_246 = vector.broadcast %parallel_loop3A_245 : i32 to vector<16xi32>
        %parallel_loop3A_247 = arith.shrsi %parallel_loop3A_244, %parallel_loop3A_246 : vector<16xi32>
        %parallel_loop3A_248 = arith.constant 7 : i32
        %parallel_loop3A_249 = vector.broadcast %parallel_loop3A_248 : i32 to vector<16xi32>
        %parallel_loop3A_250 = arith.andi %parallel_loop3A_244, %parallel_loop3A_249 : vector<16xi32>
        %parallel_loop3A_251 = tpu.vector_load_idx %arg8[%add3A_5, %parallel_loop3A_244] : memref<128x64xf32, #tpu.memory_space<vmem>>[vector<16xi32>, vector<16xi32>], vector<16xf32>,
        tpu.vector_store_idx %arg10[%parallel_loop3A_247, %parallel_loop3A_250, %add3A_5], %parallel_loop3A_251 : memref<8x8x128xf32, #tpu.memory_space<vmem>>[vector<16xi32>, vector<16xi32>, vector<16xi32>], vector<16xf32>,
        %parallel_loop3A_252 = tpu.vector_load_idx %arg8[%add3A_8, %parallel_loop3A_244] : memref<128x64xf32, #tpu.memory_space<vmem>>[vector<16xi32>, vector<16xi32>], vector<16xf32>,
        tpu.vector_store_idx %arg10[%parallel_loop3A_247, %parallel_loop3A_250, %add3A_8], %parallel_loop3A_252 : memref<8x8x128xf32, #tpu.memory_space<vmem>>[vector<16xi32>, vector<16xi32>, vector<16xi32>], vector<16xf32>,
        %parallel_loop3A_253 = tpu.vector_load_idx %arg8[%add3A_11, %parallel_loop3A_244] : memref<128x64xf32, #tpu.memory_space<vmem>>[vector<16xi32>, vector<16xi32>], vector<16xf32>,
        tpu.vector_store_idx %arg10[%parallel_loop3A_247, %parallel_loop3A_250, %add3A_11], %parallel_loop3A_253 : memref<8x8x128xf32, #tpu.memory_space<vmem>>[vector<16xi32>, vector<16xi32>, vector<16xi32>], vector<16xf32>,
        %parallel_loop3A_254 = tpu.vector_load_idx %arg8[%add3A_14, %parallel_loop3A_244] : memref<128x64xf32, #tpu.memory_space<vmem>>[vector<16xi32>, vector<16xi32>], vector<16xf32>,
        tpu.vector_store_idx %arg10[%parallel_loop3A_247, %parallel_loop3A_250, %add3A_14], %parallel_loop3A_254 : memref<8x8x128xf32, #tpu.memory_space<vmem>>[vector<16xi32>, vector<16xi32>, vector<16xi32>], vector<16xf32>,
        %parallel_loop3A_255 = tpu.vector_load_idx %arg8[%add3A_17, %parallel_loop3A_244] : memref<128x64xf32, #tpu.memory_space<vmem>>[vector<16xi32>, vector<16xi32>], vector<16xf32>,
        tpu.vector_store_idx %arg10[%parallel_loop3A_247, %parallel_loop3A_250, %add3A_17], %parallel_loop3A_255 : memref<8x8x128xf32, #tpu.memory_space<vmem>>[vector<16xi32>, vector<16xi32>, vector<16xi32>], vector<16xf32>,
        %parallel_loop3A_256 = tpu.vector_load_idx %arg8[%add3A_20, %parallel_loop3A_244] : memref<128x64xf32, #tpu.memory_space<vmem>>[vector<16xi32>, vector<16xi32>], vector<16xf32>,
        tpu.vector_store_idx %arg10[%parallel_loop3A_247, %parallel_loop3A_250, %add3A_20], %parallel_loop3A_256 : memref<8x8x128xf32, #tpu.memory_space<vmem>>[vector<16xi32>, vector<16xi32>, vector<16xi32>], vector<16xf32>,
        %parallel_loop3A_257 = tpu.vector_load_idx %arg8[%add3A_23, %parallel_loop3A_244] : memref<128x64xf32, #tpu.memory_space<vmem>>[vector<16xi32>, vector<16xi32>], vector<16xf32>,
        tpu.vector_store_idx %arg10[%parallel_loop3A_247, %parallel_loop3A_250, %add3A_23], %parallel_loop3A_257 : memref<8x8x128xf32, #tpu.memory_space<vmem>>[vector<16xi32>, vector<16xi32>, vector<16xi32>], vector<16xf32>,
        %parallel_loop3A_258 = tpu.vector_load_idx %arg8[%add3A_26, %parallel_loop3A_244] : memref<128x64xf32, #tpu.memory_space<vmem>>[vector<16xi32>, vector<16xi32>], vector<16xf32>,
        tpu.vector_store_idx %arg10[%parallel_loop3A_247, %parallel_loop3A_250, %add3A_26], %parallel_loop3A_258 : memref<8x8x128xf32, #tpu.memory_space<vmem>>[vector<16xi32>, vector<16xi32>, vector<16xi32>], vector<16xf32>,
        %parallel_loop3A_259 = arith.constant 48 : i32
        %parallel_loop3A_260 = vector.broadcast %parallel_loop3A_259 : i32 to vector<16xi32>
        %parallel_loop3A_261 = arith.addi %parallel_loop3A_207, %parallel_loop3A_260 : vector<16xi32>
        %parallel_loop3A_262 = arith.constant 3 : i32
        %parallel_loop3A_263 = vector.broadcast %parallel_loop3A_262 : i32 to vector<16xi32>
        %parallel_loop3A_264 = arith.shrsi %parallel_loop3A_261, %parallel_loop3A_263 : vector<16xi32>
        %parallel_loop3A_265 = arith.constant 7 : i32
        %parallel_loop3A_266 = vector.broadcast %parallel_loop3A_265 : i32 to vector<16xi32>
        %parallel_loop3A_267 = arith.andi %parallel_loop3A_261, %parallel_loop3A_266 : vector<16xi32>
        %parallel_loop3A_268 = tpu.vector_load_idx %arg8[%add3A_5, %parallel_loop3A_261] : memref<128x64xf32, #tpu.memory_space<vmem>>[vector<16xi32>, vector<16xi32>], vector<16xf32>,
        tpu.vector_store_idx %arg10[%parallel_loop3A_264, %parallel_loop3A_267, %add3A_5], %parallel_loop3A_268 : memref<8x8x128xf32, #tpu.memory_space<vmem>>[vector<16xi32>, vector<16xi32>, vector<16xi32>], vector<16xf32>,
        %parallel_loop3A_269 = tpu.vector_load_idx %arg8[%add3A_8, %parallel_loop3A_261] : memref<128x64xf32, #tpu.memory_space<vmem>>[vector<16xi32>, vector<16xi32>], vector<16xf32>,
        tpu.vector_store_idx %arg10[%parallel_loop3A_264, %parallel_loop3A_267, %add3A_8], %parallel_loop3A_269 : memref<8x8x128xf32, #tpu.memory_space<vmem>>[vector<16xi32>, vector<16xi32>, vector<16xi32>], vector<16xf32>,
        %parallel_loop3A_270 = tpu.vector_load_idx %arg8[%add3A_11, %parallel_loop3A_261] : memref<128x64xf32, #tpu.memory_space<vmem>>[vector<16xi32>, vector<16xi32>], vector<16xf32>,
        tpu.vector_store_idx %arg10[%parallel_loop3A_264, %parallel_loop3A_267, %add3A_11], %parallel_loop3A_270 : memref<8x8x128xf32, #tpu.memory_space<vmem>>[vector<16xi32>, vector<16xi32>, vector<16xi32>], vector<16xf32>,
        %parallel_loop3A_271 = tpu.vector_load_idx %arg8[%add3A_14, %parallel_loop3A_261] : memref<128x64xf32, #tpu.memory_space<vmem>>[vector<16xi32>, vector<16xi32>], vector<16xf32>,
        tpu.vector_store_idx %arg10[%parallel_loop3A_264, %parallel_loop3A_267, %add3A_14], %parallel_loop3A_271 : memref<8x8x128xf32, #tpu.memory_space<vmem>>[vector<16xi32>, vector<16xi32>, vector<16xi32>], vector<16xf32>,
        %parallel_loop3A_272 = tpu.vector_load_idx %arg8[%add3A_17, %parallel_loop3A_261] : memref<128x64xf32, #tpu.memory_space<vmem>>[vector<16xi32>, vector<16xi32>], vector<16xf32>,
        tpu.vector_store_idx %arg10[%parallel_loop3A_264, %parallel_loop3A_267, %add3A_17], %parallel_loop3A_272 : memref<8x8x128xf32, #tpu.memory_space<vmem>>[vector<16xi32>, vector<16xi32>, vector<16xi32>], vector<16xf32>,
        %parallel_loop3A_273 = tpu.vector_load_idx %arg8[%add3A_20, %parallel_loop3A_261] : memref<128x64xf32, #tpu.memory_space<vmem>>[vector<16xi32>, vector<16xi32>], vector<16xf32>,
        tpu.vector_store_idx %arg10[%parallel_loop3A_264, %parallel_loop3A_267, %add3A_20], %parallel_loop3A_273 : memref<8x8x128xf32, #tpu.memory_space<vmem>>[vector<16xi32>, vector<16xi32>, vector<16xi32>], vector<16xf32>,
        %parallel_loop3A_274 = tpu.vector_load_idx %arg8[%add3A_23, %parallel_loop3A_261] : memref<128x64xf32, #tpu.memory_space<vmem>>[vector<16xi32>, vector<16xi32>], vector<16xf32>,
        tpu.vector_store_idx %arg10[%parallel_loop3A_264, %parallel_loop3A_267, %add3A_23], %parallel_loop3A_274 : memref<8x8x128xf32, #tpu.memory_space<vmem>>[vector<16xi32>, vector<16xi32>, vector<16xi32>], vector<16xf32>,
        %parallel_loop3A_275 = tpu.vector_load_idx %arg8[%add3A_26, %parallel_loop3A_261] : memref<128x64xf32, #tpu.memory_space<vmem>>[vector<16xi32>, vector<16xi32>], vector<16xf32>,
        tpu.vector_store_idx %arg10[%parallel_loop3A_264, %parallel_loop3A_267, %add3A_26], %parallel_loop3A_275 : memref<8x8x128xf32, #tpu.memory_space<vmem>>[vector<16xi32>, vector<16xi32>, vector<16xi32>], vector<16xf32>,
      } {sc.loop_unroll_factor = 2 : i64, sc.parallel_access}
      %dma_start3A_157 = arith.constant 0 : i32
      %dma_start3A_158 = arith.constant 0 : i32
      %dma_start3A_159 = arith.constant 0 : i32
      %dma_start3A_160 = tpu.memref_slice %arg4[%add3A_135, %dma_start3A_157, %add3A, %dma_start3A_158, %dma_start3A_159] : memref<200x8x32x8x128xf32, #tpu.memory_space<hbm>> -> memref<1x8x1x8x128xf32, #tpu.memory_space<hbm>>
      %dma_start3A_161 = tpu.memref_squeeze %dma_start3A_160 : memref<1x8x1x8x128xf32, #tpu.memory_space<hbm>> -> memref<8x8x128xf32, #tpu.memory_space<hbm>>
      %dma_start3A_162 = arith.constant 0 : i32
      %dma_start3A_163 = arith.constant 0 : i32
      %dma_start3A_164 = arith.constant 0 : i32
      %dma_start3A_165 = tpu.memref_slice %arg4[%add3A_135, %dma_start3A_162, %add3A, %dma_start3A_163, %dma_start3A_164] : memref<200x8x32x8x128xf32, #tpu.memory_space<hbm>> -> memref<1x8x1x8x128xf32, #tpu.memory_space<hbm>>
      %dma_start3A_166 = tpu.memref_squeeze %dma_start3A_165 : memref<1x8x1x8x128xf32, #tpu.memory_space<hbm>> -> memref<8x8x128xf32, #tpu.memory_space<hbm>>
      tpu.enqueue_dma source(%arg10 : memref<8x8x128xf32, #tpu.memory_space<vmem>>) target(%dma_start3A_166 : memref<8x8x128xf32, #tpu.memory_space<hbm>>) target_semaphore(%arg16 : memref<!tpu.dma_semaphore, #tpu.memory_space<semaphore_mem>>)
      %mul3A_167 = arith.constant 4 : i32
      %mul3A_168 = arith.muli %mul3A_167, %scan3A_66 : i32
      %add3A_169 = arith.constant 3 : i32
      %add3A_170 = arith.addi %mul3A_168, %add3A_169 : i32
      %add3A_171 = arith.constant 2 : i32
      %add3A_172 = arith.addi %add3A_170, %add3A_171 : i32
      %lt3A_173 = arith.constant 200 : i32
      %lt3A_174 = arith.cmpi slt, %add3A_172, %lt3A_173 : i32
      %convert_element_type3A_175 = arith.extui %lt3A_174 : i1 to i32
      %cond3A_176 = arith.constant 0 : i32
      %cond3A_177 = arith.cmpi ne, %convert_element_type3A_175, %cond3A_176 : i32
      scf.if %cond3A_177 {
        %add3A_202 = arith.constant 2 : i32
        %add3A_203 = arith.addi %add3A_170, %add3A_202 : i32
        %dma_start3A_204 = arith.constant 0 : i32
        %dma_start3A_205 = tpu.memref_slice %arg5[%add3A_203, %dma_start3A_204] : memref<200x128xi32, #tpu.memory_space<vmem>> -> memref<1x128xi32, #tpu.memory_space<vmem>>
        %dma_start3A_206 = tpu.memref_squeeze %dma_start3A_205 : memref<1x128xi32, #tpu.memory_space<vmem>> -> memref<128xi32, #tpu.memory_space<vmem>>
        %dma_start3A_207 = arith.constant 0 : i32
        %dma_start3A_208 = arith.constant 0 : i32
        %dma_start3A_209 = tpu.memref_slice %arg2[%dma_start3A_207, %dma_start3A_208] : memref<2048x64xf32, #tpu.memory_space<hbm>> -> memref<2048x64xf32, #tpu.memory_space<hbm>>
        tpu.enqueue_indirect_dma source(%dma_start3A_209 : memref<2048x64xf32, #tpu.memory_space<hbm>>) target(%arg7 : memref<128x64xf32, #tpu.memory_space<vmem>>) offsets(%dma_start3A_206 : memref<128xi32, #tpu.memory_space<vmem>>) semaphore(%arg13 : memref<!tpu.dma_semaphore, #tpu.memory_space<semaphore_mem>>)
      } else {
      }
      %dma_wait3A_178 = arith.constant 0 : i32
      %dma_wait3A_179 = tpu.memref_slice %arg5[%add3A_170, %dma_wait3A_178] : memref<200x128xi32, #tpu.memory_space<vmem>> -> memref<1x128xi32, #tpu.memory_space<vmem>>
      %dma_wait3A_180 = tpu.memref_squeeze %dma_wait3A_179 : memref<1x128xi32, #tpu.memory_space<vmem>> -> memref<128xi32, #tpu.memory_space<vmem>>
      %dma_wait3A_181 = arith.constant 0 : i32
      %dma_wait3A_182 = arith.constant 0 : i32
      %dma_wait3A_183 = tpu.memref_slice %arg2[%dma_wait3A_181, %dma_wait3A_182] : memref<2048x64xf32, #tpu.memory_space<hbm>> -> memref<2048x64xf32, #tpu.memory_space<hbm>>
      tpu.wait_indirect_dma semaphore(%arg15 : memref<!tpu.dma_semaphore, #tpu.memory_space<semaphore_mem>>) src(%dma_wait3A_183 : memref<2048x64xf32, #tpu.memory_space<hbm>>) dst(%arg9 : memref<128x64xf32, #tpu.memory_space<vmem>>)
      %ge3A_184 = arith.constant 2 : i32
      %ge3A_185 = arith.cmpi sge, %add3A_170, %ge3A_184 : i32
      %convert_element_type3A_186 = arith.extui %ge3A_185 : i1 to i32
      %cond3A_187 = arith.constant 0 : i32
      %cond3A_188 = arith.cmpi ne, %convert_element_type3A_186, %cond3A_187 : i32
      scf.if %cond3A_188 {
        %sub3A = arith.constant 2 : i32
        %sub3A_202 = arith.subi %add3A_170, %sub3A : i32
        %dma_wait3A_203 = arith.constant 0 : i32
        %dma_wait3A_204 = arith.constant 0 : i32
        %dma_wait3A_205 = arith.constant 0 : i32
        %dma_wait3A_206 = tpu.memref_slice %arg4[%sub3A_202, %dma_wait3A_203, %add3A, %dma_wait3A_204, %dma_wait3A_205] : memref<200x8x32x8x128xf32, #tpu.memory_space<hbm>> -> memref<1x8x1x8x128xf32, #tpu.memory_space<hbm>>
        %dma_wait3A_207 = tpu.memref_squeeze %dma_wait3A_206 : memref<1x8x1x8x128xf32, #tpu.memory_space<hbm>> -> memref<8x8x128xf32, #tpu.memory_space<hbm>>
        %dma_wait3A_208 = arith.constant 0 : i32
        %dma_wait3A_209 = arith.constant 0 : i32
        %dma_wait3A_210 = arith.constant 0 : i32
        %dma_wait3A_211 = tpu.memref_slice %arg4[%sub3A_202, %dma_wait3A_208, %add3A, %dma_wait3A_209, %dma_wait3A_210] : memref<200x8x32x8x128xf32, #tpu.memory_space<hbm>> -> memref<1x8x1x8x128xf32, #tpu.memory_space<hbm>>
        %dma_wait3A_212 = tpu.memref_squeeze %dma_wait3A_211 : memref<1x8x1x8x128xf32, #tpu.memory_space<hbm>> -> memref<8x8x128xf32, #tpu.memory_space<hbm>>
        tpu.wait_dma2 semaphore(%arg17 : memref<!tpu.dma_semaphore, #tpu.memory_space<semaphore_mem>>) src(%arg11 : memref<8x8x128xf32, #tpu.memory_space<vmem>>) dst(%dma_wait3A_212 : memref<8x8x128xf32, #tpu.memory_space<hbm>>)
      } else {
      }
      %parallel_loop3A_189 = arith.constant 0 : i32
      %parallel_loop3A_190 = arith.constant 16 : i32
      %parallel_loop3A_191 = arith.constant 1 : i32
      scf.for %parallel_loop3A_202 = %parallel_loop3A_189 to %parallel_loop3A_190 step %parallel_loop3A_191  : i32 {
        %parallel_loop3A_203 = vector.broadcast %parallel_loop3A_202 : i32 to vector<16xi32>
        %parallel_loop3A_204 = arith.addi %iota3A, %parallel_loop3A_203 : vector<16xi32>
        %parallel_loop3A_205 = arith.constant 15 : i32
        %parallel_loop3A_206 = vector.broadcast %parallel_loop3A_205 : i32 to vector<16xi32>
        %parallel_loop3A_207 = arith.andi %parallel_loop3A_204, %parallel_loop3A_206 : vector<16xi32>
        %parallel_loop3A_208 = arith.constant 0 : i32
        %parallel_loop3A_209 = vector.broadcast %parallel_loop3A_208 : i32 to vector<16xi32>
        %parallel_loop3A_210 = arith.addi %parallel_loop3A_207, %parallel_loop3A_209 : vector<16xi32>
        %parallel_loop3A_211 = arith.constant 3 : i32
        %parallel_loop3A_212 = vector.broadcast %parallel_loop3A_211 : i32 to vector<16xi32>
        %parallel_loop3A_213 = arith.shrsi %parallel_loop3A_210, %parallel_loop3A_212 : vector<16xi32>
        %parallel_loop3A_214 = arith.constant 7 : i32
        %parallel_loop3A_215 = vector.broadcast %parallel_loop3A_214 : i32 to vector<16xi32>
        %parallel_loop3A_216 = arith.andi %parallel_loop3A_210, %parallel_loop3A_215 : vector<16xi32>
        %parallel_loop3A_217 = tpu.vector_load_idx %arg9[%add3A_5, %parallel_loop3A_210] : memref<128x64xf32, #tpu.memory_space<vmem>>[vector<16xi32>, vector<16xi32>], vector<16xf32>,
        tpu.vector_store_idx %arg11[%parallel_loop3A_213, %parallel_loop3A_216, %add3A_5], %parallel_loop3A_217 : memref<8x8x128xf32, #tpu.memory_space<vmem>>[vector<16xi32>, vector<16xi32>, vector<16xi32>], vector<16xf32>,
        %parallel_loop3A_218 = tpu.vector_load_idx %arg9[%add3A_8, %parallel_loop3A_210] : memref<128x64xf32, #tpu.memory_space<vmem>>[vector<16xi32>, vector<16xi32>], vector<16xf32>,
        tpu.vector_store_idx %arg11[%parallel_loop3A_213, %parallel_loop3A_216, %add3A_8], %parallel_loop3A_218 : memref<8x8x128xf32, #tpu.memory_space<vmem>>[vector<16xi32>, vector<16xi32>, vector<16xi32>], vector<16xf32>,
        %parallel_loop3A_219 = tpu.vector_load_idx %arg9[%add3A_11, %parallel_loop3A_210] : memref<128x64xf32, #tpu.memory_space<vmem>>[vector<16xi32>, vector<16xi32>], vector<16xf32>,
        tpu.vector_store_idx %arg11[%parallel_loop3A_213, %parallel_loop3A_216, %add3A_11], %parallel_loop3A_219 : memref<8x8x128xf32, #tpu.memory_space<vmem>>[vector<16xi32>, vector<16xi32>, vector<16xi32>], vector<16xf32>,
        %parallel_loop3A_220 = tpu.vector_load_idx %arg9[%add3A_14, %parallel_loop3A_210] : memref<128x64xf32, #tpu.memory_space<vmem>>[vector<16xi32>, vector<16xi32>], vector<16xf32>,
        tpu.vector_store_idx %arg11[%parallel_loop3A_213, %parallel_loop3A_216, %add3A_14], %parallel_loop3A_220 : memref<8x8x128xf32, #tpu.memory_space<vmem>>[vector<16xi32>, vector<16xi32>, vector<16xi32>], vector<16xf32>,
        %parallel_loop3A_221 = tpu.vector_load_idx %arg9[%add3A_17, %parallel_loop3A_210] : memref<128x64xf32, #tpu.memory_space<vmem>>[vector<16xi32>, vector<16xi32>], vector<16xf32>,
        tpu.vector_store_idx %arg11[%parallel_loop3A_213, %parallel_loop3A_216, %add3A_17], %parallel_loop3A_221 : memref<8x8x128xf32, #tpu.memory_space<vmem>>[vector<16xi32>, vector<16xi32>, vector<16xi32>], vector<16xf32>,
        %parallel_loop3A_222 = tpu.vector_load_idx %arg9[%add3A_20, %parallel_loop3A_210] : memref<128x64xf32, #tpu.memory_space<vmem>>[vector<16xi32>, vector<16xi32>], vector<16xf32>,
        tpu.vector_store_idx %arg11[%parallel_loop3A_213, %parallel_loop3A_216, %add3A_20], %parallel_loop3A_222 : memref<8x8x128xf32, #tpu.memory_space<vmem>>[vector<16xi32>, vector<16xi32>, vector<16xi32>], vector<16xf32>,
        %parallel_loop3A_223 = tpu.vector_load_idx %arg9[%add3A_23, %parallel_loop3A_210] : memref<128x64xf32, #tpu.memory_space<vmem>>[vector<16xi32>, vector<16xi32>], vector<16xf32>,
        tpu.vector_store_idx %arg11[%parallel_loop3A_213, %parallel_loop3A_216, %add3A_23], %parallel_loop3A_223 : memref<8x8x128xf32, #tpu.memory_space<vmem>>[vector<16xi32>, vector<16xi32>, vector<16xi32>], vector<16xf32>,
        %parallel_loop3A_224 = tpu.vector_load_idx %arg9[%add3A_26, %parallel_loop3A_210] : memref<128x64xf32, #tpu.memory_space<vmem>>[vector<16xi32>, vector<16xi32>], vector<16xf32>,
        tpu.vector_store_idx %arg11[%parallel_loop3A_213, %parallel_loop3A_216, %add3A_26], %parallel_loop3A_224 : memref<8x8x128xf32, #tpu.memory_space<vmem>>[vector<16xi32>, vector<16xi32>, vector<16xi32>], vector<16xf32>,
        %parallel_loop3A_225 = arith.constant 16 : i32
        %parallel_loop3A_226 = vector.broadcast %parallel_loop3A_225 : i32 to vector<16xi32>
        %parallel_loop3A_227 = arith.addi %parallel_loop3A_207, %parallel_loop3A_226 : vector<16xi32>
        %parallel_loop3A_228 = arith.constant 3 : i32
        %parallel_loop3A_229 = vector.broadcast %parallel_loop3A_228 : i32 to vector<16xi32>
        %parallel_loop3A_230 = arith.shrsi %parallel_loop3A_227, %parallel_loop3A_229 : vector<16xi32>
        %parallel_loop3A_231 = arith.constant 7 : i32
        %parallel_loop3A_232 = vector.broadcast %parallel_loop3A_231 : i32 to vector<16xi32>
        %parallel_loop3A_233 = arith.andi %parallel_loop3A_227, %parallel_loop3A_232 : vector<16xi32>
        %parallel_loop3A_234 = tpu.vector_load_idx %arg9[%add3A_5, %parallel_loop3A_227] : memref<128x64xf32, #tpu.memory_space<vmem>>[vector<16xi32>, vector<16xi32>], vector<16xf32>,
        tpu.vector_store_idx %arg11[%parallel_loop3A_230, %parallel_loop3A_233, %add3A_5], %parallel_loop3A_234 : memref<8x8x128xf32, #tpu.memory_space<vmem>>[vector<16xi32>, vector<16xi32>, vector<16xi32>], vector<16xf32>,
        %parallel_loop3A_235 = tpu.vector_load_idx %arg9[%add3A_8, %parallel_loop3A_227] : memref<128x64xf32, #tpu.memory_space<vmem>>[vector<16xi32>, vector<16xi32>], vector<16xf32>,
        tpu.vector_store_idx %arg11[%parallel_loop3A_230, %parallel_loop3A_233, %add3A_8], %parallel_loop3A_235 : memref<8x8x128xf32, #tpu.memory_space<vmem>>[vector<16xi32>, vector<16xi32>, vector<16xi32>], vector<16xf32>,
        %parallel_loop3A_236 = tpu.vector_load_idx %arg9[%add3A_11, %parallel_loop3A_227] : memref<128x64xf32, #tpu.memory_space<vmem>>[vector<16xi32>, vector<16xi32>], vector<16xf32>,
        tpu.vector_store_idx %arg11[%parallel_loop3A_230, %parallel_loop3A_233, %add3A_11], %parallel_loop3A_236 : memref<8x8x128xf32, #tpu.memory_space<vmem>>[vector<16xi32>, vector<16xi32>, vector<16xi32>], vector<16xf32>,
        %parallel_loop3A_237 = tpu.vector_load_idx %arg9[%add3A_14, %parallel_loop3A_227] : memref<128x64xf32, #tpu.memory_space<vmem>>[vector<16xi32>, vector<16xi32>], vector<16xf32>,
        tpu.vector_store_idx %arg11[%parallel_loop3A_230, %parallel_loop3A_233, %add3A_14], %parallel_loop3A_237 : memref<8x8x128xf32, #tpu.memory_space<vmem>>[vector<16xi32>, vector<16xi32>, vector<16xi32>], vector<16xf32>,
        %parallel_loop3A_238 = tpu.vector_load_idx %arg9[%add3A_17, %parallel_loop3A_227] : memref<128x64xf32, #tpu.memory_space<vmem>>[vector<16xi32>, vector<16xi32>], vector<16xf32>,
        tpu.vector_store_idx %arg11[%parallel_loop3A_230, %parallel_loop3A_233, %add3A_17], %parallel_loop3A_238 : memref<8x8x128xf32, #tpu.memory_space<vmem>>[vector<16xi32>, vector<16xi32>, vector<16xi32>], vector<16xf32>,
        %parallel_loop3A_239 = tpu.vector_load_idx %arg9[%add3A_20, %parallel_loop3A_227] : memref<128x64xf32, #tpu.memory_space<vmem>>[vector<16xi32>, vector<16xi32>], vector<16xf32>,
        tpu.vector_store_idx %arg11[%parallel_loop3A_230, %parallel_loop3A_233, %add3A_20], %parallel_loop3A_239 : memref<8x8x128xf32, #tpu.memory_space<vmem>>[vector<16xi32>, vector<16xi32>, vector<16xi32>], vector<16xf32>,
        %parallel_loop3A_240 = tpu.vector_load_idx %arg9[%add3A_23, %parallel_loop3A_227] : memref<128x64xf32, #tpu.memory_space<vmem>>[vector<16xi32>, vector<16xi32>], vector<16xf32>,
        tpu.vector_store_idx %arg11[%parallel_loop3A_230, %parallel_loop3A_233, %add3A_23], %parallel_loop3A_240 : memref<8x8x128xf32, #tpu.memory_space<vmem>>[vector<16xi32>, vector<16xi32>, vector<16xi32>], vector<16xf32>,
        %parallel_loop3A_241 = tpu.vector_load_idx %arg9[%add3A_26, %parallel_loop3A_227] : memref<128x64xf32, #tpu.memory_space<vmem>>[vector<16xi32>, vector<16xi32>], vector<16xf32>,
        tpu.vector_store_idx %arg11[%parallel_loop3A_230, %parallel_loop3A_233, %add3A_26], %parallel_loop3A_241 : memref<8x8x128xf32, #tpu.memory_space<vmem>>[vector<16xi32>, vector<16xi32>, vector<16xi32>], vector<16xf32>,
        %parallel_loop3A_242 = arith.constant 32 : i32
        %parallel_loop3A_243 = vector.broadcast %parallel_loop3A_242 : i32 to vector<16xi32>
        %parallel_loop3A_244 = arith.addi %parallel_loop3A_207, %parallel_loop3A_243 : vector<16xi32>
        %parallel_loop3A_245 = arith.constant 3 : i32
        %parallel_loop3A_246 = vector.broadcast %parallel_loop3A_245 : i32 to vector<16xi32>
        %parallel_loop3A_247 = arith.shrsi %parallel_loop3A_244, %parallel_loop3A_246 : vector<16xi32>
        %parallel_loop3A_248 = arith.constant 7 : i32
        %parallel_loop3A_249 = vector.broadcast %parallel_loop3A_248 : i32 to vector<16xi32>
        %parallel_loop3A_250 = arith.andi %parallel_loop3A_244, %parallel_loop3A_249 : vector<16xi32>
        %parallel_loop3A_251 = tpu.vector_load_idx %arg9[%add3A_5, %parallel_loop3A_244] : memref<128x64xf32, #tpu.memory_space<vmem>>[vector<16xi32>, vector<16xi32>], vector<16xf32>,
        tpu.vector_store_idx %arg11[%parallel_loop3A_247, %parallel_loop3A_250, %add3A_5], %parallel_loop3A_251 : memref<8x8x128xf32, #tpu.memory_space<vmem>>[vector<16xi32>, vector<16xi32>, vector<16xi32>], vector<16xf32>,
        %parallel_loop3A_252 = tpu.vector_load_idx %arg9[%add3A_8, %parallel_loop3A_244] : memref<128x64xf32, #tpu.memory_space<vmem>>[vector<16xi32>, vector<16xi32>], vector<16xf32>,
        tpu.vector_store_idx %arg11[%parallel_loop3A_247, %parallel_loop3A_250, %add3A_8], %parallel_loop3A_252 : memref<8x8x128xf32, #tpu.memory_space<vmem>>[vector<16xi32>, vector<16xi32>, vector<16xi32>], vector<16xf32>,
        %parallel_loop3A_253 = tpu.vector_load_idx %arg9[%add3A_11, %parallel_loop3A_244] : memref<128x64xf32, #tpu.memory_space<vmem>>[vector<16xi32>, vector<16xi32>], vector<16xf32>,
        tpu.vector_store_idx %arg11[%parallel_loop3A_247, %parallel_loop3A_250, %add3A_11], %parallel_loop3A_253 : memref<8x8x128xf32, #tpu.memory_space<vmem>>[vector<16xi32>, vector<16xi32>, vector<16xi32>], vector<16xf32>,
        %parallel_loop3A_254 = tpu.vector_load_idx %arg9[%add3A_14, %parallel_loop3A_244] : memref<128x64xf32, #tpu.memory_space<vmem>>[vector<16xi32>, vector<16xi32>], vector<16xf32>,
        tpu.vector_store_idx %arg11[%parallel_loop3A_247, %parallel_loop3A_250, %add3A_14], %parallel_loop3A_254 : memref<8x8x128xf32, #tpu.memory_space<vmem>>[vector<16xi32>, vector<16xi32>, vector<16xi32>], vector<16xf32>,
        %parallel_loop3A_255 = tpu.vector_load_idx %arg9[%add3A_17, %parallel_loop3A_244] : memref<128x64xf32, #tpu.memory_space<vmem>>[vector<16xi32>, vector<16xi32>], vector<16xf32>,
        tpu.vector_store_idx %arg11[%parallel_loop3A_247, %parallel_loop3A_250, %add3A_17], %parallel_loop3A_255 : memref<8x8x128xf32, #tpu.memory_space<vmem>>[vector<16xi32>, vector<16xi32>, vector<16xi32>], vector<16xf32>,
        %parallel_loop3A_256 = tpu.vector_load_idx %arg9[%add3A_20, %parallel_loop3A_244] : memref<128x64xf32, #tpu.memory_space<vmem>>[vector<16xi32>, vector<16xi32>], vector<16xf32>,
        tpu.vector_store_idx %arg11[%parallel_loop3A_247, %parallel_loop3A_250, %add3A_20], %parallel_loop3A_256 : memref<8x8x128xf32, #tpu.memory_space<vmem>>[vector<16xi32>, vector<16xi32>, vector<16xi32>], vector<16xf32>,
        %parallel_loop3A_257 = tpu.vector_load_idx %arg9[%add3A_23, %parallel_loop3A_244] : memref<128x64xf32, #tpu.memory_space<vmem>>[vector<16xi32>, vector<16xi32>], vector<16xf32>,
        tpu.vector_store_idx %arg11[%parallel_loop3A_247, %parallel_loop3A_250, %add3A_23], %parallel_loop3A_257 : memref<8x8x128xf32, #tpu.memory_space<vmem>>[vector<16xi32>, vector<16xi32>, vector<16xi32>], vector<16xf32>,
        %parallel_loop3A_258 = tpu.vector_load_idx %arg9[%add3A_26, %parallel_loop3A_244] : memref<128x64xf32, #tpu.memory_space<vmem>>[vector<16xi32>, vector<16xi32>], vector<16xf32>,
        tpu.vector_store_idx %arg11[%parallel_loop3A_247, %parallel_loop3A_250, %add3A_26], %parallel_loop3A_258 : memref<8x8x128xf32, #tpu.memory_space<vmem>>[vector<16xi32>, vector<16xi32>, vector<16xi32>], vector<16xf32>,
        %parallel_loop3A_259 = arith.constant 48 : i32
        %parallel_loop3A_260 = vector.broadcast %parallel_loop3A_259 : i32 to vector<16xi32>
        %parallel_loop3A_261 = arith.addi %parallel_loop3A_207, %parallel_loop3A_260 : vector<16xi32>
        %parallel_loop3A_262 = arith.constant 3 : i32
        %parallel_loop3A_263 = vector.broadcast %parallel_loop3A_262 : i32 to vector<16xi32>
        %parallel_loop3A_264 = arith.shrsi %parallel_loop3A_261, %parallel_loop3A_263 : vector<16xi32>
        %parallel_loop3A_265 = arith.constant 7 : i32
        %parallel_loop3A_266 = vector.broadcast %parallel_loop3A_265 : i32 to vector<16xi32>
        %parallel_loop3A_267 = arith.andi %parallel_loop3A_261, %parallel_loop3A_266 : vector<16xi32>
        %parallel_loop3A_268 = tpu.vector_load_idx %arg9[%add3A_5, %parallel_loop3A_261] : memref<128x64xf32, #tpu.memory_space<vmem>>[vector<16xi32>, vector<16xi32>], vector<16xf32>,
        tpu.vector_store_idx %arg11[%parallel_loop3A_264, %parallel_loop3A_267, %add3A_5], %parallel_loop3A_268 : memref<8x8x128xf32, #tpu.memory_space<vmem>>[vector<16xi32>, vector<16xi32>, vector<16xi32>], vector<16xf32>,
        %parallel_loop3A_269 = tpu.vector_load_idx %arg9[%add3A_8, %parallel_loop3A_261] : memref<128x64xf32, #tpu.memory_space<vmem>>[vector<16xi32>, vector<16xi32>], vector<16xf32>,
        tpu.vector_store_idx %arg11[%parallel_loop3A_264, %parallel_loop3A_267, %add3A_8], %parallel_loop3A_269 : memref<8x8x128xf32, #tpu.memory_space<vmem>>[vector<16xi32>, vector<16xi32>, vector<16xi32>], vector<16xf32>,
        %parallel_loop3A_270 = tpu.vector_load_idx %arg9[%add3A_11, %parallel_loop3A_261] : memref<128x64xf32, #tpu.memory_space<vmem>>[vector<16xi32>, vector<16xi32>], vector<16xf32>,
        tpu.vector_store_idx %arg11[%parallel_loop3A_264, %parallel_loop3A_267, %add3A_11], %parallel_loop3A_270 : memref<8x8x128xf32, #tpu.memory_space<vmem>>[vector<16xi32>, vector<16xi32>, vector<16xi32>], vector<16xf32>,
        %parallel_loop3A_271 = tpu.vector_load_idx %arg9[%add3A_14, %parallel_loop3A_261] : memref<128x64xf32, #tpu.memory_space<vmem>>[vector<16xi32>, vector<16xi32>], vector<16xf32>,
        tpu.vector_store_idx %arg11[%parallel_loop3A_264, %parallel_loop3A_267, %add3A_14], %parallel_loop3A_271 : memref<8x8x128xf32, #tpu.memory_space<vmem>>[vector<16xi32>, vector<16xi32>, vector<16xi32>], vector<16xf32>,
        %parallel_loop3A_272 = tpu.vector_load_idx %arg9[%add3A_17, %parallel_loop3A_261] : memref<128x64xf32, #tpu.memory_space<vmem>>[vector<16xi32>, vector<16xi32>], vector<16xf32>,
        tpu.vector_store_idx %arg11[%parallel_loop3A_264, %parallel_loop3A_267, %add3A_17], %parallel_loop3A_272 : memref<8x8x128xf32, #tpu.memory_space<vmem>>[vector<16xi32>, vector<16xi32>, vector<16xi32>], vector<16xf32>,
        %parallel_loop3A_273 = tpu.vector_load_idx %arg9[%add3A_20, %parallel_loop3A_261] : memref<128x64xf32, #tpu.memory_space<vmem>>[vector<16xi32>, vector<16xi32>], vector<16xf32>,
        tpu.vector_store_idx %arg11[%parallel_loop3A_264, %parallel_loop3A_267, %add3A_20], %parallel_loop3A_273 : memref<8x8x128xf32, #tpu.memory_space<vmem>>[vector<16xi32>, vector<16xi32>, vector<16xi32>], vector<16xf32>,
        %parallel_loop3A_274 = tpu.vector_load_idx %arg9[%add3A_23, %parallel_loop3A_261] : memref<128x64xf32, #tpu.memory_space<vmem>>[vector<16xi32>, vector<16xi32>], vector<16xf32>,
        tpu.vector_store_idx %arg11[%parallel_loop3A_264, %parallel_loop3A_267, %add3A_23], %parallel_loop3A_274 : memref<8x8x128xf32, #tpu.memory_space<vmem>>[vector<16xi32>, vector<16xi32>, vector<16xi32>], vector<16xf32>,
        %parallel_loop3A_275 = tpu.vector_load_idx %arg9[%add3A_26, %parallel_loop3A_261] : memref<128x64xf32, #tpu.memory_space<vmem>>[vector<16xi32>, vector<16xi32>], vector<16xf32>,
        tpu.vector_store_idx %arg11[%parallel_loop3A_264, %parallel_loop3A_267, %add3A_26], %parallel_loop3A_275 : memref<8x8x128xf32, #tpu.memory_space<vmem>>[vector<16xi32>, vector<16xi32>, vector<16xi32>], vector<16xf32>,
      } {sc.loop_unroll_factor = 2 : i64, sc.parallel_access}
      %dma_start3A_192 = arith.constant 0 : i32
      %dma_start3A_193 = arith.constant 0 : i32
      %dma_start3A_194 = arith.constant 0 : i32
      %dma_start3A_195 = tpu.memref_slice %arg4[%add3A_170, %dma_start3A_192, %add3A, %dma_start3A_193, %dma_start3A_194] : memref<200x8x32x8x128xf32, #tpu.memory_space<hbm>> -> memref<1x8x1x8x128xf32, #tpu.memory_space<hbm>>
      %dma_start3A_196 = tpu.memref_squeeze %dma_start3A_195 : memref<1x8x1x8x128xf32, #tpu.memory_space<hbm>> -> memref<8x8x128xf32, #tpu.memory_space<hbm>>
      %dma_start3A_197 = arith.constant 0 : i32
      %dma_start3A_198 = arith.constant 0 : i32
      %dma_start3A_199 = arith.constant 0 : i32
      %dma_start3A_200 = tpu.memref_slice %arg4[%add3A_170, %dma_start3A_197, %add3A, %dma_start3A_198, %dma_start3A_199] : memref<200x8x32x8x128xf32, #tpu.memory_space<hbm>> -> memref<1x8x1x8x128xf32, #tpu.memory_space<hbm>>
      %dma_start3A_201 = tpu.memref_squeeze %dma_start3A_200 : memref<1x8x1x8x128xf32, #tpu.memory_space<hbm>> -> memref<8x8x128xf32, #tpu.memory_space<hbm>>
      tpu.enqueue_dma source(%arg11 : memref<8x8x128xf32, #tpu.memory_space<vmem>>) target(%dma_start3A_201 : memref<8x8x128xf32, #tpu.memory_space<hbm>>) target_semaphore(%arg17 : memref<!tpu.dma_semaphore, #tpu.memory_space<semaphore_mem>>)
    }
    %scan3A_44 = arith.constant 50 : i32
    %dma_wait3A = arith.constant 198 : i32
    %dma_wait3A_45 = arith.constant 0 : i32
    %dma_wait3A_46 = arith.constant 0 : i32
    %dma_wait3A_47 = arith.constant 0 : i32
    %dma_wait3A_48 = tpu.memref_slice %arg4[%dma_wait3A, %dma_wait3A_45, %add3A, %dma_wait3A_46, %dma_wait3A_47] : memref<200x8x32x8x128xf32, #tpu.memory_space<hbm>> -> memref<1x8x1x8x128xf32, #tpu.memory_space<hbm>>
    %dma_wait3A_49 = tpu.memref_squeeze %dma_wait3A_48 : memref<1x8x1x8x128xf32, #tpu.memory_space<hbm>> -> memref<8x8x128xf32, #tpu.memory_space<hbm>>
    %dma_wait3A_50 = arith.constant 0 : i32
    %dma_wait3A_51 = arith.constant 0 : i32
    %dma_wait3A_52 = arith.constant 0 : i32
    %dma_wait3A_53 = tpu.memref_slice %arg4[%dma_wait3A, %dma_wait3A_50, %add3A, %dma_wait3A_51, %dma_wait3A_52] : memref<200x8x32x8x128xf32, #tpu.memory_space<hbm>> -> memref<1x8x1x8x128xf32, #tpu.memory_space<hbm>>
    %dma_wait3A_54 = tpu.memref_squeeze %dma_wait3A_53 : memref<1x8x1x8x128xf32, #tpu.memory_space<hbm>> -> memref<8x8x128xf32, #tpu.memory_space<hbm>>
    tpu.wait_dma2 semaphore(%arg16 : memref<!tpu.dma_semaphore, #tpu.memory_space<semaphore_mem>>) src(%arg10 : memref<8x8x128xf32, #tpu.memory_space<vmem>>) dst(%dma_wait3A_54 : memref<8x8x128xf32, #tpu.memory_space<hbm>>)
    %dma_wait3A_55 = arith.constant 199 : i32
    %dma_wait3A_56 = arith.constant 0 : i32
    %dma_wait3A_57 = arith.constant 0 : i32
    %dma_wait3A_58 = arith.constant 0 : i32
    %dma_wait3A_59 = tpu.memref_slice %arg4[%dma_wait3A_55, %dma_wait3A_56, %add3A, %dma_wait3A_57, %dma_wait3A_58] : memref<200x8x32x8x128xf32, #tpu.memory_space<hbm>> -> memref<1x8x1x8x128xf32, #tpu.memory_space<hbm>>
    %dma_wait3A_60 = tpu.memref_squeeze %dma_wait3A_59 : memref<1x8x1x8x128xf32, #tpu.memory_space<hbm>> -> memref<8x8x128xf32, #tpu.memory_space<hbm>>
    %dma_wait3A_61 = arith.constant 0 : i32
    %dma_wait3A_62 = arith.constant 0 : i32
    %dma_wait3A_63 = arith.constant 0 : i32
    %dma_wait3A_64 = tpu.memref_slice %arg4[%dma_wait3A_55, %dma_wait3A_61, %add3A, %dma_wait3A_62, %dma_wait3A_63] : memref<200x8x32x8x128xf32, #tpu.memory_space<hbm>> -> memref<1x8x1x8x128xf32, #tpu.memory_space<hbm>>
    %dma_wait3A_65 = tpu.memref_squeeze %dma_wait3A_64 : memref<1x8x1x8x128xf32, #tpu.memory_space<hbm>> -> memref<8x8x128xf32, #tpu.memory_space<hbm>>
    tpu.wait_dma2 semaphore(%arg17 : memref<!tpu.dma_semaphore, #tpu.memory_space<semaphore_mem>>) src(%arg11 : memref<8x8x128xf32, #tpu.memory_space<vmem>>) dst(%dma_wait3A_65 : memref<8x8x128xf32, #tpu.memory_space<hbm>>)
    return
  }
}

</mosaic_0001>

<sc_bundles>
// kernel: kernel.3.cloned.1.call-start
scs
__scs_entry_jumppad:
0x0: {  	(pc) =	sbr.rel $0x88, $3  }
0x1: {  	(tag) =	ssettag $0x0;
	lr =	simm.s32 $0x1  }
0x2: {  	[smem:$0x3F9F] =	sst lr;
	_ =	strace $0xD0000000  }
0x3: {  	_ = 	snop  }
0x4: {  	_ = 	snop  }
0x5: {  	_ = 	snop  }
0x6: {  	_ = 	snop  }
0x7: {  	_ = 	snop  }
__scs_overlays_trampoline_lowered:
0x8: {  	[smem:$0x3FAE] =	sst s0  }
0x9: {  	[smem:$0x3FAF] =	sst s1  }
0xa: {  	[smem:$0x3FB0] =	sst s2  }
0xb: {  	[smem:$0x3FB1] =	sst s3  }
0xc: {  	[smem:$0x3FB2] =	sst s4  }
0xd: {  	[smem:$0x3FB3] =	sst s5  }
0xe: {  	[smem:$0x3FB4] =	sst s6  }
0xf: {  	[smem:$0x3FB5] =	sst s7  }
0x10: {  	[smem:$0x3FB6] =	sst s8  }
0x11: {  	[smem:$0x3FB7] =	sst s9;
	s0 =	simm.s32 @!p0 $0x0  }
0x12: {  	s1 =	sld [smem:$0x3F9D];
	s0 =	simm.s32 @p0 $0x1  }
0x13: {  	[smem:$0x3FB8] =	sst s0;
	s0 =	simm.s32 @!p1 $0x0  }
0x14: {  	s2 =	sld [smem:$0x3F9C];
	s0 =	simm.s32 @p1 $0x1  }
0x15: {  	[smem:$0x3FB9] =	sst s0;
	s0 =	simm.s32 @!p2 $0x0  }
0x16: {  	s3 =	sld [smem:$0x3FDB];
	s0 =	simm.s32 @p2 $0x1  }
0x17: {  	s4 =	simm.s32 $0x1BF5;
	[smem:$0x3FBB] =	sst s0  }
0x18: {  	s0 =	sld [smem:$0x3F9E];
	_ =	swait.ge [sflag:s4], $0x0  }
0x19: {  	s7 =	sld [smem:$0x3F9F]  }
0x1a: {  	s8 =	sadd.s32 $0xFFFFE003, lr  }
0x1b: {  	s9 =	sadd.s32 $0xFFFFFEF7, lr;
	s5 =	simm.s32 $0xFFFFFFFF;
	p2 =	slt.u32 s8, $0xFFFFF086  }
0x1c: {  	p1 =	slt.u32 s9, $0xF7A;
	s5 =	simm.s32 @!p2 $0x0  }
0x1d: {  	s5 =	simm.s32 @p1 $0x1;
	p0 =	seq.s32 s7, s2  }
0x1e: {  	s7 =	smul.u32 @!p0 $0xF7A, s2;
	p2 =	seq.s32 @!p0 s5, $0x0  }
0x1f: {  	s9 =	smul.u32 $0xF7A, s1;
	s8 =	simm.s32 @!p0 $0x1BF5;
	p2 =	por !p2, p0  }
0x20: {  	[sflag:s8] =	ssyncset.s32 @!p0 $0xFFFFF086;
	s6 =	sadd.s32 @!p0 s3, s7;
	s7 =	simm.s32 @!p0 $0x108  }
0x21: {  	s3 =	sadd.s32 s3, s9;
	s6 =	sadd.s32 @!p0 $0x88, s6;
	s7 =	simm.s32 @p2 $0x1082  }
0x22: {  	[simem:s7], [sflag:s8] =	dma.local @!p0 [hbm:s6], $0xF7A  }
0x23: {  	s9 =	sor.u32 $0xD0000000, s2;
	s6 =	simm.s32 $0x108;
	_ =	swait.ge @!p0 [sflag:s8], $0x0  }
0x24: {  	s3 =	sadd.s32 $0x88, s3;
	s6 =	simm.s32 @!p1 $0x1082;
	[sflag:s4] =	ssyncset.s32 $0xFFFFF086  }
0x25: {  	[simem:s6], [sflag:s4] =	dma.local [hbm:s3], $0xF7A  }
0x26: {  	[smem:$0x3F9F] =	sst s1;
	(tag) =	ssettag s2;
	_ =	strace s9  }
0x27: {  	s1 =	sld [smem:$0x3FAF]  }
0x28: {  	s2 =	sld [smem:$0x3FB0]  }
0x29: {  	s4 =	sld [smem:$0x3FB2]  }
0x2a: {  	p0 =	seq.s32 s5, $0x0;
	s5 =	sld [smem:$0x3FB3]  }
0x2b: {  	s6 =	sld [smem:$0x3FB4]  }
0x2c: {  	s7 =	sld [smem:$0x3FB5]  }
0x2d: {  	s3 =	simm.s32 $0x108;
	s8 =	sld [smem:$0x3FB6]  }
0x2e: {  	s3 =	simm.s32 @!p0 $0x1082;
	s9 =	sld [smem:$0x3FB7]  }
0x2f: {  	lr =	sadd.s32 s0, s3;
	s0 =	sld [smem:$0x3FAE]  }
0x30: {  	s3 =	sld [smem:$0x3FB1]  }
0x31: {  	[smem:$0x3FBA] =	sst s10  }
0x32: {  	s10 =	sld [smem:$0x3FB8];
	_ =	sdelay $0x3  }
0x33: {  	p0 =	seq.s32 s10, $0x1;
	s10 =	sld [smem:$0x3FBA];
	_ =	sdelay $0x3  }
0x34: {  	[smem:$0x3FBA] =	sst s10  }
0x35: {  	s10 =	sld [smem:$0x3FB9];
	_ =	sdelay $0x3  }
0x36: {  	p1 =	seq.s32 s10, $0x1;
	s10 =	sld [smem:$0x3FBA];
	_ =	sdelay $0x3  }
0x37: {  	[smem:$0x3FBA] =	sst s10  }
0x38: {  	s10 =	sld [smem:$0x3FBB]  }
0x39: {  	_ = 	snop;
	(pc) =	sbr.ind lr, $3  }
0x3a: {  	_ = 	snop  }
0x3b: {  	_ = 	snop  }
0x3c: {  	p2 =	seq.s32 s10, $0x1;
	s10 =	sld [smem:$0x3FBA]  }
0x3d: {  	_ =	shalt  }
0x3e: {  	_ =	shalt  }
0x3f: {  	_ =	shalt  }
0x40: {  	_ =	shalt  }
0x41: {  	_ =	shalt  }
0x42: {  	_ =	shalt  }
0x43: {  	_ =	shalt  }
0x44: {  	_ =	shalt  }
0x45: {  	_ =	shalt  }
0x46: {  	_ =	shalt  }
0x47: {  	_ =	shalt  }
0x48: {  	_ =	shalt  }
0x49: {  	_ =	shalt  }
0x4a: {  	_ =	shalt  }
0x4b: {  	_ =	shalt  }
0x4c: {  	_ =	shalt  }
0x4d: {  	_ =	shalt  }
0x4e: {  	_ =	shalt  }
0x4f: {  	_ =	shalt  }
0x50: {  	_ =	shalt  }
0x51: {  	_ =	shalt  }
0x52: {  	_ =	shalt  }
0x53: {  	_ =	shalt  }
0x54: {  	_ =	shalt  }
0x55: {  	_ =	shalt  }
0x56: {  	_ =	shalt  }
0x57: {  	_ =	shalt  }
0x58: {  	_ =	shalt  }
0x59: {  	_ =	shalt  }
0x5a: {  	_ =	shalt  }
0x5b: {  	_ =	shalt  }
0x5c: {  	_ =	shalt  }
0x5d: {  	_ =	shalt  }
0x5e: {  	_ =	shalt  }
0x5f: {  	_ =	shalt  }
0x60: {  	_ =	shalt  }
0x61: {  	_ =	shalt  }
0x62: {  	_ =	shalt  }
0x63: {  	_ =	shalt  }
0x64: {  	_ =	shalt  }
0x65: {  	_ =	shalt  }
0x66: {  	_ =	shalt  }
0x67: {  	_ =	shalt  }
0x68: {  	_ =	shalt  }
0x69: {  	_ =	shalt  }
0x6a: {  	_ =	shalt  }
0x6b: {  	_ =	shalt  }
0x6c: {  	_ =	shalt  }
0x6d: {  	_ =	shalt  }
0x6e: {  	_ =	shalt  }
0x6f: {  	_ =	shalt  }
0x70: {  	_ =	shalt  }
0x71: {  	_ =	shalt  }
0x72: {  	_ =	shalt  }
0x73: {  	_ =	shalt  }
0x74: {  	_ =	shalt  }
0x75: {  	_ =	shalt  }
0x76: {  	_ =	shalt  }
0x77: {  	_ =	shalt  }
0x78: {  	_ =	shalt  }
0x79: {  	_ =	shalt  }
0x7a: {  	_ =	shalt  }
0x7b: {  	_ =	shalt  }
0x7c: {  	_ =	shalt  }
0x7d: {  	_ =	shalt  }
0x7e: {  	_ =	shalt  }
0x7f: {  	_ =	shalt  }
0x80: {  	_ =	shalt  }
0x81: {  	_ =	shalt  }
0x82: {  	_ =	shalt  }
0x83: {  	_ =	shalt  }
0x84: {  	_ =	shalt  }
0x85: {  	_ =	shalt  }
0x86: {  	_ =	shalt  }
0x87: {  	_ =	shalt  }
.Lfunc_end0:
.L_simem_size_0:
called_computation_lowered:
.L_overlay_start_0:
0x88: {  	s2 =	sld [smem:$0x3FD9]  }
0x89: {  	s3 =	sld [smem:$0x3FFE];
	_ =	sdelay $0x1  }
0x8a: {  	s1 =	srdreg.scid  }
0x8b: {  	s0 =	sand.u32 $0x1, s1  }
0x8c: {  	s17 =	sshll.u32 s0, $0xA;
	s2 =	sadd.s32 s3, s2  }
0x8d: {  	s2 =	sadd.s32 s2, s17  }
0x8e: {  	[smem:$0x3FC6] =	sst s2  }
0x8f: {  	_ = 	snop  }
0x90: {  	s2 =	sld [smem:$0x3FD0];
	(tm) =	ssettm $0x1  }
0x91: {  	s18 =	sld [smem:$0x3FFB];
	_ =	sdelay $0x3  }
0x92: {  	_ =	strace s18  }
0x93: {  	s3 =	sld [smem:$0x3FFC];
	_ =	sdelay $0x3  }
0x94: {  	_ =	strace s3  }
0x95: {  	s3 =	sld [smem:$0x3FFD];
	_ =	sdelay $0x3  }
0x96: {  	_ =	strace s3  }
0x97: {  	_ =	strace $0x8FFFFFFF  }
0x98: {  	s19 =	sld [smem:$0x3FDB];
	_ =	sdelay $0x1  }
0x99: {  	s4 =	simm.s32 $_scs_section_size  }
0x9a: {  	s5 =	simm.s32 $_size__tile_overlayer_lowered;
	s6 =	simm.s32 $_tile_overlayer_lowered  }
0x9b: {  	s22 =	simm.s32 $0x1BFF;
	s21 =	sshll.u32 s6, $0x1;
	s3 =	sadd.s32 s4, s19  }
0x9c: {  	s7 =	simm.s32 $0x0;
	s20 =	sshll.u32 s5, $0x1;
	s5 =	sadd.s32 s21, s3  }
0x9d: {  	[timem:s7], [sflag:s22] =	dma.local [hbm:s5], s20  }
0x9e: {  	_ =	swait.ge [sflag:s22], s20  }
0x9f: {  	s4 =	ssub.s32 $0x0, s20;
	[sflag:s22] =	ssyncset.done $0x0  }
0xa0: {  	[sflag:s22] =	ssyncadd.s32 s4;
	_ =	sdelay $0x1  }
0xa1: {  	s23 =	simm.s32 $0x1B8B  }
0xa2: {  	_ =	swait.ge [sflag:s23], $0x1  }
0xa3: {  	[sflag:s23] =	ssyncset.done $0x0  }
0xa4: {  	s25 =	simm.s32 $0x1B8E;
	s24 =	sld [smem:$0x3FFE];
	[sflag:s23] =	ssyncadd.s32 $0xFFFFFFFF  }
0xa5: {  	s26 =	simm.s32 $execute0_lowered;
	[smem:$0x3FD2] =	sst s25  }
0xa6: {  	s5 =	sshll.u32 s26, $0x1;
	_ =	strace $0x80000046;
	[dreg:$0x1] =	wrdreg $0xFFFFFFFF  }
0xa7: {  	s28 =	simm.s32 $_size_execute0_lowered;
	s3 =	sadd.s32 s3, s5;
	[dreg:$0x0] =	wrdreg $0x0  }
0xa8: {  	s5 =	sshll.u32 s28, $0x1;
	[dreg:$0x2] =	wrdreg s3  }
0xa9: {  	[dreg:$0x3] =	wrdreg s5  }
0xaa: {  	[dreg:$0x4] =	wrdreg $0xC0  }
0xab: {  	_ =	task [dreg:s7], $0x5FFFF  }
0xac: {  	[dreg:$0x1] =	wrdreg $0xFFFFFFFF  }
0xad: {  	[dreg:$0x0] =	wrdreg $0x60  }
0xae: {  	[dreg:$0x2] =	wrdreg s24  }
0xaf: {  	[dreg:$0x3] =	wrdreg s2  }
0xb0: {  	[dreg:$0x4] =	wrdreg $0x9  }
0xb1: {  	_ =	task.clear_ibuf [dreg:s7], $0x5FFFF;
	_ =	strace $0x90000046  }
0xb2: {  	s29 =	simm.s32 $0x9;
	_ =	strace $0x80000048  }
0xb3: {  	_ =	swait.ge [sflag:s29], $0x1  }
0xb4: {  	[sflag:s29] =	ssyncadd.s32 $0xFFFFFFFF  }
0xb5: {  	_ =	strace $0x90000048  }
0xb6: {  	_ =	sfence  }
0xb7: {  	s30 =	sld [smem:$0x0];
	_ =	sdelay $0x2  }
0xb8: {  	s31 =	sshll.u32 s1, $0xD;
	s1 =	sshrl.u32 s1, $0x2  }
0xb9: {  	s3 =	sand.u32 $0x4000, s31;
	s1 =	sadd.s32 s1, s30  }
0xba: {  	s0 =	sor.u32 s3, s0;
	s1 =	sshll.u32 s1, $0x11  }
0xbb: {  	s0 =	sor.u32 s1, s0  }
0xbc: {  	s0 =	sadd.s32 $0x8F2B, s0  }
0xbd: {  	[sflag:s0] =	ssyncadd.remote.s32 $0x1  }
0xbe: {  	_ =	sfence.sel $0xFFFF  }
0xbf: {  	[dreg:$0x0] =	wrdreg $0xFFFFFFFF;
	(pc) =	sbr.abs _section_cstart, $3  }
0xc0: {  	[dreg:$0x1] =	wrdreg $0xFFFFFFFF  }
0xc1: {  	_ =	task.clear_ibuf [dreg:s7], $0x2FFFF;
	_ =	strace $0x9FFFFFFF  }
0xc2: {  	(tm) =	ssettm $0x7FFFFFFF  }
0xc3: {  	_ =	shalt  }
tec
execute0_lowered:
.L_overlay_start_1:
0x0: {  	(tag) =	ssettag $0x1  }
0x1: {  	s0 =	rddreg [dreg:$0x0];
	s1 =	srdreg.scid  }
0x2: {  	s3 =	stileid.u32;
	s2 =	rddreg [dreg:$0x1]  }
0x3: {  	s9 =	simm.s32 $0x80;
	s11 =	simm.s32 $0x7;
	s12 =	simm.s32 $0x6400  }
0x4: {  	s13 =	simm.s32 $0x8400;
	s14 =	simm.s32 $0xA400;
	s15 =	simm.s32 $0x1  }
0x5: {  	s16 =	simm.s32 $0xE400;
	s17 =	simm.s32 $0x400;
	s18 =	simm.s32 $0x8000  }
0x6: {  	s19 =	simm.s32 $0xC400;
	s20 =	simm.s32 $0x2;
	s21 =	simm.s32 $0x10400  }
0x7: {  	s22 =	simm.s32 $0x3;
	s23 =	simm.s32 $0x5;
	s24 =	simm.s32 $0x4  }
0x8: {  	v0 =	vlaneseq.u32;
	s25 =	simm.s32 $0x6;
	s1 =	sand.u32 $0x1, s1;
	s4 =	sshll.u32 s3, $0x1  }
0x9: {  	s26 =	simm.s32 $0x0;
	s3 =	simm.s32 $0x0;
	v1 =	vmul.u32 $0x40, v0;
	v3 =	vor.u32 $0x10, v0;
	v5 =	vor.u32 $0x20, v0;
	s6 =	sor.u32 s1, s4  }
0xa: {  	v7 =	vor.u32 $0x30, v0;
	v9 =	vor.u32 $0x40, v0;
	v11 =	vor.u32 $0x50, v0;
	[smem:$0x7FF] =	sst s3;
	s1 =	ssub.s32 $0x2, s1;
	s4 =	sshll.u32 s6, $0x4  }
0xb: {  	v13 =	vor.u32 $0x60, v0;
	v15 =	vor.u32 $0x70, v0;
	_ =	strace $0x80000047;
	s7 =	sshrl.u32 s1, $0x1;
	s6 =	sshll.u32 s6, $0xA;
	v2 =	vor.u32 $0x400, v1  }
0xc: {  	v4 =	vor.u32 $0x800, v1;
	v6 =	vor.u32 $0xC00, v1;
	v8 =	vor.u32 $0x1000, v1;
	s5 =	sadd.s32 s4, s0;
	s4 =	sadd.s32 $0x400, s0;
	s31 =	ssub.s32 s1, s7  }
0xd: {  	v10 =	vor.u32 $0x1400, v1;
	v12 =	vor.u32 $0x1800, v1;
	v14 =	vor.u32 $0x1C00, v1;
	s7 =	sadd.s32 $0x8000, s2;
	s5 =	sadd.s32 $0x4400, s5;
	s8 =	smax.u32 s31, $0x1  }
.LBB2_1:
0xe: {  	s0 =	simm.s32 $0x1000  }
0xf: {  	[tilespmem:s3], [sflag:$0x7] =	stream.strided.gather [hbm4b:s5+s9], $0x6400, s0, s9, $0x38;
	[tilespmem:$0x12400] =	vst v63  }
0x10: {  	_ =	swait.ge [sflag:s11], $0x6400  }
0x11: {  	[sflag:s11] =	ssyncset.done $0x0  }
0x12: {  	[sflag:s11] =	ssyncadd.s32 $0xFFFF9C00  }
0x13: {  	[tilespmem:s12], [sflag:$0x1] =	stream.indirect.gather [hbm4b:s4+s9], $0x40, s3, s9, $0xb8;
	[tilespmem:$0x12400] =	vst v63  }
0x14: {  	s28 =	simm.s32 $0x0  }
0x15: {  	[tilespmem:s13], [sflag:$0x2] =	stream.indirect.gather [hbm4b:s4+s9], $0x40, s9, s9, $0xb8;
	[tilespmem:$0x12400] =	vst v63  }
.LBB2_2:
0x16: {  	s30 =	sshll.u32 s28, $0x2  }
0x17: {  	s29 =	sor.u32 $0x2, s30  }
0x18: {  	s0 =	sshll.u32 s29, $0x7  }
0x19: {  	s10 =	simm.s32 $0x0;
	s0 =	sand.u32 $0x3FFFFF00, s0  }
0x1a: {  	v26 =	vadd.s32 s10, v0;
	[tilespmem:s14], [sflag:$0x3] =	stream.indirect.gather [hbm4b:s4+s9], $0x40, s0, s9, $0xb8;
	[tilespmem:$0x12400] =	vst v63  }
0x1b: {  	s1 =	simm.s32 $0x1;
	v18 =	vand.u32 $0xF, v26;
	_ =	swait.ge [sflag:s15], $0x2000  }
0x1c: {  	p0 =	seq.s32 s28, $0x0;
	v25 =	vadd.s32 s1, v0;
	v16 =	vor.u32 v1, v18;
	[sflag:s15] =	ssyncset.done $0x0  }
0x1d: {  	v17 =	vand.u32 $0xF, v25;
	s0 =	simm.s32 @!p0 $0x5;
	[sflag:s15] =	ssyncadd.s32 $0xFFFFE000  }
0x1e: {  	v19 =	vor.u32 v1, v17;
	_ =	swait.ge @!p0 [sflag:s0], $0x2000  }
0x1f: {  	v20 =	vshll.u32 v26, $0x7;
	[sflag:s0] =	ssyncset.done @!p0 $0x0  }
0x20: {  	v21 =	vand.u32 $0x780, v20;
	[sflag:s0] =	ssyncadd.s32 @!p0 $0xFFFFE000  }
0x21: {  	v22 =	vshll.u32 v25, $0x7;
	v23 =	vor.u32 v0, v21;
	v16 =	vld.idx.msk [tilespmem:v16+s12+$0x0], $0xffff  }
0x22: {  	v24 =	vand.u32 $0x780, v22;
	v27 =	vor.u32 v2, v18  }
0x23: {  	v28 =	vor.u32 v0, v24;
	v19 =	vld.idx.msk [tilespmem:v19+s12+$0x0], $0xffff  }
0x24: {  	v29 =	vor.u32 v2, v17;
	_ =	sdelay $0x1  }
0x25: {  	[tilespmem:v23+s16+$0x0] =	vst.idx.msk $0xffff, v16  }
0x26: {  	v23 =	vor.u32 v3, v21;
	v16 =	vld.idx.msk [tilespmem:v27+s12+$0x0], $0xffff  }
0x27: {  	[tilespmem:v28+s16+$0x0] =	vst.idx.msk $0xffff, v19;
	v19 =	vor.u32 v4, v18  }
0x28: {  	v28 =	vor.u32 v3, v24;
	v27 =	vld.idx.msk [tilespmem:v29+s12+$0x0], $0xffff  }
0x29: {  	v29 =	vor.u32 v4, v17;
	_ =	sdelay $0x1  }
0x2a: {  	[tilespmem:v23+s16+$0x0] =	vst.idx.msk $0xffff, v16  }
0x2b: {  	v16 =	vld.idx.msk [tilespmem:v19+s12+$0x0], $0xffff;
	v19 =	vor.u32 v5, v21  }
0x2c: {  	[tilespmem:v28+s16+$0x0] =	vst.idx.msk $0xffff, v27;
	v23 =	vor.u32 v6, v18  }
0x2d: {  	v28 =	vor.u32 v5, v24;
	v27 =	vld.idx.msk [tilespmem:v29+s12+$0x0], $0xffff  }
0x2e: {  	v29 =	vor.u32 v6, v17;
	_ =	sdelay $0x1  }
0x2f: {  	[tilespmem:v19+s16+$0x0] =	vst.idx.msk $0xffff, v16  }
0x30: {  	v16 =	vor.u32 v7, v21;
	v19 =	vld.idx.msk [tilespmem:v23+s12+$0x0], $0xffff  }
0x31: {  	[tilespmem:v28+s16+$0x0] =	vst.idx.msk $0xffff, v27;
	v23 =	vor.u32 v8, v18  }
0x32: {  	v28 =	vor.u32 v7, v24;
	v27 =	vld.idx.msk [tilespmem:v29+s12+$0x0], $0xffff  }
0x33: {  	v29 =	vor.u32 v8, v17;
	_ =	sdelay $0x1  }
0x34: {  	[tilespmem:v16+s16+$0x0] =	vst.idx.msk $0xffff, v19  }
0x35: {  	v19 =	vor.u32 v9, v21;
	v16 =	vld.idx.msk [tilespmem:v23+s12+$0x0], $0xffff  }
0x36: {  	[tilespmem:v28+s16+$0x0] =	vst.idx.msk $0xffff, v27;
	v23 =	vor.u32 v10, v18  }
0x37: {  	v28 =	vor.u32 v9, v24;
	v27 =	vld.idx.msk [tilespmem:v29+s12+$0x0], $0xffff  }
0x38: {  	v29 =	vor.u32 v10, v17;
	_ =	sdelay $0x1  }
0x39: {  	[tilespmem:v19+s16+$0x0] =	vst.idx.msk $0xffff, v16  }
0x3a: {  	v19 =	vor.u32 v11, v21;
	v16 =	vld.idx.msk [tilespmem:v23+s12+$0x0], $0xffff  }
0x3b: {  	[tilespmem:v28+s16+$0x0] =	vst.idx.msk $0xffff, v27;
	v23 =	vor.u32 v12, v18  }
0x3c: {  	v28 =	vor.u32 v11, v24;
	v27 =	vld.idx.msk [tilespmem:v29+s12+$0x0], $0xffff  }
0x3d: {  	v29 =	vor.u32 v12, v17;
	_ =	sdelay $0x1  }
0x3e: {  	[tilespmem:v19+s16+$0x0] =	vst.idx.msk $0xffff, v16  }
0x3f: {  	v19 =	vor.u32 v13, v21;
	v16 =	vld.idx.msk [tilespmem:v23+s12+$0x0], $0xffff  }
0x40: {  	[tilespmem:v28+s16+$0x0] =	vst.idx.msk $0xffff, v27;
	v23 =	vor.u32 v14, v18  }
0x41: {  	v28 =	vor.u32 v13, v24;
	v27 =	vld.idx.msk [tilespmem:v29+s12+$0x0], $0xffff  }
0x42: {  	v29 =	vor.u32 v14, v17;
	_ =	sdelay $0x1  }
0x43: {  	v30 =	vor.u32 $0x10, v26;
	[tilespmem:v19+s16+$0x0] =	vst.idx.msk $0xffff, v16  }
0x44: {  	v31 =	vand.u32 $0x1F, v30;
	v19 =	vor.u32 v15, v21;
	v16 =	vld.idx.msk [tilespmem:v23+s12+$0x0], $0xffff  }
0x45: {  	[tilespmem:v28+s16+$0x0] =	vst.idx.msk $0xffff, v27;
	v21 =	vor.u32 $0x10, v25;
	v23 =	vor.u32 v1, v31  }
0x46: {  	v24 =	vor.u32 v15, v24;
	v27 =	vld.idx.msk [tilespmem:v29+s12+$0x0], $0xffff;
	v32 =	vand.u32 $0x1F, v21  }
0x47: {  	v28 =	vshll.u32 v30, $0x7;
	v33 =	vor.u32 v1, v32  }
0x48: {  	v29 =	vand.u32 $0x380, v20;
	v20 =	vand.u32 $0xC00, v28  }
0x49: {  	v21 =	vshll.u32 v21, $0x7;
	v34 =	vor.u32 v29, v20;
	[tilespmem:v19+s16+$0x0] =	vst.idx.msk $0xffff, v16  }
0x4a: {  	v28 =	vand.u32 $0x380, v22;
	v16 =	vand.u32 $0xC00, v21;
	v19 =	vor.u32 v0, v34;
	v20 =	vld.idx.msk [tilespmem:v23+s12+$0x0], $0xffff  }
0x4b: {  	[tilespmem:v24+s16+$0x0] =	vst.idx.msk $0xffff, v27;
	v24 =	vor.u32 v28, v16;
	v16 =	vor.u32 v2, v31  }
0x4c: {  	v21 =	vld.idx.msk [tilespmem:v33+s12+$0x0], $0xffff;
	v22 =	vor.u32 v0, v24  }
0x4d: {  	v23 =	vor.u32 v2, v32;
	_ =	sdelay $0x1  }
0x4e: {  	[tilespmem:v19+s16+$0x0] =	vst.idx.msk $0xffff, v20  }
0x4f: {  	v51 =	vor.u32 v3, v34;
	v20 =	vld.idx.msk [tilespmem:v16+s12+$0x0], $0xffff  }
0x50: {  	s10 =	simm.s32 $0x2;
	[tilespmem:v22+s16+$0x0] =	vst.idx.msk $0xffff, v21;
	v21 =	vor.u32 v4, v31  }
0x51: {  	s1 =	simm.s32 $0x3;
	v35 =	vor.u32 v3, v24;
	v22 =	vadd.s32 s10, v0;
	v23 =	vld.idx.msk [tilespmem:v23+s12+$0x0], $0xffff  }
0x52: {  	v36 =	vor.u32 v4, v32;
	v16 =	vadd.s32 s1, v0;
	v30 =	vand.u32 $0xF, v22  }
0x53: {  	v27 =	vand.u32 $0xF, v16;
	v37 =	vor.u32 v1, v30  }
0x54: {  	v52 =	vor.u32 v1, v27;
	[tilespmem:v51+s16+$0x0] =	vst.idx.msk $0xffff, v20  }
0x55: {  	v39 =	vor.u32 v5, v34;
	v38 =	vld.idx.msk [tilespmem:v21+s12+$0x0], $0xffff  }
0x56: {  	v53 =	vor.u32 v6, v31;
	v19 =	vshll.u32 v22, $0x7;
	[tilespmem:v35+s16+$0x0] =	vst.idx.msk $0xffff, v23  }
0x57: {  	v40 =	vor.u32 v5, v24;
	v20 =	vshll.u32 v16, $0x7;
	v21 =	vand.u32 $0x780, v19;
	v36 =	vld.idx.msk [tilespmem:v36+s12+$0x0], $0xffff  }
0x58: {  	v42 =	vor.u32 v6, v32;
	v23 =	vand.u32 $0x780, v20;
	v37 =	vld.idx.msk [tilespmem:v37+s12+$0x0], $0xffff;
	v41 =	vor.u32 v0, v21  }
0x59: {  	v43 =	vor.u32 v2, v30;
	v33 =	vld.idx.msk [tilespmem:v52+s12+$0x0], $0xffff;
	v44 =	vor.u32 v0, v23  }
0x5a: {  	v54 =	vor.u32 v2, v27;
	[tilespmem:v39+s16+$0x0] =	vst.idx.msk $0xffff, v38  }
0x5b: {  	v55 =	vor.u32 v7, v34;
	v35 =	vld.idx.msk [tilespmem:v53+s12+$0x0], $0xffff  }
0x5c: {  	v56 =	vor.u32 v8, v31;
	[tilespmem:v40+s16+$0x0] =	vst.idx.msk $0xffff, v36  }
0x5d: {  	v58 =	vor.u32 v7, v24;
	[tilespmem:v41+s16+$0x0] =	vst.idx.msk $0xffff, v37;
	v57 =	vld.idx.msk [tilespmem:v42+s12+$0x0], $0xffff  }
0x5e: {  	v60 =	vor.u32 v8, v32;
	v59 =	vor.u32 v3, v21;
	[tilespmem:v44+s16+$0x0] =	vst.idx.msk $0xffff, v33;
	v41 =	vld.idx.msk [tilespmem:v43+s12+$0x0], $0xffff  }
0x5f: {  	v45 =	vor.u32 v4, v30;
	v61 =	vor.u32 v3, v23;
	v33 =	vld.idx.msk [tilespmem:v54+s12+$0x0], $0xffff  }
0x60: {  	v62 =	vor.u32 v4, v27;
	[tilespmem:v55+s16+$0x0] =	vst.idx.msk $0xffff, v35  }
0x61: {  	v63 =	vor.u32 v9, v34;
	v36 =	vld.idx.msk [tilespmem:v56+s12+$0x0], $0xffff  }
0x62: {  	v48 =	vor.u32 v10, v31;
	[tilespmem:v58+s16+$0x0] =	vst.idx.msk $0xffff, v57  }
0x63: {  	v49 =	vor.u32 v9, v24;
	[tilespmem:v59+s16+$0x0] =	vst.idx.msk $0xffff, v41;
	v40 =	vld.idx.msk [tilespmem:v60+s12+$0x0], $0xffff  }
0x64: {  	v51 =	vor.u32 v10, v32;
	v50 =	vor.u32 v5, v21;
	[tilespmem:v61+s16+$0x0] =	vst.idx.msk $0xffff, v33;
	v42 =	vld.idx.msk [tilespmem:v45+s12+$0x0], $0xffff  }
0x65: {  	v52 =	vor.u32 v6, v30;
	v53 =	vor.u32 v5, v23;
	v33 =	vld.idx.msk [tilespmem:v62+s12+$0x0], $0xffff  }
0x66: {  	v54 =	vor.u32 v6, v27;
	[tilespmem:v63+s16+$0x0] =	vst.idx.msk $0xffff, v36  }
0x67: {  	v55 =	vor.u32 v11, v34;
	v37 =	vld.idx.msk [tilespmem:v48+s12+$0x0], $0xffff  }
0x68: {  	v56 =	vor.u32 v12, v31;
	[tilespmem:v49+s16+$0x0] =	vst.idx.msk $0xffff, v40  }
0x69: {  	v57 =	vor.u32 v11, v24;
	[tilespmem:v50+s16+$0x0] =	vst.idx.msk $0xffff, v42;
	v40 =	vld.idx.msk [tilespmem:v51+s12+$0x0], $0xffff  }
0x6a: {  	v58 =	vor.u32 v7, v21;
	v59 =	vor.u32 v12, v32;
	[tilespmem:v53+s16+$0x0] =	vst.idx.msk $0xffff, v33;
	v43 =	vld.idx.msk [tilespmem:v52+s12+$0x0], $0xffff  }
0x6b: {  	v61 =	vor.u32 v7, v23;
	v60 =	vor.u32 v8, v30;
	v33 =	vld.idx.msk [tilespmem:v54+s12+$0x0], $0xffff  }
0x6c: {  	v62 =	vor.u32 v8, v27;
	[tilespmem:v55+s16+$0x0] =	vst.idx.msk $0xffff, v37  }
0x6d: {  	v63 =	vor.u32 v13, v34;
	v37 =	vld.idx.msk [tilespmem:v56+s12+$0x0], $0xffff  }
0x6e: {  	v31 =	vor.u32 v14, v31;
	[tilespmem:v57+s16+$0x0] =	vst.idx.msk $0xffff, v40  }
0x6f: {  	v18 =	vor.u32 $0x20, v18;
	v49 =	vor.u32 v13, v24;
	[tilespmem:v58+s16+$0x0] =	vst.idx.msk $0xffff, v43;
	v48 =	vld.idx.msk [tilespmem:v59+s12+$0x0], $0xffff  }
0x70: {  	v32 =	vor.u32 v14, v32;
	v51 =	vor.u32 v9, v21;
	[tilespmem:v61+s16+$0x0] =	vst.idx.msk $0xffff, v33;
	v50 =	vld.idx.msk [tilespmem:v60+s12+$0x0], $0xffff  }
0x71: {  	v17 =	vor.u32 $0x20, v17;
	v52 =	vor.u32 v10, v30;
	v54 =	vor.u32 v9, v23;
	v35 =	vld.idx.msk [tilespmem:v62+s12+$0x0], $0xffff  }
0x72: {  	v53 =	vand.u32 $0x7, v26;
	v55 =	vand.u32 $0x28, v18;
	v56 =	vor.u32 v10, v27;
	[tilespmem:v63+s16+$0x0] =	vst.idx.msk $0xffff, v37  }
0x73: {  	v24 =	vor.u32 v15, v24;
	v38 =	vor.u32 v53, v55;
	v57 =	vor.u32 v15, v34;
	v31 =	vld.idx.msk [tilespmem:v31+s12+$0x0], $0xffff  }
0x74: {  	v58 =	vand.u32 $0x7, v25;
	v59 =	vand.u32 $0x28, v17;
	v60 =	vor.u32 v1, v38;
	[tilespmem:v49+s16+$0x0] =	vst.idx.msk $0xffff, v48  }
0x75: {  	v18 =	vshll.u32 v18, $0x7;
	v43 =	vor.u32 v58, v59;
	[tilespmem:v51+s16+$0x0] =	vst.idx.msk $0xffff, v50;
	v32 =	vld.idx.msk [tilespmem:v32+s12+$0x0], $0xffff  }
0x76: {  	v62 =	vor.u32 v11, v21;
	v63 =	vor.u32 v1, v43;
	[tilespmem:v54+s16+$0x0] =	vst.idx.msk $0xffff, v35;
	v61 =	vld.idx.msk [tilespmem:v52+s12+$0x0], $0xffff  }
0x77: {  	v18 =	vand.u32 $0x1400, v18;
	v48 =	vor.u32 v12, v30;
	v49 =	vor.u32 v11, v23;
	v35 =	vld.idx.msk [tilespmem:v56+s12+$0x0], $0xffff  }
0x78: {  	v17 =	vshll.u32 v17, $0x7;
	v42 =	vor.u32 v29, v18;
	v18 =	vor.u32 v12, v27;
	[tilespmem:v57+s16+$0x0] =	vst.idx.msk $0xffff, v31  }
0x79: {  	v17 =	vand.u32 $0x1400, v17;
	v50 =	vor.u32 v0, v42;
	v31 =	vld.idx.msk [tilespmem:v60+s12+$0x0], $0xffff  }
0x7a: {  	v37 =	vor.u32 v28, v17;
	v17 =	vor.u32 v2, v38;
	[tilespmem:v24+s16+$0x0] =	vst.idx.msk $0xffff, v32  }
0x7b: {  	v51 =	vor.u32 v0, v37;
	[tilespmem:v62+s16+$0x0] =	vst.idx.msk $0xffff, v61;
	v24 =	vld.idx.msk [tilespmem:v63+s12+$0x0], $0xffff  }
0x7c: {  	v53 =	vor.u32 v2, v43;
	v52 =	vor.u32 v13, v21;
	[tilespmem:v49+s16+$0x0] =	vst.idx.msk $0xffff, v35;
	v34 =	vld.idx.msk [tilespmem:v48+s12+$0x0], $0xffff  }
0x7d: {  	v55 =	vor.u32 v13, v23;
	v54 =	vor.u32 v14, v30;
	v18 =	vld.idx.msk [tilespmem:v18+s12+$0x0], $0xffff  }
0x7e: {  	[tilespmem:v50+s16+$0x0] =	vst.idx.msk $0xffff, v31  }
0x7f: {  	v58 =	vor.u32 v3, v42;
	v31 =	vor.u32 v14, v27;
	v57 =	vld.idx.msk [tilespmem:v17+s12+$0x0], $0xffff  }
0x80: {  	v23 =	vor.u32 v15, v23;
	v56 =	vor.u32 $0x10, v22;
	[tilespmem:v51+s16+$0x0] =	vst.idx.msk $0xffff, v24;
	v24 =	vor.u32 v4, v38  }
0x81: {  	v21 =	vor.u32 v15, v21;
	v61 =	vor.u32 v3, v37;
	[tilespmem:v52+s16+$0x0] =	vst.idx.msk $0xffff, v34;
	v59 =	vld.idx.msk [tilespmem:v53+s12+$0x0], $0xffff  }
0x82: {  	v32 =	vand.u32 $0x1F, v56;
	[tilespmem:v55+s16+$0x0] =	vst.idx.msk $0xffff, v18;
	v18 =	vor.u32 v4, v43;
	v39 =	vld.idx.msk [tilespmem:v54+s12+$0x0], $0xffff  }
0x83: {  	v33 =	vshll.u32 v56, $0x7;
	v62 =	vor.u32 $0x10, v16;
	v60 =	vor.u32 v1, v32  }
0x84: {  	v40 =	vand.u32 $0x1F, v62;
	v17 =	vand.u32 $0x380, v19;
	v19 =	vand.u32 $0xC00, v33;
	v46 =	vld.idx.msk [tilespmem:v31+s12+$0x0], $0xffff;
	[tilespmem:v58+s16+$0x0] =	vst.idx.msk $0xffff, v57  }
0x85: {  	v63 =	vor.u32 v1, v40;
	v31 =	vor.u32 v17, v19;
	v19 =	vld.idx.msk [tilespmem:v24+s12+$0x0], $0xffff;
	v24 =	vor.u32 v5, v42  }
0x86: {  	v49 =	vor.u32 v6, v38;
	v35 =	vshll.u32 v62, $0x7;
	[tilespmem:v61+s16+$0x0] =	vst.idx.msk $0xffff, v59  }
0x87: {  	v50 =	vor.u32 v5, v37;
	v52 =	vor.u32 v6, v43;
	[tilespmem:v21+s16+$0x0] =	vst.idx.msk $0xffff, v39;
	v21 =	vld.idx.msk [tilespmem:v18+s12+$0x0], $0xffff  }
0x88: {  	v48 =	vor.u32 v0, v31;
	v18 =	vand.u32 $0x380, v20;
	v20 =	vand.u32 $0xC00, v35;
	v51 =	vld.idx.msk [tilespmem:v60+s12+$0x0], $0xffff  }
0x89: {  	v39 =	vor.u32 v18, v20;
	v20 =	vor.u32 v2, v32;
	[tilespmem:v23+s16+$0x0] =	vst.idx.msk $0xffff, v46  }
0x8a: {  	s10 =	simm.s32 $0x4;
	v53 =	vor.u32 v0, v39;
	v33 =	vld.idx.msk [tilespmem:v63+s12+$0x0], $0xffff;
	[tilespmem:v24+s16+$0x0] =	vst.idx.msk $0xffff, v19  }
0x8b: {  	v54 =	vor.u32 v7, v42;
	v24 =	vor.u32 v2, v40;
	v19 =	vadd.s32 s10, v0;
	v36 =	vld.idx.msk [tilespmem:v49+s12+$0x0], $0xffff  }
0x8c: {  	v23 =	vand.u32 $0xF, v19;
	[tilespmem:v50+s16+$0x0] =	vst.idx.msk $0xffff, v21;
	v21 =	vor.u32 v8, v38  }
0x8d: {  	v57 =	vor.u32 v7, v37;
	[tilespmem:v48+s16+$0x0] =	vst.idx.msk $0xffff, v51;
	v55 =	vor.u32 v1, v23;
	v56 =	vld.idx.msk [tilespmem:v52+s12+$0x0], $0xffff  }
0x8e: {  	v47 =	vor.u32 v3, v31;
	v58 =	vor.u32 v8, v43;
	v20 =	vld.idx.msk [tilespmem:v20+s12+$0x0], $0xffff  }
0x8f: {  	v59 =	vor.u32 v4, v32;
	v61 =	vor.u32 v10, v38;
	[tilespmem:v53+s16+$0x0] =	vst.idx.msk $0xffff, v33  }
0x90: {  	s1 =	simm.s32 $0x5;
	v60 =	vor.u32 v4, v40;
	v49 =	vor.u32 v3, v39;
	v48 =	vld.idx.msk [tilespmem:v24+s12+$0x0], $0xffff;
	[tilespmem:v54+s16+$0x0] =	vst.idx.msk $0xffff, v36  }
0x91: {  	v63 =	vor.u32 v10, v43;
	v50 =	vor.u32 v9, v42;
	v46 =	vld.idx.msk [tilespmem:v21+s12+$0x0], $0xffff;
	v21 =	vadd.s32 s1, v0  }
0x92: {  	v34 =	vshll.u32 v19, $0x7;
	v51 =	vor.u32 v9, v37;
	v44 =	vld.idx.msk [tilespmem:v55+s12+$0x0], $0xffff;
	[tilespmem:v57+s16+$0x0] =	vst.idx.msk $0xffff, v56;
	v24 =	vand.u32 $0xF, v21  }
0x93: {  	v35 =	vand.u32 $0x780, v34;
	[tilespmem:v47+s16+$0x0] =	vst.idx.msk $0xffff, v20;
	v20 =	vld.idx.msk [tilespmem:v58+s12+$0x0], $0xffff;
	v62 =	vor.u32 v1, v24  }
0x94: {  	v52 =	vor.u32 v5, v31;
	v54 =	vor.u32 v5, v39;
	v55 =	vor.u32 v0, v35;
	v45 =	vld.idx.msk [tilespmem:v59+s12+$0x0], $0xffff  }
0x95: {  	v26 =	vor.u32 $0x30, v26;
	v56 =	vor.u32 v11, v42;
	[tilespmem:v49+s16+$0x0] =	vst.idx.msk $0xffff, v48;
	v49 =	vor.u32 v6, v32  }
0x96: {  	v25 =	vor.u32 $0x30, v25;
	v33 =	vshll.u32 v21, $0x7;
	v53 =	vld.idx.msk [tilespmem:v60+s12+$0x0], $0xffff;
	v60 =	vor.u32 v2, v23;
	[tilespmem:v50+s16+$0x0] =	vst.idx.msk $0xffff, v46  }
0x97: {  	v57 =	vor.u32 v12, v38;
	v36 =	vand.u32 $0x780, v33;
	v46 =	vor.u32 v6, v40;
	v41 =	vld.idx.msk [tilespmem:v61+s12+$0x0], $0xffff  }
0x98: {  	v38 =	vor.u32 v14, v38;
	[tilespmem:v51+s16+$0x0] =	vst.idx.msk $0xffff, v20;
	v61 =	vor.u32 v0, v36;
	v47 =	vld.idx.msk [tilespmem:v62+s12+$0x0], $0xffff  }
0x99: {  	v58 =	vor.u32 v7, v31;
	[tilespmem:v52+s16+$0x0] =	vst.idx.msk $0xffff, v45;
	v45 =	vld.idx.msk [tilespmem:v63+s12+$0x0], $0xffff;
	v62 =	vor.u32 v2, v24  }
0x9a: {  	v59 =	vor.u32 v9, v31;
	[tilespmem:v55+s16+$0x0] =	vst.idx.msk $0xffff, v44;
	v63 =	vor.u32 v11, v37;
	v49 =	vld.idx.msk [tilespmem:v49+s12+$0x0], $0xffff  }
0x9b: {  	v44 =	vor.u32 v8, v32;
	[tilespmem:v54+s16+$0x0] =	vst.idx.msk $0xffff, v53;
	v53 =	vor.u32 v12, v43;
	v50 =	vld.idx.msk [tilespmem:v60+s12+$0x0], $0xffff  }
0x9c: {  	v55 =	vor.u32 v10, v24;
	v60 =	vor.u32 v3, v35;
	v46 =	vld.idx.msk [tilespmem:v46+s12+$0x0], $0xffff;
	[tilespmem:v56+s16+$0x0] =	vst.idx.msk $0xffff, v41  }
0x9d: {  	v52 =	vor.u32 v8, v23;
	v54 =	vor.u32 v7, v39;
	[tilespmem:v61+s16+$0x0] =	vst.idx.msk $0xffff, v47;
	v51 =	vld.idx.msk [tilespmem:v57+s12+$0x0], $0xffff  }
0x9e: {  	v43 =	vor.u32 v14, v43;
	v61 =	vor.u32 v4, v23;
	v48 =	vld.idx.msk [tilespmem:v62+s12+$0x0], $0xffff;
	v62 =	vor.u32 v13, v42  }
0x9f: {  	v30 =	vor.u32 $0x20, v30;
	v47 =	vor.u32 v8, v40;
	[tilespmem:v63+s16+$0x0] =	vst.idx.msk $0xffff, v45;
	v63 =	vor.u32 v3, v36  }
0xa0: {  	v41 =	vand.u32 $0x3F, v26;
	v26 =	vshll.u32 v26, $0x7;
	[tilespmem:v58+s16+$0x0] =	vst.idx.msk $0xffff, v49;
	v58 =	vor.u32 v13, v37;
	v49 =	vld.idx.msk [tilespmem:v53+s12+$0x0], $0xffff  }
0xa1: {  	v57 =	vor.u32 v1, v41;
	v53 =	vor.u32 v4, v24;
	v44 =	vld.idx.msk [tilespmem:v44+s12+$0x0], $0xffff;
	[tilespmem:v60+s16+$0x0] =	vst.idx.msk $0xffff, v50  }
0xa2: {  	v26 =	vand.u32 $0x1C00, v26;
	v42 =	vor.u32 v15, v42;
	v60 =	vor.u32 v10, v32;
	[tilespmem:v54+s16+$0x0] =	vst.idx.msk $0xffff, v46  }
0xa3: {  	v46 =	vor.u32 v6, v23;
	v54 =	vld.idx.msk [tilespmem:v61+s12+$0x0], $0xffff;
	v61 =	vor.u32 v9, v39;
	[tilespmem:v62+s16+$0x0] =	vst.idx.msk $0xffff, v51  }
0xa4: {  	v47 =	vld.idx.msk [tilespmem:v47+s12+$0x0], $0xffff;
	v51 =	vor.u32 v2, v41;
	v62 =	vor.u32 v5, v35;
	[tilespmem:v63+s16+$0x0] =	vst.idx.msk $0xffff, v48  }
0xa5: {  	v63 =	vor.u32 v10, v40;
	v48 =	vld.idx.msk [tilespmem:v38+s12+$0x0], $0xffff;
	[tilespmem:v58+s16+$0x0] =	vst.idx.msk $0xffff, v49;
	v49 =	vor.u32 v5, v36  }
0xa6: {  	v53 =	vld.idx.msk [tilespmem:v53+s12+$0x0], $0xffff;
	[tilespmem:v59+s16+$0x0] =	vst.idx.msk $0xffff, v44;
	v44 =	vor.u32 v6, v24;
	v58 =	vor.u32 v15, v37  }
0xa7: {  	v38 =	vand.u32 $0x3F, v25;
	v37 =	vor.u32 v29, v26;
	v26 =	vand.u32 $0x7, v22;
	v43 =	vld.idx.msk [tilespmem:v43+s12+$0x0], $0xffff  }
0xa8: {  	v29 =	vor.u32 v12, v40;
	v25 =	vshll.u32 v25, $0x7;
	v40 =	vor.u32 v14, v40;
	v50 =	vld.idx.msk [tilespmem:v60+s12+$0x0], $0xffff  }
0xa9: {  	v60 =	vor.u32 v11, v31;
	v25 =	vand.u32 $0x1C00, v25;
	[tilespmem:v61+s16+$0x0] =	vst.idx.msk $0xffff, v47;
	v61 =	vor.u32 v1, v38  }
0xaa: {  	[tilespmem:v62+s16+$0x0] =	vst.idx.msk $0xffff, v54;
	v62 =	vor.u32 v12, v32;
	v45 =	vld.idx.msk [tilespmem:v63+s12+$0x0], $0xffff;
	v63 =	vor.u32 v11, v39  }
0xab: {  	v25 =	vor.u32 v28, v25;
	v54 =	vor.u32 v7, v35;
	v46 =	vld.idx.msk [tilespmem:v46+s12+$0x0], $0xffff;
	[tilespmem:v42+s16+$0x0] =	vst.idx.msk $0xffff, v48  }
0xac: {  	v28 =	vor.u32 v8, v24;
	[tilespmem:v49+s16+$0x0] =	vst.idx.msk $0xffff, v53;
	v49 =	vor.u32 v0, v37;
	v42 =	vld.idx.msk [tilespmem:v57+s12+$0x0], $0xffff  }
0xad: {  	v32 =	vor.u32 v14, v32;
	v44 =	vld.idx.msk [tilespmem:v44+s12+$0x0], $0xffff;
	[tilespmem:v58+s16+$0x0] =	vst.idx.msk $0xffff, v43;
	v43 =	vor.u32 v7, v36  }
0xae: {  	[tilespmem:v60+s16+$0x0] =	vst.idx.msk $0xffff, v50;
	v50 =	vor.u32 v12, v23;
	v60 =	vor.u32 v0, v25;
	v47 =	vld.idx.msk [tilespmem:v61+s12+$0x0], $0xffff  }
0xaf: {  	v61 =	vor.u32 v13, v31;
	v53 =	vld.idx.msk [tilespmem:v62+s12+$0x0], $0xffff;
	[tilespmem:v63+s16+$0x0] =	vst.idx.msk $0xffff, v45;
	v62 =	vor.u32 v2, v38  }
0xb0: {  	v63 =	vor.u32 v13, v39;
	v39 =	vor.u32 v15, v39;
	[tilespmem:v54+s16+$0x0] =	vst.idx.msk $0xffff, v46;
	v29 =	vld.idx.msk [tilespmem:v29+s12+$0x0], $0xffff  }
0xb1: {  	v46 =	vor.u32 v10, v23;
	v52 =	vld.idx.msk [tilespmem:v52+s12+$0x0], $0xffff;
	[tilespmem:v49+s16+$0x0] =	vst.idx.msk $0xffff, v42;
	v49 =	vor.u32 v9, v35  }
0xb2: {  	[tilespmem:v43+s16+$0x0] =	vst.idx.msk $0xffff, v44;
	v44 =	vor.u32 v3, v37;
	v43 =	vld.idx.msk [tilespmem:v51+s12+$0x0], $0xffff;
	v51 =	vor.u32 v4, v41  }
0xb3: {  	v28 =	vld.idx.msk [tilespmem:v28+s12+$0x0], $0xffff;
	[tilespmem:v60+s16+$0x0] =	vst.idx.msk $0xffff, v47;
	v47 =	vor.u32 v9, v36;
	v60 =	vand.u32 $0x28, v30;
	v30 =	vshll.u32 v30, $0x7  }
0xb4: {  	[tilespmem:v61+s16+$0x0] =	vst.idx.msk $0xffff, v53;
	v45 =	vld.idx.msk [tilespmem:v62+s12+$0x0], $0xffff;
	v26 =	vor.u32 v26, v60;
	v53 =	vor.u32 v3, v25  }
0xb5: {  	v61 =	vor.u32 v15, v31;
	v62 =	vor.u32 $0x20, v27;
	v60 =	vor.u32 v11, v35;
	[tilespmem:v63+s16+$0x0] =	vst.idx.msk $0xffff, v29  }
0xb6: {  	v27 =	vand.u32 $0x7, v16;
	v32 =	vld.idx.msk [tilespmem:v32+s12+$0x0], $0xffff;
	v63 =	vor.u32 v4, v38;
	v29 =	vand.u32 $0x28, v62;
	[tilespmem:v49+s16+$0x0] =	vst.idx.msk $0xffff, v52  }
0xb7: {  	v59 =	vor.u32 v1, v26;
	v40 =	vld.idx.msk [tilespmem:v40+s12+$0x0], $0xffff;
	v27 =	vor.u32 v27, v29;
	[tilespmem:v44+s16+$0x0] =	vst.idx.msk $0xffff, v43  }
0xb8: {  	v29 =	vand.u32 $0x1400, v30;
	v46 =	vld.idx.msk [tilespmem:v46+s12+$0x0], $0xffff;
	[tilespmem:v47+s16+$0x0] =	vst.idx.msk $0xffff, v28;
	v28 =	vor.u32 v1, v27  }
0xb9: {  	v42 =	vor.u32 v6, v41;
	v30 =	vor.u32 v5, v37;
	v29 =	vor.u32 v17, v29;
	v44 =	vld.idx.msk [tilespmem:v51+s12+$0x0], $0xffff  }
0xba: {  	v51 =	vor.u32 v12, v24;
	v47 =	vld.idx.msk [tilespmem:v55+s12+$0x0], $0xffff;
	[tilespmem:v53+s16+$0x0] =	vst.idx.msk $0xffff, v45;
	v45 =	vor.u32 v11, v36  }
0xbb: {  	[tilespmem:v61+s16+$0x0] =	vst.idx.msk $0xffff, v32;
	v32 =	vld.idx.msk [tilespmem:v63+s12+$0x0], $0xffff;
	v61 =	vshll.u32 v62, $0x7;
	v62 =	vor.u32 v5, v25  }
0xbc: {  	v58 =	vor.u32 v6, v38;
	v63 =	vor.u32 v0, v29;
	v49 =	vld.idx.msk [tilespmem:v59+s12+$0x0], $0xffff;
	[tilespmem:v39+s16+$0x0] =	vst.idx.msk $0xffff, v40  }
0xbd: {  	v57 =	vand.u32 $0x1400, v61;
	v59 =	vor.u32 v2, v26;
	[tilespmem:v60+s16+$0x0] =	vst.idx.msk $0xffff, v46;
	v46 =	vld.idx.msk [tilespmem:v28+s12+$0x0], $0xffff  }
0xbe: {  	v60 =	vor.u32 v13, v35;
	v28 =	vor.u32 v18, v57;
	v39 =	vld.idx.msk [tilespmem:v50+s12+$0x0], $0xffff;
	[tilespmem:v30+s16+$0x0] =	vst.idx.msk $0xffff, v44  }
0xbf: {  	v52 =	vor.u32 v0, v28;
	[tilespmem:v45+s16+$0x0] =	vst.idx.msk $0xffff, v47;
	v42 =	vld.idx.msk [tilespmem:v42+s12+$0x0], $0xffff  }
0xc0: {  	v55 =	vor.u32 v7, v37;
	v50 =	vor.u32 v14, v23;
	v51 =	vld.idx.msk [tilespmem:v51+s12+$0x0], $0xffff;
	[tilespmem:v62+s16+$0x0] =	vst.idx.msk $0xffff, v32  }
0xc1: {  	v56 =	vor.u32 v10, v41;
	v61 =	vor.u32 v2, v27;
	[tilespmem:v63+s16+$0x0] =	vst.idx.msk $0xffff, v49;
	v40 =	vld.idx.msk [tilespmem:v58+s12+$0x0], $0xffff  }
0xc2: {  	v62 =	vor.u32 v13, v36;
	v63 =	vor.u32 v8, v41;
	v43 =	vld.idx.msk [tilespmem:v59+s12+$0x0], $0xffff;
	[tilespmem:$0x1FFF0] =	vst v41  }
0xc3: {  	v48 =	vor.u32 $0x10, v19;
	v54 =	vor.u32 v14, v24;
	v58 =	vor.u32 v3, v29;
	[tilespmem:v60+s16+$0x0] =	vst.idx.msk $0xffff, v39  }
0xc4: {  	v57 =	vor.u32 v7, v25;
	v32 =	vand.u32 $0x1F, v48;
	v60 =	vor.u32 v4, v26;
	[tilespmem:v52+s16+$0x0] =	vst.idx.msk $0xffff, v46  }
0xc5: {  	v46 =	vor.u32 v8, v38;
	[tilespmem:v55+s16+$0x0] =	vst.idx.msk $0xffff, v42;
	v42 =	vld.idx.msk [tilespmem:v50+s12+$0x0], $0xffff;
	v50 =	vor.u32 v15, v35  }
0xc6: {  	v36 =	vor.u32 v15, v36;
	v45 =	vor.u32 v1, v32;
	v44 =	vld.idx.msk [tilespmem:v61+s12+$0x0], $0xffff;
	v61 =	vor.u32 v3, v28  }
0xc7: {  	v55 =	vor.u32 v9, v25;
	[tilespmem:v62+s16+$0x0] =	vst.idx.msk $0xffff, v51;
	v49 =	vld.idx.msk [tilespmem:v63+s12+$0x0], $0xffff;
	v63 =	vor.u32 v9, v37  }
0xc8: {  	v51 =	vor.u32 v4, v27;
	v62 =	vshll.u32 v48, $0x7;
	v48 =	vor.u32 $0x10, v21;
	v54 =	vld.idx.msk [tilespmem:v54+s12+$0x0], $0xffff;
	[tilespmem:v58+s16+$0x0] =	vst.idx.msk $0xffff, v43  }
0xc9: {  	v33 =	vand.u32 $0x380, v33;
	[tilespmem:v57+s16+$0x0] =	vst.idx.msk $0xffff, v40;
	v35 =	vand.u32 $0x1F, v48;
	v39 =	vld.idx.msk [tilespmem:v60+s12+$0x0], $0xffff;
	v60 =	vor.u32 v5, v29  }
0xca: {  	v30 =	vand.u32 $0x380, v34;
	v34 =	vand.u32 $0xC00, v62;
	v43 =	vld.idx.msk [tilespmem:v46+s12+$0x0], $0xffff;
	v46 =	vor.u32 v1, v35;
	[tilespmem:v50+s16+$0x0] =	vst.idx.msk $0xffff, v42  }
0xcb: {  	v62 =	vor.u32 v6, v26;
	v48 =	vshll.u32 v48, $0x7;
	v34 =	vor.u32 v30, v34;
	[tilespmem:v61+s16+$0x0] =	vst.idx.msk $0xffff, v44  }
0xcc: {  	s10 =	simm.s32 $0x6;
	v42 =	vor.u32 v0, v34;
	v61 =	vor.u32 v10, v38;
	v45 =	vld.idx.msk [tilespmem:v45+s12+$0x0], $0xffff;
	[tilespmem:v63+s16+$0x0] =	vst.idx.msk $0xffff, v49  }
0xcd: {  	v20 =	vadd.s32 s10, v0;
	v58 =	vor.u32 v5, v28;
	v51 =	vld.idx.msk [tilespmem:v51+s12+$0x0], $0xffff;
	[tilespmem:v36+s16+$0x0] =	vst.idx.msk $0xffff, v54;
	v63 =	vand.u32 $0xC00, v48  }
0xce: {  	v54 =	vor.u32 v11, v37;
	v49 =	vld.idx.msk [tilespmem:v56+s12+$0x0], $0xffff;
	v36 =	vor.u32 v33, v63;
	[tilespmem:v60+s16+$0x0] =	vst.idx.msk $0xffff, v39  }
0xcf: {  	v31 =	vand.u32 $0xF, v20;
	v53 =	vld.idx.msk [tilespmem:v46+s12+$0x0], $0xffff;
	[tilespmem:v55+s16+$0x0] =	vst.idx.msk $0xffff, v43;
	v43 =	vor.u32 v0, v36  }
0xd0: {  	v47 =	vor.u32 v1, v31;
	v63 =	vor.u32 v7, v29;
	v60 =	vld.idx.msk [tilespmem:v62+s12+$0x0], $0xffff  }
0xd1: {  	v52 =	vor.u32 v2, v32;
	v57 =	vld.idx.msk [tilespmem:v61+s12+$0x0], $0xffff;
	v61 =	vor.u32 v11, v25;
	[tilespmem:v42+s16+$0x0] =	vst.idx.msk $0xffff, v45  }
0xd2: {  	[tilespmem:v58+s16+$0x0] =	vst.idx.msk $0xffff, v51  }
0xd3: {  	v48 =	vor.u32 v6, v27;
	[tilespmem:v54+s16+$0x0] =	vst.idx.msk $0xffff, v49  }
0xd4: {  	v56 =	vor.u32 v12, v41;
	[tilespmem:v43+s16+$0x0] =	vst.idx.msk $0xffff, v53  }
0xd5: {  	v40 =	vshll.u32 v20, $0x7;
	v59 =	vor.u32 v2, v35;
	v62 =	vld.idx.msk [tilespmem:v47+s12+$0x0], $0xffff;
	[tilespmem:v63+s16+$0x0] =	vst.idx.msk $0xffff, v60  }
0xd6: {  	v39 =	vand.u32 $0x780, v40;
	v45 =	vor.u32 v8, v26;
	v47 =	vld.idx.msk [tilespmem:v52+s12+$0x0], $0xffff;
	[tilespmem:v61+s16+$0x0] =	vst.idx.msk $0xffff, v57  }
0xd7: {  	v41 =	vor.u32 v0, v39;
	v58 =	vor.u32 v12, v38;
	v43 =	vld [tilespmem:$0x1FFF0]  }
0xd8: {  	v44 =	vld.idx.msk [tilespmem:v48+s12+$0x0], $0xffff  }
0xd9: {  	v46 =	vor.u32 v7, v28;
	v42 =	vld.idx.msk [tilespmem:v56+s12+$0x0], $0xffff  }
0xda: {  	v50 =	vor.u32 v4, v32;
	v55 =	vor.u32 v8, v27;
	v54 =	vor.u32 v3, v34;
	v48 =	vld.idx.msk [tilespmem:v59+s12+$0x0], $0xffff  }
0xdb: {  	v51 =	vor.u32 v13, v37;
	v52 =	vor.u32 v3, v36;
	v56 =	vor.u32 v4, v35;
	v49 =	vld.idx.msk [tilespmem:v45+s12+$0x0], $0xffff  }
0xdc: {  	s31 =	simm.s32 $0x8;
	s1 =	simm.s32 $0x7;
	v57 =	vor.u32 v13, v25;
	[tilespmem:v41+s16+$0x0] =	vst.idx.msk $0xffff, v62;
	v53 =	vor.u32 v14, v43;
	v43 =	vld.idx.msk [tilespmem:v58+s12+$0x0], $0xffff  }
.LBB2_3:
0xdd: {  	v45 =	vadd.s32 s1, v0;
	v58 =	vor.u32 v9, v29;
	v38 =	vor.u32 v14, v38  }
0xde: {  	p1 =	slt.u32 s31, $0xE;
	[tilespmem:v46+s16+$0x0] =	vst.idx.msk $0xffff, v44;
	v46 =	vmovc v23;
	v23 =	vmovc v31;
	v31 =	vmov v17;
	v17 =	vmov v30;
	v30 =	vmov v18  }
0xdf: {  	v44 =	vor.u32 v10, v26;
	v18 =	vmov v33;
	v41 =	vand.u32 $0xF, v45;
	[tilespmem:v54+s16+$0x0] =	vst.idx.msk $0xffff, v47;
	v47 =	vld.idx.msk [tilespmem:v55+s12+$0x0], $0xffff  }
0xe0: {  	v55 =	vor.u32 v9, v28;
	v54 =	vor.u32 v1, v41;
	v50 =	vld.idx.msk [tilespmem:v50+s12+$0x0], $0xffff;
	[tilespmem:v51+s16+$0x0] =	vst.idx.msk $0xffff, v42  }
0xe1: {  	v42 =	vor.u32 v5, v34;
	[tilespmem:v52+s16+$0x0] =	vst.idx.msk $0xffff, v48;
	v48 =	vor.u32 v10, v27;
	v51 =	vld.idx.msk [tilespmem:v53+s12+$0x0], $0xffff  }
0xe2: {  	v37 =	vor.u32 v15, v37;
	v52 =	vor.u32 v6, v32;
	v53 =	vld.idx.msk [tilespmem:v56+s12+$0x0], $0xffff;
	[tilespmem:v57+s16+$0x0] =	vst.idx.msk $0xffff, v43  }
0xe3: {  	v43 =	vor.u32 v2, v23;
	v56 =	vor.u32 v5, v36;
	[tilespmem:v58+s16+$0x0] =	vst.idx.msk $0xffff, v49;
	v38 =	vld.idx.msk [tilespmem:v38+s12+$0x0], $0xffff  }
0xe4: {  	v25 =	vor.u32 v15, v25;
	v33 =	vshll.u32 v45, $0x7;
	v49 =	vor.u32 v6, v35;
	v57 =	vld.idx.msk [tilespmem:v44+s12+$0x0], $0xffff  }
0xe5: {  	v58 =	vor.u32 v11, v29;
	v44 =	vand.u32 $0x780, v33;
	v54 =	vld.idx.msk [tilespmem:v54+s12+$0x0], $0xffff;
	[tilespmem:v55+s16+$0x0] =	vst.idx.msk $0xffff, v47  }
0xe6: {  	v55 =	vor.u32 v0, v44;
	[tilespmem:v42+s16+$0x0] =	vst.idx.msk $0xffff, v50;
	v50 =	vor.u32 v12, v26;
	v48 =	vld.idx.msk [tilespmem:v48+s12+$0x0], $0xffff  }
0xe7: {  	v60 =	vor.u32 v11, v28;
	v59 =	vor.u32 v2, v41;
	v52 =	vld.idx.msk [tilespmem:v52+s12+$0x0], $0xffff;
	[tilespmem:v37+s16+$0x0] =	vst.idx.msk $0xffff, v51  }
0xe8: {  	v37 =	vor.u32 v7, v34;
	v51 =	vor.u32 v12, v27;
	[tilespmem:v56+s16+$0x0] =	vst.idx.msk $0xffff, v53  }
0xe9: {  	v42 =	vadd.s32 s31, v0;
	v53 =	vor.u32 v8, v32;
	v49 =	vld.idx.msk [tilespmem:v49+s12+$0x0], $0xffff;
	[tilespmem:v25+s16+$0x0] =	vst.idx.msk $0xffff, v38  }
0xea: {  	v22 =	vor.u32 $0x30, v22;
	v47 =	vand.u32 $0x7, v19;
	v38 =	vor.u32 v7, v36;
	v25 =	vld.idx.msk [tilespmem:v43+s12+$0x0], $0xffff;
	[tilespmem:v58+s16+$0x0] =	vst.idx.msk $0xffff, v57  }
0xeb: {  	v56 =	vor.u32 v3, v39;
	[tilespmem:v55+s16+$0x0] =	vst.idx.msk $0xffff, v54;
	v54 =	vor.u32 v8, v35;
	v50 =	vld.idx.msk [tilespmem:v50+s12+$0x0], $0xffff  }
0xec: {  	v58 =	vor.u32 v13, v29;
	v55 =	vor.u32 v4, v23;
	v57 =	vld.idx.msk [tilespmem:v59+s12+$0x0], $0xffff;
	[tilespmem:v60+s16+$0x0] =	vst.idx.msk $0xffff, v48  }
0xed: {  	v26 =	vor.u32 v14, v26;
	v48 =	vor.u32 v3, v44;
	[tilespmem:v37+s16+$0x0] =	vst.idx.msk $0xffff, v52;
	v37 =	vld.idx.msk [tilespmem:v51+s12+$0x0], $0xffff  }
0xee: {  	v59 =	vor.u32 v13, v28;
	v51 =	vor.u32 v8, v23;
	v52 =	vor.u32 v4, v41;
	v53 =	vld.idx.msk [tilespmem:v53+s12+$0x0], $0xffff  }
0xef: {  	v27 =	vor.u32 v14, v27;
	v43 =	vand.u32 $0x3F, v22;
	v60 =	vor.u32 v9, v34;
	[tilespmem:v38+s16+$0x0] =	vst.idx.msk $0xffff, v49  }
0xf0: {  	v38 =	vor.u32 v10, v32;
	[tilespmem:v56+s16+$0x0] =	vst.idx.msk $0xffff, v25;
	v25 =	vor.u32 v6, v23;
	v49 =	vld.idx.msk [tilespmem:v54+s12+$0x0], $0xffff  }
0xf1: {  	v54 =	vld.idx.msk [tilespmem:v55+s12+$0x0], $0xffff;
	v55 =	vor.u32 v9, v36;
	[tilespmem:v58+s16+$0x0] =	vst.idx.msk $0xffff, v50;
	v50 =	vor.u32 v2, v43  }
0xf2: {  	v56 =	vor.u32 v5, v39;
	[tilespmem:v48+s16+$0x0] =	vst.idx.msk $0xffff, v57;
	v48 =	vor.u32 v10, v35;
	v26 =	vld.idx.msk [tilespmem:v26+s12+$0x0], $0xffff  }
0xf3: {  	v29 =	vor.u32 v15, v29;
	v57 =	vor.u32 v1, v43;
	v52 =	vld.idx.msk [tilespmem:v52+s12+$0x0], $0xffff;
	[tilespmem:v59+s16+$0x0] =	vst.idx.msk $0xffff, v37  }
0xf4: {  	v22 =	vshll.u32 v22, $0x7;
	v58 =	vor.u32 v5, v44;
	[tilespmem:v60+s16+$0x0] =	vst.idx.msk $0xffff, v53;
	v27 =	vld.idx.msk [tilespmem:v27+s12+$0x0], $0xffff;
	v53 =	vor.u32 $0x30, v16  }
0xf5: {  	v28 =	vor.u32 v15, v28;
	v59 =	vor.u32 v6, v41;
	v16 =	vmovc v21;
	v60 =	vld.idx.msk [tilespmem:v38+s12+$0x0], $0xffff;
	v38 =	vand.u32 $0x3F, v53  }
0xf6: {  	v22 =	vand.u32 $0x1C00, v22;
	v21 =	vor.u32 v11, v34;
	[tilespmem:v55+s16+$0x0] =	vst.idx.msk $0xffff, v49;
	v49 =	vor.u32 v1, v38  }
0xf7: {  	v55 =	vor.u32 v12, v32;
	[tilespmem:v56+s16+$0x0] =	vst.idx.msk $0xffff, v54;
	v54 =	vor.u32 v7, v39;
	v48 =	vld.idx.msk [tilespmem:v48+s12+$0x0], $0xffff  }
0xf8: {  	v61 =	vor.u32 v11, v36;
	v37 =	vor.u32 v31, v22;
	v56 =	vld.idx.msk [tilespmem:v25+s12+$0x0], $0xffff;
	[tilespmem:v29+s16+$0x0] =	vst.idx.msk $0xffff, v26  }
0xf9: {  	v22 =	vor.u32 $0x10, v20;
	v26 =	vor.u32 v12, v35;
	v25 =	vshll.u32 v53, $0x7;
	[tilespmem:v58+s16+$0x0] =	vst.idx.msk $0xffff, v52;
	v29 =	vld.idx.msk [tilespmem:v57+s12+$0x0], $0xffff  }
0xfa: {  	v31 =	vand.u32 $0xF, v42;
	v53 =	vor.u32 v0, v37;
	v25 =	vand.u32 $0x1C00, v25;
	v52 =	vld.idx.msk [tilespmem:v59+s12+$0x0], $0xffff;
	[tilespmem:v28+s16+$0x0] =	vst.idx.msk $0xffff, v27  }
0xfb: {  	v27 =	vor.u32 v7, v44;
	v25 =	vor.u32 v30, v25;
	[tilespmem:v21+s16+$0x0] =	vst.idx.msk $0xffff, v60;
	v21 =	vld.idx.msk [tilespmem:v49+s12+$0x0], $0xffff  }
0xfc: {  	v28 =	vor.u32 v8, v41;
	v49 =	vor.u32 v12, v23;
	v30 =	vld.idx.msk [tilespmem:v55+s12+$0x0], $0xffff;
	v55 =	vor.u32 v0, v25  }
0xfd: {  	v46 =	vor.u32 $0x20, v46;
	v57 =	vor.u32 v13, v34;
	[tilespmem:v61+s16+$0x0] =	vst.idx.msk $0xffff, v48;
	v48 =	vor.u32 v2, v38  }
0xfe: {  	v32 =	vor.u32 v14, v32;
	[tilespmem:v54+s16+$0x0] =	vst.idx.msk $0xffff, v56;
	v54 =	vor.u32 v10, v23;
	v56 =	vld.idx.msk [tilespmem:v26+s12+$0x0], $0xffff  }
0xff: {  	v58 =	vor.u32 v13, v36;
	v51 =	vld.idx.msk [tilespmem:v51+s12+$0x0], $0xffff;
	[tilespmem:v53+s16+$0x0] =	vst.idx.msk $0xffff, v29;
	v53 =	vor.u32 v6, v43  }
0x100: {  	v29 =	vor.u32 v9, v39;
	[tilespmem:v27+s16+$0x0] =	vst.idx.msk $0xffff, v52;
	v27 =	vor.u32 v14, v35;
	v35 =	vld.idx.msk [tilespmem:v50+s12+$0x0], $0xffff  }
0x101: {  	v50 =	vor.u32 v3, v37;
	v52 =	vor.u32 v4, v43;
	v28 =	vld.idx.msk [tilespmem:v28+s12+$0x0], $0xffff;
	[tilespmem:v55+s16+$0x0] =	vst.idx.msk $0xffff, v21  }
0x102: {  	v26 =	vand.u32 $0x28, v46;
	v46 =	vshll.u32 v46, $0x7;
	v21 =	vor.u32 v9, v44;
	[tilespmem:v57+s16+$0x0] =	vst.idx.msk $0xffff, v30;
	v48 =	vld.idx.msk [tilespmem:v48+s12+$0x0], $0xffff  }
0x103: {  	v26 =	vor.u32 v47, v26;
	v47 =	vor.u32 v3, v25;
	v55 =	vor.u32 v10, v41;
	v32 =	vld.idx.msk [tilespmem:v32+s12+$0x0], $0xffff  }
0x104: {  	v24 =	vor.u32 $0x20, v24;
	v34 =	vor.u32 v15, v34;
	[tilespmem:v58+s16+$0x0] =	vst.idx.msk $0xffff, v56;
	v56 =	vor.u32 v4, v38  }
0x105: {  	[tilespmem:v29+s16+$0x0] =	vst.idx.msk $0xffff, v51;
	v51 =	vor.u32 v1, v26;
	v29 =	vand.u32 $0x7, v16;
	v57 =	vld.idx.msk [tilespmem:v27+s12+$0x0], $0xffff;
	v27 =	vand.u32 $0x28, v24  }
0x106: {  	v36 =	vor.u32 v15, v36;
	v54 =	vld.idx.msk [tilespmem:v54+s12+$0x0], $0xffff;
	v27 =	vor.u32 v29, v27;
	[tilespmem:v50+s16+$0x0] =	vst.idx.msk $0xffff, v35  }
0x107: {  	v35 =	vor.u32 v11, v39;
	[tilespmem:v21+s16+$0x0] =	vst.idx.msk $0xffff, v28;
	v28 =	vor.u32 v1, v27;
	v50 =	vld.idx.msk [tilespmem:v52+s12+$0x0], $0xffff  }
0x108: {  	v30 =	vand.u32 $0x380, v40;
	v52 =	vand.u32 $0x1400, v46;
	v46 =	vor.u32 v5, v37;
	v40 =	vld.idx.msk [tilespmem:v55+s12+$0x0], $0xffff;
	[tilespmem:v47+s16+$0x0] =	vst.idx.msk $0xffff, v48  }
0x109: {  	v47 =	vor.u32 v11, v44;
	v29 =	vor.u32 v17, v52;
	[tilespmem:v34+s16+$0x0] =	vst.idx.msk $0xffff, v32;
	v32 =	vld.idx.msk [tilespmem:v56+s12+$0x0], $0xffff  }
0x10a: {  	v24 =	vshll.u32 v24, $0x7;
	v21 =	vmovc v45;
	v34 =	vor.u32 v12, v41;
	v48 =	vld.idx.msk [tilespmem:v51+s12+$0x0], $0xffff;
	v51 =	vor.u32 v5, v25  }
0x10b: {  	v24 =	vand.u32 $0x1400, v24;
	v45 =	vor.u32 v0, v29;
	[tilespmem:v36+s16+$0x0] =	vst.idx.msk $0xffff, v57;
	v36 =	vor.u32 v6, v38  }
0x10c: {  	[tilespmem:v35+s16+$0x0] =	vst.idx.msk $0xffff, v54;
	v35 =	vor.u32 v2, v26;
	v52 =	vld.idx.msk [tilespmem:v28+s12+$0x0], $0xffff;
	v28 =	vor.u32 v18, v24  }
0x10d: {  	v24 =	vld.idx.msk [tilespmem:v49+s12+$0x0], $0xffff;
	v49 =	vor.u32 v14, v23;
	v54 =	vor.u32 v0, v28;
	[tilespmem:v46+s16+$0x0] =	vst.idx.msk $0xffff, v50  }
0x10e: {  	v46 =	vor.u32 v13, v39;
	[tilespmem:v47+s16+$0x0] =	vst.idx.msk $0xffff, v40;
	v40 =	vor.u32 v2, v27;
	v47 =	vld.idx.msk [tilespmem:v53+s12+$0x0], $0xffff  }
0x10f: {  	v50 =	vor.u32 v1, v31;
	v53 =	vor.u32 v7, v37;
	v34 =	vld.idx.msk [tilespmem:v34+s12+$0x0], $0xffff;
	[tilespmem:v51+s16+$0x0] =	vst.idx.msk $0xffff, v32  }
0x110: {  	v51 =	vor.u32 v13, v44;
	[tilespmem:v45+s16+$0x0] =	vst.idx.msk $0xffff, v48;
	v45 =	vor.u32 v8, v43;
	v36 =	vld.idx.msk [tilespmem:v36+s12+$0x0], $0xffff  }
0x111: {  	v56 =	vor.u32 v10, v43;
	v48 =	vor.u32 v14, v41;
	v55 =	vld.idx.msk [tilespmem:v35+s12+$0x0], $0xffff;
	v35 =	vor.u32 v7, v25  }
0x112: {  	v57 =	vor.u32 v3, v29;
	v32 =	vand.u32 $0x1F, v22;
	[tilespmem:v54+s16+$0x0] =	vst.idx.msk $0xffff, v52;
	v52 =	vor.u32 v8, v38  }
0x113: {  	[tilespmem:v46+s16+$0x0] =	vst.idx.msk $0xffff, v24;
	v46 =	vor.u32 v2, v32;
	v24 =	vor.u32 v4, v26;
	v40 =	vld.idx.msk [tilespmem:v40+s12+$0x0], $0xffff  }
0x114: {  	v58 =	vor.u32 v3, v28;
	v54 =	vor.u32 v1, v32;
	v49 =	vld.idx.msk [tilespmem:v49+s12+$0x0], $0xffff;
	[tilespmem:v53+s16+$0x0] =	vst.idx.msk $0xffff, v47  }
0x115: {  	v39 =	vor.u32 v15, v39;
	v47 =	vor.u32 v4, v27;
	[tilespmem:v51+s16+$0x0] =	vst.idx.msk $0xffff, v34;
	v45 =	vld.idx.msk [tilespmem:v45+s12+$0x0], $0xffff  }
0x116: {  	v22 =	vshll.u32 v22, $0x7;
	v53 =	vor.u32 v9, v37;
	v51 =	vor.u32 $0x10, v21;
	v48 =	vld.idx.msk [tilespmem:v48+s12+$0x0], $0xffff;
	[tilespmem:v35+s16+$0x0] =	vst.idx.msk $0xffff, v36  }
0x117: {  	v22 =	vand.u32 $0xC00, v22;
	v36 =	vor.u32 v15, v44;
	v35 =	vand.u32 $0x1F, v51;
	[tilespmem:v57+s16+$0x0] =	vst.idx.msk $0xffff, v55;
	v44 =	vld.idx.msk [tilespmem:v52+s12+$0x0], $0xffff  }
0x118: {  	v34 =	vor.u32 v30, v22;
	v22 =	vor.u32 v1, v35;
	v55 =	vor.u32 v9, v25;
	v52 =	vld.idx.msk [tilespmem:v24+s12+$0x0], $0xffff  }
0x119: {  	v57 =	vor.u32 v5, v29;
	v24 =	vmov v41;
	[tilespmem:v58+s16+$0x0] =	vst.idx.msk $0xffff, v40;
	v58 =	vor.u32 v10, v38  }
0x11a: {  	v41 =	vor.u32 v0, v34;
	[tilespmem:v39+s16+$0x0] =	vst.idx.msk $0xffff, v49;
	v49 =	vor.u32 v6, v26;
	v47 =	vld.idx.msk [tilespmem:v47+s12+$0x0], $0xffff  }
0x11b: {  	v40 =	vshll.u32 v42, $0x7;
	v39 =	vshll.u32 v51, $0x7;
	v51 =	vor.u32 v5, v28;
	v54 =	vld.idx.msk [tilespmem:v54+s12+$0x0], $0xffff;
	[tilespmem:v53+s16+$0x0] =	vst.idx.msk $0xffff, v45  }
0x11c: {  	v33 =	vand.u32 $0x380, v33;
	v45 =	vor.u32 v6, v27;
	[tilespmem:v36+s16+$0x0] =	vst.idx.msk $0xffff, v48;
	v36 =	vand.u32 $0xC00, v39;
	v48 =	vld.idx.msk [tilespmem:v56+s12+$0x0], $0xffff  }
0x11d: {  	v56 =	vor.u32 v11, v37;
	v53 =	vld.idx.msk [tilespmem:v22+s12+$0x0], $0xffff;
	v36 =	vor.u32 v33, v36;
	[tilespmem:v55+s16+$0x0] =	vst.idx.msk $0xffff, v44  }
0x11e: {  	v55 =	vor.u32 v0, v36;
	[tilespmem:v57+s16+$0x0] =	vst.idx.msk $0xffff, v52;
	v52 =	vor.u32 v12, v43;
	v57 =	vld.idx.msk [tilespmem:v58+s12+$0x0], $0xffff  }
0x11f: {  	v59 =	vor.u32 v11, v25;
	v39 =	vand.u32 $0x780, v40;
	v22 =	vmovc v19;
	v58 =	vor.u32 v2, v35;
	v49 =	vld.idx.msk [tilespmem:v49+s12+$0x0], $0xffff  }
0x120: {  	v62 =	vor.u32 v12, v38;
	v61 =	vor.u32 v7, v29;
	v60 =	vld.idx.msk [tilespmem:v50+s12+$0x0], $0xffff;
	[tilespmem:v51+s16+$0x0] =	vst.idx.msk $0xffff, v47  }
0x121: {  	v63 =	vor.u32 v0, v39;
	[tilespmem:v41+s16+$0x0] =	vst.idx.msk $0xffff, v54;
	v41 =	vor.u32 v8, v26;
	v44 =	vld.idx.msk [tilespmem:v45+s12+$0x0], $0xffff  }
.Ltmp0:
0x122: {  	v19 =	vmov v20;
	v20 =	vmov v42;
	v47 =	vld.idx.msk [tilespmem:v46+s12+$0x0], $0xffff;
	v46 =	vor.u32 v7, v28;
	[tilespmem:v56+s16+$0x0] =	vst.idx.msk $0xffff, v48;
	(pc) =	sbr.rel @p1 .LBB2_3-.Ltmp0, $4  }
0x123: {  	v54 =	vor.u32 v3, v34;
	[tilespmem:v55+s16+$0x0] =	vst.idx.msk $0xffff, v53;
	v55 =	vor.u32 v8, v27;
	v42 =	vld.idx.msk [tilespmem:v52+s12+$0x0], $0xffff  }
0x124: {  	v50 =	vor.u32 v4, v32;
	v51 =	vor.u32 v13, v37;
	v48 =	vld.idx.msk [tilespmem:v58+s12+$0x0], $0xffff;
	[tilespmem:v59+s16+$0x0] =	vst.idx.msk $0xffff, v57  }
0x125: {  	v52 =	vor.u32 v3, v36;
	v53 =	vor.u32 v14, v43;
	[tilespmem:v61+s16+$0x0] =	vst.idx.msk $0xffff, v49;
	v43 =	vld.idx.msk [tilespmem:v62+s12+$0x0], $0xffff  }
0x126: {  	s1 =	sadd.s32 $0x1, s31;
	s31 =	sadd.s32 $0x2, s31;
	v56 =	vor.u32 v4, v35;
	v57 =	vor.u32 v13, v25;
	[tilespmem:v63+s16+$0x0] =	vst.idx.msk $0xffff, v60;
	v49 =	vld.idx.msk [tilespmem:v41+s12+$0x0], $0xffff  }
0x127: {  	_ =	sdelay $0x2  }
0x128: {  	v41 =	vadd.s32 s1, v0  }
0x129: {  	[tilespmem:v46+s16+$0x0] =	vst.idx.msk $0xffff, v44;
	v38 =	vor.u32 v14, v38;
	v44 =	vand.u32 $0xF, v41  }
0x12a: {  	v45 =	vor.u32 v9, v29;
	[tilespmem:v54+s16+$0x0] =	vst.idx.msk $0xffff, v47;
	v47 =	vld.idx.msk [tilespmem:v55+s12+$0x0], $0xffff;
	v63 =	vor.u32 v1, v44  }
0x12b: {  	v46 =	vor.u32 v10, v26;
	v50 =	vld.idx.msk [tilespmem:v50+s12+$0x0], $0xffff;
	v55 =	vor.u32 v9, v28;
	[tilespmem:v51+s16+$0x0] =	vst.idx.msk $0xffff, v42  }
0x12c: {  	v62 =	vor.u32 v15, v37;
	v42 =	vor.u32 v5, v34;
	[tilespmem:v52+s16+$0x0] =	vst.idx.msk $0xffff, v48;
	v51 =	vld.idx.msk [tilespmem:v53+s12+$0x0], $0xffff  }
0x12d: {  	v48 =	vor.u32 v10, v27;
	v61 =	vld.idx.msk [tilespmem:v56+s12+$0x0], $0xffff;
	[tilespmem:v57+s16+$0x0] =	vst.idx.msk $0xffff, v43;
	v57 =	vshll.u32 v41, $0x7  }
0x12e: {  	v60 =	vor.u32 v6, v32;
	v58 =	vor.u32 v5, v36;
	v37 =	vld.idx.msk [tilespmem:v38+s12+$0x0], $0xffff;
	v38 =	vand.u32 $0x780, v57  }
0x12f: {  	v59 =	vor.u32 v2, v31;
	[tilespmem:v45+s16+$0x0] =	vst.idx.msk $0xffff, v49;
	v54 =	vor.u32 v0, v38;
	v63 =	vld.idx.msk [tilespmem:v63+s12+$0x0], $0xffff  }
0x130: {  	[tilespmem:v55+s16+$0x0] =	vst.idx.msk $0xffff, v47;
	v55 =	vor.u32 v2, v44  }
0x131: {  	v43 =	vld.idx.msk [tilespmem:v46+s12+$0x0], $0xffff;
	[tilespmem:v42+s16+$0x0] =	vst.idx.msk $0xffff, v50  }
0x132: {  	v42 =	vld.idx.msk [tilespmem:v48+s12+$0x0], $0xffff;
	[tilespmem:v62+s16+$0x0] =	vst.idx.msk $0xffff, v51  }
0x133: {  	v47 =	vld.idx.msk [tilespmem:v60+s12+$0x0], $0xffff;
	[tilespmem:v58+s16+$0x0] =	vst.idx.msk $0xffff, v61  }
0x134: {  	v58 =	vld.idx.msk [tilespmem:v59+s12+$0x0], $0xffff;
	v59 =	vor.u32 v3, v39;
	[tilespmem:v54+s16+$0x0] =	vst.idx.msk $0xffff, v63  }
0x135: {  	v60 =	vor.u32 v4, v31;
	v61 =	vor.u32 v3, v38;
	v46 =	vld.idx.msk [tilespmem:v55+s12+$0x0], $0xffff  }
0x136: {  	v62 =	vor.u32 v4, v44;
	_ =	sdelay $0x2  }
0x137: {  	[tilespmem:v59+s16+$0x0] =	vst.idx.msk $0xffff, v58  }
0x138: {  	v63 =	vor.u32 v5, v39;
	v45 =	vld.idx.msk [tilespmem:v60+s12+$0x0], $0xffff;
	[tilespmem:v61+s16+$0x0] =	vst.idx.msk $0xffff, v46  }
0x139: {  	v54 =	vor.u32 v6, v31;
	v55 =	vor.u32 v5, v38;
	v49 =	vld.idx.msk [tilespmem:v62+s12+$0x0], $0xffff  }
0x13a: {  	v56 =	vor.u32 v6, v44;
	_ =	sdelay $0x2  }
0x13b: {  	[tilespmem:v63+s16+$0x0] =	vst.idx.msk $0xffff, v45  }
0x13c: {  	v58 =	vor.u32 v7, v39;
	v46 =	vld.idx.msk [tilespmem:v54+s12+$0x0], $0xffff;
	[tilespmem:v55+s16+$0x0] =	vst.idx.msk $0xffff, v49  }
0x13d: {  	v59 =	vor.u32 v8, v31;
	v60 =	vor.u32 v7, v38;
	v49 =	vld.idx.msk [tilespmem:v56+s12+$0x0], $0xffff  }
0x13e: {  	v61 =	vor.u32 v8, v44;
	_ =	sdelay $0x2  }
0x13f: {  	[tilespmem:v58+s16+$0x0] =	vst.idx.msk $0xffff, v46  }
0x140: {  	v62 =	vor.u32 v9, v39;
	v45 =	vld.idx.msk [tilespmem:v59+s12+$0x0], $0xffff;
	[tilespmem:v60+s16+$0x0] =	vst.idx.msk $0xffff, v49  }
0x141: {  	v63 =	vor.u32 v10, v31;
	v54 =	vor.u32 v9, v38;
	v49 =	vld.idx.msk [tilespmem:v61+s12+$0x0], $0xffff  }
0x142: {  	v55 =	vor.u32 v10, v44;
	_ =	sdelay $0x2  }
0x143: {  	[tilespmem:v62+s16+$0x0] =	vst.idx.msk $0xffff, v45  }
0x144: {  	v56 =	vor.u32 v11, v39;
	v45 =	vld.idx.msk [tilespmem:v63+s12+$0x0], $0xffff;
	[tilespmem:v54+s16+$0x0] =	vst.idx.msk $0xffff, v49  }
0x145: {  	v58 =	vor.u32 v12, v31;
	v59 =	vor.u32 v11, v38;
	v49 =	vld.idx.msk [tilespmem:v55+s12+$0x0], $0xffff  }
0x146: {  	v60 =	vor.u32 v12, v44;
	_ =	sdelay $0x2  }
0x147: {  	[tilespmem:v56+s16+$0x0] =	vst.idx.msk $0xffff, v45  }
0x148: {  	v61 =	vor.u32 v13, v39;
	v45 =	vld.idx.msk [tilespmem:v58+s12+$0x0], $0xffff;
	[tilespmem:v59+s16+$0x0] =	vst.idx.msk $0xffff, v49  }
0x149: {  	v62 =	vor.u32 v14, v31;
	v63 =	vor.u32 v13, v38;
	v49 =	vld.idx.msk [tilespmem:v60+s12+$0x0], $0xffff  }
0x14a: {  	v56 =	vor.u32 v14, v44;
	_ =	sdelay $0x2  }
0x14b: {  	v58 =	vor.u32 $0x10, v20;
	[tilespmem:v61+s16+$0x0] =	vst.idx.msk $0xffff, v45  }
0x14c: {  	v59 =	vor.u32 v15, v39;
	v45 =	vand.u32 $0x1F, v58;
	v60 =	vor.u32 $0x10, v41;
	v46 =	vld.idx.msk [tilespmem:v62+s12+$0x0], $0xffff;
	[tilespmem:v63+s16+$0x0] =	vst.idx.msk $0xffff, v49  }
0x14d: {  	v61 =	vor.u32 v1, v45;
	v62 =	vor.u32 v15, v38;
	v53 =	vand.u32 $0x1F, v60;
	v50 =	vld.idx.msk [tilespmem:v56+s12+$0x0], $0xffff  }
0x14e: {  	v63 =	vor.u32 v1, v53  }
0x14f: {  	v52 =	vshll.u32 v58, $0x7  }
0x150: {  	v38 =	vand.u32 $0x380, v40;
	v48 =	vshll.u32 v60, $0x7;
	v56 =	vand.u32 $0xC00, v52  }
0x151: {  	v39 =	vand.u32 $0x380, v57;
	v57 =	vand.u32 $0xC00, v48;
	[tilespmem:v59+s16+$0x0] =	vst.idx.msk $0xffff, v46;
	v40 =	vor.u32 v38, v56  }
0x152: {  	v46 =	vor.u32 v39, v57;
	v49 =	vld.idx.msk [tilespmem:v61+s12+$0x0], $0xffff;
	v58 =	vor.u32 v0, v40;
	[tilespmem:v62+s16+$0x0] =	vst.idx.msk $0xffff, v50  }
0x153: {  	v59 =	vor.u32 v2, v45;
	v60 =	vor.u32 v0, v46;
	v51 =	vld.idx.msk [tilespmem:v63+s12+$0x0], $0xffff  }
0x154: {  	v61 =	vor.u32 v2, v53;
	_ =	sdelay $0x2  }
0x155: {  	[tilespmem:v58+s16+$0x0] =	vst.idx.msk $0xffff, v49  }
0x156: {  	v62 =	vor.u32 v6, v35;
	v63 =	vor.u32 v3, v40;
	v49 =	vld.idx.msk [tilespmem:v59+s12+$0x0], $0xffff;
	[tilespmem:v60+s16+$0x0] =	vst.idx.msk $0xffff, v51  }
0x157: {  	v51 =	vor.u32 v4, v45;
	v60 =	vor.u32 v3, v46;
	v52 =	vld.idx.msk [tilespmem:v61+s12+$0x0], $0xffff  }
0x158: {  	v55 =	vor.u32 v4, v53  }
0x159: {  	v56 =	vor.u32 v7, v34  }
0x15a: {  	v61 =	vor.u32 v8, v32  }
0x15b: {  	v48 =	vld.idx.msk [tilespmem:v62+s12+$0x0], $0xffff;
	v62 =	vor.u32 v7, v36;
	[tilespmem:v63+s16+$0x0] =	vst.idx.msk $0xffff, v49  }
0x15c: {  	v63 =	vor.u32 v8, v35;
	v50 =	vld.idx.msk [tilespmem:v51+s12+$0x0], $0xffff;
	v51 =	vor.u32 v5, v40;
	[tilespmem:v60+s16+$0x0] =	vst.idx.msk $0xffff, v52  }
0x15d: {  	v60 =	vor.u32 v6, v45;
	v54 =	vld.idx.msk [tilespmem:v55+s12+$0x0], $0xffff;
	v55 =	vor.u32 v5, v46  }
0x15e: {  	[tilespmem:v56+s16+$0x0] =	vst.idx.msk $0xffff, v47;
	v47 =	vor.u32 v6, v53  }
0x15f: {  	v56 =	vld.idx.msk [tilespmem:v61+s12+$0x0], $0xffff;
	v61 =	vor.u32 v9, v34  }
0x160: {  	[tilespmem:v62+s16+$0x0] =	vst.idx.msk $0xffff, v48;
	v62 =	vor.u32 v10, v32  }
0x161: {  	v49 =	vld.idx.msk [tilespmem:v63+s12+$0x0], $0xffff;
	v63 =	vor.u32 v9, v36;
	[tilespmem:v51+s16+$0x0] =	vst.idx.msk $0xffff, v50  }
0x162: {  	v50 =	vor.u32 v10, v35;
	v51 =	vld.idx.msk [tilespmem:v60+s12+$0x0], $0xffff;
	v60 =	vor.u32 v7, v40;
	[tilespmem:v55+s16+$0x0] =	vst.idx.msk $0xffff, v54  }
0x163: {  	v54 =	vor.u32 v8, v45;
	v55 =	vor.u32 v7, v46;
	v47 =	vld.idx.msk [tilespmem:v47+s12+$0x0], $0xffff  }
0x164: {  	[tilespmem:v61+s16+$0x0] =	vst.idx.msk $0xffff, v56;
	v61 =	vor.u32 v8, v53  }
0x165: {  	v48 =	vld.idx.msk [tilespmem:v62+s12+$0x0], $0xffff;
	v62 =	vor.u32 v11, v34  }
0x166: {  	[tilespmem:v63+s16+$0x0] =	vst.idx.msk $0xffff, v49  }
0x167: {  	v58 =	vor.u32 v11, v36;
	v63 =	vor.u32 v12, v32;
	v50 =	vld.idx.msk [tilespmem:v50+s12+$0x0], $0xffff;
	[tilespmem:v60+s16+$0x0] =	vst.idx.msk $0xffff, v51  }
0x168: {  	v60 =	vor.u32 v12, v35;
	v52 =	vld.idx.msk [tilespmem:v54+s12+$0x0], $0xffff;
	v54 =	vor.u32 v9, v40;
	[tilespmem:v55+s16+$0x0] =	vst.idx.msk $0xffff, v47  }
0x169: {  	v47 =	vor.u32 v10, v45;
	v55 =	vld.idx.msk [tilespmem:v61+s12+$0x0], $0xffff;
	v61 =	vor.u32 v9, v46  }
0x16a: {  	[tilespmem:v62+s16+$0x0] =	vst.idx.msk $0xffff, v48;
	v62 =	vor.u32 v10, v53;
	_ =	sdelay $0x1  }
0x16b: {  	v49 =	vld.idx.msk [tilespmem:v63+s12+$0x0], $0xffff;
	v63 =	vor.u32 v13, v34;
	[tilespmem:v58+s16+$0x0] =	vst.idx.msk $0xffff, v50  }
0x16c: {  	v32 =	vor.u32 v14, v32;
	v50 =	vld.idx.msk [tilespmem:v60+s12+$0x0], $0xffff;
	v60 =	vor.u32 v13, v36;
	[tilespmem:v54+s16+$0x0] =	vst.idx.msk $0xffff, v52  }
0x16d: {  	v35 =	vor.u32 v14, v35;
	v52 =	vor.u32 v11, v40;
	v47 =	vld.idx.msk [tilespmem:v47+s12+$0x0], $0xffff;
	[tilespmem:v61+s16+$0x0] =	vst.idx.msk $0xffff, v55  }
0x16e: {  	v23 =	vor.u32 $0x20, v23;
	v54 =	vor.u32 v12, v45;
	v55 =	vor.u32 v11, v46;
	v48 =	vld.idx.msk [tilespmem:v62+s12+$0x0], $0xffff  }
0x16f: {  	v57 =	vor.u32 v12, v53;
	v53 =	vor.u32 v14, v53;
	v34 =	vor.u32 v15, v34  }
0x170: {  	v45 =	vor.u32 v14, v45;
	[tilespmem:v63+s16+$0x0] =	vst.idx.msk $0xffff, v49;
	v61 =	vand.u32 $0x7, v19;
	v62 =	vand.u32 $0x28, v23  }
0x171: {  	v63 =	vshll.u32 v23, $0x7;
	v59 =	vld.idx.msk [tilespmem:v32+s12+$0x0], $0xffff;
	v32 =	vor.u32 v61, v62;
	[tilespmem:v60+s16+$0x0] =	vst.idx.msk $0xffff, v50;
	v60 =	vor.u32 $0x20, v24  }
0x172: {  	v61 =	vor.u32 v15, v36;
	v50 =	vor.u32 v1, v32;
	v35 =	vld.idx.msk [tilespmem:v35+s12+$0x0], $0xffff;
	[tilespmem:v52+s16+$0x0] =	vst.idx.msk $0xffff, v47  }
0x173: {  	v23 =	vand.u32 $0x7, v21;
	v62 =	vor.u32 v13, v40;
	v24 =	vand.u32 $0x28, v60;
	v47 =	vld.idx.msk [tilespmem:v54+s12+$0x0], $0xffff;
	[tilespmem:v55+s16+$0x0] =	vst.idx.msk $0xffff, v48  }
0x174: {  	v23 =	vor.u32 v23, v24;
	v24 =	vand.u32 $0x1400, v63;
	v63 =	vor.u32 v13, v46;
	v48 =	vld.idx.msk [tilespmem:v57+s12+$0x0], $0xffff  }
0x175: {  	v58 =	vshll.u32 v60, $0x7;
	v60 =	vor.u32 $0x20, v31;
	v46 =	vor.u32 v15, v46  }
0x176: {  	v31 =	vand.u32 $0x7, v20;
	v54 =	vor.u32 v1, v23;
	v24 =	vor.u32 v30, v24;
	[tilespmem:v34+s16+$0x0] =	vst.idx.msk $0xffff, v59  }
0x177: {  	v56 =	vand.u32 $0x28, v60;
	v34 =	vand.u32 $0x1400, v58;
	v59 =	vor.u32 v0, v24;
	v50 =	vld.idx.msk [tilespmem:v50+s12+$0x0], $0xffff;
	[tilespmem:v61+s16+$0x0] =	vst.idx.msk $0xffff, v35  }
0x178: {  	v31 =	vor.u32 v31, v56;
	v58 =	vor.u32 $0x20, v44;
	v57 =	vor.u32 v2, v32;
	[tilespmem:v62+s16+$0x0] =	vst.idx.msk $0xffff, v47  }
0x179: {  	v61 =	vand.u32 $0x7, v41;
	v62 =	vand.u32 $0x28, v58;
	v44 =	vld.idx.msk [tilespmem:v45+s12+$0x0], $0xffff;
	v45 =	vor.u32 v15, v40;
	[tilespmem:v63+s16+$0x0] =	vst.idx.msk $0xffff, v48  }
0x17a: {  	v56 =	vor.u32 v4, v32;
	v40 =	vor.u32 v61, v62;
	v63 =	vor.u32 v1, v31;
	v51 =	vld.idx.msk [tilespmem:v53+s12+$0x0], $0xffff  }
0x17b: {  	v34 =	vor.u32 v33, v34;
	v55 =	vor.u32 v3, v24;
	v52 =	vor.u32 v1, v40  }
0x17c: {  	v47 =	vld.idx.msk [tilespmem:v54+s12+$0x0], $0xffff;
	v54 =	vor.u32 v2, v23;
	[tilespmem:v59+s16+$0x0] =	vst.idx.msk $0xffff, v50;
	v59 =	vshll.u32 v60, $0x7  }
0x17d: {  	v61 =	vshll.u32 v58, $0x7;
	v53 =	vor.u32 v0, v34;
	v60 =	vand.u32 $0x1400, v59  }
0x17e: {  	v62 =	vand.u32 $0x1400, v61;
	v50 =	vld.idx.msk [tilespmem:v57+s12+$0x0], $0xffff;
	v35 =	vor.u32 v38, v60;
	[tilespmem:v45+s16+$0x0] =	vst.idx.msk $0xffff, v44  }
0x17f: {  	v36 =	vor.u32 v39, v62;
	v44 =	vld.idx.msk [tilespmem:v63+s12+$0x0], $0xffff;
	v63 =	vor.u32 v0, v35;
	[tilespmem:v46+s16+$0x0] =	vst.idx.msk $0xffff, v51  }
0x180: {  	v57 =	vor.u32 v2, v31;
	v59 =	vor.u32 v0, v36;
	v58 =	vld.idx.msk [tilespmem:v52+s12+$0x0], $0xffff  }
0x181: {  	v60 =	vor.u32 v2, v40  }
0x182: {  	[tilespmem:v53+s16+$0x0] =	vst.idx.msk $0xffff, v47  }
0x183: {  	v47 =	vld.idx.msk [tilespmem:v54+s12+$0x0], $0xffff;
	v52 =	vor.u32 v3, v34;
	[tilespmem:v55+s16+$0x0] =	vst.idx.msk $0xffff, v50  }
0x184: {  	v50 =	vor.u32 v4, v23;
	v54 =	vor.u32 v5, v24;
	v53 =	vld.idx.msk [tilespmem:v56+s12+$0x0], $0xffff;
	[tilespmem:v63+s16+$0x0] =	vst.idx.msk $0xffff, v44  }
0x185: {  	v61 =	vor.u32 v3, v35;
	v44 =	vor.u32 v6, v32;
	v45 =	vld.idx.msk [tilespmem:v57+s12+$0x0], $0xffff;
	[tilespmem:v59+s16+$0x0] =	vst.idx.msk $0xffff, v58  }
0x186: {  	v62 =	vor.u32 v4, v31;
	v51 =	vor.u32 v3, v36;
	v55 =	vor.u32 v5, v36;
	v49 =	vld.idx.msk [tilespmem:v60+s12+$0x0], $0xffff  }
0x187: {  	v56 =	vor.u32 v4, v40;
	v63 =	vor.u32 v11, v29;
	v57 =	vor.u32 v12, v26  }
0x188: {  	v26 =	vor.u32 v14, v26;
	[tilespmem:v52+s16+$0x0] =	vst.idx.msk $0xffff, v47;
	v60 =	vor.u32 v11, v28  }
0x189: {  	v47 =	vor.u32 v12, v27;
	v52 =	vor.u32 v5, v34;
	v50 =	vld.idx.msk [tilespmem:v50+s12+$0x0], $0xffff;
	[tilespmem:v54+s16+$0x0] =	vst.idx.msk $0xffff, v53  }
0x18a: {  	v53 =	vor.u32 v6, v23;
	v54 =	vor.u32 v7, v24;
	v44 =	vld.idx.msk [tilespmem:v44+s12+$0x0], $0xffff;
	[tilespmem:v61+s16+$0x0] =	vst.idx.msk $0xffff, v45  }
0x18b: {  	v61 =	vor.u32 v8, v32;
	v46 =	vld.idx.msk [tilespmem:v62+s12+$0x0], $0xffff;
	v62 =	vor.u32 v5, v35;
	[tilespmem:v51+s16+$0x0] =	vst.idx.msk $0xffff, v49  }
0x18c: {  	[tilespmem:v63+s16+$0x0] =	vst.idx.msk $0xffff, v43;
	v63 =	vor.u32 v6, v31;
	v43 =	vor.u32 v15, v25;
	v51 =	vld.idx.msk [tilespmem:v56+s12+$0x0], $0xffff  }
0x18d: {  	v25 =	vld.idx.msk [tilespmem:v57+s12+$0x0], $0xffff;
	v57 =	vor.u32 v13, v29;
	[tilespmem:v60+s16+$0x0] =	vst.idx.msk $0xffff, v42;
	v60 =	vor.u32 v6, v40  }
0x18e: {  	v27 =	vor.u32 v14, v27;
	v58 =	vor.u32 v9, v36;
	[tilespmem:v52+s16+$0x0] =	vst.idx.msk $0xffff, v50;
	v47 =	vld.idx.msk [tilespmem:v47+s12+$0x0], $0xffff  }
0x18f: {  	v52 =	vor.u32 v7, v34;
	v56 =	vor.u32 $0x30, v22;
	v50 =	vld.idx.msk [tilespmem:v53+s12+$0x0], $0xffff;
	[tilespmem:v54+s16+$0x0] =	vst.idx.msk $0xffff, v44  }
0x190: {  	v44 =	vor.u32 v8, v23;
	v45 =	vld.idx.msk [tilespmem:v61+s12+$0x0], $0xffff;
	v61 =	vor.u32 v9, v24;
	[tilespmem:v62+s16+$0x0] =	vst.idx.msk $0xffff, v46  }
0x191: {  	v62 =	vor.u32 v10, v32;
	v48 =	vld.idx.msk [tilespmem:v63+s12+$0x0], $0xffff;
	v63 =	vor.u32 v7, v35;
	[tilespmem:v55+s16+$0x0] =	vst.idx.msk $0xffff, v51  }
0x192: {  	v54 =	vor.u32 v8, v31;
	[tilespmem:v57+s16+$0x0] =	vst.idx.msk $0xffff, v25;
	v42 =	vld.idx.msk [tilespmem:v60+s12+$0x0], $0xffff;
	v60 =	vor.u32 v7, v36  }
0x193: {  	v29 =	vor.u32 v15, v29;
	v22 =	vand.u32 $0x3F, v56;
	v25 =	vor.u32 v8, v40;
	v26 =	vld.idx.msk [tilespmem:v26+s12+$0x0], $0xffff  }
0x194: {  	v59 =	vshll.u32 v56, $0x7;
	v56 =	vor.u32 v11, v35;
	v51 =	vor.u32 v13, v28;
	[tilespmem:v52+s16+$0x0] =	vst.idx.msk $0xffff, v50  }
0x195: {  	v57 =	vor.u32 v2, v22;
	v52 =	vor.u32 v9, v34;
	v44 =	vld.idx.msk [tilespmem:v44+s12+$0x0], $0xffff;
	[tilespmem:v61+s16+$0x0] =	vst.idx.msk $0xffff, v45  }
0x196: {  	v61 =	vor.u32 v10, v23;
	v46 =	vld.idx.msk [tilespmem:v62+s12+$0x0], $0xffff;
	v62 =	vor.u32 v11, v24;
	[tilespmem:v63+s16+$0x0] =	vst.idx.msk $0xffff, v48  }
0x197: {  	v63 =	vor.u32 v12, v32;
	v49 =	vld.idx.msk [tilespmem:v54+s12+$0x0], $0xffff;
	v54 =	vor.u32 v9, v35;
	[tilespmem:v60+s16+$0x0] =	vst.idx.msk $0xffff, v42  }
0x198: {  	v50 =	vor.u32 v1, v22;
	[tilespmem:v29+s16+$0x0] =	vst.idx.msk $0xffff, v26;
	v42 =	vor.u32 v10, v31;
	v25 =	vld.idx.msk [tilespmem:v25+s12+$0x0], $0xffff  }
0x199: {  	v28 =	vor.u32 v15, v28;
	v26 =	vor.u32 v10, v40;
	v29 =	vand.u32 $0x1C00, v59;
	[tilespmem:v51+s16+$0x0] =	vst.idx.msk $0xffff, v47  }
0x19a: {  	v59 =	vor.u32 v11, v36;
	v32 =	vor.u32 v14, v32;
	v27 =	vld.idx.msk [tilespmem:v27+s12+$0x0], $0xffff;
	[tilespmem:v52+s16+$0x0] =	vst.idx.msk $0xffff, v44  }
0x19b: {  	v17 =	vor.u32 v17, v29;
	v45 =	vld.idx.msk [tilespmem:v61+s12+$0x0], $0xffff;
	v61 =	vor.u32 v11, v34;
	[tilespmem:v62+s16+$0x0] =	vst.idx.msk $0xffff, v46  }
0x19c: {  	v60 =	vor.u32 $0x30, v16;
	v48 =	vld.idx.msk [tilespmem:v63+s12+$0x0], $0xffff;
	v63 =	vor.u32 v13, v24;
	[tilespmem:v54+s16+$0x0] =	vst.idx.msk $0xffff, v49  }
0x19d: {  	v16 =	vand.u32 $0x3F, v60;
	v62 =	vor.u32 v12, v23;
	v42 =	vld.idx.msk [tilespmem:v42+s12+$0x0], $0xffff;
	[tilespmem:v58+s16+$0x0] =	vst.idx.msk $0xffff, v25  }
0x19e: {  	v44 =	vor.u32 v1, v16;
	v23 =	vor.u32 v14, v23;
	v58 =	vor.u32 v12, v31;
	v26 =	vld.idx.msk [tilespmem:v26+s12+$0x0], $0xffff  }
0x19f: {  	v24 =	vor.u32 v15, v24;
	[tilespmem:v28+s16+$0x0] =	vst.idx.msk $0xffff, v27;
	v27 =	vor.u32 v12, v40  }
0x1a0: {  	v28 =	vor.u32 v0, v17;
	v40 =	vor.u32 v14, v40;
	v25 =	vshll.u32 v60, $0x7;
	[tilespmem:v61+s16+$0x0] =	vst.idx.msk $0xffff, v45  }
0x1a1: {  	v60 =	vor.u32 v13, v34;
	v61 =	vor.u32 $0x30, v19;
	v25 =	vand.u32 $0x1C00, v25;
	[tilespmem:v63+s16+$0x0] =	vst.idx.msk $0xffff, v48  }
0x1a2: {  	v34 =	vor.u32 v15, v34;
	v18 =	vor.u32 v18, v25;
	v25 =	vld.idx.msk [tilespmem:v62+s12+$0x0], $0xffff;
	[tilespmem:v56+s16+$0x0] =	vst.idx.msk $0xffff, v42  }
0x1a3: {  	v19 =	vand.u32 $0x3F, v61;
	v62 =	vor.u32 v13, v35;
	v46 =	vld.idx.msk [tilespmem:v58+s12+$0x0], $0xffff;
	[tilespmem:v59+s16+$0x0] =	vst.idx.msk $0xffff, v26  }
0x1a4: {  	v48 =	vor.u32 v2, v16;
	v26 =	vor.u32 v14, v31;
	v31 =	vor.u32 v13, v36;
	v27 =	vld.idx.msk [tilespmem:v27+s12+$0x0], $0xffff  }
0x1a5: {  	v49 =	vor.u32 v2, v19;
	v63 =	vor.u32 v1, v19;
	v32 =	vld.idx.msk [tilespmem:v32+s12+$0x0], $0xffff;
	v56 =	vor.u32 $0x30, v21  }
0x1a6: {  	[tilespmem:v43+s16+$0x0] =	vst.idx.msk $0xffff, v37;
	v35 =	vor.u32 v15, v35;
	v29 =	vor.u32 v0, v18;
	v21 =	vand.u32 $0x3F, v56  }
0x1a7: {  	v50 =	vld.idx.msk [tilespmem:v50+s12+$0x0], $0xffff;
	v36 =	vor.u32 v15, v36;
	v52 =	vor.u32 v2, v21;
	[tilespmem:v60+s16+$0x0] =	vst.idx.msk $0xffff, v25  }
0x1a8: {  	v25 =	vshll.u32 v61, $0x7;
	v60 =	vor.u32 v1, v21;
	v61 =	vor.u32 $0x30, v20;
	v45 =	vld.idx.msk [tilespmem:v23+s12+$0x0], $0xffff;
	[tilespmem:v62+s16+$0x0] =	vst.idx.msk $0xffff, v46  }
0x1a9: {  	v58 =	vand.u32 $0x1C00, v25;
	v23 =	vand.u32 $0x3F, v61;
	v26 =	vld.idx.msk [tilespmem:v26+s12+$0x0], $0xffff;
	[tilespmem:v31+s16+$0x0] =	vst.idx.msk $0xffff, v27;
	v27 =	vor.u32 $0x30, v41  }
0x1aa: {  	[tilespmem:v24+s16+$0x0] =	vst.idx.msk $0xffff, v32;
	v24 =	vshll.u32 v56, $0x7;
	v31 =	vor.u32 v1, v23;
	v40 =	vld.idx.msk [tilespmem:v40+s12+$0x0], $0xffff;
	v25 =	vand.u32 $0x3F, v27  }
0x1ab: {  	v59 =	vld.idx.msk [tilespmem:v44+s12+$0x0], $0xffff;
	v20 =	vor.u32 v30, v58;
	v24 =	vand.u32 $0x1C00, v24;
	v62 =	vor.u32 v1, v25  }
0x1ac: {  	v47 =	vshll.u32 v61, $0x7;
	v30 =	vld.idx.msk [tilespmem:v63+s12+$0x0], $0xffff;
	v63 =	vor.u32 v0, v20;
	v24 =	vor.u32 v33, v24  }
0x1ad: {  	v33 =	vand.u32 $0x1C00, v47;
	v51 =	vor.u32 v0, v24;
	[tilespmem:v34+s16+$0x0] =	vst.idx.msk $0xffff, v45;
	v27 =	vshll.u32 v27, $0x7  }
0x1ae: {  	v34 =	vld.idx.msk [tilespmem:v60+s12+$0x0], $0xffff;
	v27 =	vand.u32 $0x1C00, v27;
	[tilespmem:v35+s16+$0x0] =	vst.idx.msk $0xffff, v26;
	v26 =	vor.u32 v38, v33  }
0x1af: {  	v27 =	vor.u32 v39, v27;
	v31 =	vld.idx.msk [tilespmem:v31+s12+$0x0], $0xffff;
	v33 =	vor.u32 v0, v26;
	[tilespmem:v36+s16+$0x0] =	vst.idx.msk $0xffff, v40  }
0x1b0: {  	[tilespmem:v28+s16+$0x0] =	vst.idx.msk $0xffff, v50;
	v28 =	vor.u32 v2, v23;
	v54 =	vor.u32 v0, v27;
	v53 =	vld.idx.msk [tilespmem:v62+s12+$0x0], $0xffff  }
0x1b1: {  	v55 =	vld.idx.msk [tilespmem:v57+s12+$0x0], $0xffff;
	v56 =	vor.u32 v3, v17;
	[tilespmem:v29+s16+$0x0] =	vst.idx.msk $0xffff, v59;
	v29 =	vor.u32 v2, v25  }
0x1b2: {  	v57 =	vor.u32 v4, v22;
	v59 =	vor.u32 v3, v18;
	v58 =	vld.idx.msk [tilespmem:v48+s12+$0x0], $0xffff;
	[tilespmem:v63+s16+$0x0] =	vst.idx.msk $0xffff, v30  }
0x1b3: {  	v61 =	vor.u32 v3, v20;
	v30 =	vor.u32 v4, v16;
	v60 =	vld.idx.msk [tilespmem:v49+s12+$0x0], $0xffff;
	[tilespmem:v51+s16+$0x0] =	vst.idx.msk $0xffff, v34  }
0x1b4: {  	v63 =	vor.u32 v3, v24;
	v62 =	vor.u32 v4, v19;
	v37 =	vld.idx.msk [tilespmem:v52+s12+$0x0], $0xffff;
	[tilespmem:v33+s16+$0x0] =	vst.idx.msk $0xffff, v31  }
0x1b5: {  	v48 =	vor.u32 v3, v26;
	v31 =	vor.u32 v4, v21;
	v28 =	vld.idx.msk [tilespmem:v28+s12+$0x0], $0xffff;
	[tilespmem:v54+s16+$0x0] =	vst.idx.msk $0xffff, v53  }
0x1b6: {  	[tilespmem:v56+s16+$0x0] =	vst.idx.msk $0xffff, v55;
	v49 =	vor.u32 v4, v23;
	v50 =	vor.u32 v3, v27;
	v29 =	vld.idx.msk [tilespmem:v29+s12+$0x0], $0xffff  }
0x1b7: {  	v32 =	vld.idx.msk [tilespmem:v57+s12+$0x0], $0xffff;
	[tilespmem:v59+s16+$0x0] =	vst.idx.msk $0xffff, v58;
	v51 =	vor.u32 v5, v17;
	v52 =	vor.u32 v4, v25  }
0x1b8: {  	v30 =	vld.idx.msk [tilespmem:v30+s12+$0x0], $0xffff;
	[tilespmem:v61+s16+$0x0] =	vst.idx.msk $0xffff, v60;
	v53 =	vor.u32 v6, v22;
	v54 =	vor.u32 v5, v18  }
0x1b9: {  	v55 =	vor.u32 v6, v16;
	v56 =	vor.u32 v5, v20;
	v34 =	vld.idx.msk [tilespmem:v62+s12+$0x0], $0xffff;
	[tilespmem:v63+s16+$0x0] =	vst.idx.msk $0xffff, v37  }
0x1ba: {  	v57 =	vor.u32 v6, v19;
	v58 =	vor.u32 v5, v24;
	v31 =	vld.idx.msk [tilespmem:v31+s12+$0x0], $0xffff;
	[tilespmem:v48+s16+$0x0] =	vst.idx.msk $0xffff, v28  }
0x1bb: {  	v59 =	vor.u32 v5, v26;
	v28 =	vor.u32 v6, v21;
	v33 =	vld.idx.msk [tilespmem:v49+s12+$0x0], $0xffff;
	[tilespmem:v50+s16+$0x0] =	vst.idx.msk $0xffff, v29  }
0x1bc: {  	v61 =	vor.u32 v5, v27;
	[tilespmem:v51+s16+$0x0] =	vst.idx.msk $0xffff, v32;
	v29 =	vor.u32 v6, v23;
	v60 =	vld.idx.msk [tilespmem:v52+s12+$0x0], $0xffff  }
0x1bd: {  	v62 =	vor.u32 v7, v17;
	v38 =	vld.idx.msk [tilespmem:v53+s12+$0x0], $0xffff;
	[tilespmem:v54+s16+$0x0] =	vst.idx.msk $0xffff, v30;
	v30 =	vor.u32 v6, v25  }
0x1be: {  	v63 =	vor.u32 v8, v22;
	v48 =	vor.u32 v7, v18;
	[tilespmem:v56+s16+$0x0] =	vst.idx.msk $0xffff, v34;
	v41 =	vld.idx.msk [tilespmem:v55+s12+$0x0], $0xffff  }
0x1bf: {  	v49 =	vor.u32 v8, v16;
	v37 =	vld.idx.msk [tilespmem:v57+s12+$0x0], $0xffff;
	v50 =	vor.u32 v7, v20;
	[tilespmem:v58+s16+$0x0] =	vst.idx.msk $0xffff, v31  }
0x1c0: {  	v51 =	vor.u32 v7, v24;
	v31 =	vor.u32 v8, v19;
	v28 =	vld.idx.msk [tilespmem:v28+s12+$0x0], $0xffff;
	[tilespmem:v59+s16+$0x0] =	vst.idx.msk $0xffff, v33  }
0x1c1: {  	v53 =	vor.u32 v7, v26;
	v52 =	vor.u32 v8, v21;
	v29 =	vld.idx.msk [tilespmem:v29+s12+$0x0], $0xffff;
	[tilespmem:v61+s16+$0x0] =	vst.idx.msk $0xffff, v60  }
0x1c2: {  	v54 =	vor.u32 v8, v23;
	v55 =	vor.u32 v7, v27;
	[tilespmem:v62+s16+$0x0] =	vst.idx.msk $0xffff, v38;
	v30 =	vld.idx.msk [tilespmem:v30+s12+$0x0], $0xffff  }
0x1c3: {  	v56 =	vor.u32 v9, v17;
	v57 =	vor.u32 v8, v25;
	v38 =	vld.idx.msk [tilespmem:v63+s12+$0x0], $0xffff;
	[tilespmem:v48+s16+$0x0] =	vst.idx.msk $0xffff, v41  }
0x1c4: {  	v58 =	vor.u32 v10, v22;
	v59 =	vor.u32 v9, v18;
	[tilespmem:v50+s16+$0x0] =	vst.idx.msk $0xffff, v37;
	v34 =	vld.idx.msk [tilespmem:v49+s12+$0x0], $0xffff  }
0x1c5: {  	v60 =	vor.u32 v10, v16;
	v61 =	vor.u32 v9, v20;
	v31 =	vld.idx.msk [tilespmem:v31+s12+$0x0], $0xffff;
	[tilespmem:v51+s16+$0x0] =	vst.idx.msk $0xffff, v28  }
0x1c6: {  	v62 =	vor.u32 v9, v24;
	v28 =	vor.u32 v10, v19;
	v33 =	vld.idx.msk [tilespmem:v52+s12+$0x0], $0xffff;
	[tilespmem:v53+s16+$0x0] =	vst.idx.msk $0xffff, v29  }
0x1c7: {  	v63 =	vor.u32 v9, v26;
	v29 =	vor.u32 v10, v21;
	v32 =	vld.idx.msk [tilespmem:v54+s12+$0x0], $0xffff;
	[tilespmem:v55+s16+$0x0] =	vst.idx.msk $0xffff, v30  }
0x1c8: {  	v48 =	vor.u32 v9, v27;
	[tilespmem:v56+s16+$0x0] =	vst.idx.msk $0xffff, v38;
	v30 =	vor.u32 v10, v23;
	v36 =	vld.idx.msk [tilespmem:v57+s12+$0x0], $0xffff  }
0x1c9: {  	v50 =	vor.u32 v10, v25;
	v49 =	vor.u32 v11, v17;
	v39 =	vld.idx.msk [tilespmem:v58+s12+$0x0], $0xffff;
	[tilespmem:v59+s16+$0x0] =	vst.idx.msk $0xffff, v34  }
0x1ca: {  	v51 =	vor.u32 v12, v22;
	v52 =	vor.u32 v11, v18;
	v37 =	vld.idx.msk [tilespmem:v60+s12+$0x0], $0xffff;
	[tilespmem:v61+s16+$0x0] =	vst.idx.msk $0xffff, v31  }
0x1cb: {  	v53 =	vor.u32 v11, v20;
	v31 =	vor.u32 v12, v16;
	v28 =	vld.idx.msk [tilespmem:v28+s12+$0x0], $0xffff;
	[tilespmem:v62+s16+$0x0] =	vst.idx.msk $0xffff, v33  }
0x1cc: {  	v54 =	vor.u32 v12, v19;
	v55 =	vor.u32 v11, v24;
	v29 =	vld.idx.msk [tilespmem:v29+s12+$0x0], $0xffff;
	[tilespmem:v63+s16+$0x0] =	vst.idx.msk $0xffff, v32  }
0x1cd: {  	v56 =	vor.u32 v12, v21;
	v57 =	vor.u32 v11, v26;
	v30 =	vld.idx.msk [tilespmem:v30+s12+$0x0], $0xffff;
	[tilespmem:v48+s16+$0x0] =	vst.idx.msk $0xffff, v36  }
0x1ce: {  	v58 =	vor.u32 v12, v23;
	v59 =	vor.u32 v11, v27;
	[tilespmem:v49+s16+$0x0] =	vst.idx.msk $0xffff, v39;
	v34 =	vld.idx.msk [tilespmem:v50+s12+$0x0], $0xffff  }
0x1cf: {  	v60 =	vor.u32 v13, v17;
	v61 =	vor.u32 v12, v25;
	v39 =	vld.idx.msk [tilespmem:v51+s12+$0x0], $0xffff;
	[tilespmem:v52+s16+$0x0] =	vst.idx.msk $0xffff, v37  }
0x1d0: {  	v22 =	vor.u32 v14, v22;
	v62 =	vor.u32 v13, v18;
	v31 =	vld.idx.msk [tilespmem:v31+s12+$0x0], $0xffff;
	[tilespmem:v53+s16+$0x0] =	vst.idx.msk $0xffff, v28  }
0x1d1: {  	v16 =	vor.u32 v14, v16;
	v63 =	vor.u32 v13, v20;
	v28 =	vld.idx.msk [tilespmem:v54+s12+$0x0], $0xffff;
	[tilespmem:v55+s16+$0x0] =	vst.idx.msk $0xffff, v29  }
0x1d2: {  	v42 =	vor.u32 v13, v24;
	v19 =	vor.u32 v14, v19;
	v29 =	vld.idx.msk [tilespmem:v56+s12+$0x0], $0xffff;
	[tilespmem:v57+s16+$0x0] =	vst.idx.msk $0xffff, v30  }
0x1d3: {  	v43 =	vor.u32 v13, v26;
	v21 =	vor.u32 v14, v21;
	v30 =	vld.idx.msk [tilespmem:v58+s12+$0x0], $0xffff;
	[tilespmem:v59+s16+$0x0] =	vst.idx.msk $0xffff, v34  }
0x1d4: {  	v44 =	vor.u32 v13, v27;
	v23 =	vor.u32 v14, v23;
	[tilespmem:v60+s16+$0x0] =	vst.idx.msk $0xffff, v39;
	v34 =	vld.idx.msk [tilespmem:v61+s12+$0x0], $0xffff  }
0x1d5: {  	v17 =	vor.u32 v15, v17;
	v25 =	vor.u32 v14, v25;
	v22 =	vld.idx.msk [tilespmem:v22+s12+$0x0], $0xffff;
	[tilespmem:v62+s16+$0x0] =	vst.idx.msk $0xffff, v31  }
0x1d6: {  	v18 =	vor.u32 v15, v18;
	v16 =	vld.idx.msk [tilespmem:v16+s12+$0x0], $0xffff;
	[tilespmem:v63+s16+$0x0] =	vst.idx.msk $0xffff, v28  }
0x1d7: {  	v20 =	vor.u32 v15, v20;
	v19 =	vld.idx.msk [tilespmem:v19+s12+$0x0], $0xffff;
	[tilespmem:v42+s16+$0x0] =	vst.idx.msk $0xffff, v29  }
0x1d8: {  	v24 =	vor.u32 v15, v24;
	v21 =	vld.idx.msk [tilespmem:v21+s12+$0x0], $0xffff;
	[tilespmem:v43+s16+$0x0] =	vst.idx.msk $0xffff, v30  }
0x1d9: {  	v26 =	vor.u32 v15, v26;
	v23 =	vld.idx.msk [tilespmem:v23+s12+$0x0], $0xffff;
	[tilespmem:v44+s16+$0x0] =	vst.idx.msk $0xffff, v34  }
0x1da: {  	[tilespmem:v17+s16+$0x0] =	vst.idx.msk $0xffff, v22;
	v22 =	vor.u32 v15, v27;
	v17 =	vld.idx.msk [tilespmem:v25+s12+$0x0], $0xffff  }
0x1db: {  	[tilespmem:v18+s16+$0x0] =	vst.idx.msk $0xffff, v16  }
0x1dc: {  	s0 =	sshll.u32 s28, $0x14;
	[tilespmem:v20+s16+$0x0] =	vst.idx.msk $0xffff, v19  }
0x1dd: {  	s0 =	sor.u32 s6, s0;
	[tilespmem:v24+s16+$0x0] =	vst.idx.msk $0xffff, v21  }
0x1de: {  	s30 =	sor.u32 $0x3, s30;
	s31 =	sshrl.u32 s0, $0x3;
	[tilespmem:v26+s16+$0x0] =	vst.idx.msk $0xffff, v23  }
0x1df: {  	s1 =	sshll.u32 s30, $0x7;
	s0 =	sadd.s32 s2, s31;
	[tilespmem:v22+s16+$0x0] =	vst.idx.msk $0xffff, v17  }
0x1e0: {  	[hbm4b:s0+s17] =	stream.strided.scatter [tilespmem:s16], [sflag:$0x5], $0x2000, s18, s17, $0x38;
	[tilespmem:$0x12400] =	vst v63  }
0x1e1: {  	s10 =	simm.s32 $0x0;
	s0 =	sand.u32 $0x3FFFFF80, s1  }
0x1e2: {  	v26 =	vadd.s32 s10, v0;
	[tilespmem:s19], [sflag:$0x4] =	stream.indirect.gather [hbm4b:s4+s9], $0x40, s0, s9, $0xb8;
	[tilespmem:$0x12400] =	vst v63  }
0x1e3: {  	v18 =	vand.u32 $0xF, v26;
	s1 =	simm.s32 $0x1;
	_ =	swait.ge [sflag:s20], $0x2000  }
0x1e4: {  	v16 =	vor.u32 v1, v18;
	v25 =	vadd.s32 s1, v0;
	[sflag:s20] =	ssyncset.done $0x0  }
0x1e5: {  	v17 =	vand.u32 $0xF, v25;
	s0 =	simm.s32 @!p0 $0x6;
	[sflag:s20] =	ssyncadd.s32 $0xFFFFE000  }
0x1e6: {  	v19 =	vor.u32 v1, v17;
	_ =	swait.ge @!p0 [sflag:s0], $0x2000  }
0x1e7: {  	v20 =	vshll.u32 v26, $0x7;
	[sflag:s0] =	ssyncset.done @!p0 $0x0  }
0x1e8: {  	v21 =	vand.u32 $0x780, v20;
	[sflag:s0] =	ssyncadd.s32 @!p0 $0xFFFFE000  }
0x1e9: {  	v23 =	vor.u32 v0, v21;
	v22 =	vshll.u32 v25, $0x7;
	v16 =	vld.idx.msk [tilespmem:v16+s13+$0x0], $0xffff  }
0x1ea: {  	v27 =	vor.u32 v2, v18;
	v24 =	vand.u32 $0x780, v22  }
0x1eb: {  	v28 =	vor.u32 v0, v24;
	v19 =	vld.idx.msk [tilespmem:v19+s13+$0x0], $0xffff  }
0x1ec: {  	v29 =	vor.u32 v2, v17;
	_ =	sdelay $0x1  }
0x1ed: {  	[tilespmem:v23+s21+$0x0] =	vst.idx.msk $0xffff, v16  }
0x1ee: {  	v23 =	vor.u32 v3, v21;
	v16 =	vld.idx.msk [tilespmem:v27+s13+$0x0], $0xffff  }
0x1ef: {  	[tilespmem:v28+s21+$0x0] =	vst.idx.msk $0xffff, v19;
	v19 =	vor.u32 v4, v18  }
0x1f0: {  	v28 =	vor.u32 v3, v24;
	v27 =	vld.idx.msk [tilespmem:v29+s13+$0x0], $0xffff  }
0x1f1: {  	v29 =	vor.u32 v4, v17;
	_ =	sdelay $0x1  }
0x1f2: {  	[tilespmem:v23+s21+$0x0] =	vst.idx.msk $0xffff, v16  }
0x1f3: {  	v16 =	vld.idx.msk [tilespmem:v19+s13+$0x0], $0xffff;
	v19 =	vor.u32 v5, v21  }
0x1f4: {  	[tilespmem:v28+s21+$0x0] =	vst.idx.msk $0xffff, v27;
	v23 =	vor.u32 v6, v18  }
0x1f5: {  	v28 =	vor.u32 v5, v24;
	v27 =	vld.idx.msk [tilespmem:v29+s13+$0x0], $0xffff  }
0x1f6: {  	v29 =	vor.u32 v6, v17;
	_ =	sdelay $0x1  }
0x1f7: {  	[tilespmem:v19+s21+$0x0] =	vst.idx.msk $0xffff, v16  }
0x1f8: {  	v16 =	vor.u32 v7, v21;
	v19 =	vld.idx.msk [tilespmem:v23+s13+$0x0], $0xffff  }
0x1f9: {  	[tilespmem:v28+s21+$0x0] =	vst.idx.msk $0xffff, v27;
	v23 =	vor.u32 v8, v18  }
0x1fa: {  	v28 =	vor.u32 v7, v24;
	v27 =	vld.idx.msk [tilespmem:v29+s13+$0x0], $0xffff  }
0x1fb: {  	v29 =	vor.u32 v8, v17;
	_ =	sdelay $0x1  }
0x1fc: {  	[tilespmem:v16+s21+$0x0] =	vst.idx.msk $0xffff, v19  }
0x1fd: {  	v19 =	vor.u32 v9, v21;
	v16 =	vld.idx.msk [tilespmem:v23+s13+$0x0], $0xffff  }
0x1fe: {  	[tilespmem:v28+s21+$0x0] =	vst.idx.msk $0xffff, v27;
	v23 =	vor.u32 v10, v18  }
0x1ff: {  	v28 =	vor.u32 v9, v24;
	v27 =	vld.idx.msk [tilespmem:v29+s13+$0x0], $0xffff  }
0x200: {  	v29 =	vor.u32 v10, v17;
	_ =	sdelay $0x1  }
0x201: {  	[tilespmem:v19+s21+$0x0] =	vst.idx.msk $0xffff, v16  }
0x202: {  	v19 =	vor.u32 v11, v21;
	v16 =	vld.idx.msk [tilespmem:v23+s13+$0x0], $0xffff  }
0x203: {  	[tilespmem:v28+s21+$0x0] =	vst.idx.msk $0xffff, v27;
	v23 =	vor.u32 v12, v18  }
0x204: {  	v28 =	vor.u32 v11, v24;
	v27 =	vld.idx.msk [tilespmem:v29+s13+$0x0], $0xffff  }
0x205: {  	v29 =	vor.u32 v12, v17;
	_ =	sdelay $0x1  }
0x206: {  	[tilespmem:v19+s21+$0x0] =	vst.idx.msk $0xffff, v16  }
0x207: {  	v19 =	vor.u32 v13, v21;
	v16 =	vld.idx.msk [tilespmem:v23+s13+$0x0], $0xffff  }
0x208: {  	[tilespmem:v28+s21+$0x0] =	vst.idx.msk $0xffff, v27;
	v23 =	vor.u32 v14, v18  }
0x209: {  	v28 =	vor.u32 v13, v24;
	v27 =	vld.idx.msk [tilespmem:v29+s13+$0x0], $0xffff  }
0x20a: {  	v29 =	vor.u32 v14, v17;
	_ =	sdelay $0x1  }
0x20b: {  	v30 =	vor.u32 $0x10, v26;
	[tilespmem:v19+s21+$0x0] =	vst.idx.msk $0xffff, v16  }
0x20c: {  	v31 =	vand.u32 $0x1F, v30;
	v19 =	vor.u32 v15, v21;
	v16 =	vld.idx.msk [tilespmem:v23+s13+$0x0], $0xffff  }
0x20d: {  	[tilespmem:v28+s21+$0x0] =	vst.idx.msk $0xffff, v27;
	v21 =	vor.u32 $0x10, v25;
	v23 =	vor.u32 v1, v31  }
0x20e: {  	v24 =	vor.u32 v15, v24;
	v27 =	vld.idx.msk [tilespmem:v29+s13+$0x0], $0xffff;
	v32 =	vand.u32 $0x1F, v21  }
0x20f: {  	v28 =	vshll.u32 v30, $0x7;
	v45 =	vor.u32 v1, v32  }
0x210: {  	v29 =	vand.u32 $0x380, v20;
	v20 =	vand.u32 $0xC00, v28  }
0x211: {  	v21 =	vshll.u32 v21, $0x7;
	v34 =	vor.u32 v29, v20;
	[tilespmem:v19+s21+$0x0] =	vst.idx.msk $0xffff, v16  }
0x212: {  	v28 =	vand.u32 $0x380, v22;
	v16 =	vand.u32 $0xC00, v21;
	v19 =	vor.u32 v0, v34;
	v20 =	vld.idx.msk [tilespmem:v23+s13+$0x0], $0xffff  }
0x213: {  	[tilespmem:v24+s21+$0x0] =	vst.idx.msk $0xffff, v27;
	v24 =	vor.u32 v28, v16;
	v16 =	vor.u32 v2, v31  }
0x214: {  	v21 =	vld.idx.msk [tilespmem:v45+s13+$0x0], $0xffff;
	v22 =	vor.u32 v0, v24  }
0x215: {  	v23 =	vor.u32 v2, v32;
	_ =	sdelay $0x1  }
0x216: {  	[tilespmem:v19+s21+$0x0] =	vst.idx.msk $0xffff, v20  }
0x217: {  	v46 =	vor.u32 v3, v34;
	v20 =	vld.idx.msk [tilespmem:v16+s13+$0x0], $0xffff  }
0x218: {  	s10 =	simm.s32 $0x2;
	[tilespmem:v22+s21+$0x0] =	vst.idx.msk $0xffff, v21;
	v21 =	vor.u32 v4, v31  }
0x219: {  	s1 =	simm.s32 $0x3;
	v47 =	vor.u32 v3, v24;
	v22 =	vadd.s32 s10, v0;
	v23 =	vld.idx.msk [tilespmem:v23+s13+$0x0], $0xffff  }
0x21a: {  	v48 =	vor.u32 v4, v32;
	v16 =	vadd.s32 s1, v0;
	v30 =	vand.u32 $0xF, v22  }
0x21b: {  	v27 =	vand.u32 $0xF, v16;
	v49 =	vor.u32 v1, v30  }
0x21c: {  	v50 =	vor.u32 v1, v27;
	[tilespmem:v46+s21+$0x0] =	vst.idx.msk $0xffff, v20  }
0x21d: {  	v52 =	vor.u32 v5, v34;
	v51 =	vld.idx.msk [tilespmem:v21+s13+$0x0], $0xffff  }
0x21e: {  	v53 =	vor.u32 v6, v31;
	v19 =	vshll.u32 v22, $0x7;
	[tilespmem:v47+s21+$0x0] =	vst.idx.msk $0xffff, v23  }
0x21f: {  	v54 =	vor.u32 v5, v24;
	v20 =	vshll.u32 v16, $0x7;
	v21 =	vand.u32 $0x780, v19;
	v36 =	vld.idx.msk [tilespmem:v48+s13+$0x0], $0xffff  }
0x220: {  	v56 =	vor.u32 v6, v32;
	v23 =	vand.u32 $0x780, v20;
	v37 =	vld.idx.msk [tilespmem:v49+s13+$0x0], $0xffff;
	v55 =	vor.u32 v0, v21  }
0x221: {  	v57 =	vor.u32 v2, v30;
	v33 =	vld.idx.msk [tilespmem:v50+s13+$0x0], $0xffff;
	v58 =	vor.u32 v0, v23  }
0x222: {  	v59 =	vor.u32 v2, v27;
	[tilespmem:v52+s21+$0x0] =	vst.idx.msk $0xffff, v51  }
0x223: {  	v60 =	vor.u32 v7, v34;
	v35 =	vld.idx.msk [tilespmem:v53+s13+$0x0], $0xffff  }
0x224: {  	v61 =	vor.u32 v8, v31;
	[tilespmem:v54+s21+$0x0] =	vst.idx.msk $0xffff, v36  }
0x225: {  	v63 =	vor.u32 v7, v24;
	[tilespmem:v55+s21+$0x0] =	vst.idx.msk $0xffff, v37;
	v62 =	vld.idx.msk [tilespmem:v56+s13+$0x0], $0xffff  }
0x226: {  	v48 =	vor.u32 v3, v21;
	v49 =	vor.u32 v8, v32;
	[tilespmem:v58+s21+$0x0] =	vst.idx.msk $0xffff, v33;
	v41 =	vld.idx.msk [tilespmem:v57+s13+$0x0], $0xffff  }
0x227: {  	v50 =	vor.u32 v4, v30;
	v51 =	vor.u32 v3, v23;
	v33 =	vld.idx.msk [tilespmem:v59+s13+$0x0], $0xffff  }
0x228: {  	v52 =	vor.u32 v4, v27;
	[tilespmem:v60+s21+$0x0] =	vst.idx.msk $0xffff, v35  }
0x229: {  	v53 =	vor.u32 v9, v34;
	v36 =	vld.idx.msk [tilespmem:v61+s13+$0x0], $0xffff  }
0x22a: {  	v54 =	vor.u32 v10, v31;
	[tilespmem:v63+s21+$0x0] =	vst.idx.msk $0xffff, v62  }
0x22b: {  	v55 =	vor.u32 v9, v24;
	[tilespmem:v48+s21+$0x0] =	vst.idx.msk $0xffff, v41;
	v40 =	vld.idx.msk [tilespmem:v49+s13+$0x0], $0xffff  }
0x22c: {  	v56 =	vor.u32 v5, v21;
	v57 =	vor.u32 v10, v32;
	[tilespmem:v51+s21+$0x0] =	vst.idx.msk $0xffff, v33;
	v42 =	vld.idx.msk [tilespmem:v50+s13+$0x0], $0xffff  }
0x22d: {  	v58 =	vor.u32 v6, v30;
	v59 =	vor.u32 v5, v23;
	v33 =	vld.idx.msk [tilespmem:v52+s13+$0x0], $0xffff  }
0x22e: {  	v60 =	vor.u32 v6, v27;
	[tilespmem:v53+s21+$0x0] =	vst.idx.msk $0xffff, v36  }
0x22f: {  	v61 =	vor.u32 v11, v34;
	v37 =	vld.idx.msk [tilespmem:v54+s13+$0x0], $0xffff  }
0x230: {  	v62 =	vor.u32 v12, v31;
	[tilespmem:v55+s21+$0x0] =	vst.idx.msk $0xffff, v40  }
0x231: {  	v63 =	vor.u32 v11, v24;
	[tilespmem:v56+s21+$0x0] =	vst.idx.msk $0xffff, v42;
	v40 =	vld.idx.msk [tilespmem:v57+s13+$0x0], $0xffff  }
0x232: {  	v48 =	vor.u32 v7, v21;
	v49 =	vor.u32 v12, v32;
	[tilespmem:v59+s21+$0x0] =	vst.idx.msk $0xffff, v33;
	v43 =	vld.idx.msk [tilespmem:v58+s13+$0x0], $0xffff  }
0x233: {  	v51 =	vor.u32 v7, v23;
	v50 =	vor.u32 v8, v30;
	v33 =	vld.idx.msk [tilespmem:v60+s13+$0x0], $0xffff  }
0x234: {  	v52 =	vor.u32 v8, v27;
	[tilespmem:v61+s21+$0x0] =	vst.idx.msk $0xffff, v37  }
0x235: {  	v53 =	vor.u32 v13, v34;
	v37 =	vld.idx.msk [tilespmem:v62+s13+$0x0], $0xffff  }
0x236: {  	v31 =	vor.u32 v14, v31;
	[tilespmem:v63+s21+$0x0] =	vst.idx.msk $0xffff, v40  }
0x237: {  	v18 =	vor.u32 $0x20, v18;
	v55 =	vor.u32 v13, v24;
	[tilespmem:v48+s21+$0x0] =	vst.idx.msk $0xffff, v43;
	v54 =	vld.idx.msk [tilespmem:v49+s13+$0x0], $0xffff  }
0x238: {  	v32 =	vor.u32 v14, v32;
	v57 =	vor.u32 v9, v21;
	[tilespmem:v51+s21+$0x0] =	vst.idx.msk $0xffff, v33;
	v56 =	vld.idx.msk [tilespmem:v50+s13+$0x0], $0xffff  }
0x239: {  	v17 =	vor.u32 $0x20, v17;
	v58 =	vor.u32 v10, v30;
	v60 =	vor.u32 v9, v23;
	v35 =	vld.idx.msk [tilespmem:v52+s13+$0x0], $0xffff  }
0x23a: {  	v59 =	vand.u32 $0x7, v26;
	v61 =	vand.u32 $0x28, v18;
	v62 =	vor.u32 v10, v27;
	[tilespmem:v53+s21+$0x0] =	vst.idx.msk $0xffff, v37  }
0x23b: {  	v24 =	vor.u32 v15, v24;
	v38 =	vor.u32 v59, v61;
	v63 =	vor.u32 v15, v34;
	v31 =	vld.idx.msk [tilespmem:v31+s13+$0x0], $0xffff  }
0x23c: {  	v48 =	vand.u32 $0x7, v25;
	v49 =	vand.u32 $0x28, v17;
	v50 =	vor.u32 v1, v38;
	[tilespmem:v55+s21+$0x0] =	vst.idx.msk $0xffff, v54  }
0x23d: {  	v18 =	vshll.u32 v18, $0x7;
	v43 =	vor.u32 v48, v49;
	[tilespmem:v57+s21+$0x0] =	vst.idx.msk $0xffff, v56;
	v32 =	vld.idx.msk [tilespmem:v32+s13+$0x0], $0xffff  }
0x23e: {  	v52 =	vor.u32 v11, v21;
	v53 =	vor.u32 v1, v43;
	[tilespmem:v60+s21+$0x0] =	vst.idx.msk $0xffff, v35;
	v51 =	vld.idx.msk [tilespmem:v58+s13+$0x0], $0xffff  }
0x23f: {  	v18 =	vand.u32 $0x1400, v18;
	v54 =	vor.u32 v12, v30;
	v55 =	vor.u32 v11, v23;
	v35 =	vld.idx.msk [tilespmem:v62+s13+$0x0], $0xffff  }
0x240: {  	v17 =	vshll.u32 v17, $0x7;
	v42 =	vor.u32 v29, v18;
	v18 =	vor.u32 v12, v27;
	[tilespmem:v63+s21+$0x0] =	vst.idx.msk $0xffff, v31  }
0x241: {  	v17 =	vand.u32 $0x1400, v17;
	v56 =	vor.u32 v0, v42;
	v31 =	vld.idx.msk [tilespmem:v50+s13+$0x0], $0xffff  }
0x242: {  	v37 =	vor.u32 v28, v17;
	v17 =	vor.u32 v2, v38;
	[tilespmem:v24+s21+$0x0] =	vst.idx.msk $0xffff, v32  }
0x243: {  	v57 =	vor.u32 v0, v37;
	[tilespmem:v52+s21+$0x0] =	vst.idx.msk $0xffff, v51;
	v24 =	vld.idx.msk [tilespmem:v53+s13+$0x0], $0xffff  }
0x244: {  	v59 =	vor.u32 v2, v43;
	v58 =	vor.u32 v13, v21;
	[tilespmem:v55+s21+$0x0] =	vst.idx.msk $0xffff, v35;
	v34 =	vld.idx.msk [tilespmem:v54+s13+$0x0], $0xffff  }
0x245: {  	v61 =	vor.u32 v13, v23;
	v60 =	vor.u32 v14, v30;
	v18 =	vld.idx.msk [tilespmem:v18+s13+$0x0], $0xffff  }
0x246: {  	[tilespmem:v56+s21+$0x0] =	vst.idx.msk $0xffff, v31  }
0x247: {  	v48 =	vor.u32 v3, v42;
	v31 =	vor.u32 v14, v27;
	v63 =	vld.idx.msk [tilespmem:v17+s13+$0x0], $0xffff  }
0x248: {  	v23 =	vor.u32 v15, v23;
	v62 =	vor.u32 $0x10, v22;
	[tilespmem:v57+s21+$0x0] =	vst.idx.msk $0xffff, v24;
	v24 =	vor.u32 v4, v38  }
0x249: {  	v21 =	vor.u32 v15, v21;
	v51 =	vor.u32 v3, v37;
	[tilespmem:v58+s21+$0x0] =	vst.idx.msk $0xffff, v34;
	v49 =	vld.idx.msk [tilespmem:v59+s13+$0x0], $0xffff  }
0x24a: {  	v32 =	vand.u32 $0x1F, v62;
	[tilespmem:v61+s21+$0x0] =	vst.idx.msk $0xffff, v18;
	v18 =	vor.u32 v4, v43;
	v39 =	vld.idx.msk [tilespmem:v60+s13+$0x0], $0xffff  }
0x24b: {  	v33 =	vshll.u32 v62, $0x7;
	v52 =	vor.u32 $0x10, v16;
	v50 =	vor.u32 v1, v32  }
0x24c: {  	v40 =	vand.u32 $0x1F, v52;
	v17 =	vand.u32 $0x380, v19;
	v19 =	vand.u32 $0xC00, v33;
	v53 =	vld.idx.msk [tilespmem:v31+s13+$0x0], $0xffff;
	[tilespmem:v48+s21+$0x0] =	vst.idx.msk $0xffff, v63  }
0x24d: {  	v54 =	vor.u32 v1, v40;
	v31 =	vor.u32 v17, v19;
	v19 =	vld.idx.msk [tilespmem:v24+s13+$0x0], $0xffff;
	v24 =	vor.u32 v5, v42  }
0x24e: {  	v35 =	vshll.u32 v52, $0x7;
	v56 =	vor.u32 v6, v38;
	[tilespmem:v51+s21+$0x0] =	vst.idx.msk $0xffff, v49  }
0x24f: {  	v57 =	vor.u32 v5, v37;
	v59 =	vor.u32 v6, v43;
	[tilespmem:v21+s21+$0x0] =	vst.idx.msk $0xffff, v39;
	v21 =	vld.idx.msk [tilespmem:v18+s13+$0x0], $0xffff  }
0x250: {  	v55 =	vor.u32 v0, v31;
	v18 =	vand.u32 $0x380, v20;
	v20 =	vand.u32 $0xC00, v35;
	v58 =	vld.idx.msk [tilespmem:v50+s13+$0x0], $0xffff  }
0x251: {  	v39 =	vor.u32 v18, v20;
	v20 =	vor.u32 v2, v32;
	[tilespmem:v23+s21+$0x0] =	vst.idx.msk $0xffff, v53  }
0x252: {  	s10 =	simm.s32 $0x4;
	v60 =	vor.u32 v0, v39;
	v33 =	vld.idx.msk [tilespmem:v54+s13+$0x0], $0xffff;
	[tilespmem:v24+s21+$0x0] =	vst.idx.msk $0xffff, v19  }
0x253: {  	v61 =	vor.u32 v7, v42;
	v24 =	vor.u32 v2, v40;
	v19 =	vadd.s32 s10, v0;
	v36 =	vld.idx.msk [tilespmem:v56+s13+$0x0], $0xffff  }
0x254: {  	v23 =	vand.u32 $0xF, v19;
	[tilespmem:v57+s21+$0x0] =	vst.idx.msk $0xffff, v21;
	v21 =	vor.u32 v8, v38  }
0x255: {  	v52 =	vor.u32 v7, v37;
	[tilespmem:v55+s21+$0x0] =	vst.idx.msk $0xffff, v58;
	v62 =	vor.u32 v1, v23;
	v63 =	vld.idx.msk [tilespmem:v59+s13+$0x0], $0xffff  }
0x256: {  	v53 =	vor.u32 v3, v31;
	v54 =	vor.u32 v8, v43;
	v20 =	vld.idx.msk [tilespmem:v20+s13+$0x0], $0xffff  }
0x257: {  	v26 =	vor.u32 $0x30, v26;
	v49 =	vor.u32 v6, v32;
	v55 =	vor.u32 v4, v32;
	[tilespmem:v60+s21+$0x0] =	vst.idx.msk $0xffff, v33  }
0x258: {  	s1 =	simm.s32 $0x5;
	v57 =	vor.u32 v3, v39;
	v58 =	vor.u32 v4, v40;
	v56 =	vld.idx.msk [tilespmem:v24+s13+$0x0], $0xffff;
	[tilespmem:v61+s21+$0x0] =	vst.idx.msk $0xffff, v36  }
0x259: {  	v34 =	vshll.u32 v19, $0x7;
	v59 =	vor.u32 v9, v42;
	v46 =	vld.idx.msk [tilespmem:v21+s13+$0x0], $0xffff;
	v21 =	vadd.s32 s1, v0  }
0x25a: {  	v35 =	vand.u32 $0x780, v34;
	v60 =	vor.u32 v10, v38;
	v44 =	vld.idx.msk [tilespmem:v62+s13+$0x0], $0xffff;
	[tilespmem:v52+s21+$0x0] =	vst.idx.msk $0xffff, v63;
	v24 =	vand.u32 $0xF, v21  }
0x25b: {  	v61 =	vor.u32 v9, v37;
	[tilespmem:v53+s21+$0x0] =	vst.idx.msk $0xffff, v20;
	v20 =	vld.idx.msk [tilespmem:v54+s13+$0x0], $0xffff;
	v47 =	vor.u32 v1, v24  }
0x25c: {  	v50 =	vor.u32 v2, v23;
	v62 =	vor.u32 v5, v31;
	v63 =	vor.u32 v10, v43;
	v45 =	vld.idx.msk [tilespmem:v55+s13+$0x0], $0xffff  }
0x25d: {  	v52 =	vor.u32 v8, v23;
	v55 =	vor.u32 v0, v35;
	v33 =	vshll.u32 v21, $0x7;
	[tilespmem:v57+s21+$0x0] =	vst.idx.msk $0xffff, v56  }
0x25e: {  	v25 =	vor.u32 $0x30, v25;
	v54 =	vor.u32 v5, v39;
	v36 =	vand.u32 $0x780, v33;
	v53 =	vld.idx.msk [tilespmem:v58+s13+$0x0], $0xffff;
	[tilespmem:v59+s21+$0x0] =	vst.idx.msk $0xffff, v46  }
0x25f: {  	v51 =	vor.u32 v0, v36;
	v46 =	vor.u32 v6, v40;
	v41 =	vld.idx.msk [tilespmem:v60+s13+$0x0], $0xffff;
	v60 =	vor.u32 v11, v42  }
0x260: {  	v58 =	vor.u32 v7, v31;
	[tilespmem:v61+s21+$0x0] =	vst.idx.msk $0xffff, v20;
	v61 =	vor.u32 v12, v38;
	v47 =	vld.idx.msk [tilespmem:v47+s13+$0x0], $0xffff  }
0x261: {  	[tilespmem:v62+s21+$0x0] =	vst.idx.msk $0xffff, v45;
	v62 =	vor.u32 v2, v24;
	v45 =	vld.idx.msk [tilespmem:v63+s13+$0x0], $0xffff;
	v63 =	vor.u32 v11, v37  }
0x262: {  	v59 =	vor.u32 v9, v31;
	[tilespmem:v55+s21+$0x0] =	vst.idx.msk $0xffff, v44;
	v44 =	vor.u32 v8, v32;
	v49 =	vld.idx.msk [tilespmem:v49+s13+$0x0], $0xffff  }
0x263: {  	v38 =	vor.u32 v14, v38;
	v55 =	vor.u32 v10, v24;
	v50 =	vld.idx.msk [tilespmem:v50+s13+$0x0], $0xffff;
	[tilespmem:v54+s21+$0x0] =	vst.idx.msk $0xffff, v53  }
0x264: {  	v53 =	vor.u32 v12, v43;
	v54 =	vor.u32 v7, v39;
	v46 =	vld.idx.msk [tilespmem:v46+s13+$0x0], $0xffff;
	[tilespmem:v60+s21+$0x0] =	vst.idx.msk $0xffff, v41  }
0x265: {  	v43 =	vor.u32 v14, v43;
	v60 =	vor.u32 v3, v35;
	[tilespmem:v51+s21+$0x0] =	vst.idx.msk $0xffff, v47;
	v51 =	vld.idx.msk [tilespmem:v61+s13+$0x0], $0xffff  }
0x266: {  	v61 =	vor.u32 v4, v23;
	[tilespmem:v63+s21+$0x0] =	vst.idx.msk $0xffff, v45;
	v48 =	vld.idx.msk [tilespmem:v62+s13+$0x0], $0xffff;
	v62 =	vor.u32 v13, v42  }
0x267: {  	v30 =	vor.u32 $0x20, v30;
	v47 =	vor.u32 v8, v40;
	v63 =	vor.u32 v3, v36;
	[tilespmem:v58+s21+$0x0] =	vst.idx.msk $0xffff, v49  }
0x268: {  	v41 =	vand.u32 $0x3F, v26;
	v26 =	vshll.u32 v26, $0x7;
	v58 =	vor.u32 v13, v37;
	v44 =	vld.idx.msk [tilespmem:v44+s13+$0x0], $0xffff  }
0x269: {  	v57 =	vor.u32 v1, v41;
	v42 =	vor.u32 v15, v42;
	v49 =	vld.idx.msk [tilespmem:v53+s13+$0x0], $0xffff;
	[tilespmem:v54+s21+$0x0] =	vst.idx.msk $0xffff, v46  }
0x26a: {  	v26 =	vand.u32 $0x1C00, v26;
	v53 =	vor.u32 v4, v24;
	v46 =	vor.u32 v6, v23;
	[tilespmem:v60+s21+$0x0] =	vst.idx.msk $0xffff, v50  }
0x26b: {  	v60 =	vor.u32 v10, v32;
	v54 =	vld.idx.msk [tilespmem:v61+s13+$0x0], $0xffff;
	v61 =	vor.u32 v9, v39;
	[tilespmem:v62+s21+$0x0] =	vst.idx.msk $0xffff, v51  }
0x26c: {  	v47 =	vld.idx.msk [tilespmem:v47+s13+$0x0], $0xffff;
	v51 =	vor.u32 v2, v41;
	v62 =	vor.u32 v5, v35;
	[tilespmem:v63+s21+$0x0] =	vst.idx.msk $0xffff, v48  }
0x26d: {  	v63 =	vor.u32 v10, v40;
	[tilespmem:v59+s21+$0x0] =	vst.idx.msk $0xffff, v44;
	v44 =	vor.u32 v6, v24;
	v48 =	vld.idx.msk [tilespmem:v38+s13+$0x0], $0xffff  }
0x26e: {  	[tilespmem:v58+s21+$0x0] =	vst.idx.msk $0xffff, v49;
	v49 =	vor.u32 v5, v36;
	v58 =	vor.u32 v15, v37;
	v38 =	vand.u32 $0x3F, v25  }
0x26f: {  	v53 =	vld.idx.msk [tilespmem:v53+s13+$0x0], $0xffff;
	v37 =	vor.u32 v29, v26;
	v26 =	vand.u32 $0x7, v22;
	v25 =	vshll.u32 v25, $0x7  }
0x270: {  	v29 =	vor.u32 v12, v40;
	v40 =	vor.u32 v14, v40;
	v43 =	vld.idx.msk [tilespmem:v43+s13+$0x0], $0xffff;
	v25 =	vand.u32 $0x1C00, v25  }
0x271: {  	v50 =	vld.idx.msk [tilespmem:v60+s13+$0x0], $0xffff;
	v60 =	vor.u32 v11, v31;
	[tilespmem:v61+s21+$0x0] =	vst.idx.msk $0xffff, v47;
	v61 =	vor.u32 v1, v38  }
0x272: {  	[tilespmem:v62+s21+$0x0] =	vst.idx.msk $0xffff, v54;
	v62 =	vor.u32 v12, v32;
	v45 =	vld.idx.msk [tilespmem:v63+s13+$0x0], $0xffff;
	v63 =	vor.u32 v11, v39  }
0x273: {  	v25 =	vor.u32 v28, v25;
	v54 =	vor.u32 v7, v35;
	v46 =	vld.idx.msk [tilespmem:v46+s13+$0x0], $0xffff;
	[tilespmem:v42+s21+$0x0] =	vst.idx.msk $0xffff, v48  }
0x274: {  	v28 =	vor.u32 v8, v24;
	[tilespmem:v49+s21+$0x0] =	vst.idx.msk $0xffff, v53;
	v49 =	vor.u32 v0, v37;
	v42 =	vld.idx.msk [tilespmem:v57+s13+$0x0], $0xffff  }
0x275: {  	v32 =	vor.u32 v14, v32;
	v44 =	vld.idx.msk [tilespmem:v44+s13+$0x0], $0xffff;
	[tilespmem:v58+s21+$0x0] =	vst.idx.msk $0xffff, v43;
	v43 =	vor.u32 v7, v36  }
0x276: {  	[tilespmem:v60+s21+$0x0] =	vst.idx.msk $0xffff, v50;
	v50 =	vor.u32 v12, v23;
	v60 =	vor.u32 v0, v25;
	v47 =	vld.idx.msk [tilespmem:v61+s13+$0x0], $0xffff  }
0x277: {  	v61 =	vor.u32 v13, v31;
	v53 =	vld.idx.msk [tilespmem:v62+s13+$0x0], $0xffff;
	[tilespmem:v63+s21+$0x0] =	vst.idx.msk $0xffff, v45;
	v62 =	vor.u32 v2, v38  }
0x278: {  	v63 =	vor.u32 v13, v39;
	v39 =	vor.u32 v15, v39;
	[tilespmem:v54+s21+$0x0] =	vst.idx.msk $0xffff, v46;
	v29 =	vld.idx.msk [tilespmem:v29+s13+$0x0], $0xffff  }
0x279: {  	v46 =	vor.u32 v10, v23;
	v52 =	vld.idx.msk [tilespmem:v52+s13+$0x0], $0xffff;
	[tilespmem:v49+s21+$0x0] =	vst.idx.msk $0xffff, v42;
	v49 =	vor.u32 v9, v35  }
0x27a: {  	[tilespmem:v43+s21+$0x0] =	vst.idx.msk $0xffff, v44;
	v44 =	vor.u32 v3, v37;
	v43 =	vld.idx.msk [tilespmem:v51+s13+$0x0], $0xffff;
	v51 =	vor.u32 v4, v41  }
0x27b: {  	v28 =	vld.idx.msk [tilespmem:v28+s13+$0x0], $0xffff;
	[tilespmem:v60+s21+$0x0] =	vst.idx.msk $0xffff, v47;
	v47 =	vor.u32 v9, v36;
	v60 =	vand.u32 $0x28, v30;
	v30 =	vshll.u32 v30, $0x7  }
0x27c: {  	[tilespmem:v61+s21+$0x0] =	vst.idx.msk $0xffff, v53;
	v45 =	vld.idx.msk [tilespmem:v62+s13+$0x0], $0xffff;
	v26 =	vor.u32 v26, v60;
	v53 =	vor.u32 v3, v25  }
0x27d: {  	v61 =	vor.u32 v15, v31;
	v62 =	vor.u32 $0x20, v27;
	v60 =	vor.u32 v11, v35;
	[tilespmem:v63+s21+$0x0] =	vst.idx.msk $0xffff, v29  }
0x27e: {  	v27 =	vand.u32 $0x7, v16;
	v32 =	vld.idx.msk [tilespmem:v32+s13+$0x0], $0xffff;
	v63 =	vor.u32 v4, v38;
	v29 =	vand.u32 $0x28, v62;
	[tilespmem:v49+s21+$0x0] =	vst.idx.msk $0xffff, v52  }
0x27f: {  	v59 =	vor.u32 v1, v26;
	v40 =	vld.idx.msk [tilespmem:v40+s13+$0x0], $0xffff;
	v27 =	vor.u32 v27, v29;
	[tilespmem:v44+s21+$0x0] =	vst.idx.msk $0xffff, v43  }
0x280: {  	v29 =	vand.u32 $0x1400, v30;
	v46 =	vld.idx.msk [tilespmem:v46+s13+$0x0], $0xffff;
	[tilespmem:v47+s21+$0x0] =	vst.idx.msk $0xffff, v28;
	v28 =	vor.u32 v1, v27  }
0x281: {  	v42 =	vor.u32 v6, v41;
	v30 =	vor.u32 v5, v37;
	v29 =	vor.u32 v17, v29;
	v44 =	vld.idx.msk [tilespmem:v51+s13+$0x0], $0xffff  }
0x282: {  	v51 =	vor.u32 v12, v24;
	v47 =	vld.idx.msk [tilespmem:v55+s13+$0x0], $0xffff;
	[tilespmem:v53+s21+$0x0] =	vst.idx.msk $0xffff, v45;
	v45 =	vor.u32 v11, v36  }
0x283: {  	[tilespmem:v61+s21+$0x0] =	vst.idx.msk $0xffff, v32;
	v32 =	vld.idx.msk [tilespmem:v63+s13+$0x0], $0xffff;
	v61 =	vshll.u32 v62, $0x7;
	v62 =	vor.u32 v5, v25  }
0x284: {  	v58 =	vor.u32 v6, v38;
	v63 =	vor.u32 v0, v29;
	v49 =	vld.idx.msk [tilespmem:v59+s13+$0x0], $0xffff;
	[tilespmem:v39+s21+$0x0] =	vst.idx.msk $0xffff, v40  }
0x285: {  	v57 =	vand.u32 $0x1400, v61;
	v59 =	vor.u32 v2, v26;
	[tilespmem:v60+s21+$0x0] =	vst.idx.msk $0xffff, v46;
	v46 =	vld.idx.msk [tilespmem:v28+s13+$0x0], $0xffff  }
0x286: {  	v60 =	vor.u32 v13, v35;
	v28 =	vor.u32 v18, v57;
	v39 =	vld.idx.msk [tilespmem:v50+s13+$0x0], $0xffff;
	[tilespmem:v30+s21+$0x0] =	vst.idx.msk $0xffff, v44  }
0x287: {  	v52 =	vor.u32 v0, v28;
	[tilespmem:v45+s21+$0x0] =	vst.idx.msk $0xffff, v47;
	v42 =	vld.idx.msk [tilespmem:v42+s13+$0x0], $0xffff  }
0x288: {  	v55 =	vor.u32 v7, v37;
	v50 =	vor.u32 v14, v23;
	v51 =	vld.idx.msk [tilespmem:v51+s13+$0x0], $0xffff;
	[tilespmem:v62+s21+$0x0] =	vst.idx.msk $0xffff, v32  }
0x289: {  	v56 =	vor.u32 v10, v41;
	v61 =	vor.u32 v2, v27;
	[tilespmem:v63+s21+$0x0] =	vst.idx.msk $0xffff, v49;
	v40 =	vld.idx.msk [tilespmem:v58+s13+$0x0], $0xffff  }
0x28a: {  	v62 =	vor.u32 v13, v36;
	v63 =	vor.u32 v8, v41;
	v43 =	vld.idx.msk [tilespmem:v59+s13+$0x0], $0xffff;
	[tilespmem:$0x1FFE0] =	vst v41  }
0x28b: {  	v48 =	vor.u32 $0x10, v19;
	v54 =	vor.u32 v14, v24;
	v58 =	vor.u32 v3, v29;
	[tilespmem:v60+s21+$0x0] =	vst.idx.msk $0xffff, v39  }
0x28c: {  	v57 =	vor.u32 v7, v25;
	v32 =	vand.u32 $0x1F, v48;
	v60 =	vor.u32 v4, v26;
	[tilespmem:v52+s21+$0x0] =	vst.idx.msk $0xffff, v46  }
0x28d: {  	v46 =	vor.u32 v8, v38;
	[tilespmem:v55+s21+$0x0] =	vst.idx.msk $0xffff, v42;
	v42 =	vld.idx.msk [tilespmem:v50+s13+$0x0], $0xffff;
	v50 =	vor.u32 v15, v35  }
0x28e: {  	v36 =	vor.u32 v15, v36;
	v45 =	vor.u32 v1, v32;
	v44 =	vld.idx.msk [tilespmem:v61+s13+$0x0], $0xffff;
	v61 =	vor.u32 v3, v28  }
0x28f: {  	v55 =	vor.u32 v9, v25;
	[tilespmem:v62+s21+$0x0] =	vst.idx.msk $0xffff, v51;
	v49 =	vld.idx.msk [tilespmem:v63+s13+$0x0], $0xffff;
	v63 =	vor.u32 v9, v37  }
0x290: {  	v51 =	vor.u32 v4, v27;
	v62 =	vshll.u32 v48, $0x7;
	v48 =	vor.u32 $0x10, v21;
	v54 =	vld.idx.msk [tilespmem:v54+s13+$0x0], $0xffff;
	[tilespmem:v58+s21+$0x0] =	vst.idx.msk $0xffff, v43  }
0x291: {  	v33 =	vand.u32 $0x380, v33;
	[tilespmem:v57+s21+$0x0] =	vst.idx.msk $0xffff, v40;
	v35 =	vand.u32 $0x1F, v48;
	v39 =	vld.idx.msk [tilespmem:v60+s13+$0x0], $0xffff;
	v60 =	vor.u32 v5, v29  }
0x292: {  	v30 =	vand.u32 $0x380, v34;
	v34 =	vand.u32 $0xC00, v62;
	v43 =	vld.idx.msk [tilespmem:v46+s13+$0x0], $0xffff;
	v46 =	vor.u32 v1, v35;
	[tilespmem:v50+s21+$0x0] =	vst.idx.msk $0xffff, v42  }
0x293: {  	v62 =	vor.u32 v6, v26;
	v48 =	vshll.u32 v48, $0x7;
	v34 =	vor.u32 v30, v34;
	[tilespmem:v61+s21+$0x0] =	vst.idx.msk $0xffff, v44  }
0x294: {  	s10 =	simm.s32 $0x6;
	v42 =	vor.u32 v0, v34;
	v61 =	vor.u32 v10, v38;
	v45 =	vld.idx.msk [tilespmem:v45+s13+$0x0], $0xffff;
	[tilespmem:v63+s21+$0x0] =	vst.idx.msk $0xffff, v49  }
0x295: {  	v20 =	vadd.s32 s10, v0;
	v58 =	vor.u32 v5, v28;
	v51 =	vld.idx.msk [tilespmem:v51+s13+$0x0], $0xffff;
	[tilespmem:v36+s21+$0x0] =	vst.idx.msk $0xffff, v54;
	v63 =	vand.u32 $0xC00, v48  }
0x296: {  	v54 =	vor.u32 v11, v37;
	v49 =	vld.idx.msk [tilespmem:v56+s13+$0x0], $0xffff;
	v36 =	vor.u32 v33, v63;
	[tilespmem:v60+s21+$0x0] =	vst.idx.msk $0xffff, v39  }
0x297: {  	v31 =	vand.u32 $0xF, v20;
	v53 =	vld.idx.msk [tilespmem:v46+s13+$0x0], $0xffff;
	[tilespmem:v55+s21+$0x0] =	vst.idx.msk $0xffff, v43;
	v43 =	vor.u32 v0, v36  }
0x298: {  	v47 =	vor.u32 v1, v31;
	v63 =	vor.u32 v7, v29;
	v60 =	vld.idx.msk [tilespmem:v62+s13+$0x0], $0xffff  }
0x299: {  	v52 =	vor.u32 v2, v32;
	v57 =	vld.idx.msk [tilespmem:v61+s13+$0x0], $0xffff;
	v61 =	vor.u32 v11, v25;
	[tilespmem:v42+s21+$0x0] =	vst.idx.msk $0xffff, v45  }
0x29a: {  	[tilespmem:v58+s21+$0x0] =	vst.idx.msk $0xffff, v51  }
0x29b: {  	v48 =	vor.u32 v6, v27;
	[tilespmem:v54+s21+$0x0] =	vst.idx.msk $0xffff, v49  }
0x29c: {  	v56 =	vor.u32 v12, v41;
	[tilespmem:v43+s21+$0x0] =	vst.idx.msk $0xffff, v53  }
0x29d: {  	v40 =	vshll.u32 v20, $0x7;
	v59 =	vor.u32 v2, v35;
	v62 =	vld.idx.msk [tilespmem:v47+s13+$0x0], $0xffff;
	[tilespmem:v63+s21+$0x0] =	vst.idx.msk $0xffff, v60  }
0x29e: {  	v39 =	vand.u32 $0x780, v40;
	v45 =	vor.u32 v8, v26;
	v47 =	vld.idx.msk [tilespmem:v52+s13+$0x0], $0xffff;
	[tilespmem:v61+s21+$0x0] =	vst.idx.msk $0xffff, v57  }
0x29f: {  	v41 =	vor.u32 v0, v39;
	v58 =	vor.u32 v12, v38;
	v43 =	vld [tilespmem:$0x1FFE0]  }
0x2a0: {  	v44 =	vld.idx.msk [tilespmem:v48+s13+$0x0], $0xffff  }
0x2a1: {  	v46 =	vor.u32 v7, v28;
	v42 =	vld.idx.msk [tilespmem:v56+s13+$0x0], $0xffff  }
0x2a2: {  	v50 =	vor.u32 v4, v32;
	v55 =	vor.u32 v8, v27;
	v54 =	vor.u32 v3, v34;
	v48 =	vld.idx.msk [tilespmem:v59+s13+$0x0], $0xffff  }
0x2a3: {  	v51 =	vor.u32 v13, v37;
	v52 =	vor.u32 v3, v36;
	v56 =	vor.u32 v4, v35;
	v49 =	vld.idx.msk [tilespmem:v45+s13+$0x0], $0xffff  }
0x2a4: {  	s0 =	simm.s32 $0x7;
	s1 =	simm.s32 $0x8;
	v57 =	vor.u32 v13, v25;
	[tilespmem:v41+s21+$0x0] =	vst.idx.msk $0xffff, v62;
	v53 =	vor.u32 v14, v43;
	v43 =	vld.idx.msk [tilespmem:v58+s13+$0x0], $0xffff  }
.LBB2_5:
0x2a5: {  	v45 =	vadd.s32 s0, v0;
	v58 =	vor.u32 v9, v29;
	v38 =	vor.u32 v14, v38  }
0x2a6: {  	p0 =	slt.u32 s1, $0xE;
	[tilespmem:v46+s21+$0x0] =	vst.idx.msk $0xffff, v44;
	v46 =	vmovc v23;
	v23 =	vmovc v31;
	v31 =	vmov v17;
	v17 =	vmov v30;
	v30 =	vmov v18  }
0x2a7: {  	v44 =	vor.u32 v10, v26;
	v18 =	vmov v33;
	v41 =	vand.u32 $0xF, v45;
	[tilespmem:v54+s21+$0x0] =	vst.idx.msk $0xffff, v47;
	v47 =	vld.idx.msk [tilespmem:v55+s13+$0x0], $0xffff  }
0x2a8: {  	v55 =	vor.u32 v9, v28;
	v54 =	vor.u32 v1, v41;
	v50 =	vld.idx.msk [tilespmem:v50+s13+$0x0], $0xffff;
	[tilespmem:v51+s21+$0x0] =	vst.idx.msk $0xffff, v42  }
0x2a9: {  	v42 =	vor.u32 v5, v34;
	[tilespmem:v52+s21+$0x0] =	vst.idx.msk $0xffff, v48;
	v48 =	vor.u32 v10, v27;
	v51 =	vld.idx.msk [tilespmem:v53+s13+$0x0], $0xffff  }
0x2aa: {  	v37 =	vor.u32 v15, v37;
	v52 =	vor.u32 v6, v32;
	v53 =	vld.idx.msk [tilespmem:v56+s13+$0x0], $0xffff;
	[tilespmem:v57+s21+$0x0] =	vst.idx.msk $0xffff, v43  }
0x2ab: {  	v43 =	vor.u32 v2, v23;
	v56 =	vor.u32 v5, v36;
	[tilespmem:v58+s21+$0x0] =	vst.idx.msk $0xffff, v49;
	v38 =	vld.idx.msk [tilespmem:v38+s13+$0x0], $0xffff  }
0x2ac: {  	v25 =	vor.u32 v15, v25;
	v33 =	vshll.u32 v45, $0x7;
	v49 =	vor.u32 v6, v35;
	v57 =	vld.idx.msk [tilespmem:v44+s13+$0x0], $0xffff  }
0x2ad: {  	v58 =	vor.u32 v11, v29;
	v44 =	vand.u32 $0x780, v33;
	v54 =	vld.idx.msk [tilespmem:v54+s13+$0x0], $0xffff;
	[tilespmem:v55+s21+$0x0] =	vst.idx.msk $0xffff, v47  }
0x2ae: {  	v55 =	vor.u32 v0, v44;
	[tilespmem:v42+s21+$0x0] =	vst.idx.msk $0xffff, v50;
	v50 =	vor.u32 v12, v26;
	v48 =	vld.idx.msk [tilespmem:v48+s13+$0x0], $0xffff  }
0x2af: {  	v60 =	vor.u32 v11, v28;
	v59 =	vor.u32 v2, v41;
	v52 =	vld.idx.msk [tilespmem:v52+s13+$0x0], $0xffff;
	[tilespmem:v37+s21+$0x0] =	vst.idx.msk $0xffff, v51  }
0x2b0: {  	v37 =	vor.u32 v7, v34;
	v51 =	vor.u32 v12, v27;
	[tilespmem:v56+s21+$0x0] =	vst.idx.msk $0xffff, v53  }
0x2b1: {  	v42 =	vadd.s32 s1, v0;
	v53 =	vor.u32 v8, v32;
	v49 =	vld.idx.msk [tilespmem:v49+s13+$0x0], $0xffff;
	[tilespmem:v25+s21+$0x0] =	vst.idx.msk $0xffff, v38  }
0x2b2: {  	v22 =	vor.u32 $0x30, v22;
	v47 =	vand.u32 $0x7, v19;
	v38 =	vor.u32 v7, v36;
	v25 =	vld.idx.msk [tilespmem:v43+s13+$0x0], $0xffff;
	[tilespmem:v58+s21+$0x0] =	vst.idx.msk $0xffff, v57  }
0x2b3: {  	v56 =	vor.u32 v3, v39;
	[tilespmem:v55+s21+$0x0] =	vst.idx.msk $0xffff, v54;
	v54 =	vor.u32 v8, v35;
	v50 =	vld.idx.msk [tilespmem:v50+s13+$0x0], $0xffff  }
0x2b4: {  	v58 =	vor.u32 v13, v29;
	v55 =	vor.u32 v4, v23;
	v57 =	vld.idx.msk [tilespmem:v59+s13+$0x0], $0xffff;
	[tilespmem:v60+s21+$0x0] =	vst.idx.msk $0xffff, v48  }
0x2b5: {  	v26 =	vor.u32 v14, v26;
	v48 =	vor.u32 v3, v44;
	[tilespmem:v37+s21+$0x0] =	vst.idx.msk $0xffff, v52;
	v37 =	vld.idx.msk [tilespmem:v51+s13+$0x0], $0xffff  }
0x2b6: {  	v59 =	vor.u32 v13, v28;
	v51 =	vor.u32 v8, v23;
	v52 =	vor.u32 v4, v41;
	v53 =	vld.idx.msk [tilespmem:v53+s13+$0x0], $0xffff  }
0x2b7: {  	v27 =	vor.u32 v14, v27;
	v43 =	vand.u32 $0x3F, v22;
	v60 =	vor.u32 v9, v34;
	[tilespmem:v38+s21+$0x0] =	vst.idx.msk $0xffff, v49  }
0x2b8: {  	v38 =	vor.u32 v10, v32;
	[tilespmem:v56+s21+$0x0] =	vst.idx.msk $0xffff, v25;
	v25 =	vor.u32 v6, v23;
	v49 =	vld.idx.msk [tilespmem:v54+s13+$0x0], $0xffff  }
0x2b9: {  	v54 =	vld.idx.msk [tilespmem:v55+s13+$0x0], $0xffff;
	v55 =	vor.u32 v9, v36;
	[tilespmem:v58+s21+$0x0] =	vst.idx.msk $0xffff, v50;
	v50 =	vor.u32 v2, v43  }
0x2ba: {  	v56 =	vor.u32 v5, v39;
	[tilespmem:v48+s21+$0x0] =	vst.idx.msk $0xffff, v57;
	v48 =	vor.u32 v10, v35;
	v26 =	vld.idx.msk [tilespmem:v26+s13+$0x0], $0xffff  }
0x2bb: {  	v29 =	vor.u32 v15, v29;
	v57 =	vor.u32 v1, v43;
	v52 =	vld.idx.msk [tilespmem:v52+s13+$0x0], $0xffff;
	[tilespmem:v59+s21+$0x0] =	vst.idx.msk $0xffff, v37  }
0x2bc: {  	v22 =	vshll.u32 v22, $0x7;
	v58 =	vor.u32 v5, v44;
	[tilespmem:v60+s21+$0x0] =	vst.idx.msk $0xffff, v53;
	v27 =	vld.idx.msk [tilespmem:v27+s13+$0x0], $0xffff;
	v53 =	vor.u32 $0x30, v16  }
0x2bd: {  	v28 =	vor.u32 v15, v28;
	v59 =	vor.u32 v6, v41;
	v16 =	vmovc v21;
	v60 =	vld.idx.msk [tilespmem:v38+s13+$0x0], $0xffff;
	v38 =	vand.u32 $0x3F, v53  }
0x2be: {  	v22 =	vand.u32 $0x1C00, v22;
	v21 =	vor.u32 v11, v34;
	[tilespmem:v55+s21+$0x0] =	vst.idx.msk $0xffff, v49;
	v49 =	vor.u32 v1, v38  }
0x2bf: {  	v55 =	vor.u32 v12, v32;
	[tilespmem:v56+s21+$0x0] =	vst.idx.msk $0xffff, v54;
	v54 =	vor.u32 v7, v39;
	v48 =	vld.idx.msk [tilespmem:v48+s13+$0x0], $0xffff  }
0x2c0: {  	v61 =	vor.u32 v11, v36;
	v37 =	vor.u32 v31, v22;
	v56 =	vld.idx.msk [tilespmem:v25+s13+$0x0], $0xffff;
	[tilespmem:v29+s21+$0x0] =	vst.idx.msk $0xffff, v26  }
0x2c1: {  	v22 =	vor.u32 $0x10, v20;
	v26 =	vor.u32 v12, v35;
	v25 =	vshll.u32 v53, $0x7;
	[tilespmem:v58+s21+$0x0] =	vst.idx.msk $0xffff, v52;
	v29 =	vld.idx.msk [tilespmem:v57+s13+$0x0], $0xffff  }
0x2c2: {  	v31 =	vand.u32 $0xF, v42;
	v53 =	vor.u32 v0, v37;
	v25 =	vand.u32 $0x1C00, v25;
	v52 =	vld.idx.msk [tilespmem:v59+s13+$0x0], $0xffff;
	[tilespmem:v28+s21+$0x0] =	vst.idx.msk $0xffff, v27  }
0x2c3: {  	v27 =	vor.u32 v7, v44;
	v25 =	vor.u32 v30, v25;
	[tilespmem:v21+s21+$0x0] =	vst.idx.msk $0xffff, v60;
	v21 =	vld.idx.msk [tilespmem:v49+s13+$0x0], $0xffff  }
0x2c4: {  	v28 =	vor.u32 v8, v41;
	v49 =	vor.u32 v12, v23;
	v30 =	vld.idx.msk [tilespmem:v55+s13+$0x0], $0xffff;
	v55 =	vor.u32 v0, v25  }
0x2c5: {  	v46 =	vor.u32 $0x20, v46;
	v57 =	vor.u32 v13, v34;
	[tilespmem:v61+s21+$0x0] =	vst.idx.msk $0xffff, v48;
	v48 =	vor.u32 v2, v38  }
0x2c6: {  	v32 =	vor.u32 v14, v32;
	[tilespmem:v54+s21+$0x0] =	vst.idx.msk $0xffff, v56;
	v54 =	vor.u32 v10, v23;
	v56 =	vld.idx.msk [tilespmem:v26+s13+$0x0], $0xffff  }
0x2c7: {  	v58 =	vor.u32 v13, v36;
	v51 =	vld.idx.msk [tilespmem:v51+s13+$0x0], $0xffff;
	[tilespmem:v53+s21+$0x0] =	vst.idx.msk $0xffff, v29;
	v53 =	vor.u32 v6, v43  }
0x2c8: {  	v29 =	vor.u32 v9, v39;
	[tilespmem:v27+s21+$0x0] =	vst.idx.msk $0xffff, v52;
	v27 =	vor.u32 v14, v35;
	v35 =	vld.idx.msk [tilespmem:v50+s13+$0x0], $0xffff  }
0x2c9: {  	v50 =	vor.u32 v3, v37;
	v52 =	vor.u32 v4, v43;
	v28 =	vld.idx.msk [tilespmem:v28+s13+$0x0], $0xffff;
	[tilespmem:v55+s21+$0x0] =	vst.idx.msk $0xffff, v21  }
0x2ca: {  	v26 =	vand.u32 $0x28, v46;
	v46 =	vshll.u32 v46, $0x7;
	v21 =	vor.u32 v9, v44;
	[tilespmem:v57+s21+$0x0] =	vst.idx.msk $0xffff, v30;
	v48 =	vld.idx.msk [tilespmem:v48+s13+$0x0], $0xffff  }
0x2cb: {  	v26 =	vor.u32 v47, v26;
	v47 =	vor.u32 v3, v25;
	v55 =	vor.u32 v10, v41;
	v32 =	vld.idx.msk [tilespmem:v32+s13+$0x0], $0xffff  }
0x2cc: {  	v24 =	vor.u32 $0x20, v24;
	v34 =	vor.u32 v15, v34;
	[tilespmem:v58+s21+$0x0] =	vst.idx.msk $0xffff, v56;
	v56 =	vor.u32 v4, v38  }
0x2cd: {  	[tilespmem:v29+s21+$0x0] =	vst.idx.msk $0xffff, v51;
	v51 =	vor.u32 v1, v26;
	v29 =	vand.u32 $0x7, v16;
	v57 =	vld.idx.msk [tilespmem:v27+s13+$0x0], $0xffff;
	v27 =	vand.u32 $0x28, v24  }
0x2ce: {  	v36 =	vor.u32 v15, v36;
	v54 =	vld.idx.msk [tilespmem:v54+s13+$0x0], $0xffff;
	v27 =	vor.u32 v29, v27;
	[tilespmem:v50+s21+$0x0] =	vst.idx.msk $0xffff, v35  }
0x2cf: {  	v35 =	vor.u32 v11, v39;
	[tilespmem:v21+s21+$0x0] =	vst.idx.msk $0xffff, v28;
	v28 =	vor.u32 v1, v27;
	v50 =	vld.idx.msk [tilespmem:v52+s13+$0x0], $0xffff  }
0x2d0: {  	v30 =	vand.u32 $0x380, v40;
	v52 =	vand.u32 $0x1400, v46;
	v46 =	vor.u32 v5, v37;
	v40 =	vld.idx.msk [tilespmem:v55+s13+$0x0], $0xffff;
	[tilespmem:v47+s21+$0x0] =	vst.idx.msk $0xffff, v48  }
0x2d1: {  	v47 =	vor.u32 v11, v44;
	v29 =	vor.u32 v17, v52;
	[tilespmem:v34+s21+$0x0] =	vst.idx.msk $0xffff, v32;
	v32 =	vld.idx.msk [tilespmem:v56+s13+$0x0], $0xffff  }
0x2d2: {  	v24 =	vshll.u32 v24, $0x7;
	v21 =	vmovc v45;
	v34 =	vor.u32 v12, v41;
	v48 =	vld.idx.msk [tilespmem:v51+s13+$0x0], $0xffff;
	v51 =	vor.u32 v5, v25  }
0x2d3: {  	v24 =	vand.u32 $0x1400, v24;
	v45 =	vor.u32 v0, v29;
	[tilespmem:v36+s21+$0x0] =	vst.idx.msk $0xffff, v57;
	v36 =	vor.u32 v6, v38  }
0x2d4: {  	[tilespmem:v35+s21+$0x0] =	vst.idx.msk $0xffff, v54;
	v35 =	vor.u32 v2, v26;
	v52 =	vld.idx.msk [tilespmem:v28+s13+$0x0], $0xffff;
	v28 =	vor.u32 v18, v24  }
0x2d5: {  	v24 =	vld.idx.msk [tilespmem:v49+s13+$0x0], $0xffff;
	v49 =	vor.u32 v14, v23;
	v54 =	vor.u32 v0, v28;
	[tilespmem:v46+s21+$0x0] =	vst.idx.msk $0xffff, v50  }
0x2d6: {  	v46 =	vor.u32 v13, v39;
	[tilespmem:v47+s21+$0x0] =	vst.idx.msk $0xffff, v40;
	v40 =	vor.u32 v2, v27;
	v47 =	vld.idx.msk [tilespmem:v53+s13+$0x0], $0xffff  }
0x2d7: {  	v50 =	vor.u32 v1, v31;
	v53 =	vor.u32 v7, v37;
	v34 =	vld.idx.msk [tilespmem:v34+s13+$0x0], $0xffff;
	[tilespmem:v51+s21+$0x0] =	vst.idx.msk $0xffff, v32  }
0x2d8: {  	v51 =	vor.u32 v13, v44;
	[tilespmem:v45+s21+$0x0] =	vst.idx.msk $0xffff, v48;
	v45 =	vor.u32 v8, v43;
	v36 =	vld.idx.msk [tilespmem:v36+s13+$0x0], $0xffff  }
0x2d9: {  	v56 =	vor.u32 v10, v43;
	v48 =	vor.u32 v14, v41;
	v55 =	vld.idx.msk [tilespmem:v35+s13+$0x0], $0xffff;
	v35 =	vor.u32 v7, v25  }
0x2da: {  	v57 =	vor.u32 v3, v29;
	v32 =	vand.u32 $0x1F, v22;
	[tilespmem:v54+s21+$0x0] =	vst.idx.msk $0xffff, v52;
	v52 =	vor.u32 v8, v38  }
0x2db: {  	[tilespmem:v46+s21+$0x0] =	vst.idx.msk $0xffff, v24;
	v46 =	vor.u32 v2, v32;
	v24 =	vor.u32 v4, v26;
	v40 =	vld.idx.msk [tilespmem:v40+s13+$0x0], $0xffff  }
0x2dc: {  	v58 =	vor.u32 v3, v28;
	v54 =	vor.u32 v1, v32;
	v49 =	vld.idx.msk [tilespmem:v49+s13+$0x0], $0xffff;
	[tilespmem:v53+s21+$0x0] =	vst.idx.msk $0xffff, v47  }
0x2dd: {  	v39 =	vor.u32 v15, v39;
	v47 =	vor.u32 v4, v27;
	[tilespmem:v51+s21+$0x0] =	vst.idx.msk $0xffff, v34;
	v45 =	vld.idx.msk [tilespmem:v45+s13+$0x0], $0xffff  }
0x2de: {  	v22 =	vshll.u32 v22, $0x7;
	v53 =	vor.u32 v9, v37;
	v51 =	vor.u32 $0x10, v21;
	v48 =	vld.idx.msk [tilespmem:v48+s13+$0x0], $0xffff;
	[tilespmem:v35+s21+$0x0] =	vst.idx.msk $0xffff, v36  }
0x2df: {  	v22 =	vand.u32 $0xC00, v22;
	v36 =	vor.u32 v15, v44;
	v35 =	vand.u32 $0x1F, v51;
	[tilespmem:v57+s21+$0x0] =	vst.idx.msk $0xffff, v55;
	v44 =	vld.idx.msk [tilespmem:v52+s13+$0x0], $0xffff  }
0x2e0: {  	v34 =	vor.u32 v30, v22;
	v22 =	vor.u32 v1, v35;
	v55 =	vor.u32 v9, v25;
	v52 =	vld.idx.msk [tilespmem:v24+s13+$0x0], $0xffff  }
0x2e1: {  	v57 =	vor.u32 v5, v29;
	v24 =	vmov v41;
	[tilespmem:v58+s21+$0x0] =	vst.idx.msk $0xffff, v40;
	v58 =	vor.u32 v10, v38  }
0x2e2: {  	v41 =	vor.u32 v0, v34;
	[tilespmem:v39+s21+$0x0] =	vst.idx.msk $0xffff, v49;
	v49 =	vor.u32 v6, v26;
	v47 =	vld.idx.msk [tilespmem:v47+s13+$0x0], $0xffff  }
0x2e3: {  	v40 =	vshll.u32 v42, $0x7;
	v39 =	vshll.u32 v51, $0x7;
	v51 =	vor.u32 v5, v28;
	v54 =	vld.idx.msk [tilespmem:v54+s13+$0x0], $0xffff;
	[tilespmem:v53+s21+$0x0] =	vst.idx.msk $0xffff, v45  }
0x2e4: {  	v33 =	vand.u32 $0x380, v33;
	v45 =	vor.u32 v6, v27;
	[tilespmem:v36+s21+$0x0] =	vst.idx.msk $0xffff, v48;
	v36 =	vand.u32 $0xC00, v39;
	v48 =	vld.idx.msk [tilespmem:v56+s13+$0x0], $0xffff  }
0x2e5: {  	v56 =	vor.u32 v11, v37;
	v53 =	vld.idx.msk [tilespmem:v22+s13+$0x0], $0xffff;
	v36 =	vor.u32 v33, v36;
	[tilespmem:v55+s21+$0x0] =	vst.idx.msk $0xffff, v44  }
0x2e6: {  	v55 =	vor.u32 v0, v36;
	[tilespmem:v57+s21+$0x0] =	vst.idx.msk $0xffff, v52;
	v52 =	vor.u32 v12, v43;
	v57 =	vld.idx.msk [tilespmem:v58+s13+$0x0], $0xffff  }
0x2e7: {  	v59 =	vor.u32 v11, v25;
	v39 =	vand.u32 $0x780, v40;
	v22 =	vmovc v19;
	v58 =	vor.u32 v2, v35;
	v49 =	vld.idx.msk [tilespmem:v49+s13+$0x0], $0xffff  }
0x2e8: {  	v62 =	vor.u32 v12, v38;
	v61 =	vor.u32 v7, v29;
	v60 =	vld.idx.msk [tilespmem:v50+s13+$0x0], $0xffff;
	[tilespmem:v51+s21+$0x0] =	vst.idx.msk $0xffff, v47  }
0x2e9: {  	v63 =	vor.u32 v0, v39;
	[tilespmem:v41+s21+$0x0] =	vst.idx.msk $0xffff, v54;
	v41 =	vor.u32 v8, v26;
	v44 =	vld.idx.msk [tilespmem:v45+s13+$0x0], $0xffff  }
.Ltmp1:
0x2ea: {  	v19 =	vmov v20;
	v20 =	vmov v42;
	v47 =	vld.idx.msk [tilespmem:v46+s13+$0x0], $0xffff;
	v46 =	vor.u32 v7, v28;
	[tilespmem:v56+s21+$0x0] =	vst.idx.msk $0xffff, v48;
	(pc) =	sbr.rel @p0 .LBB2_5-.Ltmp1, $4  }
0x2eb: {  	v54 =	vor.u32 v3, v34;
	[tilespmem:v55+s21+$0x0] =	vst.idx.msk $0xffff, v53;
	v55 =	vor.u32 v8, v27;
	v42 =	vld.idx.msk [tilespmem:v52+s13+$0x0], $0xffff  }
0x2ec: {  	v50 =	vor.u32 v4, v32;
	v51 =	vor.u32 v13, v37;
	v48 =	vld.idx.msk [tilespmem:v58+s13+$0x0], $0xffff;
	[tilespmem:v59+s21+$0x0] =	vst.idx.msk $0xffff, v57  }
0x2ed: {  	v52 =	vor.u32 v3, v36;
	v53 =	vor.u32 v14, v43;
	[tilespmem:v61+s21+$0x0] =	vst.idx.msk $0xffff, v49;
	v43 =	vld.idx.msk [tilespmem:v62+s13+$0x0], $0xffff  }
0x2ee: {  	s0 =	sadd.s32 $0x1, s1;
	s1 =	sadd.s32 $0x2, s1;
	v56 =	vor.u32 v4, v35;
	v57 =	vor.u32 v13, v25;
	[tilespmem:v63+s21+$0x0] =	vst.idx.msk $0xffff, v60;
	v49 =	vld.idx.msk [tilespmem:v41+s13+$0x0], $0xffff  }
0x2ef: {  	_ =	sdelay $0x2  }
0x2f0: {  	v41 =	vadd.s32 s0, v0  }
0x2f1: {  	[tilespmem:v46+s21+$0x0] =	vst.idx.msk $0xffff, v44;
	v38 =	vor.u32 v14, v38;
	v44 =	vand.u32 $0xF, v41  }
0x2f2: {  	v45 =	vor.u32 v9, v29;
	[tilespmem:v54+s21+$0x0] =	vst.idx.msk $0xffff, v47;
	v47 =	vld.idx.msk [tilespmem:v55+s13+$0x0], $0xffff;
	v63 =	vor.u32 v1, v44  }
0x2f3: {  	v46 =	vor.u32 v10, v26;
	v50 =	vld.idx.msk [tilespmem:v50+s13+$0x0], $0xffff;
	v55 =	vor.u32 v9, v28;
	[tilespmem:v51+s21+$0x0] =	vst.idx.msk $0xffff, v42  }
0x2f4: {  	v62 =	vor.u32 v15, v37;
	v42 =	vor.u32 v5, v34;
	[tilespmem:v52+s21+$0x0] =	vst.idx.msk $0xffff, v48;
	v51 =	vld.idx.msk [tilespmem:v53+s13+$0x0], $0xffff  }
0x2f5: {  	v48 =	vor.u32 v10, v27;
	v61 =	vld.idx.msk [tilespmem:v56+s13+$0x0], $0xffff;
	[tilespmem:v57+s21+$0x0] =	vst.idx.msk $0xffff, v43;
	v57 =	vshll.u32 v41, $0x7  }
0x2f6: {  	v60 =	vor.u32 v6, v32;
	v58 =	vor.u32 v5, v36;
	v37 =	vld.idx.msk [tilespmem:v38+s13+$0x0], $0xffff;
	v38 =	vand.u32 $0x780, v57  }
0x2f7: {  	v59 =	vor.u32 v2, v31;
	[tilespmem:v45+s21+$0x0] =	vst.idx.msk $0xffff, v49;
	v54 =	vor.u32 v0, v38;
	v63 =	vld.idx.msk [tilespmem:v63+s13+$0x0], $0xffff  }
0x2f8: {  	[tilespmem:v55+s21+$0x0] =	vst.idx.msk $0xffff, v47;
	v55 =	vor.u32 v2, v44  }
0x2f9: {  	v43 =	vld.idx.msk [tilespmem:v46+s13+$0x0], $0xffff;
	[tilespmem:v42+s21+$0x0] =	vst.idx.msk $0xffff, v50  }
0x2fa: {  	v42 =	vld.idx.msk [tilespmem:v48+s13+$0x0], $0xffff;
	[tilespmem:v62+s21+$0x0] =	vst.idx.msk $0xffff, v51  }
0x2fb: {  	v47 =	vld.idx.msk [tilespmem:v60+s13+$0x0], $0xffff;
	[tilespmem:v58+s21+$0x0] =	vst.idx.msk $0xffff, v61  }
0x2fc: {  	v58 =	vld.idx.msk [tilespmem:v59+s13+$0x0], $0xffff;
	v59 =	vor.u32 v3, v39;
	[tilespmem:v54+s21+$0x0] =	vst.idx.msk $0xffff, v63  }
0x2fd: {  	v60 =	vor.u32 v4, v31;
	v61 =	vor.u32 v3, v38;
	v46 =	vld.idx.msk [tilespmem:v55+s13+$0x0], $0xffff  }
0x2fe: {  	v62 =	vor.u32 v4, v44;
	_ =	sdelay $0x2  }
0x2ff: {  	[tilespmem:v59+s21+$0x0] =	vst.idx.msk $0xffff, v58  }
0x300: {  	v63 =	vor.u32 v5, v39;
	v45 =	vld.idx.msk [tilespmem:v60+s13+$0x0], $0xffff;
	[tilespmem:v61+s21+$0x0] =	vst.idx.msk $0xffff, v46  }
0x301: {  	v54 =	vor.u32 v6, v31;
	v55 =	vor.u32 v5, v38;
	v49 =	vld.idx.msk [tilespmem:v62+s13+$0x0], $0xffff  }
0x302: {  	v56 =	vor.u32 v6, v44;
	_ =	sdelay $0x2  }
0x303: {  	[tilespmem:v63+s21+$0x0] =	vst.idx.msk $0xffff, v45  }
0x304: {  	v58 =	vor.u32 v7, v39;
	v46 =	vld.idx.msk [tilespmem:v54+s13+$0x0], $0xffff;
	[tilespmem:v55+s21+$0x0] =	vst.idx.msk $0xffff, v49  }
0x305: {  	v59 =	vor.u32 v8, v31;
	v60 =	vor.u32 v7, v38;
	v49 =	vld.idx.msk [tilespmem:v56+s13+$0x0], $0xffff  }
0x306: {  	v61 =	vor.u32 v8, v44;
	_ =	sdelay $0x2  }
0x307: {  	[tilespmem:v58+s21+$0x0] =	vst.idx.msk $0xffff, v46  }
0x308: {  	v62 =	vor.u32 v9, v39;
	v45 =	vld.idx.msk [tilespmem:v59+s13+$0x0], $0xffff;
	[tilespmem:v60+s21+$0x0] =	vst.idx.msk $0xffff, v49  }
0x309: {  	v63 =	vor.u32 v10, v31;
	v54 =	vor.u32 v9, v38;
	v49 =	vld.idx.msk [tilespmem:v61+s13+$0x0], $0xffff  }
0x30a: {  	v55 =	vor.u32 v10, v44;
	_ =	sdelay $0x2  }
0x30b: {  	[tilespmem:v62+s21+$0x0] =	vst.idx.msk $0xffff, v45  }
0x30c: {  	v56 =	vor.u32 v11, v39;
	v45 =	vld.idx.msk [tilespmem:v63+s13+$0x0], $0xffff;
	[tilespmem:v54+s21+$0x0] =	vst.idx.msk $0xffff, v49  }
0x30d: {  	v58 =	vor.u32 v12, v31;
	v59 =	vor.u32 v11, v38;
	v49 =	vld.idx.msk [tilespmem:v55+s13+$0x0], $0xffff  }
0x30e: {  	v60 =	vor.u32 v12, v44;
	_ =	sdelay $0x2  }
0x30f: {  	[tilespmem:v56+s21+$0x0] =	vst.idx.msk $0xffff, v45  }
0x310: {  	v61 =	vor.u32 v13, v39;
	v45 =	vld.idx.msk [tilespmem:v58+s13+$0x0], $0xffff;
	[tilespmem:v59+s21+$0x0] =	vst.idx.msk $0xffff, v49  }
0x311: {  	v62 =	vor.u32 v14, v31;
	v63 =	vor.u32 v13, v38;
	v49 =	vld.idx.msk [tilespmem:v60+s13+$0x0], $0xffff  }
0x312: {  	v56 =	vor.u32 v14, v44;
	_ =	sdelay $0x2  }
0x313: {  	v58 =	vor.u32 $0x10, v20;
	[tilespmem:v61+s21+$0x0] =	vst.idx.msk $0xffff, v45  }
0x314: {  	v59 =	vor.u32 v15, v39;
	v45 =	vand.u32 $0x1F, v58;
	v60 =	vor.u32 $0x10, v41;
	v46 =	vld.idx.msk [tilespmem:v62+s13+$0x0], $0xffff;
	[tilespmem:v63+s21+$0x0] =	vst.idx.msk $0xffff, v49  }
0x315: {  	v61 =	vor.u32 v1, v45;
	v62 =	vor.u32 v15, v38;
	v53 =	vand.u32 $0x1F, v60;
	v50 =	vld.idx.msk [tilespmem:v56+s13+$0x0], $0xffff  }
0x316: {  	v63 =	vor.u32 v1, v53  }
0x317: {  	v52 =	vshll.u32 v58, $0x7  }
0x318: {  	v38 =	vand.u32 $0x380, v40;
	v48 =	vshll.u32 v60, $0x7;
	v56 =	vand.u32 $0xC00, v52  }
0x319: {  	v39 =	vand.u32 $0x380, v57;
	v57 =	vand.u32 $0xC00, v48;
	[tilespmem:v59+s21+$0x0] =	vst.idx.msk $0xffff, v46;
	v40 =	vor.u32 v38, v56  }
0x31a: {  	v46 =	vor.u32 v39, v57;
	v49 =	vld.idx.msk [tilespmem:v61+s13+$0x0], $0xffff;
	v58 =	vor.u32 v0, v40;
	[tilespmem:v62+s21+$0x0] =	vst.idx.msk $0xffff, v50  }
0x31b: {  	v59 =	vor.u32 v2, v45;
	v60 =	vor.u32 v0, v46;
	v51 =	vld.idx.msk [tilespmem:v63+s13+$0x0], $0xffff  }
0x31c: {  	v61 =	vor.u32 v2, v53;
	_ =	sdelay $0x2  }
0x31d: {  	[tilespmem:v58+s21+$0x0] =	vst.idx.msk $0xffff, v49  }
0x31e: {  	v62 =	vor.u32 v6, v35;
	v63 =	vor.u32 v3, v40;
	v49 =	vld.idx.msk [tilespmem:v59+s13+$0x0], $0xffff;
	[tilespmem:v60+s21+$0x0] =	vst.idx.msk $0xffff, v51  }
0x31f: {  	v51 =	vor.u32 v4, v45;
	v60 =	vor.u32 v3, v46;
	v52 =	vld.idx.msk [tilespmem:v61+s13+$0x0], $0xffff  }
0x320: {  	v55 =	vor.u32 v4, v53  }
0x321: {  	v56 =	vor.u32 v7, v34  }
0x322: {  	v61 =	vor.u32 v8, v32  }
0x323: {  	v48 =	vld.idx.msk [tilespmem:v62+s13+$0x0], $0xffff;
	v62 =	vor.u32 v7, v36;
	[tilespmem:v63+s21+$0x0] =	vst.idx.msk $0xffff, v49  }
0x324: {  	v63 =	vor.u32 v8, v35;
	v50 =	vld.idx.msk [tilespmem:v51+s13+$0x0], $0xffff;
	v51 =	vor.u32 v5, v40;
	[tilespmem:v60+s21+$0x0] =	vst.idx.msk $0xffff, v52  }
0x325: {  	v60 =	vor.u32 v6, v45;
	v54 =	vld.idx.msk [tilespmem:v55+s13+$0x0], $0xffff;
	v55 =	vor.u32 v5, v46  }
0x326: {  	[tilespmem:v56+s21+$0x0] =	vst.idx.msk $0xffff, v47;
	v47 =	vor.u32 v6, v53  }
0x327: {  	v56 =	vld.idx.msk [tilespmem:v61+s13+$0x0], $0xffff;
	v61 =	vor.u32 v9, v34  }
0x328: {  	[tilespmem:v62+s21+$0x0] =	vst.idx.msk $0xffff, v48;
	v62 =	vor.u32 v10, v32  }
0x329: {  	v49 =	vld.idx.msk [tilespmem:v63+s13+$0x0], $0xffff;
	v63 =	vor.u32 v9, v36;
	[tilespmem:v51+s21+$0x0] =	vst.idx.msk $0xffff, v50  }
0x32a: {  	v50 =	vor.u32 v10, v35;
	v51 =	vld.idx.msk [tilespmem:v60+s13+$0x0], $0xffff;
	v60 =	vor.u32 v7, v40;
	[tilespmem:v55+s21+$0x0] =	vst.idx.msk $0xffff, v54  }
0x32b: {  	v54 =	vor.u32 v8, v45;
	v55 =	vor.u32 v7, v46;
	v47 =	vld.idx.msk [tilespmem:v47+s13+$0x0], $0xffff  }
0x32c: {  	[tilespmem:v61+s21+$0x0] =	vst.idx.msk $0xffff, v56;
	v61 =	vor.u32 v8, v53  }
0x32d: {  	v48 =	vld.idx.msk [tilespmem:v62+s13+$0x0], $0xffff;
	v62 =	vor.u32 v11, v34  }
0x32e: {  	[tilespmem:v63+s21+$0x0] =	vst.idx.msk $0xffff, v49  }
0x32f: {  	v58 =	vor.u32 v11, v36;
	v63 =	vor.u32 v12, v32;
	v50 =	vld.idx.msk [tilespmem:v50+s13+$0x0], $0xffff;
	[tilespmem:v60+s21+$0x0] =	vst.idx.msk $0xffff, v51  }
0x330: {  	v60 =	vor.u32 v12, v35;
	v52 =	vld.idx.msk [tilespmem:v54+s13+$0x0], $0xffff;
	v54 =	vor.u32 v9, v40;
	[tilespmem:v55+s21+$0x0] =	vst.idx.msk $0xffff, v47  }
0x331: {  	v47 =	vor.u32 v10, v45;
	v55 =	vld.idx.msk [tilespmem:v61+s13+$0x0], $0xffff;
	v61 =	vor.u32 v9, v46  }
0x332: {  	[tilespmem:v62+s21+$0x0] =	vst.idx.msk $0xffff, v48;
	v62 =	vor.u32 v10, v53;
	_ =	sdelay $0x1  }
0x333: {  	v49 =	vld.idx.msk [tilespmem:v63+s13+$0x0], $0xffff;
	v63 =	vor.u32 v13, v34;
	[tilespmem:v58+s21+$0x0] =	vst.idx.msk $0xffff, v50  }
0x334: {  	v32 =	vor.u32 v14, v32;
	v50 =	vld.idx.msk [tilespmem:v60+s13+$0x0], $0xffff;
	v60 =	vor.u32 v13, v36;
	[tilespmem:v54+s21+$0x0] =	vst.idx.msk $0xffff, v52  }
0x335: {  	v35 =	vor.u32 v14, v35;
	v52 =	vor.u32 v11, v40;
	v47 =	vld.idx.msk [tilespmem:v47+s13+$0x0], $0xffff;
	[tilespmem:v61+s21+$0x0] =	vst.idx.msk $0xffff, v55  }
0x336: {  	v23 =	vor.u32 $0x20, v23;
	v54 =	vor.u32 v12, v45;
	v55 =	vor.u32 v11, v46;
	v48 =	vld.idx.msk [tilespmem:v62+s13+$0x0], $0xffff  }
0x337: {  	v57 =	vor.u32 v12, v53;
	v53 =	vor.u32 v14, v53;
	v34 =	vor.u32 v15, v34  }
0x338: {  	v45 =	vor.u32 v14, v45;
	[tilespmem:v63+s21+$0x0] =	vst.idx.msk $0xffff, v49;
	v61 =	vand.u32 $0x7, v19;
	v62 =	vand.u32 $0x28, v23  }
0x339: {  	v63 =	vshll.u32 v23, $0x7;
	v59 =	vld.idx.msk [tilespmem:v32+s13+$0x0], $0xffff;
	v32 =	vor.u32 v61, v62;
	[tilespmem:v60+s21+$0x0] =	vst.idx.msk $0xffff, v50;
	v60 =	vor.u32 $0x20, v24  }
0x33a: {  	v61 =	vor.u32 v15, v36;
	v50 =	vor.u32 v1, v32;
	v35 =	vld.idx.msk [tilespmem:v35+s13+$0x0], $0xffff;
	[tilespmem:v52+s21+$0x0] =	vst.idx.msk $0xffff, v47  }
0x33b: {  	v23 =	vand.u32 $0x7, v21;
	v62 =	vor.u32 v13, v40;
	v24 =	vand.u32 $0x28, v60;
	v47 =	vld.idx.msk [tilespmem:v54+s13+$0x0], $0xffff;
	[tilespmem:v55+s21+$0x0] =	vst.idx.msk $0xffff, v48  }
0x33c: {  	v23 =	vor.u32 v23, v24;
	v24 =	vand.u32 $0x1400, v63;
	v63 =	vor.u32 v13, v46;
	v48 =	vld.idx.msk [tilespmem:v57+s13+$0x0], $0xffff  }
0x33d: {  	v58 =	vshll.u32 v60, $0x7;
	v60 =	vor.u32 $0x20, v31;
	v46 =	vor.u32 v15, v46  }
0x33e: {  	v31 =	vand.u32 $0x7, v20;
	v54 =	vor.u32 v1, v23;
	v24 =	vor.u32 v30, v24;
	[tilespmem:v34+s21+$0x0] =	vst.idx.msk $0xffff, v59  }
0x33f: {  	v56 =	vand.u32 $0x28, v60;
	v34 =	vand.u32 $0x1400, v58;
	v59 =	vor.u32 v0, v24;
	v50 =	vld.idx.msk [tilespmem:v50+s13+$0x0], $0xffff;
	[tilespmem:v61+s21+$0x0] =	vst.idx.msk $0xffff, v35  }
0x340: {  	v31 =	vor.u32 v31, v56;
	v58 =	vor.u32 $0x20, v44;
	v57 =	vor.u32 v2, v32;
	[tilespmem:v62+s21+$0x0] =	vst.idx.msk $0xffff, v47  }
0x341: {  	v61 =	vand.u32 $0x7, v41;
	v62 =	vand.u32 $0x28, v58;
	v44 =	vld.idx.msk [tilespmem:v45+s13+$0x0], $0xffff;
	v45 =	vor.u32 v15, v40;
	[tilespmem:v63+s21+$0x0] =	vst.idx.msk $0xffff, v48  }
0x342: {  	v56 =	vor.u32 v4, v32;
	v40 =	vor.u32 v61, v62;
	v63 =	vor.u32 v1, v31;
	v51 =	vld.idx.msk [tilespmem:v53+s13+$0x0], $0xffff  }
0x343: {  	v34 =	vor.u32 v33, v34;
	v55 =	vor.u32 v3, v24;
	v52 =	vor.u32 v1, v40  }
0x344: {  	v47 =	vld.idx.msk [tilespmem:v54+s13+$0x0], $0xffff;
	v54 =	vor.u32 v2, v23;
	[tilespmem:v59+s21+$0x0] =	vst.idx.msk $0xffff, v50;
	v59 =	vshll.u32 v60, $0x7  }
0x345: {  	v61 =	vshll.u32 v58, $0x7;
	v53 =	vor.u32 v0, v34;
	v60 =	vand.u32 $0x1400, v59  }
0x346: {  	v62 =	vand.u32 $0x1400, v61;
	v50 =	vld.idx.msk [tilespmem:v57+s13+$0x0], $0xffff;
	v35 =	vor.u32 v38, v60;
	[tilespmem:v45+s21+$0x0] =	vst.idx.msk $0xffff, v44  }
0x347: {  	v36 =	vor.u32 v39, v62;
	v44 =	vld.idx.msk [tilespmem:v63+s13+$0x0], $0xffff;
	v63 =	vor.u32 v0, v35;
	[tilespmem:v46+s21+$0x0] =	vst.idx.msk $0xffff, v51  }
0x348: {  	v57 =	vor.u32 v2, v31;
	v59 =	vor.u32 v0, v36;
	v58 =	vld.idx.msk [tilespmem:v52+s13+$0x0], $0xffff  }
0x349: {  	v60 =	vor.u32 v2, v40  }
0x34a: {  	[tilespmem:v53+s21+$0x0] =	vst.idx.msk $0xffff, v47  }
0x34b: {  	v47 =	vld.idx.msk [tilespmem:v54+s13+$0x0], $0xffff;
	v52 =	vor.u32 v3, v34;
	[tilespmem:v55+s21+$0x0] =	vst.idx.msk $0xffff, v50  }
0x34c: {  	v50 =	vor.u32 v4, v23;
	v54 =	vor.u32 v5, v24;
	v53 =	vld.idx.msk [tilespmem:v56+s13+$0x0], $0xffff;
	[tilespmem:v63+s21+$0x0] =	vst.idx.msk $0xffff, v44  }
0x34d: {  	v61 =	vor.u32 v3, v35;
	v44 =	vor.u32 v6, v32;
	v45 =	vld.idx.msk [tilespmem:v57+s13+$0x0], $0xffff;
	[tilespmem:v59+s21+$0x0] =	vst.idx.msk $0xffff, v58  }
0x34e: {  	v62 =	vor.u32 v4, v31;
	v51 =	vor.u32 v3, v36;
	v55 =	vor.u32 v5, v36;
	v49 =	vld.idx.msk [tilespmem:v60+s13+$0x0], $0xffff  }
0x34f: {  	v56 =	vor.u32 v4, v40;
	v63 =	vor.u32 v11, v29;
	v57 =	vor.u32 v12, v26  }
0x350: {  	v26 =	vor.u32 v14, v26;
	[tilespmem:v52+s21+$0x0] =	vst.idx.msk $0xffff, v47;
	v60 =	vor.u32 v11, v28  }
0x351: {  	v47 =	vor.u32 v12, v27;
	v52 =	vor.u32 v5, v34;
	v50 =	vld.idx.msk [tilespmem:v50+s13+$0x0], $0xffff;
	[tilespmem:v54+s21+$0x0] =	vst.idx.msk $0xffff, v53  }
0x352: {  	v53 =	vor.u32 v6, v23;
	v54 =	vor.u32 v7, v24;
	v44 =	vld.idx.msk [tilespmem:v44+s13+$0x0], $0xffff;
	[tilespmem:v61+s21+$0x0] =	vst.idx.msk $0xffff, v45  }
0x353: {  	v61 =	vor.u32 v8, v32;
	v46 =	vld.idx.msk [tilespmem:v62+s13+$0x0], $0xffff;
	v62 =	vor.u32 v5, v35;
	[tilespmem:v51+s21+$0x0] =	vst.idx.msk $0xffff, v49  }
0x354: {  	[tilespmem:v63+s21+$0x0] =	vst.idx.msk $0xffff, v43;
	v63 =	vor.u32 v6, v31;
	v43 =	vor.u32 v15, v25;
	v51 =	vld.idx.msk [tilespmem:v56+s13+$0x0], $0xffff  }
0x355: {  	v25 =	vld.idx.msk [tilespmem:v57+s13+$0x0], $0xffff;
	v57 =	vor.u32 v13, v29;
	[tilespmem:v60+s21+$0x0] =	vst.idx.msk $0xffff, v42;
	v60 =	vor.u32 v6, v40  }
0x356: {  	v27 =	vor.u32 v14, v27;
	v58 =	vor.u32 v9, v36;
	[tilespmem:v52+s21+$0x0] =	vst.idx.msk $0xffff, v50;
	v47 =	vld.idx.msk [tilespmem:v47+s13+$0x0], $0xffff  }
0x357: {  	v52 =	vor.u32 v7, v34;
	v56 =	vor.u32 $0x30, v22;
	v50 =	vld.idx.msk [tilespmem:v53+s13+$0x0], $0xffff;
	[tilespmem:v54+s21+$0x0] =	vst.idx.msk $0xffff, v44  }
0x358: {  	v44 =	vor.u32 v8, v23;
	v45 =	vld.idx.msk [tilespmem:v61+s13+$0x0], $0xffff;
	v61 =	vor.u32 v9, v24;
	[tilespmem:v62+s21+$0x0] =	vst.idx.msk $0xffff, v46  }
0x359: {  	v62 =	vor.u32 v10, v32;
	v48 =	vld.idx.msk [tilespmem:v63+s13+$0x0], $0xffff;
	v63 =	vor.u32 v7, v35;
	[tilespmem:v55+s21+$0x0] =	vst.idx.msk $0xffff, v51  }
0x35a: {  	v54 =	vor.u32 v8, v31;
	[tilespmem:v57+s21+$0x0] =	vst.idx.msk $0xffff, v25;
	v42 =	vld.idx.msk [tilespmem:v60+s13+$0x0], $0xffff;
	v60 =	vor.u32 v7, v36  }
0x35b: {  	v29 =	vor.u32 v15, v29;
	v22 =	vand.u32 $0x3F, v56;
	v25 =	vor.u32 v8, v40;
	v26 =	vld.idx.msk [tilespmem:v26+s13+$0x0], $0xffff  }
0x35c: {  	v59 =	vshll.u32 v56, $0x7;
	v56 =	vor.u32 v11, v35;
	v51 =	vor.u32 v13, v28;
	[tilespmem:v52+s21+$0x0] =	vst.idx.msk $0xffff, v50  }
0x35d: {  	v57 =	vor.u32 v2, v22;
	v52 =	vor.u32 v9, v34;
	v44 =	vld.idx.msk [tilespmem:v44+s13+$0x0], $0xffff;
	[tilespmem:v61+s21+$0x0] =	vst.idx.msk $0xffff, v45  }
0x35e: {  	v61 =	vor.u32 v10, v23;
	v46 =	vld.idx.msk [tilespmem:v62+s13+$0x0], $0xffff;
	v62 =	vor.u32 v11, v24;
	[tilespmem:v63+s21+$0x0] =	vst.idx.msk $0xffff, v48  }
0x35f: {  	v63 =	vor.u32 v12, v32;
	v49 =	vld.idx.msk [tilespmem:v54+s13+$0x0], $0xffff;
	v54 =	vor.u32 v9, v35;
	[tilespmem:v60+s21+$0x0] =	vst.idx.msk $0xffff, v42  }
0x360: {  	v50 =	vor.u32 v1, v22;
	[tilespmem:v29+s21+$0x0] =	vst.idx.msk $0xffff, v26;
	v42 =	vor.u32 v10, v31;
	v25 =	vld.idx.msk [tilespmem:v25+s13+$0x0], $0xffff  }
0x361: {  	v28 =	vor.u32 v15, v28;
	v26 =	vor.u32 v10, v40;
	v29 =	vand.u32 $0x1C00, v59;
	[tilespmem:v51+s21+$0x0] =	vst.idx.msk $0xffff, v47  }
0x362: {  	v59 =	vor.u32 v11, v36;
	v32 =	vor.u32 v14, v32;
	v27 =	vld.idx.msk [tilespmem:v27+s13+$0x0], $0xffff;
	[tilespmem:v52+s21+$0x0] =	vst.idx.msk $0xffff, v44  }
0x363: {  	v17 =	vor.u32 v17, v29;
	v45 =	vld.idx.msk [tilespmem:v61+s13+$0x0], $0xffff;
	v61 =	vor.u32 v11, v34;
	[tilespmem:v62+s21+$0x0] =	vst.idx.msk $0xffff, v46  }
0x364: {  	v60 =	vor.u32 $0x30, v16;
	v48 =	vld.idx.msk [tilespmem:v63+s13+$0x0], $0xffff;
	v63 =	vor.u32 v13, v24;
	[tilespmem:v54+s21+$0x0] =	vst.idx.msk $0xffff, v49  }
0x365: {  	v16 =	vand.u32 $0x3F, v60;
	v62 =	vor.u32 v12, v23;
	v42 =	vld.idx.msk [tilespmem:v42+s13+$0x0], $0xffff;
	[tilespmem:v58+s21+$0x0] =	vst.idx.msk $0xffff, v25  }
0x366: {  	v44 =	vor.u32 v1, v16;
	v23 =	vor.u32 v14, v23;
	v58 =	vor.u32 v12, v31;
	v26 =	vld.idx.msk [tilespmem:v26+s13+$0x0], $0xffff  }
0x367: {  	v24 =	vor.u32 v15, v24;
	[tilespmem:v28+s21+$0x0] =	vst.idx.msk $0xffff, v27;
	v27 =	vor.u32 v12, v40  }
0x368: {  	v28 =	vor.u32 v0, v17;
	v40 =	vor.u32 v14, v40;
	v25 =	vshll.u32 v60, $0x7;
	[tilespmem:v61+s21+$0x0] =	vst.idx.msk $0xffff, v45  }
0x369: {  	v60 =	vor.u32 v13, v34;
	v61 =	vor.u32 $0x30, v19;
	v25 =	vand.u32 $0x1C00, v25;
	[tilespmem:v63+s21+$0x0] =	vst.idx.msk $0xffff, v48  }
0x36a: {  	v34 =	vor.u32 v15, v34;
	v18 =	vor.u32 v18, v25;
	v25 =	vld.idx.msk [tilespmem:v62+s13+$0x0], $0xffff;
	[tilespmem:v56+s21+$0x0] =	vst.idx.msk $0xffff, v42  }
0x36b: {  	v19 =	vand.u32 $0x3F, v61;
	v62 =	vor.u32 v13, v35;
	v46 =	vld.idx.msk [tilespmem:v58+s13+$0x0], $0xffff;
	[tilespmem:v59+s21+$0x0] =	vst.idx.msk $0xffff, v26  }
0x36c: {  	v48 =	vor.u32 v2, v16;
	v26 =	vor.u32 v14, v31;
	v31 =	vor.u32 v13, v36;
	v27 =	vld.idx.msk [tilespmem:v27+s13+$0x0], $0xffff  }
0x36d: {  	v49 =	vor.u32 v2, v19;
	v63 =	vor.u32 v1, v19;
	v32 =	vld.idx.msk [tilespmem:v32+s13+$0x0], $0xffff;
	v56 =	vor.u32 $0x30, v21  }
0x36e: {  	[tilespmem:v43+s21+$0x0] =	vst.idx.msk $0xffff, v37;
	v35 =	vor.u32 v15, v35;
	v29 =	vor.u32 v0, v18;
	v21 =	vand.u32 $0x3F, v56  }
0x36f: {  	v50 =	vld.idx.msk [tilespmem:v50+s13+$0x0], $0xffff;
	v36 =	vor.u32 v15, v36;
	v52 =	vor.u32 v2, v21;
	[tilespmem:v60+s21+$0x0] =	vst.idx.msk $0xffff, v25  }
0x370: {  	v25 =	vshll.u32 v61, $0x7;
	v60 =	vor.u32 v1, v21;
	v61 =	vor.u32 $0x30, v20;
	v45 =	vld.idx.msk [tilespmem:v23+s13+$0x0], $0xffff;
	[tilespmem:v62+s21+$0x0] =	vst.idx.msk $0xffff, v46  }
0x371: {  	v58 =	vand.u32 $0x1C00, v25;
	v23 =	vand.u32 $0x3F, v61;
	v26 =	vld.idx.msk [tilespmem:v26+s13+$0x0], $0xffff;
	[tilespmem:v31+s21+$0x0] =	vst.idx.msk $0xffff, v27;
	v27 =	vor.u32 $0x30, v41  }
0x372: {  	[tilespmem:v24+s21+$0x0] =	vst.idx.msk $0xffff, v32;
	v24 =	vshll.u32 v56, $0x7;
	v31 =	vor.u32 v1, v23;
	v40 =	vld.idx.msk [tilespmem:v40+s13+$0x0], $0xffff;
	v25 =	vand.u32 $0x3F, v27  }
0x373: {  	v59 =	vld.idx.msk [tilespmem:v44+s13+$0x0], $0xffff;
	v20 =	vor.u32 v30, v58;
	v24 =	vand.u32 $0x1C00, v24;
	v62 =	vor.u32 v1, v25  }
0x374: {  	v47 =	vshll.u32 v61, $0x7;
	v30 =	vld.idx.msk [tilespmem:v63+s13+$0x0], $0xffff;
	v63 =	vor.u32 v0, v20;
	v24 =	vor.u32 v33, v24  }
0x375: {  	v33 =	vand.u32 $0x1C00, v47;
	v51 =	vor.u32 v0, v24;
	[tilespmem:v34+s21+$0x0] =	vst.idx.msk $0xffff, v45;
	v27 =	vshll.u32 v27, $0x7  }
0x376: {  	v34 =	vld.idx.msk [tilespmem:v60+s13+$0x0], $0xffff;
	v27 =	vand.u32 $0x1C00, v27;
	[tilespmem:v35+s21+$0x0] =	vst.idx.msk $0xffff, v26;
	v26 =	vor.u32 v38, v33  }
0x377: {  	v27 =	vor.u32 v39, v27;
	v31 =	vld.idx.msk [tilespmem:v31+s13+$0x0], $0xffff;
	v33 =	vor.u32 v0, v26;
	[tilespmem:v36+s21+$0x0] =	vst.idx.msk $0xffff, v40  }
0x378: {  	[tilespmem:v28+s21+$0x0] =	vst.idx.msk $0xffff, v50;
	v28 =	vor.u32 v2, v23;
	v54 =	vor.u32 v0, v27;
	v53 =	vld.idx.msk [tilespmem:v62+s13+$0x0], $0xffff  }
0x379: {  	v55 =	vld.idx.msk [tilespmem:v57+s13+$0x0], $0xffff;
	v56 =	vor.u32 v3, v17;
	[tilespmem:v29+s21+$0x0] =	vst.idx.msk $0xffff, v59;
	v29 =	vor.u32 v2, v25  }
0x37a: {  	v57 =	vor.u32 v4, v22;
	v59 =	vor.u32 v3, v18;
	v58 =	vld.idx.msk [tilespmem:v48+s13+$0x0], $0xffff;
	[tilespmem:v63+s21+$0x0] =	vst.idx.msk $0xffff, v30  }
0x37b: {  	v61 =	vor.u32 v3, v20;
	v30 =	vor.u32 v4, v16;
	v60 =	vld.idx.msk [tilespmem:v49+s13+$0x0], $0xffff;
	[tilespmem:v51+s21+$0x0] =	vst.idx.msk $0xffff, v34  }
0x37c: {  	v63 =	vor.u32 v3, v24;
	v62 =	vor.u32 v4, v19;
	v37 =	vld.idx.msk [tilespmem:v52+s13+$0x0], $0xffff;
	[tilespmem:v33+s21+$0x0] =	vst.idx.msk $0xffff, v31  }
0x37d: {  	v48 =	vor.u32 v3, v26;
	v31 =	vor.u32 v4, v21;
	v28 =	vld.idx.msk [tilespmem:v28+s13+$0x0], $0xffff;
	[tilespmem:v54+s21+$0x0] =	vst.idx.msk $0xffff, v53  }
0x37e: {  	[tilespmem:v56+s21+$0x0] =	vst.idx.msk $0xffff, v55;
	v49 =	vor.u32 v4, v23;
	v50 =	vor.u32 v3, v27;
	v29 =	vld.idx.msk [tilespmem:v29+s13+$0x0], $0xffff  }
0x37f: {  	v32 =	vld.idx.msk [tilespmem:v57+s13+$0x0], $0xffff;
	[tilespmem:v59+s21+$0x0] =	vst.idx.msk $0xffff, v58;
	v51 =	vor.u32 v5, v17;
	v52 =	vor.u32 v4, v25  }
0x380: {  	v30 =	vld.idx.msk [tilespmem:v30+s13+$0x0], $0xffff;
	[tilespmem:v61+s21+$0x0] =	vst.idx.msk $0xffff, v60;
	v53 =	vor.u32 v6, v22;
	v54 =	vor.u32 v5, v18  }
0x381: {  	v55 =	vor.u32 v6, v16;
	v56 =	vor.u32 v5, v20;
	v34 =	vld.idx.msk [tilespmem:v62+s13+$0x0], $0xffff;
	[tilespmem:v63+s21+$0x0] =	vst.idx.msk $0xffff, v37  }
0x382: {  	v57 =	vor.u32 v6, v19;
	v58 =	vor.u32 v5, v24;
	v31 =	vld.idx.msk [tilespmem:v31+s13+$0x0], $0xffff;
	[tilespmem:v48+s21+$0x0] =	vst.idx.msk $0xffff, v28  }
0x383: {  	v59 =	vor.u32 v5, v26;
	v28 =	vor.u32 v6, v21;
	v33 =	vld.idx.msk [tilespmem:v49+s13+$0x0], $0xffff;
	[tilespmem:v50+s21+$0x0] =	vst.idx.msk $0xffff, v29  }
0x384: {  	v61 =	vor.u32 v5, v27;
	[tilespmem:v51+s21+$0x0] =	vst.idx.msk $0xffff, v32;
	v29 =	vor.u32 v6, v23;
	v60 =	vld.idx.msk [tilespmem:v52+s13+$0x0], $0xffff  }
0x385: {  	v62 =	vor.u32 v7, v17;
	v38 =	vld.idx.msk [tilespmem:v53+s13+$0x0], $0xffff;
	[tilespmem:v54+s21+$0x0] =	vst.idx.msk $0xffff, v30;
	v30 =	vor.u32 v6, v25  }
0x386: {  	v63 =	vor.u32 v8, v22;
	v48 =	vor.u32 v7, v18;
	[tilespmem:v56+s21+$0x0] =	vst.idx.msk $0xffff, v34;
	v41 =	vld.idx.msk [tilespmem:v55+s13+$0x0], $0xffff  }
0x387: {  	v49 =	vor.u32 v8, v16;
	v37 =	vld.idx.msk [tilespmem:v57+s13+$0x0], $0xffff;
	v50 =	vor.u32 v7, v20;
	[tilespmem:v58+s21+$0x0] =	vst.idx.msk $0xffff, v31  }
0x388: {  	v51 =	vor.u32 v7, v24;
	v31 =	vor.u32 v8, v19;
	v28 =	vld.idx.msk [tilespmem:v28+s13+$0x0], $0xffff;
	[tilespmem:v59+s21+$0x0] =	vst.idx.msk $0xffff, v33  }
0x389: {  	v53 =	vor.u32 v7, v26;
	v52 =	vor.u32 v8, v21;
	v29 =	vld.idx.msk [tilespmem:v29+s13+$0x0], $0xffff;
	[tilespmem:v61+s21+$0x0] =	vst.idx.msk $0xffff, v60  }
0x38a: {  	v54 =	vor.u32 v8, v23;
	v55 =	vor.u32 v7, v27;
	[tilespmem:v62+s21+$0x0] =	vst.idx.msk $0xffff, v38;
	v30 =	vld.idx.msk [tilespmem:v30+s13+$0x0], $0xffff  }
0x38b: {  	v56 =	vor.u32 v9, v17;
	v57 =	vor.u32 v8, v25;
	v38 =	vld.idx.msk [tilespmem:v63+s13+$0x0], $0xffff;
	[tilespmem:v48+s21+$0x0] =	vst.idx.msk $0xffff, v41  }
0x38c: {  	v58 =	vor.u32 v10, v22;
	v59 =	vor.u32 v9, v18;
	[tilespmem:v50+s21+$0x0] =	vst.idx.msk $0xffff, v37;
	v34 =	vld.idx.msk [tilespmem:v49+s13+$0x0], $0xffff  }
0x38d: {  	v60 =	vor.u32 v10, v16;
	v61 =	vor.u32 v9, v20;
	v31 =	vld.idx.msk [tilespmem:v31+s13+$0x0], $0xffff;
	[tilespmem:v51+s21+$0x0] =	vst.idx.msk $0xffff, v28  }
0x38e: {  	v62 =	vor.u32 v9, v24;
	v28 =	vor.u32 v10, v19;
	v33 =	vld.idx.msk [tilespmem:v52+s13+$0x0], $0xffff;
	[tilespmem:v53+s21+$0x0] =	vst.idx.msk $0xffff, v29  }
0x38f: {  	v63 =	vor.u32 v9, v26;
	v29 =	vor.u32 v10, v21;
	v32 =	vld.idx.msk [tilespmem:v54+s13+$0x0], $0xffff;
	[tilespmem:v55+s21+$0x0] =	vst.idx.msk $0xffff, v30  }
0x390: {  	v48 =	vor.u32 v9, v27;
	[tilespmem:v56+s21+$0x0] =	vst.idx.msk $0xffff, v38;
	v30 =	vor.u32 v10, v23;
	v36 =	vld.idx.msk [tilespmem:v57+s13+$0x0], $0xffff  }
0x391: {  	v50 =	vor.u32 v10, v25;
	v49 =	vor.u32 v11, v17;
	v39 =	vld.idx.msk [tilespmem:v58+s13+$0x0], $0xffff;
	[tilespmem:v59+s21+$0x0] =	vst.idx.msk $0xffff, v34  }
0x392: {  	v51 =	vor.u32 v12, v22;
	v52 =	vor.u32 v11, v18;
	v37 =	vld.idx.msk [tilespmem:v60+s13+$0x0], $0xffff;
	[tilespmem:v61+s21+$0x0] =	vst.idx.msk $0xffff, v31  }
0x393: {  	v53 =	vor.u32 v11, v20;
	v31 =	vor.u32 v12, v16;
	v28 =	vld.idx.msk [tilespmem:v28+s13+$0x0], $0xffff;
	[tilespmem:v62+s21+$0x0] =	vst.idx.msk $0xffff, v33  }
0x394: {  	v54 =	vor.u32 v12, v19;
	v55 =	vor.u32 v11, v24;
	v29 =	vld.idx.msk [tilespmem:v29+s13+$0x0], $0xffff;
	[tilespmem:v63+s21+$0x0] =	vst.idx.msk $0xffff, v32  }
0x395: {  	v56 =	vor.u32 v12, v21;
	v57 =	vor.u32 v11, v26;
	v30 =	vld.idx.msk [tilespmem:v30+s13+$0x0], $0xffff;
	[tilespmem:v48+s21+$0x0] =	vst.idx.msk $0xffff, v36  }
0x396: {  	v58 =	vor.u32 v12, v23;
	v59 =	vor.u32 v11, v27;
	[tilespmem:v49+s21+$0x0] =	vst.idx.msk $0xffff, v39;
	v34 =	vld.idx.msk [tilespmem:v50+s13+$0x0], $0xffff  }
0x397: {  	v60 =	vor.u32 v13, v17;
	v61 =	vor.u32 v12, v25;
	v39 =	vld.idx.msk [tilespmem:v51+s13+$0x0], $0xffff;
	[tilespmem:v52+s21+$0x0] =	vst.idx.msk $0xffff, v37  }
0x398: {  	v22 =	vor.u32 v14, v22;
	v62 =	vor.u32 v13, v18;
	v31 =	vld.idx.msk [tilespmem:v31+s13+$0x0], $0xffff;
	[tilespmem:v53+s21+$0x0] =	vst.idx.msk $0xffff, v28  }
0x399: {  	v16 =	vor.u32 v14, v16;
	v63 =	vor.u32 v13, v20;
	v28 =	vld.idx.msk [tilespmem:v54+s13+$0x0], $0xffff;
	[tilespmem:v55+s21+$0x0] =	vst.idx.msk $0xffff, v29  }
0x39a: {  	v42 =	vor.u32 v13, v24;
	v19 =	vor.u32 v14, v19;
	v29 =	vld.idx.msk [tilespmem:v56+s13+$0x0], $0xffff;
	[tilespmem:v57+s21+$0x0] =	vst.idx.msk $0xffff, v30  }
0x39b: {  	v43 =	vor.u32 v13, v26;
	v21 =	vor.u32 v14, v21;
	v30 =	vld.idx.msk [tilespmem:v58+s13+$0x0], $0xffff;
	[tilespmem:v59+s21+$0x0] =	vst.idx.msk $0xffff, v34  }
0x39c: {  	v44 =	vor.u32 v13, v27;
	v23 =	vor.u32 v14, v23;
	[tilespmem:v60+s21+$0x0] =	vst.idx.msk $0xffff, v39;
	v34 =	vld.idx.msk [tilespmem:v61+s13+$0x0], $0xffff  }
0x39d: {  	v17 =	vor.u32 v15, v17;
	v25 =	vor.u32 v14, v25;
	v22 =	vld.idx.msk [tilespmem:v22+s13+$0x0], $0xffff;
	[tilespmem:v62+s21+$0x0] =	vst.idx.msk $0xffff, v31  }
0x39e: {  	v18 =	vor.u32 v15, v18;
	v16 =	vld.idx.msk [tilespmem:v16+s13+$0x0], $0xffff;
	[tilespmem:v63+s21+$0x0] =	vst.idx.msk $0xffff, v28  }
0x39f: {  	v20 =	vor.u32 v15, v20;
	v19 =	vld.idx.msk [tilespmem:v19+s13+$0x0], $0xffff;
	[tilespmem:v42+s21+$0x0] =	vst.idx.msk $0xffff, v29  }
0x3a0: {  	v24 =	vor.u32 v15, v24;
	v21 =	vld.idx.msk [tilespmem:v21+s13+$0x0], $0xffff;
	[tilespmem:v43+s21+$0x0] =	vst.idx.msk $0xffff, v30  }
0x3a1: {  	v26 =	vor.u32 v15, v26;
	v23 =	vld.idx.msk [tilespmem:v23+s13+$0x0], $0xffff;
	[tilespmem:v44+s21+$0x0] =	vst.idx.msk $0xffff, v34  }
0x3a2: {  	[tilespmem:v17+s21+$0x0] =	vst.idx.msk $0xffff, v22;
	v22 =	vor.u32 v15, v27;
	v17 =	vld.idx.msk [tilespmem:v25+s13+$0x0], $0xffff  }
0x3a3: {  	[tilespmem:v18+s21+$0x0] =	vst.idx.msk $0xffff, v16  }
0x3a4: {  	[tilespmem:v20+s21+$0x0] =	vst.idx.msk $0xffff, v19  }
0x3a5: {  	p0 =	seq.s32 s28, $0x31;
	[tilespmem:v24+s21+$0x0] =	vst.idx.msk $0xffff, v21  }
0x3a6: {  	s0 =	sshll.u32 @!p0 s28, $0x9;
	[tilespmem:v26+s21+$0x0] =	vst.idx.msk $0xffff, v23  }
0x3a7: {  	s1 =	sadd.s32 s31, s7;
	s31 =	sand.u32 @!p0 $0x3FFFFE00, s0;
	[tilespmem:v22+s21+$0x0] =	vst.idx.msk $0xffff, v17  }
0x3a8: {  	[hbm4b:s1+s17] =	stream.strided.scatter [tilespmem:s21], [sflag:$0x6], $0x2000, s18, s17, $0x38;
	[tilespmem:$0x12400] =	vst v63  }
0x3a9: {  	s10 =	simm.s32 @!p0 $0x6400;
	s0 =	sadd.s32 @!p0 $0x200, s31;
	s1 =	simm.s32 @!p0 $0x80  }
0x3aa: {  	[tilespmem:s10], [sflag:$0x1] =	stream.indirect.gather @!p0 [hbm4b:s4+s1], $0x40, s0, s1, $0xb8;
	[tilespmem:$0x12400] =	vst v63  }
0x3ab: {  	s10 =	simm.s32 $0x0  }
0x3ac: {  	v26 =	vadd.s32 s10, v0  }
0x3ad: {  	s1 =	simm.s32 $0x1;
	_ =	swait.ge [sflag:s22], $0x2000;
	v18 =	vand.u32 $0xF, v26  }
0x3ae: {  	v25 =	vadd.s32 s1, v0;
	[sflag:s22] =	ssyncset.done $0x0;
	v16 =	vor.u32 v1, v18  }
0x3af: {  	v17 =	vand.u32 $0xF, v25;
	[sflag:s22] =	ssyncadd.s32 $0xFFFFE000  }
0x3b0: {  	v19 =	vor.u32 v1, v17;
	_ =	swait.ge [sflag:s23], $0x2000  }
0x3b1: {  	v20 =	vshll.u32 v26, $0x7;
	[sflag:s23] =	ssyncset.done $0x0  }
0x3b2: {  	v21 =	vand.u32 $0x780, v20;
	[sflag:s23] =	ssyncadd.s32 $0xFFFFE000  }
0x3b3: {  	v22 =	vshll.u32 v25, $0x7;
	v23 =	vor.u32 v0, v21;
	v16 =	vld.idx.msk [tilespmem:v16+s14+$0x0], $0xffff  }
0x3b4: {  	v24 =	vand.u32 $0x780, v22;
	v27 =	vor.u32 v2, v18  }
0x3b5: {  	v28 =	vor.u32 v0, v24;
	v19 =	vld.idx.msk [tilespmem:v19+s14+$0x0], $0xffff  }
0x3b6: {  	v29 =	vor.u32 v2, v17;
	_ =	sdelay $0x1  }
0x3b7: {  	[tilespmem:v23+s16+$0x0] =	vst.idx.msk $0xffff, v16  }
0x3b8: {  	v23 =	vor.u32 v3, v21;
	v16 =	vld.idx.msk [tilespmem:v27+s14+$0x0], $0xffff  }
0x3b9: {  	[tilespmem:v28+s16+$0x0] =	vst.idx.msk $0xffff, v19;
	v19 =	vor.u32 v4, v18  }
0x3ba: {  	v28 =	vor.u32 v3, v24;
	v27 =	vld.idx.msk [tilespmem:v29+s14+$0x0], $0xffff  }
0x3bb: {  	v29 =	vor.u32 v4, v17;
	_ =	sdelay $0x1  }
0x3bc: {  	[tilespmem:v23+s16+$0x0] =	vst.idx.msk $0xffff, v16  }
0x3bd: {  	v16 =	vld.idx.msk [tilespmem:v19+s14+$0x0], $0xffff;
	v19 =	vor.u32 v5, v21  }
0x3be: {  	[tilespmem:v28+s16+$0x0] =	vst.idx.msk $0xffff, v27;
	v23 =	vor.u32 v6, v18  }
0x3bf: {  	v28 =	vor.u32 v5, v24;
	v27 =	vld.idx.msk [tilespmem:v29+s14+$0x0], $0xffff  }
0x3c0: {  	v29 =	vor.u32 v6, v17;
	_ =	sdelay $0x1  }
0x3c1: {  	[tilespmem:v19+s16+$0x0] =	vst.idx.msk $0xffff, v16  }
0x3c2: {  	v16 =	vor.u32 v7, v21;
	v19 =	vld.idx.msk [tilespmem:v23+s14+$0x0], $0xffff  }
0x3c3: {  	[tilespmem:v28+s16+$0x0] =	vst.idx.msk $0xffff, v27;
	v23 =	vor.u32 v8, v18  }
0x3c4: {  	v28 =	vor.u32 v7, v24;
	v27 =	vld.idx.msk [tilespmem:v29+s14+$0x0], $0xffff  }
0x3c5: {  	v29 =	vor.u32 v8, v17;
	_ =	sdelay $0x1  }
0x3c6: {  	[tilespmem:v16+s16+$0x0] =	vst.idx.msk $0xffff, v19  }
0x3c7: {  	v19 =	vor.u32 v9, v21;
	v16 =	vld.idx.msk [tilespmem:v23+s14+$0x0], $0xffff  }
0x3c8: {  	[tilespmem:v28+s16+$0x0] =	vst.idx.msk $0xffff, v27;
	v23 =	vor.u32 v10, v18  }
0x3c9: {  	v28 =	vor.u32 v9, v24;
	v27 =	vld.idx.msk [tilespmem:v29+s14+$0x0], $0xffff  }
0x3ca: {  	v29 =	vor.u32 v10, v17;
	_ =	sdelay $0x1  }
0x3cb: {  	[tilespmem:v19+s16+$0x0] =	vst.idx.msk $0xffff, v16  }
0x3cc: {  	v19 =	vor.u32 v11, v21;
	v16 =	vld.idx.msk [tilespmem:v23+s14+$0x0], $0xffff  }
0x3cd: {  	[tilespmem:v28+s16+$0x0] =	vst.idx.msk $0xffff, v27;
	v23 =	vor.u32 v12, v18  }
0x3ce: {  	v28 =	vor.u32 v11, v24;
	v27 =	vld.idx.msk [tilespmem:v29+s14+$0x0], $0xffff  }
0x3cf: {  	v29 =	vor.u32 v12, v17;
	_ =	sdelay $0x1  }
0x3d0: {  	[tilespmem:v19+s16+$0x0] =	vst.idx.msk $0xffff, v16  }
0x3d1: {  	v19 =	vor.u32 v13, v21;
	v16 =	vld.idx.msk [tilespmem:v23+s14+$0x0], $0xffff  }
0x3d2: {  	[tilespmem:v28+s16+$0x0] =	vst.idx.msk $0xffff, v27;
	v23 =	vor.u32 v14, v18  }
0x3d3: {  	v28 =	vor.u32 v13, v24;
	v27 =	vld.idx.msk [tilespmem:v29+s14+$0x0], $0xffff  }
0x3d4: {  	v29 =	vor.u32 v14, v17;
	_ =	sdelay $0x1  }
0x3d5: {  	v30 =	vor.u32 $0x10, v26;
	[tilespmem:v19+s16+$0x0] =	vst.idx.msk $0xffff, v16  }
0x3d6: {  	v31 =	vand.u32 $0x1F, v30;
	v19 =	vor.u32 v15, v21;
	v16 =	vld.idx.msk [tilespmem:v23+s14+$0x0], $0xffff  }
0x3d7: {  	[tilespmem:v28+s16+$0x0] =	vst.idx.msk $0xffff, v27;
	v21 =	vor.u32 $0x10, v25;
	v23 =	vor.u32 v1, v31  }
0x3d8: {  	v24 =	vor.u32 v15, v24;
	v27 =	vld.idx.msk [tilespmem:v29+s14+$0x0], $0xffff;
	v32 =	vand.u32 $0x1F, v21  }
0x3d9: {  	v28 =	vshll.u32 v30, $0x7;
	v45 =	vor.u32 v1, v32  }
0x3da: {  	v29 =	vand.u32 $0x380, v20;
	v20 =	vand.u32 $0xC00, v28  }
0x3db: {  	v21 =	vshll.u32 v21, $0x7;
	v34 =	vor.u32 v29, v20;
	[tilespmem:v19+s16+$0x0] =	vst.idx.msk $0xffff, v16  }
0x3dc: {  	v28 =	vand.u32 $0x380, v22;
	v16 =	vand.u32 $0xC00, v21;
	v19 =	vor.u32 v0, v34;
	v20 =	vld.idx.msk [tilespmem:v23+s14+$0x0], $0xffff  }
0x3dd: {  	[tilespmem:v24+s16+$0x0] =	vst.idx.msk $0xffff, v27;
	v24 =	vor.u32 v28, v16;
	v16 =	vor.u32 v2, v31  }
0x3de: {  	v21 =	vld.idx.msk [tilespmem:v45+s14+$0x0], $0xffff;
	v22 =	vor.u32 v0, v24  }
0x3df: {  	v23 =	vor.u32 v2, v32;
	_ =	sdelay $0x1  }
0x3e0: {  	[tilespmem:v19+s16+$0x0] =	vst.idx.msk $0xffff, v20  }
0x3e1: {  	v46 =	vor.u32 v3, v34;
	v20 =	vld.idx.msk [tilespmem:v16+s14+$0x0], $0xffff  }
0x3e2: {  	s10 =	simm.s32 $0x2;
	[tilespmem:v22+s16+$0x0] =	vst.idx.msk $0xffff, v21;
	v21 =	vor.u32 v4, v31  }
0x3e3: {  	s1 =	simm.s32 $0x3;
	v47 =	vor.u32 v3, v24;
	v22 =	vadd.s32 s10, v0;
	v23 =	vld.idx.msk [tilespmem:v23+s14+$0x0], $0xffff  }
0x3e4: {  	v48 =	vor.u32 v4, v32;
	v16 =	vadd.s32 s1, v0;
	v30 =	vand.u32 $0xF, v22  }
0x3e5: {  	v27 =	vand.u32 $0xF, v16;
	v49 =	vor.u32 v1, v30  }
0x3e6: {  	v50 =	vor.u32 v1, v27;
	[tilespmem:v46+s16+$0x0] =	vst.idx.msk $0xffff, v20  }
0x3e7: {  	v52 =	vor.u32 v5, v34;
	v51 =	vld.idx.msk [tilespmem:v21+s14+$0x0], $0xffff  }
0x3e8: {  	v53 =	vor.u32 v6, v31;
	v19 =	vshll.u32 v22, $0x7;
	[tilespmem:v47+s16+$0x0] =	vst.idx.msk $0xffff, v23  }
0x3e9: {  	v54 =	vor.u32 v5, v24;
	v20 =	vshll.u32 v16, $0x7;
	v21 =	vand.u32 $0x780, v19;
	v36 =	vld.idx.msk [tilespmem:v48+s14+$0x0], $0xffff  }
0x3ea: {  	v56 =	vor.u32 v6, v32;
	v23 =	vand.u32 $0x780, v20;
	v37 =	vld.idx.msk [tilespmem:v49+s14+$0x0], $0xffff;
	v55 =	vor.u32 v0, v21  }
0x3eb: {  	v57 =	vor.u32 v2, v30;
	v33 =	vld.idx.msk [tilespmem:v50+s14+$0x0], $0xffff;
	v58 =	vor.u32 v0, v23  }
0x3ec: {  	v59 =	vor.u32 v2, v27;
	[tilespmem:v52+s16+$0x0] =	vst.idx.msk $0xffff, v51  }
0x3ed: {  	v60 =	vor.u32 v7, v34;
	v35 =	vld.idx.msk [tilespmem:v53+s14+$0x0], $0xffff  }
0x3ee: {  	v61 =	vor.u32 v8, v31;
	[tilespmem:v54+s16+$0x0] =	vst.idx.msk $0xffff, v36  }
0x3ef: {  	v63 =	vor.u32 v7, v24;
	[tilespmem:v55+s16+$0x0] =	vst.idx.msk $0xffff, v37;
	v62 =	vld.idx.msk [tilespmem:v56+s14+$0x0], $0xffff  }
0x3f0: {  	v48 =	vor.u32 v3, v21;
	v49 =	vor.u32 v8, v32;
	[tilespmem:v58+s16+$0x0] =	vst.idx.msk $0xffff, v33;
	v41 =	vld.idx.msk [tilespmem:v57+s14+$0x0], $0xffff  }
0x3f1: {  	v50 =	vor.u32 v4, v30;
	v51 =	vor.u32 v3, v23;
	v33 =	vld.idx.msk [tilespmem:v59+s14+$0x0], $0xffff  }
0x3f2: {  	v52 =	vor.u32 v4, v27;
	[tilespmem:v60+s16+$0x0] =	vst.idx.msk $0xffff, v35  }
0x3f3: {  	v53 =	vor.u32 v9, v34;
	v36 =	vld.idx.msk [tilespmem:v61+s14+$0x0], $0xffff  }
0x3f4: {  	v54 =	vor.u32 v10, v31;
	[tilespmem:v63+s16+$0x0] =	vst.idx.msk $0xffff, v62  }
0x3f5: {  	v55 =	vor.u32 v9, v24;
	[tilespmem:v48+s16+$0x0] =	vst.idx.msk $0xffff, v41;
	v40 =	vld.idx.msk [tilespmem:v49+s14+$0x0], $0xffff  }
0x3f6: {  	v56 =	vor.u32 v5, v21;
	v57 =	vor.u32 v10, v32;
	[tilespmem:v51+s16+$0x0] =	vst.idx.msk $0xffff, v33;
	v42 =	vld.idx.msk [tilespmem:v50+s14+$0x0], $0xffff  }
0x3f7: {  	v58 =	vor.u32 v6, v30;
	v59 =	vor.u32 v5, v23;
	v33 =	vld.idx.msk [tilespmem:v52+s14+$0x0], $0xffff  }
0x3f8: {  	v60 =	vor.u32 v6, v27;
	[tilespmem:v53+s16+$0x0] =	vst.idx.msk $0xffff, v36  }
0x3f9: {  	v61 =	vor.u32 v11, v34;
	v37 =	vld.idx.msk [tilespmem:v54+s14+$0x0], $0xffff  }
0x3fa: {  	v62 =	vor.u32 v12, v31;
	[tilespmem:v55+s16+$0x0] =	vst.idx.msk $0xffff, v40  }
0x3fb: {  	v63 =	vor.u32 v11, v24;
	[tilespmem:v56+s16+$0x0] =	vst.idx.msk $0xffff, v42;
	v40 =	vld.idx.msk [tilespmem:v57+s14+$0x0], $0xffff  }
0x3fc: {  	v48 =	vor.u32 v7, v21;
	v49 =	vor.u32 v12, v32;
	[tilespmem:v59+s16+$0x0] =	vst.idx.msk $0xffff, v33;
	v43 =	vld.idx.msk [tilespmem:v58+s14+$0x0], $0xffff  }
0x3fd: {  	v51 =	vor.u32 v7, v23;
	v50 =	vor.u32 v8, v30;
	v33 =	vld.idx.msk [tilespmem:v60+s14+$0x0], $0xffff  }
0x3fe: {  	v52 =	vor.u32 v8, v27;
	[tilespmem:v61+s16+$0x0] =	vst.idx.msk $0xffff, v37  }
0x3ff: {  	v53 =	vor.u32 v13, v34;
	v37 =	vld.idx.msk [tilespmem:v62+s14+$0x0], $0xffff  }
0x400: {  	v31 =	vor.u32 v14, v31;
	[tilespmem:v63+s16+$0x0] =	vst.idx.msk $0xffff, v40  }
0x401: {  	v18 =	vor.u32 $0x20, v18;
	v55 =	vor.u32 v13, v24;
	[tilespmem:v48+s16+$0x0] =	vst.idx.msk $0xffff, v43;
	v54 =	vld.idx.msk [tilespmem:v49+s14+$0x0], $0xffff  }
0x402: {  	v32 =	vor.u32 v14, v32;
	v57 =	vor.u32 v9, v21;
	[tilespmem:v51+s16+$0x0] =	vst.idx.msk $0xffff, v33;
	v56 =	vld.idx.msk [tilespmem:v50+s14+$0x0], $0xffff  }
0x403: {  	v17 =	vor.u32 $0x20, v17;
	v58 =	vor.u32 v10, v30;
	v60 =	vor.u32 v9, v23;
	v35 =	vld.idx.msk [tilespmem:v52+s14+$0x0], $0xffff  }
0x404: {  	v59 =	vand.u32 $0x7, v26;
	v61 =	vand.u32 $0x28, v18;
	v62 =	vor.u32 v10, v27;
	[tilespmem:v53+s16+$0x0] =	vst.idx.msk $0xffff, v37  }
0x405: {  	v24 =	vor.u32 v15, v24;
	v38 =	vor.u32 v59, v61;
	v63 =	vor.u32 v15, v34;
	v31 =	vld.idx.msk [tilespmem:v31+s14+$0x0], $0xffff  }
0x406: {  	v48 =	vand.u32 $0x7, v25;
	v49 =	vand.u32 $0x28, v17;
	v50 =	vor.u32 v1, v38;
	[tilespmem:v55+s16+$0x0] =	vst.idx.msk $0xffff, v54  }
0x407: {  	v18 =	vshll.u32 v18, $0x7;
	v43 =	vor.u32 v48, v49;
	[tilespmem:v57+s16+$0x0] =	vst.idx.msk $0xffff, v56;
	v32 =	vld.idx.msk [tilespmem:v32+s14+$0x0], $0xffff  }
0x408: {  	v52 =	vor.u32 v11, v21;
	v53 =	vor.u32 v1, v43;
	[tilespmem:v60+s16+$0x0] =	vst.idx.msk $0xffff, v35;
	v51 =	vld.idx.msk [tilespmem:v58+s14+$0x0], $0xffff  }
0x409: {  	v18 =	vand.u32 $0x1400, v18;
	v54 =	vor.u32 v12, v30;
	v55 =	vor.u32 v11, v23;
	v35 =	vld.idx.msk [tilespmem:v62+s14+$0x0], $0xffff  }
0x40a: {  	v17 =	vshll.u32 v17, $0x7;
	v42 =	vor.u32 v29, v18;
	v18 =	vor.u32 v12, v27;
	[tilespmem:v63+s16+$0x0] =	vst.idx.msk $0xffff, v31  }
0x40b: {  	v17 =	vand.u32 $0x1400, v17;
	v56 =	vor.u32 v0, v42;
	v31 =	vld.idx.msk [tilespmem:v50+s14+$0x0], $0xffff  }
0x40c: {  	v37 =	vor.u32 v28, v17;
	v17 =	vor.u32 v2, v38;
	[tilespmem:v24+s16+$0x0] =	vst.idx.msk $0xffff, v32  }
0x40d: {  	v57 =	vor.u32 v0, v37;
	[tilespmem:v52+s16+$0x0] =	vst.idx.msk $0xffff, v51;
	v24 =	vld.idx.msk [tilespmem:v53+s14+$0x0], $0xffff  }
0x40e: {  	v59 =	vor.u32 v2, v43;
	v58 =	vor.u32 v13, v21;
	[tilespmem:v55+s16+$0x0] =	vst.idx.msk $0xffff, v35;
	v34 =	vld.idx.msk [tilespmem:v54+s14+$0x0], $0xffff  }
0x40f: {  	v61 =	vor.u32 v13, v23;
	v60 =	vor.u32 v14, v30;
	v18 =	vld.idx.msk [tilespmem:v18+s14+$0x0], $0xffff  }
0x410: {  	[tilespmem:v56+s16+$0x0] =	vst.idx.msk $0xffff, v31  }
0x411: {  	v48 =	vor.u32 v3, v42;
	v31 =	vor.u32 v14, v27;
	v63 =	vld.idx.msk [tilespmem:v17+s14+$0x0], $0xffff  }
0x412: {  	v23 =	vor.u32 v15, v23;
	v62 =	vor.u32 $0x10, v22;
	[tilespmem:v57+s16+$0x0] =	vst.idx.msk $0xffff, v24;
	v24 =	vor.u32 v4, v38  }
0x413: {  	v21 =	vor.u32 v15, v21;
	v51 =	vor.u32 v3, v37;
	[tilespmem:v58+s16+$0x0] =	vst.idx.msk $0xffff, v34;
	v49 =	vld.idx.msk [tilespmem:v59+s14+$0x0], $0xffff  }
0x414: {  	v32 =	vand.u32 $0x1F, v62;
	[tilespmem:v61+s16+$0x0] =	vst.idx.msk $0xffff, v18;
	v18 =	vor.u32 v4, v43;
	v39 =	vld.idx.msk [tilespmem:v60+s14+$0x0], $0xffff  }
0x415: {  	v33 =	vshll.u32 v62, $0x7;
	v52 =	vor.u32 $0x10, v16;
	v50 =	vor.u32 v1, v32  }
0x416: {  	v40 =	vand.u32 $0x1F, v52;
	v17 =	vand.u32 $0x380, v19;
	v19 =	vand.u32 $0xC00, v33;
	v53 =	vld.idx.msk [tilespmem:v31+s14+$0x0], $0xffff;
	[tilespmem:v48+s16+$0x0] =	vst.idx.msk $0xffff, v63  }
0x417: {  	v54 =	vor.u32 v1, v40;
	v31 =	vor.u32 v17, v19;
	v19 =	vld.idx.msk [tilespmem:v24+s14+$0x0], $0xffff;
	v24 =	vor.u32 v5, v42  }
0x418: {  	v35 =	vshll.u32 v52, $0x7;
	v56 =	vor.u32 v6, v38;
	[tilespmem:v51+s16+$0x0] =	vst.idx.msk $0xffff, v49  }
0x419: {  	v57 =	vor.u32 v5, v37;
	v59 =	vor.u32 v6, v43;
	[tilespmem:v21+s16+$0x0] =	vst.idx.msk $0xffff, v39;
	v21 =	vld.idx.msk [tilespmem:v18+s14+$0x0], $0xffff  }
0x41a: {  	v55 =	vor.u32 v0, v31;
	v18 =	vand.u32 $0x380, v20;
	v20 =	vand.u32 $0xC00, v35;
	v58 =	vld.idx.msk [tilespmem:v50+s14+$0x0], $0xffff  }
0x41b: {  	v39 =	vor.u32 v18, v20;
	v20 =	vor.u32 v2, v32;
	[tilespmem:v23+s16+$0x0] =	vst.idx.msk $0xffff, v53  }
0x41c: {  	s10 =	simm.s32 $0x4;
	v60 =	vor.u32 v0, v39;
	v33 =	vld.idx.msk [tilespmem:v54+s14+$0x0], $0xffff;
	[tilespmem:v24+s16+$0x0] =	vst.idx.msk $0xffff, v19  }
0x41d: {  	v61 =	vor.u32 v7, v42;
	v24 =	vor.u32 v2, v40;
	v19 =	vadd.s32 s10, v0;
	v36 =	vld.idx.msk [tilespmem:v56+s14+$0x0], $0xffff  }
0x41e: {  	v23 =	vand.u32 $0xF, v19;
	[tilespmem:v57+s16+$0x0] =	vst.idx.msk $0xffff, v21;
	v21 =	vor.u32 v8, v38  }
0x41f: {  	v52 =	vor.u32 v7, v37;
	[tilespmem:v55+s16+$0x0] =	vst.idx.msk $0xffff, v58;
	v62 =	vor.u32 v1, v23;
	v63 =	vld.idx.msk [tilespmem:v59+s14+$0x0], $0xffff  }
0x420: {  	v53 =	vor.u32 v3, v31;
	v54 =	vor.u32 v8, v43;
	v20 =	vld.idx.msk [tilespmem:v20+s14+$0x0], $0xffff  }
0x421: {  	v26 =	vor.u32 $0x30, v26;
	v49 =	vor.u32 v6, v32;
	v55 =	vor.u32 v4, v32;
	[tilespmem:v60+s16+$0x0] =	vst.idx.msk $0xffff, v33  }
0x422: {  	s1 =	simm.s32 $0x5;
	v57 =	vor.u32 v3, v39;
	v58 =	vor.u32 v4, v40;
	v56 =	vld.idx.msk [tilespmem:v24+s14+$0x0], $0xffff;
	[tilespmem:v61+s16+$0x0] =	vst.idx.msk $0xffff, v36  }
0x423: {  	v34 =	vshll.u32 v19, $0x7;
	v59 =	vor.u32 v9, v42;
	v46 =	vld.idx.msk [tilespmem:v21+s14+$0x0], $0xffff;
	v21 =	vadd.s32 s1, v0  }
0x424: {  	v35 =	vand.u32 $0x780, v34;
	v60 =	vor.u32 v10, v38;
	v44 =	vld.idx.msk [tilespmem:v62+s14+$0x0], $0xffff;
	[tilespmem:v52+s16+$0x0] =	vst.idx.msk $0xffff, v63;
	v24 =	vand.u32 $0xF, v21  }
0x425: {  	v61 =	vor.u32 v9, v37;
	[tilespmem:v53+s16+$0x0] =	vst.idx.msk $0xffff, v20;
	v20 =	vld.idx.msk [tilespmem:v54+s14+$0x0], $0xffff;
	v47 =	vor.u32 v1, v24  }
0x426: {  	v50 =	vor.u32 v2, v23;
	v62 =	vor.u32 v5, v31;
	v63 =	vor.u32 v10, v43;
	v45 =	vld.idx.msk [tilespmem:v55+s14+$0x0], $0xffff  }
0x427: {  	v52 =	vor.u32 v8, v23;
	v55 =	vor.u32 v0, v35;
	v33 =	vshll.u32 v21, $0x7;
	[tilespmem:v57+s16+$0x0] =	vst.idx.msk $0xffff, v56  }
0x428: {  	v25 =	vor.u32 $0x30, v25;
	v54 =	vor.u32 v5, v39;
	v36 =	vand.u32 $0x780, v33;
	v53 =	vld.idx.msk [tilespmem:v58+s14+$0x0], $0xffff;
	[tilespmem:v59+s16+$0x0] =	vst.idx.msk $0xffff, v46  }
0x429: {  	v51 =	vor.u32 v0, v36;
	v46 =	vor.u32 v6, v40;
	v41 =	vld.idx.msk [tilespmem:v60+s14+$0x0], $0xffff;
	v60 =	vor.u32 v11, v42  }
0x42a: {  	v58 =	vor.u32 v7, v31;
	[tilespmem:v61+s16+$0x0] =	vst.idx.msk $0xffff, v20;
	v61 =	vor.u32 v12, v38;
	v47 =	vld.idx.msk [tilespmem:v47+s14+$0x0], $0xffff  }
0x42b: {  	[tilespmem:v62+s16+$0x0] =	vst.idx.msk $0xffff, v45;
	v62 =	vor.u32 v2, v24;
	v45 =	vld.idx.msk [tilespmem:v63+s14+$0x0], $0xffff;
	v63 =	vor.u32 v11, v37  }
0x42c: {  	v59 =	vor.u32 v9, v31;
	[tilespmem:v55+s16+$0x0] =	vst.idx.msk $0xffff, v44;
	v44 =	vor.u32 v8, v32;
	v49 =	vld.idx.msk [tilespmem:v49+s14+$0x0], $0xffff  }
0x42d: {  	v38 =	vor.u32 v14, v38;
	v55 =	vor.u32 v10, v24;
	v50 =	vld.idx.msk [tilespmem:v50+s14+$0x0], $0xffff;
	[tilespmem:v54+s16+$0x0] =	vst.idx.msk $0xffff, v53  }
0x42e: {  	v53 =	vor.u32 v12, v43;
	v54 =	vor.u32 v7, v39;
	v46 =	vld.idx.msk [tilespmem:v46+s14+$0x0], $0xffff;
	[tilespmem:v60+s16+$0x0] =	vst.idx.msk $0xffff, v41  }
0x42f: {  	v43 =	vor.u32 v14, v43;
	v60 =	vor.u32 v3, v35;
	[tilespmem:v51+s16+$0x0] =	vst.idx.msk $0xffff, v47;
	v51 =	vld.idx.msk [tilespmem:v61+s14+$0x0], $0xffff  }
0x430: {  	v61 =	vor.u32 v4, v23;
	[tilespmem:v63+s16+$0x0] =	vst.idx.msk $0xffff, v45;
	v48 =	vld.idx.msk [tilespmem:v62+s14+$0x0], $0xffff;
	v62 =	vor.u32 v13, v42  }
0x431: {  	v30 =	vor.u32 $0x20, v30;
	v47 =	vor.u32 v8, v40;
	v63 =	vor.u32 v3, v36;
	[tilespmem:v58+s16+$0x0] =	vst.idx.msk $0xffff, v49  }
0x432: {  	v41 =	vand.u32 $0x3F, v26;
	v26 =	vshll.u32 v26, $0x7;
	v58 =	vor.u32 v13, v37;
	v44 =	vld.idx.msk [tilespmem:v44+s14+$0x0], $0xffff  }
0x433: {  	v57 =	vor.u32 v1, v41;
	v42 =	vor.u32 v15, v42;
	v49 =	vld.idx.msk [tilespmem:v53+s14+$0x0], $0xffff;
	[tilespmem:v54+s16+$0x0] =	vst.idx.msk $0xffff, v46  }
0x434: {  	v26 =	vand.u32 $0x1C00, v26;
	v53 =	vor.u32 v4, v24;
	v46 =	vor.u32 v6, v23;
	[tilespmem:v60+s16+$0x0] =	vst.idx.msk $0xffff, v50  }
0x435: {  	v60 =	vor.u32 v10, v32;
	v54 =	vld.idx.msk [tilespmem:v61+s14+$0x0], $0xffff;
	v61 =	vor.u32 v9, v39;
	[tilespmem:v62+s16+$0x0] =	vst.idx.msk $0xffff, v51  }
0x436: {  	v47 =	vld.idx.msk [tilespmem:v47+s14+$0x0], $0xffff;
	v51 =	vor.u32 v2, v41;
	v62 =	vor.u32 v5, v35;
	[tilespmem:v63+s16+$0x0] =	vst.idx.msk $0xffff, v48  }
0x437: {  	v63 =	vor.u32 v10, v40;
	[tilespmem:v59+s16+$0x0] =	vst.idx.msk $0xffff, v44;
	v44 =	vor.u32 v6, v24;
	v48 =	vld.idx.msk [tilespmem:v38+s14+$0x0], $0xffff  }
0x438: {  	[tilespmem:v58+s16+$0x0] =	vst.idx.msk $0xffff, v49;
	v49 =	vor.u32 v5, v36;
	v58 =	vor.u32 v15, v37;
	v38 =	vand.u32 $0x3F, v25  }
0x439: {  	v53 =	vld.idx.msk [tilespmem:v53+s14+$0x0], $0xffff;
	v37 =	vor.u32 v29, v26;
	v26 =	vand.u32 $0x7, v22;
	v25 =	vshll.u32 v25, $0x7  }
0x43a: {  	v29 =	vor.u32 v12, v40;
	v40 =	vor.u32 v14, v40;
	v43 =	vld.idx.msk [tilespmem:v43+s14+$0x0], $0xffff;
	v25 =	vand.u32 $0x1C00, v25  }
0x43b: {  	v50 =	vld.idx.msk [tilespmem:v60+s14+$0x0], $0xffff;
	v60 =	vor.u32 v11, v31;
	[tilespmem:v61+s16+$0x0] =	vst.idx.msk $0xffff, v47;
	v61 =	vor.u32 v1, v38  }
0x43c: {  	[tilespmem:v62+s16+$0x0] =	vst.idx.msk $0xffff, v54;
	v62 =	vor.u32 v12, v32;
	v45 =	vld.idx.msk [tilespmem:v63+s14+$0x0], $0xffff;
	v63 =	vor.u32 v11, v39  }
0x43d: {  	v25 =	vor.u32 v28, v25;
	v54 =	vor.u32 v7, v35;
	v46 =	vld.idx.msk [tilespmem:v46+s14+$0x0], $0xffff;
	[tilespmem:v42+s16+$0x0] =	vst.idx.msk $0xffff, v48  }
0x43e: {  	v28 =	vor.u32 v8, v24;
	[tilespmem:v49+s16+$0x0] =	vst.idx.msk $0xffff, v53;
	v49 =	vor.u32 v0, v37;
	v42 =	vld.idx.msk [tilespmem:v57+s14+$0x0], $0xffff  }
0x43f: {  	v32 =	vor.u32 v14, v32;
	v44 =	vld.idx.msk [tilespmem:v44+s14+$0x0], $0xffff;
	[tilespmem:v58+s16+$0x0] =	vst.idx.msk $0xffff, v43;
	v43 =	vor.u32 v7, v36  }
0x440: {  	[tilespmem:v60+s16+$0x0] =	vst.idx.msk $0xffff, v50;
	v50 =	vor.u32 v12, v23;
	v60 =	vor.u32 v0, v25;
	v47 =	vld.idx.msk [tilespmem:v61+s14+$0x0], $0xffff  }
0x441: {  	v61 =	vor.u32 v13, v31;
	v53 =	vld.idx.msk [tilespmem:v62+s14+$0x0], $0xffff;
	[tilespmem:v63+s16+$0x0] =	vst.idx.msk $0xffff, v45;
	v62 =	vor.u32 v2, v38  }
0x442: {  	v63 =	vor.u32 v13, v39;
	v39 =	vor.u32 v15, v39;
	[tilespmem:v54+s16+$0x0] =	vst.idx.msk $0xffff, v46;
	v29 =	vld.idx.msk [tilespmem:v29+s14+$0x0], $0xffff  }
0x443: {  	v46 =	vor.u32 v10, v23;
	v52 =	vld.idx.msk [tilespmem:v52+s14+$0x0], $0xffff;
	[tilespmem:v49+s16+$0x0] =	vst.idx.msk $0xffff, v42;
	v49 =	vor.u32 v9, v35  }
0x444: {  	[tilespmem:v43+s16+$0x0] =	vst.idx.msk $0xffff, v44;
	v44 =	vor.u32 v3, v37;
	v43 =	vld.idx.msk [tilespmem:v51+s14+$0x0], $0xffff;
	v51 =	vor.u32 v4, v41  }
0x445: {  	v28 =	vld.idx.msk [tilespmem:v28+s14+$0x0], $0xffff;
	[tilespmem:v60+s16+$0x0] =	vst.idx.msk $0xffff, v47;
	v47 =	vor.u32 v9, v36;
	v60 =	vand.u32 $0x28, v30;
	v30 =	vshll.u32 v30, $0x7  }
0x446: {  	[tilespmem:v61+s16+$0x0] =	vst.idx.msk $0xffff, v53;
	v45 =	vld.idx.msk [tilespmem:v62+s14+$0x0], $0xffff;
	v26 =	vor.u32 v26, v60;
	v53 =	vor.u32 v3, v25  }
0x447: {  	v61 =	vor.u32 v15, v31;
	v62 =	vor.u32 $0x20, v27;
	v60 =	vor.u32 v11, v35;
	[tilespmem:v63+s16+$0x0] =	vst.idx.msk $0xffff, v29  }
0x448: {  	v27 =	vand.u32 $0x7, v16;
	v32 =	vld.idx.msk [tilespmem:v32+s14+$0x0], $0xffff;
	v63 =	vor.u32 v4, v38;
	v29 =	vand.u32 $0x28, v62;
	[tilespmem:v49+s16+$0x0] =	vst.idx.msk $0xffff, v52  }
0x449: {  	v59 =	vor.u32 v1, v26;
	v40 =	vld.idx.msk [tilespmem:v40+s14+$0x0], $0xffff;
	v27 =	vor.u32 v27, v29;
	[tilespmem:v44+s16+$0x0] =	vst.idx.msk $0xffff, v43  }
0x44a: {  	v29 =	vand.u32 $0x1400, v30;
	v46 =	vld.idx.msk [tilespmem:v46+s14+$0x0], $0xffff;
	[tilespmem:v47+s16+$0x0] =	vst.idx.msk $0xffff, v28;
	v28 =	vor.u32 v1, v27  }
0x44b: {  	v42 =	vor.u32 v6, v41;
	v30 =	vor.u32 v5, v37;
	v29 =	vor.u32 v17, v29;
	v44 =	vld.idx.msk [tilespmem:v51+s14+$0x0], $0xffff  }
0x44c: {  	v51 =	vor.u32 v12, v24;
	v47 =	vld.idx.msk [tilespmem:v55+s14+$0x0], $0xffff;
	[tilespmem:v53+s16+$0x0] =	vst.idx.msk $0xffff, v45;
	v45 =	vor.u32 v11, v36  }
0x44d: {  	[tilespmem:v61+s16+$0x0] =	vst.idx.msk $0xffff, v32;
	v32 =	vld.idx.msk [tilespmem:v63+s14+$0x0], $0xffff;
	v61 =	vshll.u32 v62, $0x7;
	v62 =	vor.u32 v5, v25  }
0x44e: {  	v58 =	vor.u32 v6, v38;
	v63 =	vor.u32 v0, v29;
	v49 =	vld.idx.msk [tilespmem:v59+s14+$0x0], $0xffff;
	[tilespmem:v39+s16+$0x0] =	vst.idx.msk $0xffff, v40  }
0x44f: {  	v57 =	vand.u32 $0x1400, v61;
	v59 =	vor.u32 v2, v26;
	[tilespmem:v60+s16+$0x0] =	vst.idx.msk $0xffff, v46;
	v46 =	vld.idx.msk [tilespmem:v28+s14+$0x0], $0xffff  }
0x450: {  	v60 =	vor.u32 v13, v35;
	v28 =	vor.u32 v18, v57;
	v39 =	vld.idx.msk [tilespmem:v50+s14+$0x0], $0xffff;
	[tilespmem:v30+s16+$0x0] =	vst.idx.msk $0xffff, v44  }
0x451: {  	v52 =	vor.u32 v0, v28;
	[tilespmem:v45+s16+$0x0] =	vst.idx.msk $0xffff, v47;
	v42 =	vld.idx.msk [tilespmem:v42+s14+$0x0], $0xffff  }
0x452: {  	v55 =	vor.u32 v7, v37;
	v50 =	vor.u32 v14, v23;
	v51 =	vld.idx.msk [tilespmem:v51+s14+$0x0], $0xffff;
	[tilespmem:v62+s16+$0x0] =	vst.idx.msk $0xffff, v32  }
0x453: {  	v56 =	vor.u32 v10, v41;
	v61 =	vor.u32 v2, v27;
	[tilespmem:v63+s16+$0x0] =	vst.idx.msk $0xffff, v49;
	v40 =	vld.idx.msk [tilespmem:v58+s14+$0x0], $0xffff  }
0x454: {  	v62 =	vor.u32 v13, v36;
	v63 =	vor.u32 v8, v41;
	v43 =	vld.idx.msk [tilespmem:v59+s14+$0x0], $0xffff;
	[tilespmem:$0x1FFD0] =	vst v41  }
0x455: {  	v48 =	vor.u32 $0x10, v19;
	v54 =	vor.u32 v14, v24;
	v58 =	vor.u32 v3, v29;
	[tilespmem:v60+s16+$0x0] =	vst.idx.msk $0xffff, v39  }
0x456: {  	v57 =	vor.u32 v7, v25;
	v32 =	vand.u32 $0x1F, v48;
	v60 =	vor.u32 v4, v26;
	[tilespmem:v52+s16+$0x0] =	vst.idx.msk $0xffff, v46  }
0x457: {  	v46 =	vor.u32 v8, v38;
	[tilespmem:v55+s16+$0x0] =	vst.idx.msk $0xffff, v42;
	v42 =	vld.idx.msk [tilespmem:v50+s14+$0x0], $0xffff;
	v50 =	vor.u32 v15, v35  }
0x458: {  	v36 =	vor.u32 v15, v36;
	v45 =	vor.u32 v1, v32;
	v44 =	vld.idx.msk [tilespmem:v61+s14+$0x0], $0xffff;
	v61 =	vor.u32 v3, v28  }
0x459: {  	v55 =	vor.u32 v9, v25;
	[tilespmem:v62+s16+$0x0] =	vst.idx.msk $0xffff, v51;
	v49 =	vld.idx.msk [tilespmem:v63+s14+$0x0], $0xffff;
	v63 =	vor.u32 v9, v37  }
0x45a: {  	v51 =	vor.u32 v4, v27;
	v62 =	vshll.u32 v48, $0x7;
	v48 =	vor.u32 $0x10, v21;
	v54 =	vld.idx.msk [tilespmem:v54+s14+$0x0], $0xffff;
	[tilespmem:v58+s16+$0x0] =	vst.idx.msk $0xffff, v43  }
0x45b: {  	v33 =	vand.u32 $0x380, v33;
	[tilespmem:v57+s16+$0x0] =	vst.idx.msk $0xffff, v40;
	v35 =	vand.u32 $0x1F, v48;
	v39 =	vld.idx.msk [tilespmem:v60+s14+$0x0], $0xffff;
	v60 =	vor.u32 v5, v29  }
0x45c: {  	v30 =	vand.u32 $0x380, v34;
	v34 =	vand.u32 $0xC00, v62;
	v43 =	vld.idx.msk [tilespmem:v46+s14+$0x0], $0xffff;
	v46 =	vor.u32 v1, v35;
	[tilespmem:v50+s16+$0x0] =	vst.idx.msk $0xffff, v42  }
0x45d: {  	v62 =	vor.u32 v6, v26;
	v48 =	vshll.u32 v48, $0x7;
	v34 =	vor.u32 v30, v34;
	[tilespmem:v61+s16+$0x0] =	vst.idx.msk $0xffff, v44  }
0x45e: {  	s10 =	simm.s32 $0x6;
	v42 =	vor.u32 v0, v34;
	v61 =	vor.u32 v10, v38;
	v45 =	vld.idx.msk [tilespmem:v45+s14+$0x0], $0xffff;
	[tilespmem:v63+s16+$0x0] =	vst.idx.msk $0xffff, v49  }
0x45f: {  	v20 =	vadd.s32 s10, v0;
	v58 =	vor.u32 v5, v28;
	v51 =	vld.idx.msk [tilespmem:v51+s14+$0x0], $0xffff;
	[tilespmem:v36+s16+$0x0] =	vst.idx.msk $0xffff, v54;
	v63 =	vand.u32 $0xC00, v48  }
0x460: {  	v54 =	vor.u32 v11, v37;
	v49 =	vld.idx.msk [tilespmem:v56+s14+$0x0], $0xffff;
	v36 =	vor.u32 v33, v63;
	[tilespmem:v60+s16+$0x0] =	vst.idx.msk $0xffff, v39  }
0x461: {  	v31 =	vand.u32 $0xF, v20;
	v53 =	vld.idx.msk [tilespmem:v46+s14+$0x0], $0xffff;
	[tilespmem:v55+s16+$0x0] =	vst.idx.msk $0xffff, v43;
	v43 =	vor.u32 v0, v36  }
0x462: {  	v47 =	vor.u32 v1, v31;
	v63 =	vor.u32 v7, v29;
	v60 =	vld.idx.msk [tilespmem:v62+s14+$0x0], $0xffff  }
0x463: {  	v52 =	vor.u32 v2, v32;
	v57 =	vld.idx.msk [tilespmem:v61+s14+$0x0], $0xffff;
	v61 =	vor.u32 v11, v25;
	[tilespmem:v42+s16+$0x0] =	vst.idx.msk $0xffff, v45  }
0x464: {  	[tilespmem:v58+s16+$0x0] =	vst.idx.msk $0xffff, v51  }
0x465: {  	v48 =	vor.u32 v6, v27;
	[tilespmem:v54+s16+$0x0] =	vst.idx.msk $0xffff, v49  }
0x466: {  	v56 =	vor.u32 v12, v41;
	[tilespmem:v43+s16+$0x0] =	vst.idx.msk $0xffff, v53  }
0x467: {  	v40 =	vshll.u32 v20, $0x7;
	v59 =	vor.u32 v2, v35;
	v62 =	vld.idx.msk [tilespmem:v47+s14+$0x0], $0xffff;
	[tilespmem:v63+s16+$0x0] =	vst.idx.msk $0xffff, v60  }
0x468: {  	v39 =	vand.u32 $0x780, v40;
	v45 =	vor.u32 v8, v26;
	v47 =	vld.idx.msk [tilespmem:v52+s14+$0x0], $0xffff;
	[tilespmem:v61+s16+$0x0] =	vst.idx.msk $0xffff, v57  }
0x469: {  	v41 =	vor.u32 v0, v39;
	v58 =	vor.u32 v12, v38;
	v43 =	vld [tilespmem:$0x1FFD0]  }
0x46a: {  	v44 =	vld.idx.msk [tilespmem:v48+s14+$0x0], $0xffff  }
0x46b: {  	v46 =	vor.u32 v7, v28;
	v42 =	vld.idx.msk [tilespmem:v56+s14+$0x0], $0xffff  }
0x46c: {  	v50 =	vor.u32 v4, v32;
	v55 =	vor.u32 v8, v27;
	v54 =	vor.u32 v3, v34;
	v48 =	vld.idx.msk [tilespmem:v59+s14+$0x0], $0xffff  }
0x46d: {  	v51 =	vor.u32 v13, v37;
	v52 =	vor.u32 v3, v36;
	v56 =	vor.u32 v4, v35;
	v49 =	vld.idx.msk [tilespmem:v45+s14+$0x0], $0xffff  }
0x46e: {  	s0 =	simm.s32 $0x7;
	s1 =	simm.s32 $0x8;
	v57 =	vor.u32 v13, v25;
	[tilespmem:v41+s16+$0x0] =	vst.idx.msk $0xffff, v62;
	v53 =	vor.u32 v14, v43;
	v43 =	vld.idx.msk [tilespmem:v58+s14+$0x0], $0xffff  }
.LBB2_7:
0x46f: {  	v45 =	vadd.s32 s0, v0;
	v58 =	vor.u32 v9, v29;
	v38 =	vor.u32 v14, v38  }
0x470: {  	p1 =	slt.u32 s1, $0xE;
	[tilespmem:v46+s16+$0x0] =	vst.idx.msk $0xffff, v44;
	v46 =	vmovc v23;
	v23 =	vmovc v31;
	v31 =	vmov v17;
	v17 =	vmov v30;
	v30 =	vmov v18  }
0x471: {  	v44 =	vor.u32 v10, v26;
	v18 =	vmov v33;
	v41 =	vand.u32 $0xF, v45;
	[tilespmem:v54+s16+$0x0] =	vst.idx.msk $0xffff, v47;
	v47 =	vld.idx.msk [tilespmem:v55+s14+$0x0], $0xffff  }
0x472: {  	v55 =	vor.u32 v9, v28;
	v54 =	vor.u32 v1, v41;
	v50 =	vld.idx.msk [tilespmem:v50+s14+$0x0], $0xffff;
	[tilespmem:v51+s16+$0x0] =	vst.idx.msk $0xffff, v42  }
0x473: {  	v42 =	vor.u32 v5, v34;
	[tilespmem:v52+s16+$0x0] =	vst.idx.msk $0xffff, v48;
	v48 =	vor.u32 v10, v27;
	v51 =	vld.idx.msk [tilespmem:v53+s14+$0x0], $0xffff  }
0x474: {  	v37 =	vor.u32 v15, v37;
	v52 =	vor.u32 v6, v32;
	v53 =	vld.idx.msk [tilespmem:v56+s14+$0x0], $0xffff;
	[tilespmem:v57+s16+$0x0] =	vst.idx.msk $0xffff, v43  }
0x475: {  	v43 =	vor.u32 v2, v23;
	v56 =	vor.u32 v5, v36;
	[tilespmem:v58+s16+$0x0] =	vst.idx.msk $0xffff, v49;
	v38 =	vld.idx.msk [tilespmem:v38+s14+$0x0], $0xffff  }
0x476: {  	v25 =	vor.u32 v15, v25;
	v33 =	vshll.u32 v45, $0x7;
	v49 =	vor.u32 v6, v35;
	v57 =	vld.idx.msk [tilespmem:v44+s14+$0x0], $0xffff  }
0x477: {  	v58 =	vor.u32 v11, v29;
	v44 =	vand.u32 $0x780, v33;
	v54 =	vld.idx.msk [tilespmem:v54+s14+$0x0], $0xffff;
	[tilespmem:v55+s16+$0x0] =	vst.idx.msk $0xffff, v47  }
0x478: {  	v55 =	vor.u32 v0, v44;
	[tilespmem:v42+s16+$0x0] =	vst.idx.msk $0xffff, v50;
	v50 =	vor.u32 v12, v26;
	v48 =	vld.idx.msk [tilespmem:v48+s14+$0x0], $0xffff  }
0x479: {  	v60 =	vor.u32 v11, v28;
	v59 =	vor.u32 v2, v41;
	v52 =	vld.idx.msk [tilespmem:v52+s14+$0x0], $0xffff;
	[tilespmem:v37+s16+$0x0] =	vst.idx.msk $0xffff, v51  }
0x47a: {  	v37 =	vor.u32 v7, v34;
	v51 =	vor.u32 v12, v27;
	[tilespmem:v56+s16+$0x0] =	vst.idx.msk $0xffff, v53  }
0x47b: {  	v42 =	vadd.s32 s1, v0;
	v53 =	vor.u32 v8, v32;
	v49 =	vld.idx.msk [tilespmem:v49+s14+$0x0], $0xffff;
	[tilespmem:v25+s16+$0x0] =	vst.idx.msk $0xffff, v38  }
0x47c: {  	v22 =	vor.u32 $0x30, v22;
	v47 =	vand.u32 $0x7, v19;
	v38 =	vor.u32 v7, v36;
	v25 =	vld.idx.msk [tilespmem:v43+s14+$0x0], $0xffff;
	[tilespmem:v58+s16+$0x0] =	vst.idx.msk $0xffff, v57  }
0x47d: {  	v56 =	vor.u32 v3, v39;
	[tilespmem:v55+s16+$0x0] =	vst.idx.msk $0xffff, v54;
	v54 =	vor.u32 v8, v35;
	v50 =	vld.idx.msk [tilespmem:v50+s14+$0x0], $0xffff  }
0x47e: {  	v58 =	vor.u32 v13, v29;
	v55 =	vor.u32 v4, v23;
	v57 =	vld.idx.msk [tilespmem:v59+s14+$0x0], $0xffff;
	[tilespmem:v60+s16+$0x0] =	vst.idx.msk $0xffff, v48  }
0x47f: {  	v26 =	vor.u32 v14, v26;
	v48 =	vor.u32 v3, v44;
	[tilespmem:v37+s16+$0x0] =	vst.idx.msk $0xffff, v52;
	v37 =	vld.idx.msk [tilespmem:v51+s14+$0x0], $0xffff  }
0x480: {  	v59 =	vor.u32 v13, v28;
	v51 =	vor.u32 v8, v23;
	v52 =	vor.u32 v4, v41;
	v53 =	vld.idx.msk [tilespmem:v53+s14+$0x0], $0xffff  }
0x481: {  	v27 =	vor.u32 v14, v27;
	v43 =	vand.u32 $0x3F, v22;
	v60 =	vor.u32 v9, v34;
	[tilespmem:v38+s16+$0x0] =	vst.idx.msk $0xffff, v49  }
0x482: {  	v38 =	vor.u32 v10, v32;
	[tilespmem:v56+s16+$0x0] =	vst.idx.msk $0xffff, v25;
	v25 =	vor.u32 v6, v23;
	v49 =	vld.idx.msk [tilespmem:v54+s14+$0x0], $0xffff  }
0x483: {  	v54 =	vld.idx.msk [tilespmem:v55+s14+$0x0], $0xffff;
	v55 =	vor.u32 v9, v36;
	[tilespmem:v58+s16+$0x0] =	vst.idx.msk $0xffff, v50;
	v50 =	vor.u32 v2, v43  }
0x484: {  	v56 =	vor.u32 v5, v39;
	[tilespmem:v48+s16+$0x0] =	vst.idx.msk $0xffff, v57;
	v48 =	vor.u32 v10, v35;
	v26 =	vld.idx.msk [tilespmem:v26+s14+$0x0], $0xffff  }
0x485: {  	v29 =	vor.u32 v15, v29;
	v57 =	vor.u32 v1, v43;
	v52 =	vld.idx.msk [tilespmem:v52+s14+$0x0], $0xffff;
	[tilespmem:v59+s16+$0x0] =	vst.idx.msk $0xffff, v37  }
0x486: {  	v22 =	vshll.u32 v22, $0x7;
	v58 =	vor.u32 v5, v44;
	[tilespmem:v60+s16+$0x0] =	vst.idx.msk $0xffff, v53;
	v27 =	vld.idx.msk [tilespmem:v27+s14+$0x0], $0xffff;
	v53 =	vor.u32 $0x30, v16  }
0x487: {  	v28 =	vor.u32 v15, v28;
	v59 =	vor.u32 v6, v41;
	v16 =	vmovc v21;
	v60 =	vld.idx.msk [tilespmem:v38+s14+$0x0], $0xffff;
	v38 =	vand.u32 $0x3F, v53  }
0x488: {  	v22 =	vand.u32 $0x1C00, v22;
	v21 =	vor.u32 v11, v34;
	[tilespmem:v55+s16+$0x0] =	vst.idx.msk $0xffff, v49;
	v49 =	vor.u32 v1, v38  }
0x489: {  	v55 =	vor.u32 v12, v32;
	[tilespmem:v56+s16+$0x0] =	vst.idx.msk $0xffff, v54;
	v54 =	vor.u32 v7, v39;
	v48 =	vld.idx.msk [tilespmem:v48+s14+$0x0], $0xffff  }
0x48a: {  	v61 =	vor.u32 v11, v36;
	v37 =	vor.u32 v31, v22;
	v56 =	vld.idx.msk [tilespmem:v25+s14+$0x0], $0xffff;
	[tilespmem:v29+s16+$0x0] =	vst.idx.msk $0xffff, v26  }
0x48b: {  	v22 =	vor.u32 $0x10, v20;
	v26 =	vor.u32 v12, v35;
	v25 =	vshll.u32 v53, $0x7;
	[tilespmem:v58+s16+$0x0] =	vst.idx.msk $0xffff, v52;
	v29 =	vld.idx.msk [tilespmem:v57+s14+$0x0], $0xffff  }
0x48c: {  	v31 =	vand.u32 $0xF, v42;
	v53 =	vor.u32 v0, v37;
	v25 =	vand.u32 $0x1C00, v25;
	v52 =	vld.idx.msk [tilespmem:v59+s14+$0x0], $0xffff;
	[tilespmem:v28+s16+$0x0] =	vst.idx.msk $0xffff, v27  }
0x48d: {  	v27 =	vor.u32 v7, v44;
	v25 =	vor.u32 v30, v25;
	[tilespmem:v21+s16+$0x0] =	vst.idx.msk $0xffff, v60;
	v21 =	vld.idx.msk [tilespmem:v49+s14+$0x0], $0xffff  }
0x48e: {  	v28 =	vor.u32 v8, v41;
	v49 =	vor.u32 v12, v23;
	v30 =	vld.idx.msk [tilespmem:v55+s14+$0x0], $0xffff;
	v55 =	vor.u32 v0, v25  }
0x48f: {  	v46 =	vor.u32 $0x20, v46;
	v57 =	vor.u32 v13, v34;
	[tilespmem:v61+s16+$0x0] =	vst.idx.msk $0xffff, v48;
	v48 =	vor.u32 v2, v38  }
0x490: {  	v32 =	vor.u32 v14, v32;
	[tilespmem:v54+s16+$0x0] =	vst.idx.msk $0xffff, v56;
	v54 =	vor.u32 v10, v23;
	v56 =	vld.idx.msk [tilespmem:v26+s14+$0x0], $0xffff  }
0x491: {  	v58 =	vor.u32 v13, v36;
	v51 =	vld.idx.msk [tilespmem:v51+s14+$0x0], $0xffff;
	[tilespmem:v53+s16+$0x0] =	vst.idx.msk $0xffff, v29;
	v53 =	vor.u32 v6, v43  }
0x492: {  	v29 =	vor.u32 v9, v39;
	[tilespmem:v27+s16+$0x0] =	vst.idx.msk $0xffff, v52;
	v27 =	vor.u32 v14, v35;
	v35 =	vld.idx.msk [tilespmem:v50+s14+$0x0], $0xffff  }
0x493: {  	v50 =	vor.u32 v3, v37;
	v52 =	vor.u32 v4, v43;
	v28 =	vld.idx.msk [tilespmem:v28+s14+$0x0], $0xffff;
	[tilespmem:v55+s16+$0x0] =	vst.idx.msk $0xffff, v21  }
0x494: {  	v26 =	vand.u32 $0x28, v46;
	v46 =	vshll.u32 v46, $0x7;
	v21 =	vor.u32 v9, v44;
	[tilespmem:v57+s16+$0x0] =	vst.idx.msk $0xffff, v30;
	v48 =	vld.idx.msk [tilespmem:v48+s14+$0x0], $0xffff  }
0x495: {  	v26 =	vor.u32 v47, v26;
	v47 =	vor.u32 v3, v25;
	v55 =	vor.u32 v10, v41;
	v32 =	vld.idx.msk [tilespmem:v32+s14+$0x0], $0xffff  }
0x496: {  	v24 =	vor.u32 $0x20, v24;
	v34 =	vor.u32 v15, v34;
	[tilespmem:v58+s16+$0x0] =	vst.idx.msk $0xffff, v56;
	v56 =	vor.u32 v4, v38  }
0x497: {  	[tilespmem:v29+s16+$0x0] =	vst.idx.msk $0xffff, v51;
	v51 =	vor.u32 v1, v26;
	v29 =	vand.u32 $0x7, v16;
	v57 =	vld.idx.msk [tilespmem:v27+s14+$0x0], $0xffff;
	v27 =	vand.u32 $0x28, v24  }
0x498: {  	v36 =	vor.u32 v15, v36;
	v54 =	vld.idx.msk [tilespmem:v54+s14+$0x0], $0xffff;
	v27 =	vor.u32 v29, v27;
	[tilespmem:v50+s16+$0x0] =	vst.idx.msk $0xffff, v35  }
0x499: {  	v35 =	vor.u32 v11, v39;
	[tilespmem:v21+s16+$0x0] =	vst.idx.msk $0xffff, v28;
	v28 =	vor.u32 v1, v27;
	v50 =	vld.idx.msk [tilespmem:v52+s14+$0x0], $0xffff  }
0x49a: {  	v30 =	vand.u32 $0x380, v40;
	v52 =	vand.u32 $0x1400, v46;
	v46 =	vor.u32 v5, v37;
	v40 =	vld.idx.msk [tilespmem:v55+s14+$0x0], $0xffff;
	[tilespmem:v47+s16+$0x0] =	vst.idx.msk $0xffff, v48  }
0x49b: {  	v47 =	vor.u32 v11, v44;
	v29 =	vor.u32 v17, v52;
	[tilespmem:v34+s16+$0x0] =	vst.idx.msk $0xffff, v32;
	v32 =	vld.idx.msk [tilespmem:v56+s14+$0x0], $0xffff  }
0x49c: {  	v24 =	vshll.u32 v24, $0x7;
	v21 =	vmovc v45;
	v34 =	vor.u32 v12, v41;
	v48 =	vld.idx.msk [tilespmem:v51+s14+$0x0], $0xffff;
	v51 =	vor.u32 v5, v25  }
0x49d: {  	v24 =	vand.u32 $0x1400, v24;
	v45 =	vor.u32 v0, v29;
	[tilespmem:v36+s16+$0x0] =	vst.idx.msk $0xffff, v57;
	v36 =	vor.u32 v6, v38  }
0x49e: {  	[tilespmem:v35+s16+$0x0] =	vst.idx.msk $0xffff, v54;
	v35 =	vor.u32 v2, v26;
	v52 =	vld.idx.msk [tilespmem:v28+s14+$0x0], $0xffff;
	v28 =	vor.u32 v18, v24  }
0x49f: {  	v24 =	vld.idx.msk [tilespmem:v49+s14+$0x0], $0xffff;
	v49 =	vor.u32 v14, v23;
	v54 =	vor.u32 v0, v28;
	[tilespmem:v46+s16+$0x0] =	vst.idx.msk $0xffff, v50  }
0x4a0: {  	v46 =	vor.u32 v13, v39;
	[tilespmem:v47+s16+$0x0] =	vst.idx.msk $0xffff, v40;
	v40 =	vor.u32 v2, v27;
	v47 =	vld.idx.msk [tilespmem:v53+s14+$0x0], $0xffff  }
0x4a1: {  	v50 =	vor.u32 v1, v31;
	v53 =	vor.u32 v7, v37;
	v34 =	vld.idx.msk [tilespmem:v34+s14+$0x0], $0xffff;
	[tilespmem:v51+s16+$0x0] =	vst.idx.msk $0xffff, v32  }
0x4a2: {  	v51 =	vor.u32 v13, v44;
	[tilespmem:v45+s16+$0x0] =	vst.idx.msk $0xffff, v48;
	v45 =	vor.u32 v8, v43;
	v36 =	vld.idx.msk [tilespmem:v36+s14+$0x0], $0xffff  }
0x4a3: {  	v56 =	vor.u32 v10, v43;
	v48 =	vor.u32 v14, v41;
	v55 =	vld.idx.msk [tilespmem:v35+s14+$0x0], $0xffff;
	v35 =	vor.u32 v7, v25  }
0x4a4: {  	v57 =	vor.u32 v3, v29;
	v32 =	vand.u32 $0x1F, v22;
	[tilespmem:v54+s16+$0x0] =	vst.idx.msk $0xffff, v52;
	v52 =	vor.u32 v8, v38  }
0x4a5: {  	[tilespmem:v46+s16+$0x0] =	vst.idx.msk $0xffff, v24;
	v46 =	vor.u32 v2, v32;
	v24 =	vor.u32 v4, v26;
	v40 =	vld.idx.msk [tilespmem:v40+s14+$0x0], $0xffff  }
0x4a6: {  	v58 =	vor.u32 v3, v28;
	v54 =	vor.u32 v1, v32;
	v49 =	vld.idx.msk [tilespmem:v49+s14+$0x0], $0xffff;
	[tilespmem:v53+s16+$0x0] =	vst.idx.msk $0xffff, v47  }
0x4a7: {  	v39 =	vor.u32 v15, v39;
	v47 =	vor.u32 v4, v27;
	[tilespmem:v51+s16+$0x0] =	vst.idx.msk $0xffff, v34;
	v45 =	vld.idx.msk [tilespmem:v45+s14+$0x0], $0xffff  }
0x4a8: {  	v22 =	vshll.u32 v22, $0x7;
	v53 =	vor.u32 v9, v37;
	v51 =	vor.u32 $0x10, v21;
	v48 =	vld.idx.msk [tilespmem:v48+s14+$0x0], $0xffff;
	[tilespmem:v35+s16+$0x0] =	vst.idx.msk $0xffff, v36  }
0x4a9: {  	v22 =	vand.u32 $0xC00, v22;
	v36 =	vor.u32 v15, v44;
	v35 =	vand.u32 $0x1F, v51;
	[tilespmem:v57+s16+$0x0] =	vst.idx.msk $0xffff, v55;
	v44 =	vld.idx.msk [tilespmem:v52+s14+$0x0], $0xffff  }
0x4aa: {  	v34 =	vor.u32 v30, v22;
	v22 =	vor.u32 v1, v35;
	v55 =	vor.u32 v9, v25;
	v52 =	vld.idx.msk [tilespmem:v24+s14+$0x0], $0xffff  }
0x4ab: {  	v57 =	vor.u32 v5, v29;
	v24 =	vmov v41;
	[tilespmem:v58+s16+$0x0] =	vst.idx.msk $0xffff, v40;
	v58 =	vor.u32 v10, v38  }
0x4ac: {  	v41 =	vor.u32 v0, v34;
	[tilespmem:v39+s16+$0x0] =	vst.idx.msk $0xffff, v49;
	v49 =	vor.u32 v6, v26;
	v47 =	vld.idx.msk [tilespmem:v47+s14+$0x0], $0xffff  }
0x4ad: {  	v40 =	vshll.u32 v42, $0x7;
	v39 =	vshll.u32 v51, $0x7;
	v51 =	vor.u32 v5, v28;
	v54 =	vld.idx.msk [tilespmem:v54+s14+$0x0], $0xffff;
	[tilespmem:v53+s16+$0x0] =	vst.idx.msk $0xffff, v45  }
0x4ae: {  	v33 =	vand.u32 $0x380, v33;
	v45 =	vor.u32 v6, v27;
	[tilespmem:v36+s16+$0x0] =	vst.idx.msk $0xffff, v48;
	v36 =	vand.u32 $0xC00, v39;
	v48 =	vld.idx.msk [tilespmem:v56+s14+$0x0], $0xffff  }
0x4af: {  	v56 =	vor.u32 v11, v37;
	v53 =	vld.idx.msk [tilespmem:v22+s14+$0x0], $0xffff;
	v36 =	vor.u32 v33, v36;
	[tilespmem:v55+s16+$0x0] =	vst.idx.msk $0xffff, v44  }
0x4b0: {  	v55 =	vor.u32 v0, v36;
	[tilespmem:v57+s16+$0x0] =	vst.idx.msk $0xffff, v52;
	v52 =	vor.u32 v12, v43;
	v57 =	vld.idx.msk [tilespmem:v58+s14+$0x0], $0xffff  }
0x4b1: {  	v59 =	vor.u32 v11, v25;
	v39 =	vand.u32 $0x780, v40;
	v22 =	vmovc v19;
	v58 =	vor.u32 v2, v35;
	v49 =	vld.idx.msk [tilespmem:v49+s14+$0x0], $0xffff  }
0x4b2: {  	v62 =	vor.u32 v12, v38;
	v61 =	vor.u32 v7, v29;
	v60 =	vld.idx.msk [tilespmem:v50+s14+$0x0], $0xffff;
	[tilespmem:v51+s16+$0x0] =	vst.idx.msk $0xffff, v47  }
0x4b3: {  	v63 =	vor.u32 v0, v39;
	[tilespmem:v41+s16+$0x0] =	vst.idx.msk $0xffff, v54;
	v41 =	vor.u32 v8, v26;
	v44 =	vld.idx.msk [tilespmem:v45+s14+$0x0], $0xffff  }
.Ltmp2:
0x4b4: {  	v19 =	vmov v20;
	v20 =	vmov v42;
	v47 =	vld.idx.msk [tilespmem:v46+s14+$0x0], $0xffff;
	v46 =	vor.u32 v7, v28;
	[tilespmem:v56+s16+$0x0] =	vst.idx.msk $0xffff, v48;
	(pc) =	sbr.rel @p1 .LBB2_7-.Ltmp2, $4  }
0x4b5: {  	v54 =	vor.u32 v3, v34;
	[tilespmem:v55+s16+$0x0] =	vst.idx.msk $0xffff, v53;
	v55 =	vor.u32 v8, v27;
	v42 =	vld.idx.msk [tilespmem:v52+s14+$0x0], $0xffff  }
0x4b6: {  	v50 =	vor.u32 v4, v32;
	v51 =	vor.u32 v13, v37;
	v48 =	vld.idx.msk [tilespmem:v58+s14+$0x0], $0xffff;
	[tilespmem:v59+s16+$0x0] =	vst.idx.msk $0xffff, v57  }
0x4b7: {  	v52 =	vor.u32 v3, v36;
	v53 =	vor.u32 v14, v43;
	[tilespmem:v61+s16+$0x0] =	vst.idx.msk $0xffff, v49;
	v43 =	vld.idx.msk [tilespmem:v62+s14+$0x0], $0xffff  }
0x4b8: {  	s0 =	sadd.s32 $0x1, s1;
	s1 =	sadd.s32 $0x2, s1;
	v56 =	vor.u32 v4, v35;
	v57 =	vor.u32 v13, v25;
	[tilespmem:v63+s16+$0x0] =	vst.idx.msk $0xffff, v60;
	v49 =	vld.idx.msk [tilespmem:v41+s14+$0x0], $0xffff  }
0x4b9: {  	_ =	sdelay $0x2  }
0x4ba: {  	v41 =	vadd.s32 s0, v0  }
0x4bb: {  	[tilespmem:v46+s16+$0x0] =	vst.idx.msk $0xffff, v44;
	v38 =	vor.u32 v14, v38;
	v44 =	vand.u32 $0xF, v41  }
0x4bc: {  	v45 =	vor.u32 v9, v29;
	[tilespmem:v54+s16+$0x0] =	vst.idx.msk $0xffff, v47;
	v47 =	vld.idx.msk [tilespmem:v55+s14+$0x0], $0xffff;
	v63 =	vor.u32 v1, v44  }
0x4bd: {  	v46 =	vor.u32 v10, v26;
	v50 =	vld.idx.msk [tilespmem:v50+s14+$0x0], $0xffff;
	v55 =	vor.u32 v9, v28;
	[tilespmem:v51+s16+$0x0] =	vst.idx.msk $0xffff, v42  }
0x4be: {  	v62 =	vor.u32 v15, v37;
	v42 =	vor.u32 v5, v34;
	[tilespmem:v52+s16+$0x0] =	vst.idx.msk $0xffff, v48;
	v51 =	vld.idx.msk [tilespmem:v53+s14+$0x0], $0xffff  }
0x4bf: {  	v48 =	vor.u32 v10, v27;
	v61 =	vld.idx.msk [tilespmem:v56+s14+$0x0], $0xffff;
	[tilespmem:v57+s16+$0x0] =	vst.idx.msk $0xffff, v43;
	v57 =	vshll.u32 v41, $0x7  }
0x4c0: {  	v60 =	vor.u32 v6, v32;
	v58 =	vor.u32 v5, v36;
	v37 =	vld.idx.msk [tilespmem:v38+s14+$0x0], $0xffff;
	v38 =	vand.u32 $0x780, v57  }
0x4c1: {  	v59 =	vor.u32 v2, v31;
	[tilespmem:v45+s16+$0x0] =	vst.idx.msk $0xffff, v49;
	v54 =	vor.u32 v0, v38;
	v63 =	vld.idx.msk [tilespmem:v63+s14+$0x0], $0xffff  }
0x4c2: {  	[tilespmem:v55+s16+$0x0] =	vst.idx.msk $0xffff, v47;
	v55 =	vor.u32 v2, v44  }
0x4c3: {  	v43 =	vld.idx.msk [tilespmem:v46+s14+$0x0], $0xffff;
	[tilespmem:v42+s16+$0x0] =	vst.idx.msk $0xffff, v50  }
0x4c4: {  	v42 =	vld.idx.msk [tilespmem:v48+s14+$0x0], $0xffff;
	[tilespmem:v62+s16+$0x0] =	vst.idx.msk $0xffff, v51  }
0x4c5: {  	v47 =	vld.idx.msk [tilespmem:v60+s14+$0x0], $0xffff;
	[tilespmem:v58+s16+$0x0] =	vst.idx.msk $0xffff, v61  }
0x4c6: {  	v58 =	vld.idx.msk [tilespmem:v59+s14+$0x0], $0xffff;
	v59 =	vor.u32 v3, v39;
	[tilespmem:v54+s16+$0x0] =	vst.idx.msk $0xffff, v63  }
0x4c7: {  	v60 =	vor.u32 v4, v31;
	v61 =	vor.u32 v3, v38;
	v46 =	vld.idx.msk [tilespmem:v55+s14+$0x0], $0xffff  }
0x4c8: {  	v62 =	vor.u32 v4, v44;
	_ =	sdelay $0x2  }
0x4c9: {  	[tilespmem:v59+s16+$0x0] =	vst.idx.msk $0xffff, v58  }
0x4ca: {  	v63 =	vor.u32 v5, v39;
	v45 =	vld.idx.msk [tilespmem:v60+s14+$0x0], $0xffff;
	[tilespmem:v61+s16+$0x0] =	vst.idx.msk $0xffff, v46  }
0x4cb: {  	v54 =	vor.u32 v6, v31;
	v55 =	vor.u32 v5, v38;
	v49 =	vld.idx.msk [tilespmem:v62+s14+$0x0], $0xffff  }
0x4cc: {  	v56 =	vor.u32 v6, v44;
	_ =	sdelay $0x2  }
0x4cd: {  	[tilespmem:v63+s16+$0x0] =	vst.idx.msk $0xffff, v45  }
0x4ce: {  	v58 =	vor.u32 v7, v39;
	v46 =	vld.idx.msk [tilespmem:v54+s14+$0x0], $0xffff;
	[tilespmem:v55+s16+$0x0] =	vst.idx.msk $0xffff, v49  }
0x4cf: {  	v59 =	vor.u32 v8, v31;
	v60 =	vor.u32 v7, v38;
	v49 =	vld.idx.msk [tilespmem:v56+s14+$0x0], $0xffff  }
0x4d0: {  	v61 =	vor.u32 v8, v44;
	_ =	sdelay $0x2  }
0x4d1: {  	[tilespmem:v58+s16+$0x0] =	vst.idx.msk $0xffff, v46  }
0x4d2: {  	v62 =	vor.u32 v9, v39;
	v45 =	vld.idx.msk [tilespmem:v59+s14+$0x0], $0xffff;
	[tilespmem:v60+s16+$0x0] =	vst.idx.msk $0xffff, v49  }
0x4d3: {  	v63 =	vor.u32 v10, v31;
	v54 =	vor.u32 v9, v38;
	v49 =	vld.idx.msk [tilespmem:v61+s14+$0x0], $0xffff  }
0x4d4: {  	v55 =	vor.u32 v10, v44;
	_ =	sdelay $0x2  }
0x4d5: {  	[tilespmem:v62+s16+$0x0] =	vst.idx.msk $0xffff, v45  }
0x4d6: {  	v56 =	vor.u32 v11, v39;
	v45 =	vld.idx.msk [tilespmem:v63+s14+$0x0], $0xffff;
	[tilespmem:v54+s16+$0x0] =	vst.idx.msk $0xffff, v49  }
0x4d7: {  	v58 =	vor.u32 v12, v31;
	v59 =	vor.u32 v11, v38;
	v49 =	vld.idx.msk [tilespmem:v55+s14+$0x0], $0xffff  }
0x4d8: {  	v60 =	vor.u32 v12, v44;
	_ =	sdelay $0x2  }
0x4d9: {  	[tilespmem:v56+s16+$0x0] =	vst.idx.msk $0xffff, v45  }
0x4da: {  	v61 =	vor.u32 v13, v39;
	v45 =	vld.idx.msk [tilespmem:v58+s14+$0x0], $0xffff;
	[tilespmem:v59+s16+$0x0] =	vst.idx.msk $0xffff, v49  }
0x4db: {  	v62 =	vor.u32 v14, v31;
	v63 =	vor.u32 v13, v38;
	v49 =	vld.idx.msk [tilespmem:v60+s14+$0x0], $0xffff  }
0x4dc: {  	v56 =	vor.u32 v14, v44;
	_ =	sdelay $0x2  }
0x4dd: {  	v58 =	vor.u32 $0x10, v20;
	[tilespmem:v61+s16+$0x0] =	vst.idx.msk $0xffff, v45  }
0x4de: {  	v59 =	vor.u32 v15, v39;
	v60 =	vor.u32 $0x10, v41;
	v45 =	vand.u32 $0x1F, v58;
	v46 =	vld.idx.msk [tilespmem:v62+s14+$0x0], $0xffff;
	[tilespmem:v63+s16+$0x0] =	vst.idx.msk $0xffff, v49  }
0x4df: {  	v53 =	vand.u32 $0x1F, v60;
	v61 =	vor.u32 v1, v45;
	v62 =	vor.u32 v15, v38;
	v50 =	vld.idx.msk [tilespmem:v56+s14+$0x0], $0xffff  }
0x4e0: {  	v63 =	vor.u32 v1, v53  }
0x4e1: {  	v52 =	vshll.u32 v58, $0x7  }
0x4e2: {  	v48 =	vshll.u32 v60, $0x7;
	v38 =	vand.u32 $0x380, v40;
	v56 =	vand.u32 $0xC00, v52  }
0x4e3: {  	v39 =	vand.u32 $0x380, v57;
	v58 =	vand.u32 $0xC00, v48;
	v40 =	vor.u32 v38, v56;
	[tilespmem:v59+s16+$0x0] =	vst.idx.msk $0xffff, v46  }
0x4e4: {  	v46 =	vor.u32 v39, v58;
	v59 =	vor.u32 v0, v40;
	v49 =	vld.idx.msk [tilespmem:v61+s14+$0x0], $0xffff;
	[tilespmem:v62+s16+$0x0] =	vst.idx.msk $0xffff, v50  }
0x4e5: {  	v60 =	vor.u32 v2, v45;
	v61 =	vor.u32 v0, v46;
	v51 =	vld.idx.msk [tilespmem:v63+s14+$0x0], $0xffff  }
0x4e6: {  	v62 =	vor.u32 v2, v53;
	_ =	sdelay $0x2  }
0x4e7: {  	[tilespmem:v59+s16+$0x0] =	vst.idx.msk $0xffff, v49  }
0x4e8: {  	v63 =	vor.u32 v6, v35;
	v49 =	vld.idx.msk [tilespmem:v60+s14+$0x0], $0xffff;
	v60 =	vor.u32 v3, v40;
	[tilespmem:v61+s16+$0x0] =	vst.idx.msk $0xffff, v51  }
0x4e9: {  	v54 =	vor.u32 v3, v46;
	v61 =	vor.u32 v4, v45;
	v52 =	vld.idx.msk [tilespmem:v62+s14+$0x0], $0xffff  }
0x4ea: {  	v55 =	vor.u32 v4, v53  }
0x4eb: {  	v56 =	vor.u32 v7, v34  }
0x4ec: {  	v62 =	vor.u32 v8, v32  }
0x4ed: {  	v48 =	vld.idx.msk [tilespmem:v63+s14+$0x0], $0xffff;
	v63 =	vor.u32 v7, v36;
	[tilespmem:v60+s16+$0x0] =	vst.idx.msk $0xffff, v49  }
0x4ee: {  	v60 =	vor.u32 v8, v35;
	v50 =	vld.idx.msk [tilespmem:v61+s14+$0x0], $0xffff;
	v61 =	vor.u32 v5, v40;
	[tilespmem:v54+s16+$0x0] =	vst.idx.msk $0xffff, v52  }
0x4ef: {  	v52 =	vor.u32 v6, v45;
	v54 =	vld.idx.msk [tilespmem:v55+s14+$0x0], $0xffff;
	v55 =	vor.u32 v5, v46  }
0x4f0: {  	[tilespmem:v56+s16+$0x0] =	vst.idx.msk $0xffff, v47;
	v47 =	vor.u32 v6, v53  }
0x4f1: {  	v56 =	vld.idx.msk [tilespmem:v62+s14+$0x0], $0xffff;
	v62 =	vor.u32 v9, v34  }
0x4f2: {  	[tilespmem:v63+s16+$0x0] =	vst.idx.msk $0xffff, v48;
	v63 =	vor.u32 v10, v32  }
0x4f3: {  	v49 =	vld.idx.msk [tilespmem:v60+s14+$0x0], $0xffff;
	v60 =	vor.u32 v9, v36;
	[tilespmem:v61+s16+$0x0] =	vst.idx.msk $0xffff, v50  }
0x4f4: {  	v61 =	vor.u32 v10, v35;
	v51 =	vld.idx.msk [tilespmem:v52+s14+$0x0], $0xffff;
	v52 =	vor.u32 v7, v40;
	[tilespmem:v55+s16+$0x0] =	vst.idx.msk $0xffff, v54  }
0x4f5: {  	v54 =	vor.u32 v8, v45;
	v55 =	vor.u32 v7, v46;
	v47 =	vld.idx.msk [tilespmem:v47+s14+$0x0], $0xffff  }
0x4f6: {  	[tilespmem:v62+s16+$0x0] =	vst.idx.msk $0xffff, v56;
	v62 =	vor.u32 v8, v53  }
0x4f7: {  	v48 =	vld.idx.msk [tilespmem:v63+s14+$0x0], $0xffff;
	v63 =	vor.u32 v11, v34  }
0x4f8: {  	[tilespmem:v60+s16+$0x0] =	vst.idx.msk $0xffff, v49  }
0x4f9: {  	v60 =	vor.u32 v12, v32;
	v50 =	vld.idx.msk [tilespmem:v61+s14+$0x0], $0xffff;
	v61 =	vor.u32 v11, v36;
	[tilespmem:v52+s16+$0x0] =	vst.idx.msk $0xffff, v51  }
0x4fa: {  	v51 =	vor.u32 v12, v35;
	v52 =	vld.idx.msk [tilespmem:v54+s14+$0x0], $0xffff;
	v54 =	vor.u32 v9, v40;
	[tilespmem:v55+s16+$0x0] =	vst.idx.msk $0xffff, v47  }
0x4fb: {  	v47 =	vor.u32 v10, v45;
	v55 =	vld.idx.msk [tilespmem:v62+s14+$0x0], $0xffff;
	v62 =	vor.u32 v9, v46  }
0x4fc: {  	[tilespmem:v63+s16+$0x0] =	vst.idx.msk $0xffff, v48;
	v63 =	vor.u32 v10, v53;
	_ =	sdelay $0x1  }
0x4fd: {  	v23 =	vor.u32 $0x20, v23;
	v49 =	vld.idx.msk [tilespmem:v60+s14+$0x0], $0xffff;
	v60 =	vor.u32 v13, v34;
	[tilespmem:v61+s16+$0x0] =	vst.idx.msk $0xffff, v50  }
0x4fe: {  	v61 =	vor.u32 v14, v32;
	v50 =	vld.idx.msk [tilespmem:v51+s14+$0x0], $0xffff;
	v51 =	vor.u32 v13, v36;
	[tilespmem:v54+s16+$0x0] =	vst.idx.msk $0xffff, v52  }
0x4ff: {  	v57 =	vor.u32 v12, v53;
	v52 =	vor.u32 v11, v40;
	v47 =	vld.idx.msk [tilespmem:v47+s14+$0x0], $0xffff;
	[tilespmem:v62+s16+$0x0] =	vst.idx.msk $0xffff, v55  }
0x500: {  	v59 =	vor.u32 $0x20, v44;
	v54 =	vor.u32 v12, v45;
	v55 =	vor.u32 v11, v46;
	v48 =	vld.idx.msk [tilespmem:v63+s14+$0x0], $0xffff  }
0x501: {  	v35 =	vor.u32 v14, v35;
	v53 =	vor.u32 v14, v53;
	v36 =	vor.u32 v15, v36  }
0x502: {  	v45 =	vor.u32 v14, v45;
	[tilespmem:v60+s16+$0x0] =	vst.idx.msk $0xffff, v49;
	v62 =	vand.u32 $0x7, v19;
	v63 =	vand.u32 $0x28, v23  }
0x503: {  	v61 =	vld.idx.msk [tilespmem:v61+s14+$0x0], $0xffff;
	v32 =	vor.u32 v62, v63;
	v62 =	vor.u32 v15, v34;
	[tilespmem:v51+s16+$0x0] =	vst.idx.msk $0xffff, v50  }
0x504: {  	v60 =	vshll.u32 v23, $0x7;
	v63 =	vor.u32 $0x20, v24;
	v50 =	vor.u32 v1, v32;
	[tilespmem:v52+s16+$0x0] =	vst.idx.msk $0xffff, v47  }
0x505: {  	v23 =	vand.u32 $0x7, v21;
	v51 =	vor.u32 v13, v40;
	v24 =	vand.u32 $0x28, v63;
	v47 =	vld.idx.msk [tilespmem:v54+s14+$0x0], $0xffff;
	[tilespmem:v55+s16+$0x0] =	vst.idx.msk $0xffff, v48  }
0x506: {  	v23 =	vor.u32 v23, v24;
	v24 =	vand.u32 $0x1400, v60;
	v60 =	vor.u32 v13, v46;
	v48 =	vld.idx.msk [tilespmem:v57+s14+$0x0], $0xffff  }
0x507: {  	v58 =	vor.u32 v2, v32;
	v56 =	vor.u32 v4, v32;
	v54 =	vor.u32 v1, v23  }
0x508: {  	v35 =	vld.idx.msk [tilespmem:v35+s14+$0x0], $0xffff;
	v24 =	vor.u32 v30, v24;
	[tilespmem:v62+s16+$0x0] =	vst.idx.msk $0xffff, v61;
	v61 =	vshll.u32 v63, $0x7;
	v63 =	vor.u32 $0x20, v31  }
0x509: {  	v62 =	vor.u32 v0, v24;
	v31 =	vand.u32 $0x7, v20;
	v50 =	vld.idx.msk [tilespmem:v50+s14+$0x0], $0xffff;
	v57 =	vand.u32 $0x28, v63  }
0x50a: {  	v46 =	vor.u32 v15, v46;
	v34 =	vand.u32 $0x1400, v61;
	v31 =	vor.u32 v31, v57;
	[tilespmem:v51+s16+$0x0] =	vst.idx.msk $0xffff, v47  }
0x50b: {  	v61 =	vand.u32 $0x28, v59;
	v44 =	vld.idx.msk [tilespmem:v45+s14+$0x0], $0xffff;
	v45 =	vor.u32 v15, v40;
	[tilespmem:v60+s16+$0x0] =	vst.idx.msk $0xffff, v48;
	v60 =	vand.u32 $0x7, v41  }
0x50c: {  	v55 =	vor.u32 v3, v24;
	v48 =	vor.u32 v1, v31;
	v51 =	vld.idx.msk [tilespmem:v53+s14+$0x0], $0xffff;
	v40 =	vor.u32 v60, v61  }
0x50d: {  	[tilespmem:v36+s16+$0x0] =	vst.idx.msk $0xffff, v35;
	v34 =	vor.u32 v33, v34;
	v52 =	vor.u32 v1, v40  }
0x50e: {  	v47 =	vld.idx.msk [tilespmem:v54+s14+$0x0], $0xffff;
	v54 =	vor.u32 v2, v23;
	[tilespmem:v62+s16+$0x0] =	vst.idx.msk $0xffff, v50;
	v62 =	vshll.u32 v63, $0x7  }
0x50f: {  	v53 =	vor.u32 v0, v34;
	v60 =	vshll.u32 v59, $0x7;
	v63 =	vand.u32 $0x1400, v62  }
0x510: {  	v50 =	vld.idx.msk [tilespmem:v58+s14+$0x0], $0xffff;
	v61 =	vand.u32 $0x1400, v60;
	v35 =	vor.u32 v38, v63;
	[tilespmem:v45+s16+$0x0] =	vst.idx.msk $0xffff, v44  }
0x511: {  	v36 =	vor.u32 v39, v61;
	v62 =	vor.u32 v0, v35;
	v44 =	vld.idx.msk [tilespmem:v48+s14+$0x0], $0xffff;
	[tilespmem:v46+s16+$0x0] =	vst.idx.msk $0xffff, v51  }
0x512: {  	v63 =	vor.u32 v2, v31;
	v58 =	vor.u32 v0, v36;
	v57 =	vld.idx.msk [tilespmem:v52+s14+$0x0], $0xffff  }
0x513: {  	v59 =	vor.u32 v2, v40  }
0x514: {  	v61 =	vor.u32 v11, v29;
	[tilespmem:v53+s16+$0x0] =	vst.idx.msk $0xffff, v47  }
0x515: {  	v47 =	vld.idx.msk [tilespmem:v54+s14+$0x0], $0xffff;
	v52 =	vor.u32 v3, v34;
	[tilespmem:v55+s16+$0x0] =	vst.idx.msk $0xffff, v50  }
0x516: {  	v50 =	vor.u32 v4, v23;
	v54 =	vor.u32 v5, v24;
	v53 =	vld.idx.msk [tilespmem:v56+s14+$0x0], $0xffff;
	[tilespmem:v62+s16+$0x0] =	vst.idx.msk $0xffff, v44  }
0x517: {  	v46 =	vor.u32 v3, v35;
	v44 =	vor.u32 v6, v32;
	v45 =	vld.idx.msk [tilespmem:v63+s14+$0x0], $0xffff;
	[tilespmem:v58+s16+$0x0] =	vst.idx.msk $0xffff, v57  }
0x518: {  	v60 =	vor.u32 v4, v31;
	v51 =	vor.u32 v3, v36;
	v49 =	vld.idx.msk [tilespmem:v59+s14+$0x0], $0xffff  }
0x519: {  	[tilespmem:v61+s16+$0x0] =	vst.idx.msk $0xffff, v43;
	v62 =	vor.u32 v4, v40  }
0x51a: {  	v61 =	vor.u32 v6, v31;
	v63 =	vor.u32 v11, v28;
	[tilespmem:v52+s16+$0x0] =	vst.idx.msk $0xffff, v47  }
0x51b: {  	v57 =	vor.u32 v12, v26;
	v52 =	vor.u32 v5, v34;
	v50 =	vld.idx.msk [tilespmem:v50+s14+$0x0], $0xffff;
	[tilespmem:v54+s16+$0x0] =	vst.idx.msk $0xffff, v53  }
0x51c: {  	v53 =	vor.u32 v6, v23;
	v54 =	vor.u32 v7, v24;
	v44 =	vld.idx.msk [tilespmem:v44+s14+$0x0], $0xffff;
	[tilespmem:v46+s16+$0x0] =	vst.idx.msk $0xffff, v45  }
0x51d: {  	v45 =	vor.u32 v8, v32;
	v46 =	vld.idx.msk [tilespmem:v60+s14+$0x0], $0xffff;
	v60 =	vor.u32 v5, v35;
	[tilespmem:v51+s16+$0x0] =	vst.idx.msk $0xffff, v49  }
0x51e: {  	v43 =	vor.u32 v15, v25;
	v56 =	vor.u32 $0x30, v22;
	v51 =	vld.idx.msk [tilespmem:v62+s14+$0x0], $0xffff;
	v62 =	vor.u32 v5, v36  }
0x51f: {  	v22 =	vand.u32 $0x3F, v56;
	v47 =	vor.u32 v12, v27;
	[tilespmem:v63+s16+$0x0] =	vst.idx.msk $0xffff, v42;
	v63 =	vor.u32 v6, v40  }
0x520: {  	v26 =	vor.u32 v14, v26;
	v25 =	vld.idx.msk [tilespmem:v57+s14+$0x0], $0xffff;
	v57 =	vor.u32 v13, v29;
	[tilespmem:v52+s16+$0x0] =	vst.idx.msk $0xffff, v50  }
0x521: {  	v27 =	vor.u32 v14, v27;
	v52 =	vor.u32 v7, v34;
	v50 =	vld.idx.msk [tilespmem:v53+s14+$0x0], $0xffff;
	[tilespmem:v54+s16+$0x0] =	vst.idx.msk $0xffff, v44  }
0x522: {  	v53 =	vor.u32 v9, v24;
	v44 =	vor.u32 v8, v23;
	v45 =	vld.idx.msk [tilespmem:v45+s14+$0x0], $0xffff;
	[tilespmem:v60+s16+$0x0] =	vst.idx.msk $0xffff, v46  }
0x523: {  	v46 =	vor.u32 v10, v32;
	v60 =	vor.u32 v7, v35;
	v48 =	vld.idx.msk [tilespmem:v61+s14+$0x0], $0xffff;
	[tilespmem:v62+s16+$0x0] =	vst.idx.msk $0xffff, v51  }
0x524: {  	[tilespmem:v43+s16+$0x0] =	vst.idx.msk $0xffff, v37;
	v62 =	vor.u32 v8, v31;
	v42 =	vld.idx.msk [tilespmem:v63+s14+$0x0], $0xffff;
	v63 =	vor.u32 v7, v36  }
0x525: {  	v47 =	vld.idx.msk [tilespmem:v47+s14+$0x0], $0xffff;
	[tilespmem:v57+s16+$0x0] =	vst.idx.msk $0xffff, v25;
	v25 =	vor.u32 v8, v40;
	v61 =	vor.u32 v13, v28  }
0x526: {  	v58 =	vor.u32 v10, v23;
	v29 =	vor.u32 v15, v29;
	v26 =	vld.idx.msk [tilespmem:v26+s14+$0x0], $0xffff;
	[tilespmem:v52+s16+$0x0] =	vst.idx.msk $0xffff, v50  }
0x527: {  	v59 =	vor.u32 v11, v24;
	v52 =	vor.u32 v9, v34;
	v44 =	vld.idx.msk [tilespmem:v44+s14+$0x0], $0xffff;
	[tilespmem:v53+s16+$0x0] =	vst.idx.msk $0xffff, v45  }
0x528: {  	v54 =	vor.u32 v9, v35;
	v57 =	vor.u32 v2, v22;
	v46 =	vld.idx.msk [tilespmem:v46+s14+$0x0], $0xffff;
	[tilespmem:v60+s16+$0x0] =	vst.idx.msk $0xffff, v48  }
0x529: {  	v28 =	vor.u32 v15, v28;
	v50 =	vor.u32 v1, v22;
	v49 =	vld.idx.msk [tilespmem:v62+s14+$0x0], $0xffff;
	[tilespmem:v63+s16+$0x0] =	vst.idx.msk $0xffff, v42  }
0x52a: {  	[tilespmem:v61+s16+$0x0] =	vst.idx.msk $0xffff, v47;
	v61 =	vor.u32 v10, v31;
	v47 =	vor.u32 v9, v36;
	v25 =	vld.idx.msk [tilespmem:v25+s14+$0x0], $0xffff  }
0x52b: {  	v60 =	vor.u32 v12, v32;
	[tilespmem:v29+s16+$0x0] =	vst.idx.msk $0xffff, v26;
	v26 =	vor.u32 v10, v40  }
0x52c: {  	v55 =	vor.u32 $0x30, v19;
	v32 =	vor.u32 v14, v32;
	v62 =	vshll.u32 v56, $0x7;
	v27 =	vld.idx.msk [tilespmem:v27+s14+$0x0], $0xffff;
	[tilespmem:v52+s16+$0x0] =	vst.idx.msk $0xffff, v44  }
0x52d: {  	v63 =	vor.u32 $0x30, v16;
	v29 =	vand.u32 $0x1C00, v62;
	v62 =	vor.u32 v12, v31;
	[tilespmem:v59+s16+$0x0] =	vst.idx.msk $0xffff, v46  }
0x52e: {  	v19 =	vand.u32 $0x3F, v55;
	v16 =	vand.u32 $0x3F, v63;
	v45 =	vld.idx.msk [tilespmem:v58+s14+$0x0], $0xffff;
	v58 =	vor.u32 v11, v34;
	[tilespmem:v54+s16+$0x0] =	vst.idx.msk $0xffff, v49  }
0x52f: {  	v59 =	vor.u32 v12, v23;
	v42 =	vld.idx.msk [tilespmem:v61+s14+$0x0], $0xffff;
	v61 =	vor.u32 v11, v35;
	[tilespmem:v47+s16+$0x0] =	vst.idx.msk $0xffff, v25  }
0x530: {  	v17 =	vor.u32 v17, v29;
	v25 =	vshll.u32 v63, $0x7;
	v63 =	vor.u32 v11, v36;
	v26 =	vld.idx.msk [tilespmem:v26+s14+$0x0], $0xffff  }
0x531: {  	v48 =	vld.idx.msk [tilespmem:v60+s14+$0x0], $0xffff;
	v60 =	vor.u32 v13, v24;
	[tilespmem:v28+s16+$0x0] =	vst.idx.msk $0xffff, v27;
	v27 =	vor.u32 v12, v40  }
0x532: {  	v44 =	vor.u32 v1, v16;
	v23 =	vor.u32 v14, v23;
	v24 =	vor.u32 v15, v24  }
0x533: {  	v28 =	vor.u32 v0, v17;
	v54 =	vor.u32 v13, v34;
	[tilespmem:v58+s16+$0x0] =	vst.idx.msk $0xffff, v45;
	v25 =	vand.u32 $0x1C00, v25  }
0x534: {  	v49 =	vor.u32 v2, v19;
	v18 =	vor.u32 v18, v25;
	v25 =	vld.idx.msk [tilespmem:v59+s14+$0x0], $0xffff;
	[tilespmem:v61+s16+$0x0] =	vst.idx.msk $0xffff, v42  }
0x535: {  	v40 =	vor.u32 v14, v40;
	v58 =	vor.u32 v13, v35;
	v56 =	vld.idx.msk [tilespmem:v62+s14+$0x0], $0xffff;
	[tilespmem:v63+s16+$0x0] =	vst.idx.msk $0xffff, v26  }
0x536: {  	[tilespmem:v60+s16+$0x0] =	vst.idx.msk $0xffff, v48;
	v26 =	vor.u32 v14, v31;
	v31 =	vor.u32 v13, v36;
	v27 =	vld.idx.msk [tilespmem:v27+s14+$0x0], $0xffff  }
0x537: {  	v34 =	vor.u32 v15, v34;
	v35 =	vor.u32 v15, v35;
	v60 =	vor.u32 $0x30, v21;
	v32 =	vld.idx.msk [tilespmem:v32+s14+$0x0], $0xffff  }
0x538: {  	v50 =	vld.idx.msk [tilespmem:v50+s14+$0x0], $0xffff;
	v48 =	vor.u32 v2, v16;
	v59 =	vor.u32 v1, v19;
	v21 =	vand.u32 $0x3F, v60  }
0x539: {  	v29 =	vor.u32 v0, v18;
	v62 =	vor.u32 v1, v21;
	v63 =	vor.u32 $0x30, v20;
	[tilespmem:v54+s16+$0x0] =	vst.idx.msk $0xffff, v25  }
0x53a: {  	v36 =	vor.u32 v15, v36;
	v25 =	vshll.u32 v55, $0x7;
	v55 =	vshll.u32 v63, $0x7;
	v45 =	vld.idx.msk [tilespmem:v23+s14+$0x0], $0xffff;
	[tilespmem:v58+s16+$0x0] =	vst.idx.msk $0xffff, v56  }
0x53b: {  	v61 =	vand.u32 $0x1C00, v25;
	v23 =	vand.u32 $0x3F, v63;
	v26 =	vld.idx.msk [tilespmem:v26+s14+$0x0], $0xffff;
	[tilespmem:v31+s16+$0x0] =	vst.idx.msk $0xffff, v27;
	v27 =	vor.u32 $0x30, v41  }
0x53c: {  	[tilespmem:v24+s16+$0x0] =	vst.idx.msk $0xffff, v32;
	v24 =	vshll.u32 v60, $0x7;
	v31 =	vor.u32 v1, v23;
	v40 =	vld.idx.msk [tilespmem:v40+s14+$0x0], $0xffff;
	v25 =	vand.u32 $0x3F, v27  }
0x53d: {  	v32 =	vld.idx.msk [tilespmem:v44+s14+$0x0], $0xffff;
	v20 =	vor.u32 v30, v61;
	v24 =	vand.u32 $0x1C00, v24;
	v53 =	vor.u32 v1, v25  }
0x53e: {  	v30 =	vld.idx.msk [tilespmem:v59+s14+$0x0], $0xffff;
	v54 =	vor.u32 v0, v20;
	v24 =	vor.u32 v33, v24;
	v33 =	vand.u32 $0x1C00, v55  }
0x53f: {  	v58 =	vor.u32 v2, v21;
	v56 =	vor.u32 v0, v24;
	[tilespmem:v34+s16+$0x0] =	vst.idx.msk $0xffff, v45;
	v27 =	vshll.u32 v27, $0x7  }
0x540: {  	v34 =	vld.idx.msk [tilespmem:v62+s14+$0x0], $0xffff;
	v27 =	vand.u32 $0x1C00, v27;
	[tilespmem:v35+s16+$0x0] =	vst.idx.msk $0xffff, v26;
	v26 =	vor.u32 v38, v33  }
0x541: {  	v27 =	vor.u32 v39, v27;
	v31 =	vld.idx.msk [tilespmem:v31+s14+$0x0], $0xffff;
	v33 =	vor.u32 v0, v26;
	[tilespmem:v36+s16+$0x0] =	vst.idx.msk $0xffff, v40  }
0x542: {  	[tilespmem:v28+s16+$0x0] =	vst.idx.msk $0xffff, v50;
	v28 =	vor.u32 v2, v23;
	v60 =	vor.u32 v0, v27;
	v59 =	vld.idx.msk [tilespmem:v53+s14+$0x0], $0xffff  }
0x543: {  	v61 =	vld.idx.msk [tilespmem:v57+s14+$0x0], $0xffff;
	[tilespmem:v29+s16+$0x0] =	vst.idx.msk $0xffff, v32;
	v62 =	vor.u32 v3, v17;
	v29 =	vor.u32 v2, v25  }
0x544: {  	v50 =	vor.u32 v3, v18;
	v63 =	vor.u32 v4, v22;
	v48 =	vld.idx.msk [tilespmem:v48+s14+$0x0], $0xffff;
	[tilespmem:v54+s16+$0x0] =	vst.idx.msk $0xffff, v30  }
0x545: {  	v52 =	vor.u32 v3, v20;
	v30 =	vor.u32 v4, v16;
	v51 =	vld.idx.msk [tilespmem:v49+s14+$0x0], $0xffff;
	[tilespmem:v56+s16+$0x0] =	vst.idx.msk $0xffff, v34  }
0x546: {  	v54 =	vor.u32 v3, v24;
	v53 =	vor.u32 v4, v19;
	v37 =	vld.idx.msk [tilespmem:v58+s14+$0x0], $0xffff;
	[tilespmem:v33+s16+$0x0] =	vst.idx.msk $0xffff, v31  }
0x547: {  	v55 =	vor.u32 v3, v26;
	v31 =	vor.u32 v4, v21;
	v28 =	vld.idx.msk [tilespmem:v28+s14+$0x0], $0xffff;
	[tilespmem:v60+s16+$0x0] =	vst.idx.msk $0xffff, v59  }
0x548: {  	v57 =	vor.u32 v3, v27;
	[tilespmem:v62+s16+$0x0] =	vst.idx.msk $0xffff, v61;
	v56 =	vor.u32 v4, v23;
	v29 =	vld.idx.msk [tilespmem:v29+s14+$0x0], $0xffff  }
0x549: {  	[tilespmem:v50+s16+$0x0] =	vst.idx.msk $0xffff, v48;
	v32 =	vld.idx.msk [tilespmem:v63+s14+$0x0], $0xffff;
	v58 =	vor.u32 v5, v17;
	v59 =	vor.u32 v4, v25  }
0x54a: {  	v61 =	vor.u32 v5, v18;
	v30 =	vld.idx.msk [tilespmem:v30+s14+$0x0], $0xffff;
	[tilespmem:v52+s16+$0x0] =	vst.idx.msk $0xffff, v51;
	v60 =	vor.u32 v6, v22  }
0x54b: {  	v62 =	vor.u32 v6, v16;
	v63 =	vor.u32 v5, v20;
	v34 =	vld.idx.msk [tilespmem:v53+s14+$0x0], $0xffff;
	[tilespmem:v54+s16+$0x0] =	vst.idx.msk $0xffff, v37  }
0x54c: {  	v49 =	vor.u32 v5, v24;
	v48 =	vor.u32 v6, v19;
	v31 =	vld.idx.msk [tilespmem:v31+s14+$0x0], $0xffff;
	[tilespmem:v55+s16+$0x0] =	vst.idx.msk $0xffff, v28  }
0x54d: {  	v50 =	vor.u32 v5, v26;
	v28 =	vor.u32 v6, v21;
	v33 =	vld.idx.msk [tilespmem:v56+s14+$0x0], $0xffff;
	[tilespmem:v57+s16+$0x0] =	vst.idx.msk $0xffff, v29  }
0x54e: {  	v52 =	vor.u32 v5, v27;
	[tilespmem:v58+s16+$0x0] =	vst.idx.msk $0xffff, v32;
	v29 =	vor.u32 v6, v23;
	v51 =	vld.idx.msk [tilespmem:v59+s14+$0x0], $0xffff  }
0x54f: {  	v53 =	vor.u32 v7, v17;
	[tilespmem:v61+s16+$0x0] =	vst.idx.msk $0xffff, v30;
	v30 =	vor.u32 v6, v25;
	v38 =	vld.idx.msk [tilespmem:v60+s14+$0x0], $0xffff  }
0x550: {  	v54 =	vor.u32 v8, v22;
	v41 =	vld.idx.msk [tilespmem:v62+s14+$0x0], $0xffff;
	v55 =	vor.u32 v7, v18;
	[tilespmem:v63+s16+$0x0] =	vst.idx.msk $0xffff, v34  }
0x551: {  	v56 =	vor.u32 v8, v16;
	v37 =	vld.idx.msk [tilespmem:v48+s14+$0x0], $0xffff;
	v57 =	vor.u32 v7, v20;
	[tilespmem:v49+s16+$0x0] =	vst.idx.msk $0xffff, v31  }
0x552: {  	v58 =	vor.u32 v7, v24;
	v31 =	vor.u32 v8, v19;
	v28 =	vld.idx.msk [tilespmem:v28+s14+$0x0], $0xffff;
	[tilespmem:v50+s16+$0x0] =	vst.idx.msk $0xffff, v33  }
0x553: {  	v60 =	vor.u32 v7, v26;
	v59 =	vor.u32 v8, v21;
	v29 =	vld.idx.msk [tilespmem:v29+s14+$0x0], $0xffff;
	[tilespmem:v52+s16+$0x0] =	vst.idx.msk $0xffff, v51  }
0x554: {  	v61 =	vor.u32 v8, v23;
	v62 =	vor.u32 v7, v27;
	[tilespmem:v53+s16+$0x0] =	vst.idx.msk $0xffff, v38;
	v30 =	vld.idx.msk [tilespmem:v30+s14+$0x0], $0xffff  }
0x555: {  	v63 =	vor.u32 v9, v17;
	v48 =	vor.u32 v8, v25;
	[tilespmem:v55+s16+$0x0] =	vst.idx.msk $0xffff, v41;
	v38 =	vld.idx.msk [tilespmem:v54+s14+$0x0], $0xffff  }
0x556: {  	v49 =	vor.u32 v10, v22;
	v34 =	vld.idx.msk [tilespmem:v56+s14+$0x0], $0xffff;
	v50 =	vor.u32 v9, v18;
	[tilespmem:v57+s16+$0x0] =	vst.idx.msk $0xffff, v37  }
0x557: {  	v51 =	vor.u32 v10, v16;
	v52 =	vor.u32 v9, v20;
	v31 =	vld.idx.msk [tilespmem:v31+s14+$0x0], $0xffff;
	[tilespmem:v58+s16+$0x0] =	vst.idx.msk $0xffff, v28  }
0x558: {  	v53 =	vor.u32 v9, v24;
	v28 =	vor.u32 v10, v19;
	v33 =	vld.idx.msk [tilespmem:v59+s14+$0x0], $0xffff;
	[tilespmem:v60+s16+$0x0] =	vst.idx.msk $0xffff, v29  }
0x559: {  	v54 =	vor.u32 v9, v26;
	v29 =	vor.u32 v10, v21;
	v32 =	vld.idx.msk [tilespmem:v61+s14+$0x0], $0xffff;
	[tilespmem:v62+s16+$0x0] =	vst.idx.msk $0xffff, v30  }
0x55a: {  	v55 =	vor.u32 v9, v27;
	[tilespmem:v63+s16+$0x0] =	vst.idx.msk $0xffff, v38;
	v30 =	vor.u32 v10, v23;
	v36 =	vld.idx.msk [tilespmem:v48+s14+$0x0], $0xffff  }
0x55b: {  	v56 =	vor.u32 v11, v17;
	v57 =	vor.u32 v10, v25;
	[tilespmem:v50+s16+$0x0] =	vst.idx.msk $0xffff, v34;
	v39 =	vld.idx.msk [tilespmem:v49+s14+$0x0], $0xffff  }
0x55c: {  	v58 =	vor.u32 v12, v22;
	v59 =	vor.u32 v11, v18;
	v37 =	vld.idx.msk [tilespmem:v51+s14+$0x0], $0xffff;
	[tilespmem:v52+s16+$0x0] =	vst.idx.msk $0xffff, v31  }
0x55d: {  	v60 =	vor.u32 v11, v20;
	v31 =	vor.u32 v12, v16;
	v28 =	vld.idx.msk [tilespmem:v28+s14+$0x0], $0xffff;
	[tilespmem:v53+s16+$0x0] =	vst.idx.msk $0xffff, v33  }
0x55e: {  	v61 =	vor.u32 v12, v19;
	v62 =	vor.u32 v11, v24;
	v29 =	vld.idx.msk [tilespmem:v29+s14+$0x0], $0xffff;
	[tilespmem:v54+s16+$0x0] =	vst.idx.msk $0xffff, v32  }
0x55f: {  	v45 =	vor.u32 v11, v26;
	v63 =	vor.u32 v12, v21;
	v30 =	vld.idx.msk [tilespmem:v30+s14+$0x0], $0xffff;
	[tilespmem:v55+s16+$0x0] =	vst.idx.msk $0xffff, v36  }
0x560: {  	v46 =	vor.u32 v12, v23;
	v47 =	vor.u32 v11, v27;
	[tilespmem:v56+s16+$0x0] =	vst.idx.msk $0xffff, v39;
	v34 =	vld.idx.msk [tilespmem:v57+s14+$0x0], $0xffff  }
0x561: {  	v49 =	vor.u32 v12, v25;
	v48 =	vor.u32 v13, v17;
	[tilespmem:v59+s16+$0x0] =	vst.idx.msk $0xffff, v37;
	v39 =	vld.idx.msk [tilespmem:v58+s14+$0x0], $0xffff  }
0x562: {  	v22 =	vor.u32 v14, v22;
	v50 =	vor.u32 v13, v18;
	v31 =	vld.idx.msk [tilespmem:v31+s14+$0x0], $0xffff;
	[tilespmem:v60+s16+$0x0] =	vst.idx.msk $0xffff, v28  }
0x563: {  	v51 =	vor.u32 v13, v20;
	v16 =	vor.u32 v14, v16;
	v28 =	vld.idx.msk [tilespmem:v61+s14+$0x0], $0xffff;
	[tilespmem:v62+s16+$0x0] =	vst.idx.msk $0xffff, v29  }
0x564: {  	v19 =	vor.u32 v14, v19;
	v52 =	vor.u32 v13, v24;
	v29 =	vld.idx.msk [tilespmem:v63+s14+$0x0], $0xffff;
	[tilespmem:v45+s16+$0x0] =	vst.idx.msk $0xffff, v30  }
0x565: {  	v21 =	vor.u32 v14, v21;
	v53 =	vor.u32 v13, v26;
	v30 =	vld.idx.msk [tilespmem:v46+s14+$0x0], $0xffff;
	[tilespmem:v47+s16+$0x0] =	vst.idx.msk $0xffff, v34  }
0x566: {  	v23 =	vor.u32 v14, v23;
	v54 =	vor.u32 v13, v27;
	[tilespmem:v48+s16+$0x0] =	vst.idx.msk $0xffff, v39;
	v34 =	vld.idx.msk [tilespmem:v49+s14+$0x0], $0xffff  }
0x567: {  	v25 =	vor.u32 v14, v25;
	v17 =	vor.u32 v15, v17;
	[tilespmem:v50+s16+$0x0] =	vst.idx.msk $0xffff, v31;
	v22 =	vld.idx.msk [tilespmem:v22+s14+$0x0], $0xffff  }
0x568: {  	v18 =	vor.u32 v15, v18;
	v16 =	vld.idx.msk [tilespmem:v16+s14+$0x0], $0xffff;
	[tilespmem:v51+s16+$0x0] =	vst.idx.msk $0xffff, v28  }
0x569: {  	v20 =	vor.u32 v15, v20;
	v19 =	vld.idx.msk [tilespmem:v19+s14+$0x0], $0xffff;
	[tilespmem:v52+s16+$0x0] =	vst.idx.msk $0xffff, v29  }
0x56a: {  	v24 =	vor.u32 v15, v24;
	v21 =	vld.idx.msk [tilespmem:v21+s14+$0x0], $0xffff;
	[tilespmem:v53+s16+$0x0] =	vst.idx.msk $0xffff, v30  }
0x56b: {  	v26 =	vor.u32 v15, v26;
	v23 =	vld.idx.msk [tilespmem:v23+s14+$0x0], $0xffff;
	[tilespmem:v54+s16+$0x0] =	vst.idx.msk $0xffff, v34  }
0x56c: {  	[tilespmem:v17+s16+$0x0] =	vst.idx.msk $0xffff, v22;
	v22 =	vor.u32 v15, v27;
	v17 =	vld.idx.msk [tilespmem:v25+s14+$0x0], $0xffff  }
0x56d: {  	[tilespmem:v18+s16+$0x0] =	vst.idx.msk $0xffff, v16  }
0x56e: {  	s1 =	sshll.u32 s29, $0x12;
	[tilespmem:v20+s16+$0x0] =	vst.idx.msk $0xffff, v19  }
0x56f: {  	s0 =	sor.u32 s6, s1;
	[tilespmem:v24+s16+$0x0] =	vst.idx.msk $0xffff, v21  }
0x570: {  	s0 =	sshrl.u32 s0, $0x3;
	[tilespmem:v26+s16+$0x0] =	vst.idx.msk $0xffff, v23  }
0x571: {  	s0 =	sadd.s32 s2, s0;
	[tilespmem:v22+s16+$0x0] =	vst.idx.msk $0xffff, v17  }
0x572: {  	[hbm4b:s0+s17] =	stream.strided.scatter [tilespmem:s16], [sflag:$0x5], $0x2000, s18, s17, $0x38;
	[tilespmem:$0x12400] =	vst v63  }
0x573: {  	s10 =	simm.s32 @!p0 $0x8400;
	s1 =	simm.s32 @!p0 $0x80;
	s0 =	sadd.s32 @!p0 $0x280, s31  }
0x574: {  	[tilespmem:s10], [sflag:$0x2] =	stream.indirect.gather @!p0 [hbm4b:s4+s1], $0x40, s0, s1, $0xb8;
	[tilespmem:$0x12400] =	vst v63  }
0x575: {  	s10 =	simm.s32 $0x0  }
0x576: {  	v26 =	vadd.s32 s10, v0  }
0x577: {  	s29 =	simm.s32 $0x1;
	_ =	swait.ge [sflag:s24], $0x2000;
	v18 =	vand.u32 $0xF, v26  }
0x578: {  	v25 =	vadd.s32 s29, v0;
	[sflag:s24] =	ssyncset.done $0x0;
	v16 =	vor.u32 v1, v18  }
0x579: {  	v17 =	vand.u32 $0xF, v25;
	[sflag:s24] =	ssyncadd.s32 $0xFFFFE000  }
0x57a: {  	v19 =	vor.u32 v1, v17;
	_ =	swait.ge [sflag:s25], $0x2000  }
0x57b: {  	v20 =	vshll.u32 v26, $0x7;
	[sflag:s25] =	ssyncset.done $0x0  }
0x57c: {  	v21 =	vand.u32 $0x780, v20;
	[sflag:s25] =	ssyncadd.s32 $0xFFFFE000  }
0x57d: {  	v22 =	vshll.u32 v25, $0x7;
	v23 =	vor.u32 v0, v21;
	v16 =	vld.idx.msk [tilespmem:v16+s19+$0x0], $0xffff  }
0x57e: {  	v24 =	vand.u32 $0x780, v22;
	v27 =	vor.u32 v2, v18  }
0x57f: {  	v28 =	vor.u32 v0, v24;
	v19 =	vld.idx.msk [tilespmem:v19+s19+$0x0], $0xffff  }
0x580: {  	v29 =	vor.u32 v2, v17;
	_ =	sdelay $0x1  }
0x581: {  	[tilespmem:v23+s21+$0x0] =	vst.idx.msk $0xffff, v16  }
0x582: {  	v23 =	vor.u32 v3, v21;
	v16 =	vld.idx.msk [tilespmem:v27+s19+$0x0], $0xffff  }
0x583: {  	[tilespmem:v28+s21+$0x0] =	vst.idx.msk $0xffff, v19;
	v19 =	vor.u32 v4, v18  }
0x584: {  	v28 =	vor.u32 v3, v24;
	v27 =	vld.idx.msk [tilespmem:v29+s19+$0x0], $0xffff  }
0x585: {  	v29 =	vor.u32 v4, v17;
	_ =	sdelay $0x1  }
0x586: {  	[tilespmem:v23+s21+$0x0] =	vst.idx.msk $0xffff, v16  }
0x587: {  	v16 =	vld.idx.msk [tilespmem:v19+s19+$0x0], $0xffff;
	v19 =	vor.u32 v5, v21  }
0x588: {  	[tilespmem:v28+s21+$0x0] =	vst.idx.msk $0xffff, v27;
	v23 =	vor.u32 v6, v18  }
0x589: {  	v28 =	vor.u32 v5, v24;
	v27 =	vld.idx.msk [tilespmem:v29+s19+$0x0], $0xffff  }
0x58a: {  	v29 =	vor.u32 v6, v17;
	_ =	sdelay $0x1  }
0x58b: {  	[tilespmem:v19+s21+$0x0] =	vst.idx.msk $0xffff, v16  }
0x58c: {  	v16 =	vor.u32 v7, v21;
	v19 =	vld.idx.msk [tilespmem:v23+s19+$0x0], $0xffff  }
0x58d: {  	[tilespmem:v28+s21+$0x0] =	vst.idx.msk $0xffff, v27;
	v23 =	vor.u32 v8, v18  }
0x58e: {  	v28 =	vor.u32 v7, v24;
	v27 =	vld.idx.msk [tilespmem:v29+s19+$0x0], $0xffff  }
0x58f: {  	v29 =	vor.u32 v8, v17;
	_ =	sdelay $0x1  }
0x590: {  	[tilespmem:v16+s21+$0x0] =	vst.idx.msk $0xffff, v19  }
0x591: {  	v19 =	vor.u32 v9, v21;
	v16 =	vld.idx.msk [tilespmem:v23+s19+$0x0], $0xffff  }
0x592: {  	[tilespmem:v28+s21+$0x0] =	vst.idx.msk $0xffff, v27;
	v23 =	vor.u32 v10, v18  }
0x593: {  	v28 =	vor.u32 v9, v24;
	v27 =	vld.idx.msk [tilespmem:v29+s19+$0x0], $0xffff  }
0x594: {  	v29 =	vor.u32 v10, v17;
	_ =	sdelay $0x1  }
0x595: {  	[tilespmem:v19+s21+$0x0] =	vst.idx.msk $0xffff, v16  }
0x596: {  	v19 =	vor.u32 v11, v21;
	v16 =	vld.idx.msk [tilespmem:v23+s19+$0x0], $0xffff  }
0x597: {  	[tilespmem:v28+s21+$0x0] =	vst.idx.msk $0xffff, v27;
	v23 =	vor.u32 v12, v18  }
0x598: {  	v28 =	vor.u32 v11, v24;
	v27 =	vld.idx.msk [tilespmem:v29+s19+$0x0], $0xffff  }
0x599: {  	v29 =	vor.u32 v12, v17;
	_ =	sdelay $0x1  }
0x59a: {  	[tilespmem:v19+s21+$0x0] =	vst.idx.msk $0xffff, v16  }
0x59b: {  	v19 =	vor.u32 v13, v21;
	v16 =	vld.idx.msk [tilespmem:v23+s19+$0x0], $0xffff  }
0x59c: {  	[tilespmem:v28+s21+$0x0] =	vst.idx.msk $0xffff, v27;
	v23 =	vor.u32 v14, v18  }
0x59d: {  	v28 =	vor.u32 v13, v24;
	v27 =	vld.idx.msk [tilespmem:v29+s19+$0x0], $0xffff  }
0x59e: {  	v29 =	vor.u32 v14, v17;
	_ =	sdelay $0x1  }
0x59f: {  	v30 =	vor.u32 $0x10, v26;
	[tilespmem:v19+s21+$0x0] =	vst.idx.msk $0xffff, v16  }
0x5a0: {  	v31 =	vand.u32 $0x1F, v30;
	v19 =	vor.u32 v15, v21;
	v16 =	vld.idx.msk [tilespmem:v23+s19+$0x0], $0xffff  }
0x5a1: {  	[tilespmem:v28+s21+$0x0] =	vst.idx.msk $0xffff, v27;
	v21 =	vor.u32 $0x10, v25;
	v23 =	vor.u32 v1, v31  }
0x5a2: {  	v24 =	vor.u32 v15, v24;
	v27 =	vld.idx.msk [tilespmem:v29+s19+$0x0], $0xffff;
	v32 =	vand.u32 $0x1F, v21  }
0x5a3: {  	v28 =	vshll.u32 v30, $0x7;
	v55 =	vor.u32 v1, v32  }
0x5a4: {  	v29 =	vand.u32 $0x380, v20;
	v20 =	vand.u32 $0xC00, v28  }
0x5a5: {  	v21 =	vshll.u32 v21, $0x7;
	v34 =	vor.u32 v29, v20;
	[tilespmem:v19+s21+$0x0] =	vst.idx.msk $0xffff, v16  }
0x5a6: {  	v28 =	vand.u32 $0x380, v22;
	v16 =	vand.u32 $0xC00, v21;
	v19 =	vor.u32 v0, v34;
	v20 =	vld.idx.msk [tilespmem:v23+s19+$0x0], $0xffff  }
0x5a7: {  	[tilespmem:v24+s21+$0x0] =	vst.idx.msk $0xffff, v27;
	v24 =	vor.u32 v28, v16;
	v16 =	vor.u32 v2, v31  }
0x5a8: {  	v21 =	vld.idx.msk [tilespmem:v55+s19+$0x0], $0xffff;
	v22 =	vor.u32 v0, v24  }
0x5a9: {  	v23 =	vor.u32 v2, v32;
	_ =	sdelay $0x1  }
0x5aa: {  	[tilespmem:v19+s21+$0x0] =	vst.idx.msk $0xffff, v20  }
0x5ab: {  	v56 =	vor.u32 v3, v34;
	v20 =	vld.idx.msk [tilespmem:v16+s19+$0x0], $0xffff  }
0x5ac: {  	s31 =	simm.s32 $0x2;
	[tilespmem:v22+s21+$0x0] =	vst.idx.msk $0xffff, v21;
	v21 =	vor.u32 v4, v31  }
0x5ad: {  	s1 =	simm.s32 $0x3;
	v57 =	vor.u32 v3, v24;
	v22 =	vadd.s32 s31, v0;
	v23 =	vld.idx.msk [tilespmem:v23+s19+$0x0], $0xffff  }
0x5ae: {  	v58 =	vor.u32 v4, v32;
	v16 =	vadd.s32 s1, v0;
	v30 =	vand.u32 $0xF, v22  }
0x5af: {  	v27 =	vand.u32 $0xF, v16;
	v59 =	vor.u32 v1, v30  }
0x5b0: {  	v60 =	vor.u32 v1, v27;
	[tilespmem:v56+s21+$0x0] =	vst.idx.msk $0xffff, v20  }
0x5b1: {  	v62 =	vor.u32 v5, v34;
	v61 =	vld.idx.msk [tilespmem:v21+s19+$0x0], $0xffff  }
0x5b2: {  	v63 =	vor.u32 v6, v31;
	v19 =	vshll.u32 v22, $0x7;
	[tilespmem:v57+s21+$0x0] =	vst.idx.msk $0xffff, v23  }
0x5b3: {  	v48 =	vor.u32 v5, v24;
	v20 =	vshll.u32 v16, $0x7;
	v21 =	vand.u32 $0x780, v19;
	v36 =	vld.idx.msk [tilespmem:v58+s19+$0x0], $0xffff  }
0x5b4: {  	v50 =	vor.u32 v6, v32;
	v23 =	vand.u32 $0x780, v20;
	v37 =	vld.idx.msk [tilespmem:v59+s19+$0x0], $0xffff;
	v49 =	vor.u32 v0, v21  }
0x5b5: {  	v51 =	vor.u32 v2, v30;
	v33 =	vld.idx.msk [tilespmem:v60+s19+$0x0], $0xffff;
	v52 =	vor.u32 v0, v23  }
0x5b6: {  	v53 =	vor.u32 v2, v27;
	[tilespmem:v62+s21+$0x0] =	vst.idx.msk $0xffff, v61  }
0x5b7: {  	v54 =	vor.u32 v7, v34;
	v35 =	vld.idx.msk [tilespmem:v63+s19+$0x0], $0xffff  }
0x5b8: {  	v55 =	vor.u32 v8, v31;
	[tilespmem:v48+s21+$0x0] =	vst.idx.msk $0xffff, v36  }
0x5b9: {  	v57 =	vor.u32 v7, v24;
	[tilespmem:v49+s21+$0x0] =	vst.idx.msk $0xffff, v37;
	v56 =	vld.idx.msk [tilespmem:v50+s19+$0x0], $0xffff  }
0x5ba: {  	v58 =	vor.u32 v3, v21;
	v59 =	vor.u32 v8, v32;
	[tilespmem:v52+s21+$0x0] =	vst.idx.msk $0xffff, v33;
	v41 =	vld.idx.msk [tilespmem:v51+s19+$0x0], $0xffff  }
0x5bb: {  	v60 =	vor.u32 v4, v30;
	v61 =	vor.u32 v3, v23;
	v33 =	vld.idx.msk [tilespmem:v53+s19+$0x0], $0xffff  }
0x5bc: {  	v62 =	vor.u32 v4, v27;
	[tilespmem:v54+s21+$0x0] =	vst.idx.msk $0xffff, v35  }
0x5bd: {  	v63 =	vor.u32 v9, v34;
	v36 =	vld.idx.msk [tilespmem:v55+s19+$0x0], $0xffff  }
0x5be: {  	v48 =	vor.u32 v10, v31;
	[tilespmem:v57+s21+$0x0] =	vst.idx.msk $0xffff, v56  }
0x5bf: {  	v49 =	vor.u32 v9, v24;
	[tilespmem:v58+s21+$0x0] =	vst.idx.msk $0xffff, v41;
	v40 =	vld.idx.msk [tilespmem:v59+s19+$0x0], $0xffff  }
0x5c0: {  	v50 =	vor.u32 v5, v21;
	v51 =	vor.u32 v10, v32;
	[tilespmem:v61+s21+$0x0] =	vst.idx.msk $0xffff, v33;
	v42 =	vld.idx.msk [tilespmem:v60+s19+$0x0], $0xffff  }
0x5c1: {  	v52 =	vor.u32 v6, v30;
	v53 =	vor.u32 v5, v23;
	v33 =	vld.idx.msk [tilespmem:v62+s19+$0x0], $0xffff  }
0x5c2: {  	v54 =	vor.u32 v6, v27;
	[tilespmem:v63+s21+$0x0] =	vst.idx.msk $0xffff, v36  }
0x5c3: {  	v55 =	vor.u32 v11, v34;
	v37 =	vld.idx.msk [tilespmem:v48+s19+$0x0], $0xffff  }
0x5c4: {  	v56 =	vor.u32 v12, v31;
	[tilespmem:v49+s21+$0x0] =	vst.idx.msk $0xffff, v40  }
0x5c5: {  	v57 =	vor.u32 v11, v24;
	[tilespmem:v50+s21+$0x0] =	vst.idx.msk $0xffff, v42;
	v40 =	vld.idx.msk [tilespmem:v51+s19+$0x0], $0xffff  }
0x5c6: {  	v58 =	vor.u32 v7, v21;
	v59 =	vor.u32 v12, v32;
	[tilespmem:v53+s21+$0x0] =	vst.idx.msk $0xffff, v33;
	v43 =	vld.idx.msk [tilespmem:v52+s19+$0x0], $0xffff  }
0x5c7: {  	v61 =	vor.u32 v7, v23;
	v60 =	vor.u32 v8, v30;
	v33 =	vld.idx.msk [tilespmem:v54+s19+$0x0], $0xffff  }
0x5c8: {  	v62 =	vor.u32 v8, v27;
	[tilespmem:v55+s21+$0x0] =	vst.idx.msk $0xffff, v37  }
0x5c9: {  	v63 =	vor.u32 v13, v34;
	v37 =	vld.idx.msk [tilespmem:v56+s19+$0x0], $0xffff  }
0x5ca: {  	v31 =	vor.u32 v14, v31;
	[tilespmem:v57+s21+$0x0] =	vst.idx.msk $0xffff, v40  }
0x5cb: {  	v18 =	vor.u32 $0x20, v18;
	v49 =	vor.u32 v13, v24;
	[tilespmem:v58+s21+$0x0] =	vst.idx.msk $0xffff, v43;
	v48 =	vld.idx.msk [tilespmem:v59+s19+$0x0], $0xffff  }
0x5cc: {  	v32 =	vor.u32 v14, v32;
	v50 =	vor.u32 v9, v21;
	[tilespmem:v61+s21+$0x0] =	vst.idx.msk $0xffff, v33;
	v42 =	vld.idx.msk [tilespmem:v60+s19+$0x0], $0xffff  }
0x5cd: {  	v17 =	vor.u32 $0x20, v17;
	v53 =	vor.u32 v9, v23;
	v51 =	vor.u32 v10, v30;
	v35 =	vld.idx.msk [tilespmem:v62+s19+$0x0], $0xffff  }
0x5ce: {  	v52 =	vand.u32 $0x7, v26;
	v54 =	vand.u32 $0x28, v18;
	v55 =	vor.u32 v10, v27;
	[tilespmem:v63+s21+$0x0] =	vst.idx.msk $0xffff, v37  }
0x5cf: {  	v24 =	vor.u32 v15, v24;
	v40 =	vor.u32 v52, v54;
	v56 =	vor.u32 v15, v34;
	v31 =	vld.idx.msk [tilespmem:v31+s19+$0x0], $0xffff  }
0x5d0: {  	v57 =	vand.u32 $0x7, v25;
	v58 =	vand.u32 $0x28, v17;
	v59 =	vor.u32 v1, v40;
	[tilespmem:v49+s21+$0x0] =	vst.idx.msk $0xffff, v48  }
0x5d1: {  	v18 =	vshll.u32 v18, $0x7;
	v43 =	vor.u32 v57, v58;
	[tilespmem:v50+s21+$0x0] =	vst.idx.msk $0xffff, v42;
	v32 =	vld.idx.msk [tilespmem:v32+s19+$0x0], $0xffff  }
0x5d2: {  	v61 =	vor.u32 v11, v21;
	v62 =	vor.u32 v1, v43;
	[tilespmem:v53+s21+$0x0] =	vst.idx.msk $0xffff, v35;
	v60 =	vld.idx.msk [tilespmem:v51+s19+$0x0], $0xffff  }
0x5d3: {  	v47 =	vor.u32 v11, v23;
	v18 =	vand.u32 $0x1400, v18;
	v63 =	vor.u32 v12, v30;
	v35 =	vld.idx.msk [tilespmem:v55+s19+$0x0], $0xffff  }
0x5d4: {  	v17 =	vshll.u32 v17, $0x7;
	v42 =	vor.u32 v29, v18;
	v18 =	vor.u32 v12, v27;
	[tilespmem:v56+s21+$0x0] =	vst.idx.msk $0xffff, v31  }
0x5d5: {  	v17 =	vand.u32 $0x1400, v17;
	v48 =	vor.u32 v0, v42;
	v33 =	vld.idx.msk [tilespmem:v59+s19+$0x0], $0xffff  }
0x5d6: {  	v31 =	vor.u32 v28, v17;
	v17 =	vor.u32 v2, v40;
	[tilespmem:v24+s21+$0x0] =	vst.idx.msk $0xffff, v32  }
0x5d7: {  	[tilespmem:v61+s21+$0x0] =	vst.idx.msk $0xffff, v60;
	v49 =	vor.u32 v0, v31;
	v24 =	vld.idx.msk [tilespmem:v62+s19+$0x0], $0xffff  }
0x5d8: {  	v50 =	vor.u32 v13, v21;
	v51 =	vor.u32 v2, v43;
	[tilespmem:v47+s21+$0x0] =	vst.idx.msk $0xffff, v35;
	v34 =	vld.idx.msk [tilespmem:v63+s19+$0x0], $0xffff  }
0x5d9: {  	v52 =	vor.u32 v14, v30;
	v53 =	vor.u32 v13, v23;
	v18 =	vld.idx.msk [tilespmem:v18+s19+$0x0], $0xffff  }
0x5da: {  	[tilespmem:v48+s21+$0x0] =	vst.idx.msk $0xffff, v33  }
0x5db: {  	v54 =	vor.u32 v14, v27;
	v21 =	vor.u32 v15, v21;
	v57 =	vor.u32 v3, v42;
	v56 =	vld.idx.msk [tilespmem:v17+s19+$0x0], $0xffff  }
0x5dc: {  	v23 =	vor.u32 v15, v23;
	[tilespmem:v49+s21+$0x0] =	vst.idx.msk $0xffff, v24;
	v24 =	vor.u32 v4, v40  }
0x5dd: {  	v55 =	vor.u32 $0x10, v22;
	v59 =	vor.u32 v3, v31;
	[tilespmem:v50+s21+$0x0] =	vst.idx.msk $0xffff, v34;
	v32 =	vld.idx.msk [tilespmem:v51+s19+$0x0], $0xffff  }
0x5de: {  	v35 =	vand.u32 $0x1F, v55;
	[tilespmem:v53+s21+$0x0] =	vst.idx.msk $0xffff, v18;
	v18 =	vor.u32 v4, v43;
	v34 =	vld.idx.msk [tilespmem:v52+s19+$0x0], $0xffff  }
0x5df: {  	v38 =	vshll.u32 v55, $0x7;
	v60 =	vor.u32 $0x10, v16;
	v58 =	vor.u32 v1, v35  }
0x5e0: {  	v39 =	vand.u32 $0x1F, v60;
	v17 =	vand.u32 $0x380, v19;
	v19 =	vand.u32 $0xC00, v38;
	v61 =	vld.idx.msk [tilespmem:v54+s19+$0x0], $0xffff;
	[tilespmem:v57+s21+$0x0] =	vst.idx.msk $0xffff, v56  }
0x5e1: {  	v62 =	vor.u32 v1, v39;
	v33 =	vor.u32 v17, v19;
	v19 =	vld.idx.msk [tilespmem:v24+s19+$0x0], $0xffff;
	v24 =	vor.u32 v5, v42  }
0x5e2: {  	v36 =	vshll.u32 v60, $0x7;
	v48 =	vor.u32 v6, v40;
	[tilespmem:v59+s21+$0x0] =	vst.idx.msk $0xffff, v32  }
0x5e3: {  	v49 =	vor.u32 v5, v31;
	v51 =	vor.u32 v6, v43;
	[tilespmem:v21+s21+$0x0] =	vst.idx.msk $0xffff, v34;
	v21 =	vld.idx.msk [tilespmem:v18+s19+$0x0], $0xffff  }
0x5e4: {  	v63 =	vor.u32 v0, v33;
	v18 =	vand.u32 $0x380, v20;
	v20 =	vand.u32 $0xC00, v36;
	v50 =	vld.idx.msk [tilespmem:v58+s19+$0x0], $0xffff  }
0x5e5: {  	[tilespmem:v23+s21+$0x0] =	vst.idx.msk $0xffff, v61;
	v38 =	vor.u32 v18, v20;
	v20 =	vor.u32 v2, v35  }
0x5e6: {  	v44 =	vld.idx.msk [tilespmem:v62+s19+$0x0], $0xffff;
	v52 =	vor.u32 v0, v38;
	[tilespmem:v24+s21+$0x0] =	vst.idx.msk $0xffff, v19  }
0x5e7: {  	v53 =	vor.u32 v7, v42;
	v60 =	vor.u32 v3, v33;
	v24 =	vor.u32 v2, v39;
	v41 =	vld.idx.msk [tilespmem:v48+s19+$0x0], $0xffff  }
0x5e8: {  	v57 =	vor.u32 v4, v39;
	[tilespmem:v49+s21+$0x0] =	vst.idx.msk $0xffff, v21;
	v21 =	vor.u32 v8, v40  }
0x5e9: {  	s10 =	simm.s32 $0x4;
	v59 =	vor.u32 v7, v31;
	v61 =	vor.u32 v8, v43;
	[tilespmem:v63+s21+$0x0] =	vst.idx.msk $0xffff, v50;
	v55 =	vld.idx.msk [tilespmem:v51+s19+$0x0], $0xffff  }
0x5ea: {  	v62 =	vor.u32 v4, v35;
	v58 =	vor.u32 v9, v42;
	v19 =	vadd.s32 s10, v0;
	v20 =	vld.idx.msk [tilespmem:v20+s19+$0x0], $0xffff  }
0x5eb: {  	v56 =	vor.u32 v3, v38;
	v23 =	vand.u32 $0xF, v19;
	v32 =	vshll.u32 v19, $0x7;
	[tilespmem:v52+s21+$0x0] =	vst.idx.msk $0xffff, v44  }
0x5ec: {  	s29 =	simm.s32 $0x5;
	v49 =	vor.u32 v6, v35;
	v54 =	vor.u32 v1, v23;
	v63 =	vld.idx.msk [tilespmem:v24+s19+$0x0], $0xffff;
	[tilespmem:v53+s21+$0x0] =	vst.idx.msk $0xffff, v41  }
0x5ed: {  	v36 =	vand.u32 $0x780, v32;
	v50 =	vor.u32 v2, v23;
	v46 =	vld.idx.msk [tilespmem:v21+s19+$0x0], $0xffff;
	v21 =	vadd.s32 s29, v0  }
0x5ee: {  	v52 =	vor.u32 v8, v23;
	[tilespmem:v59+s21+$0x0] =	vst.idx.msk $0xffff, v55;
	v59 =	vor.u32 v10, v40;
	v24 =	vand.u32 $0xF, v21  }
0x5ef: {  	[tilespmem:v60+s21+$0x0] =	vst.idx.msk $0xffff, v20;
	v60 =	vor.u32 v9, v31;
	v20 =	vld.idx.msk [tilespmem:v61+s19+$0x0], $0xffff;
	v44 =	vor.u32 v1, v24  }
0x5f0: {  	v53 =	vor.u32 v5, v38;
	v45 =	vld.idx.msk [tilespmem:v62+s19+$0x0], $0xffff;
	v61 =	vor.u32 v5, v33;
	v62 =	vor.u32 v10, v43  }
0x5f1: {  	v51 =	vld.idx.msk [tilespmem:v54+s19+$0x0], $0xffff;
	v34 =	vshll.u32 v21, $0x7;
	[tilespmem:v56+s21+$0x0] =	vst.idx.msk $0xffff, v63;
	v63 =	vor.u32 v0, v36  }
0x5f2: {  	v54 =	vor.u32 v3, v36;
	v37 =	vand.u32 $0x780, v34;
	v41 =	vld.idx.msk [tilespmem:v57+s19+$0x0], $0xffff;
	[tilespmem:v58+s21+$0x0] =	vst.idx.msk $0xffff, v46  }
0x5f3: {  	v56 =	vor.u32 v11, v42;
	v47 =	vor.u32 v0, v37;
	v46 =	vor.u32 v6, v39;
	v55 =	vld.idx.msk [tilespmem:v59+s19+$0x0], $0xffff  }
0x5f4: {  	v57 =	vor.u32 v4, v24;
	[tilespmem:v60+s21+$0x0] =	vst.idx.msk $0xffff, v20;
	v60 =	vor.u32 v12, v40;
	v44 =	vld.idx.msk [tilespmem:v44+s19+$0x0], $0xffff  }
0x5f5: {  	[tilespmem:v61+s21+$0x0] =	vst.idx.msk $0xffff, v45;
	v61 =	vor.u32 v2, v24;
	v45 =	vld.idx.msk [tilespmem:v62+s19+$0x0], $0xffff;
	v62 =	vor.u32 v11, v31  }
0x5f6: {  	v58 =	vor.u32 v7, v33;
	v40 =	vor.u32 v14, v40;
	v49 =	vld.idx.msk [tilespmem:v49+s19+$0x0], $0xffff;
	[tilespmem:v63+s21+$0x0] =	vst.idx.msk $0xffff, v51  }
0x5f7: {  	v59 =	vor.u32 v9, v33;
	v63 =	vor.u32 v8, v35;
	[tilespmem:v53+s21+$0x0] =	vst.idx.msk $0xffff, v41;
	v50 =	vld.idx.msk [tilespmem:v50+s19+$0x0], $0xffff  }
0x5f8: {  	v41 =	vor.u32 v12, v43;
	v53 =	vor.u32 v7, v38;
	v46 =	vld.idx.msk [tilespmem:v46+s19+$0x0], $0xffff;
	[tilespmem:v56+s21+$0x0] =	vst.idx.msk $0xffff, v55  }
0x5f9: {  	v43 =	vor.u32 v14, v43;
	[tilespmem:v47+s21+$0x0] =	vst.idx.msk $0xffff, v44;
	v44 =	vor.u32 v8, v39;
	v47 =	vld.idx.msk [tilespmem:v60+s19+$0x0], $0xffff  }
0x5fa: {  	v60 =	vor.u32 v4, v23;
	[tilespmem:v62+s21+$0x0] =	vst.idx.msk $0xffff, v45;
	v48 =	vld.idx.msk [tilespmem:v61+s19+$0x0], $0xffff;
	v61 =	vor.u32 v13, v42  }
0x5fb: {  	v26 =	vor.u32 $0x30, v26;
	v62 =	vor.u32 v3, v37;
	[tilespmem:v58+s21+$0x0] =	vst.idx.msk $0xffff, v49;
	v58 =	vor.u32 v11, v33  }
0x5fc: {  	v51 =	vld.idx.msk [tilespmem:v63+s19+$0x0], $0xffff;
	v63 =	vor.u32 v13, v31;
	v42 =	vor.u32 v15, v42;
	[tilespmem:v54+s21+$0x0] =	vst.idx.msk $0xffff, v50  }
0x5fd: {  	v25 =	vor.u32 $0x30, v25;
	v49 =	vld.idx.msk [tilespmem:v41+s19+$0x0], $0xffff;
	v41 =	vand.u32 $0x3F, v26;
	v50 =	vor.u32 v10, v35;
	[tilespmem:v53+s21+$0x0] =	vst.idx.msk $0xffff, v46  }
0x5fe: {  	v26 =	vshll.u32 v26, $0x7;
	v46 =	vor.u32 v6, v23;
	v56 =	vor.u32 v1, v41;
	v44 =	vld.idx.msk [tilespmem:v44+s19+$0x0], $0xffff  }
0x5ff: {  	v55 =	vor.u32 v10, v41;
	v53 =	vld.idx.msk [tilespmem:v60+s19+$0x0], $0xffff;
	v60 =	vor.u32 v9, v38;
	[tilespmem:v61+s21+$0x0] =	vst.idx.msk $0xffff, v47  }
0x600: {  	v26 =	vand.u32 $0x1C00, v26;
	v61 =	vor.u32 v5, v36;
	[tilespmem:v62+s21+$0x0] =	vst.idx.msk $0xffff, v48;
	v62 =	vor.u32 v10, v39  }
0x601: {  	v30 =	vor.u32 $0x20, v30;
	v29 =	vor.u32 v29, v26;
	v26 =	vand.u32 $0x7, v22;
	[tilespmem:v59+s21+$0x0] =	vst.idx.msk $0xffff, v51;
	v40 =	vld.idx.msk [tilespmem:v40+s19+$0x0], $0xffff  }
0x602: {  	v47 =	vor.u32 v2, v41;
	v48 =	vld.idx.msk [tilespmem:v57+s19+$0x0], $0xffff;
	[tilespmem:v63+s21+$0x0] =	vst.idx.msk $0xffff, v49;
	v63 =	vor.u32 v5, v37  }
0x603: {  	v51 =	vor.u32 v6, v24;
	v59 =	vand.u32 $0x28, v30;
	v50 =	vld.idx.msk [tilespmem:v50+s19+$0x0], $0xffff;
	v57 =	vor.u32 v15, v31  }
0x604: {  	s31 =	simm.s32 $0x6;
	v31 =	vand.u32 $0x3F, v25;
	v25 =	vshll.u32 v25, $0x7;
	v26 =	vor.u32 v26, v59;
	v43 =	vld.idx.msk [tilespmem:v43+s19+$0x0], $0xffff;
	[tilespmem:v60+s21+$0x0] =	vst.idx.msk $0xffff, v44  }
0x605: {  	v20 =	vadd.s32 s31, v0;
	v25 =	vand.u32 $0x1C00, v25;
	v60 =	vor.u32 v1, v31;
	[tilespmem:v61+s21+$0x0] =	vst.idx.msk $0xffff, v53;
	v45 =	vld.idx.msk [tilespmem:v62+s19+$0x0], $0xffff  }
0x606: {  	v61 =	vor.u32 v12, v35;
	v62 =	vor.u32 v11, v38;
	v46 =	vld.idx.msk [tilespmem:v46+s19+$0x0], $0xffff;
	[tilespmem:v42+s21+$0x0] =	vst.idx.msk $0xffff, v40  }
0x607: {  	v53 =	vor.u32 v7, v36;
	[tilespmem:v63+s21+$0x0] =	vst.idx.msk $0xffff, v48;
	v63 =	vor.u32 v12, v39;
	v42 =	vld.idx.msk [tilespmem:v56+s19+$0x0], $0xffff  }
0x608: {  	v59 =	vor.u32 v11, v36;
	v25 =	vor.u32 v28, v25;
	v49 =	vld.idx.msk [tilespmem:v51+s19+$0x0], $0xffff;
	v51 =	vor.u32 v0, v29  }
0x609: {  	v30 =	vshll.u32 v30, $0x7;
	v28 =	vor.u32 v8, v24;
	[tilespmem:v57+s21+$0x0] =	vst.idx.msk $0xffff, v43;
	v43 =	vor.u32 v7, v37  }
0x60a: {  	v35 =	vor.u32 v14, v35;
	[tilespmem:v58+s21+$0x0] =	vst.idx.msk $0xffff, v50;
	v44 =	vld.idx.msk [tilespmem:v60+s19+$0x0], $0xffff;
	v60 =	vor.u32 v0, v25  }
0x60b: {  	v54 =	vld.idx.msk [tilespmem:v61+s19+$0x0], $0xffff;
	v61 =	vor.u32 v13, v33;
	[tilespmem:v62+s21+$0x0] =	vst.idx.msk $0xffff, v45;
	v62 =	vor.u32 v2, v31  }
0x60c: {  	v39 =	vor.u32 v14, v39;
	[tilespmem:v53+s21+$0x0] =	vst.idx.msk $0xffff, v46;
	v40 =	vld.idx.msk [tilespmem:v63+s19+$0x0], $0xffff;
	v63 =	vor.u32 v13, v38  }
0x60d: {  	v56 =	vor.u32 v15, v33;
	v52 =	vld.idx.msk [tilespmem:v52+s19+$0x0], $0xffff;
	[tilespmem:v51+s21+$0x0] =	vst.idx.msk $0xffff, v42;
	v51 =	vor.u32 v9, v36  }
0x60e: {  	v46 =	vor.u32 v10, v23;
	[tilespmem:v43+s21+$0x0] =	vst.idx.msk $0xffff, v49;
	v43 =	vld.idx.msk [tilespmem:v47+s19+$0x0], $0xffff;
	v47 =	vor.u32 v3, v29  }
0x60f: {  	v49 =	vor.u32 v4, v41;
	v28 =	vld.idx.msk [tilespmem:v28+s19+$0x0], $0xffff;
	[tilespmem:v60+s21+$0x0] =	vst.idx.msk $0xffff, v44;
	v44 =	vor.u32 v9, v37  }
0x610: {  	v57 =	vor.u32 v1, v26;
	v60 =	vor.u32 v10, v24;
	[tilespmem:v61+s21+$0x0] =	vst.idx.msk $0xffff, v54;
	v45 =	vld.idx.msk [tilespmem:v62+s19+$0x0], $0xffff  }
0x611: {  	v30 =	vand.u32 $0x1400, v30;
	v61 =	vor.u32 v3, v25;
	v62 =	vor.u32 $0x20, v27;
	v35 =	vld.idx.msk [tilespmem:v35+s19+$0x0], $0xffff;
	[tilespmem:v63+s21+$0x0] =	vst.idx.msk $0xffff, v40  }
0x612: {  	v27 =	vand.u32 $0x7, v16;
	v63 =	vor.u32 v4, v31;
	v58 =	vand.u32 $0x28, v62;
	[tilespmem:v51+s21+$0x0] =	vst.idx.msk $0xffff, v52;
	v39 =	vld.idx.msk [tilespmem:v39+s19+$0x0], $0xffff  }
0x613: {  	v38 =	vor.u32 v15, v38;
	v27 =	vor.u32 v27, v58;
	v46 =	vld.idx.msk [tilespmem:v46+s19+$0x0], $0xffff;
	[tilespmem:v47+s21+$0x0] =	vst.idx.msk $0xffff, v43  }
0x614: {  	v30 =	vor.u32 v17, v30;
	[tilespmem:v44+s21+$0x0] =	vst.idx.msk $0xffff, v28;
	v28 =	vor.u32 v1, v27;
	v44 =	vld.idx.msk [tilespmem:v49+s19+$0x0], $0xffff  }
0x615: {  	v50 =	vor.u32 v12, v23;
	v53 =	vor.u32 v15, v37;
	v47 =	vld.idx.msk [tilespmem:v60+s19+$0x0], $0xffff;
	v60 =	vor.u32 v5, v29  }
0x616: {  	v42 =	vor.u32 v6, v41;
	v40 =	vshll.u32 v62, $0x7;
	[tilespmem:v61+s21+$0x0] =	vst.idx.msk $0xffff, v45;
	v61 =	vor.u32 v11, v37  }
0x617: {  	v62 =	vor.u32 v5, v25;
	v52 =	vor.u32 v12, v24;
	[tilespmem:v56+s21+$0x0] =	vst.idx.msk $0xffff, v35;
	v35 =	vld.idx.msk [tilespmem:v63+s19+$0x0], $0xffff  }
0x618: {  	v33 =	vand.u32 $0xF, v20;
	v58 =	vor.u32 v6, v31;
	v51 =	vld.idx.msk [tilespmem:v57+s19+$0x0], $0xffff;
	[tilespmem:v38+s21+$0x0] =	vst.idx.msk $0xffff, v39;
	v57 =	vand.u32 $0x1400, v40  }
0x619: {  	v63 =	vor.u32 v0, v30;
	[tilespmem:v59+s21+$0x0] =	vst.idx.msk $0xffff, v46;
	v43 =	vld.idx.msk [tilespmem:v28+s19+$0x0], $0xffff;
	v28 =	vor.u32 v18, v57  }
0x61a: {  	v59 =	vor.u32 v2, v26;
	v38 =	vld.idx.msk [tilespmem:v50+s19+$0x0], $0xffff;
	v50 =	vor.u32 v0, v28;
	[tilespmem:v60+s21+$0x0] =	vst.idx.msk $0xffff, v44  }
0x61b: {  	v60 =	vor.u32 v13, v36;
	[tilespmem:v61+s21+$0x0] =	vst.idx.msk $0xffff, v47;
	v47 =	vor.u32 v1, v33;
	v42 =	vld.idx.msk [tilespmem:v42+s19+$0x0], $0xffff  }
0x61c: {  	v54 =	vor.u32 v14, v24;
	v61 =	vor.u32 v2, v27;
	v49 =	vld.idx.msk [tilespmem:v52+s19+$0x0], $0xffff;
	v52 =	vor.u32 v7, v29  }
0x61d: {  	v48 =	vor.u32 $0x10, v19;
	v46 =	vor.u32 v14, v23;
	[tilespmem:v62+s21+$0x0] =	vst.idx.msk $0xffff, v35;
	v62 =	vor.u32 v13, v37  }
0x61e: {  	v56 =	vor.u32 v7, v25;
	[tilespmem:v63+s21+$0x0] =	vst.idx.msk $0xffff, v51;
	v63 =	vor.u32 v8, v41;
	v39 =	vld.idx.msk [tilespmem:v58+s19+$0x0], $0xffff  }
0x61f: {  	v32 =	vand.u32 $0x380, v32;
	v57 =	vor.u32 v3, v30;
	v35 =	vand.u32 $0x1F, v48;
	v40 =	vld.idx.msk [tilespmem:v59+s19+$0x0], $0xffff;
	[tilespmem:v50+s21+$0x0] =	vst.idx.msk $0xffff, v43  }
0x620: {  	v44 =	vor.u32 v2, v35;
	v43 =	vor.u32 v8, v31;
	[tilespmem:v60+s21+$0x0] =	vst.idx.msk $0xffff, v38;
	v59 =	vld.idx.msk [tilespmem:v47+s19+$0x0], $0xffff  }
0x621: {  	v60 =	vor.u32 v4, v26;
	v45 =	vld.idx.msk [tilespmem:v61+s19+$0x0], $0xffff;
	v61 =	vor.u32 v3, v28;
	[tilespmem:v52+s21+$0x0] =	vst.idx.msk $0xffff, v42  }
0x622: {  	v42 =	vld.idx.msk [tilespmem:v46+s19+$0x0], $0xffff;
	v46 =	vor.u32 v15, v36;
	[tilespmem:v62+s21+$0x0] =	vst.idx.msk $0xffff, v49;
	v49 =	vor.u32 v4, v27  }
0x623: {  	v50 =	vor.u32 v1, v35;
	v52 =	vor.u32 v9, v29;
	v51 =	vld.idx.msk [tilespmem:v63+s19+$0x0], $0xffff;
	v63 =	vor.u32 $0x10, v21  }
0x624: {  	v62 =	vshll.u32 v48, $0x7;
	v48 =	vor.u32 v5, v28;
	[tilespmem:v56+s21+$0x0] =	vst.idx.msk $0xffff, v39;
	v39 =	vld.idx.msk [tilespmem:v54+s19+$0x0], $0xffff;
	v37 =	vand.u32 $0x1F, v63  }
0x625: {  	v56 =	vor.u32 v9, v25;
	[tilespmem:v57+s21+$0x0] =	vst.idx.msk $0xffff, v40;
	v54 =	vor.u32 v1, v37;
	v43 =	vld.idx.msk [tilespmem:v43+s19+$0x0], $0xffff  }
0x626: {  	v36 =	vand.u32 $0xC00, v62;
	v62 =	vor.u32 v6, v26;
	v63 =	vshll.u32 v63, $0x7;
	v57 =	vld.idx.msk [tilespmem:v60+s19+$0x0], $0xffff;
	[tilespmem:v61+s21+$0x0] =	vst.idx.msk $0xffff, v45  }
0x627: {  	v60 =	vor.u32 v5, v30;
	v61 =	vor.u32 v10, v31;
	[tilespmem:v46+s21+$0x0] =	vst.idx.msk $0xffff, v42;
	v49 =	vld.idx.msk [tilespmem:v49+s19+$0x0], $0xffff  }
0x628: {  	v34 =	vand.u32 $0x380, v34;
	v36 =	vor.u32 v32, v36;
	v38 =	vand.u32 $0xC00, v63;
	v50 =	vld.idx.msk [tilespmem:v50+s19+$0x0], $0xffff;
	[tilespmem:v52+s21+$0x0] =	vst.idx.msk $0xffff, v51  }
0x629: {  	v42 =	vor.u32 v0, v36;
	[tilespmem:v53+s21+$0x0] =	vst.idx.msk $0xffff, v39;
	v51 =	vor.u32 v6, v27;
	v53 =	vld.idx.msk [tilespmem:v55+s19+$0x0], $0xffff  }
0x62a: {  	v58 =	vor.u32 v11, v25;
	v38 =	vor.u32 v34, v38;
	v55 =	vld.idx.msk [tilespmem:v54+s19+$0x0], $0xffff;
	v54 =	vor.u32 v11, v29  }
0x62b: {  	v40 =	vshll.u32 v20, $0x7;
	[tilespmem:v56+s21+$0x0] =	vst.idx.msk $0xffff, v43;
	v43 =	vor.u32 v0, v38;
	v56 =	vor.u32 v12, v41  }
0x62c: {  	v39 =	vand.u32 $0x780, v40;
	[tilespmem:v60+s21+$0x0] =	vst.idx.msk $0xffff, v57;
	v57 =	vor.u32 v2, v37;
	v45 =	vld.idx.msk [tilespmem:v61+s19+$0x0], $0xffff  }
0x62d: {  	v60 =	vor.u32 v7, v30;
	v46 =	vld.idx.msk [tilespmem:v62+s19+$0x0], $0xffff;
	[tilespmem:v48+s21+$0x0] =	vst.idx.msk $0xffff, v49;
	v49 =	vor.u32 v12, v31  }
0x62e: {  	v61 =	vor.u32 v0, v39;
	v62 =	vor.u32 v8, v26;
	[tilespmem:v42+s21+$0x0] =	vst.idx.msk $0xffff, v50;
	v50 =	vld.idx.msk [tilespmem:v51+s19+$0x0], $0xffff  }
0x62f: {  	v42 =	vor.u32 v8, v27;
	v52 =	vld.idx.msk [tilespmem:v44+s19+$0x0], $0xffff;
	[tilespmem:v54+s21+$0x0] =	vst.idx.msk $0xffff, v53  }
0x630: {  	v48 =	vor.u32 v13, v29;
	v51 =	vor.u32 v7, v28;
	[tilespmem:v43+s21+$0x0] =	vst.idx.msk $0xffff, v55;
	v47 =	vld.idx.msk [tilespmem:v56+s19+$0x0], $0xffff  }
0x631: {  	v54 =	vor.u32 v3, v36;
	v55 =	vor.u32 v4, v35;
	v53 =	vld.idx.msk [tilespmem:v57+s19+$0x0], $0xffff;
	[tilespmem:v58+s21+$0x0] =	vst.idx.msk $0xffff, v45  }
0x632: {  	v56 =	vor.u32 v3, v38;
	v43 =	vor.u32 v14, v41;
	[tilespmem:v60+s21+$0x0] =	vst.idx.msk $0xffff, v46;
	v44 =	vld.idx.msk [tilespmem:v49+s19+$0x0], $0xffff  }
0x633: {  	s0 =	simm.s32 $0x7;
	s1 =	simm.s32 $0x8;
	[tilespmem:v61+s21+$0x0] =	vst.idx.msk $0xffff, v59;
	v59 =	vor.u32 v4, v37;
	v46 =	vor.u32 v13, v25;
	v45 =	vld.idx.msk [tilespmem:v62+s19+$0x0], $0xffff  }
.LBB2_9:
0x634: {  	v49 =	vadd.s32 s0, v0;
	v57 =	vor.u32 v9, v30;
	v31 =	vor.u32 v14, v31  }
0x635: {  	p0 =	slt.u32 s1, $0xE;
	[tilespmem:v51+s21+$0x0] =	vst.idx.msk $0xffff, v50;
	v50 =	vmovc v23;
	v23 =	vmovc v33;
	v33 =	vmov v17;
	v17 =	vmov v32;
	v32 =	vmov v18  }
0x636: {  	v51 =	vor.u32 v10, v26;
	v18 =	vmov v34;
	v41 =	vand.u32 $0xF, v49;
	[tilespmem:v54+s21+$0x0] =	vst.idx.msk $0xffff, v52;
	v42 =	vld.idx.msk [tilespmem:v42+s19+$0x0], $0xffff  }
0x637: {  	v52 =	vor.u32 v1, v41;
	v54 =	vld.idx.msk [tilespmem:v55+s19+$0x0], $0xffff;
	v55 =	vor.u32 v9, v28;
	[tilespmem:v48+s21+$0x0] =	vst.idx.msk $0xffff, v47  }
0x638: {  	v47 =	vor.u32 v5, v36;
	v48 =	vor.u32 v10, v27;
	[tilespmem:v56+s21+$0x0] =	vst.idx.msk $0xffff, v53;
	v43 =	vld.idx.msk [tilespmem:v43+s19+$0x0], $0xffff  }
0x639: {  	v29 =	vor.u32 v15, v29;
	v53 =	vor.u32 v6, v35;
	v56 =	vld.idx.msk [tilespmem:v59+s19+$0x0], $0xffff;
	[tilespmem:v46+s21+$0x0] =	vst.idx.msk $0xffff, v44  }
0x63a: {  	v58 =	vor.u32 v5, v38;
	v46 =	vor.u32 v2, v23;
	[tilespmem:v57+s21+$0x0] =	vst.idx.msk $0xffff, v45;
	v31 =	vld.idx.msk [tilespmem:v31+s19+$0x0], $0xffff  }
0x63b: {  	v25 =	vor.u32 v15, v25;
	v34 =	vshll.u32 v49, $0x7;
	v45 =	vor.u32 v6, v37;
	v51 =	vld.idx.msk [tilespmem:v51+s19+$0x0], $0xffff  }
0x63c: {  	v44 =	vand.u32 $0x780, v34;
	v57 =	vor.u32 v11, v30;
	v52 =	vld.idx.msk [tilespmem:v52+s19+$0x0], $0xffff;
	[tilespmem:v55+s21+$0x0] =	vst.idx.msk $0xffff, v42  }
0x63d: {  	v55 =	vor.u32 v0, v44;
	[tilespmem:v47+s21+$0x0] =	vst.idx.msk $0xffff, v54;
	v47 =	vor.u32 v12, v26;
	v48 =	vld.idx.msk [tilespmem:v48+s19+$0x0], $0xffff  }
0x63e: {  	v59 =	vor.u32 v11, v28;
	v54 =	vor.u32 v2, v41;
	v53 =	vld.idx.msk [tilespmem:v53+s19+$0x0], $0xffff;
	[tilespmem:v29+s21+$0x0] =	vst.idx.msk $0xffff, v43  }
0x63f: {  	v29 =	vor.u32 v7, v36;
	v43 =	vor.u32 v12, v27;
	[tilespmem:v58+s21+$0x0] =	vst.idx.msk $0xffff, v56  }
0x640: {  	v42 =	vadd.s32 s1, v0;
	v56 =	vor.u32 v8, v35;
	v58 =	vld.idx.msk [tilespmem:v45+s19+$0x0], $0xffff;
	[tilespmem:v25+s21+$0x0] =	vst.idx.msk $0xffff, v31  }
0x641: {  	v22 =	vor.u32 $0x30, v22;
	v45 =	vand.u32 $0x7, v19;
	v31 =	vor.u32 v7, v38;
	v25 =	vld.idx.msk [tilespmem:v46+s19+$0x0], $0xffff;
	[tilespmem:v57+s21+$0x0] =	vst.idx.msk $0xffff, v51  }
0x642: {  	v46 =	vor.u32 v3, v39;
	v51 =	vor.u32 v8, v37;
	[tilespmem:v55+s21+$0x0] =	vst.idx.msk $0xffff, v52;
	v47 =	vld.idx.msk [tilespmem:v47+s19+$0x0], $0xffff  }
0x643: {  	v52 =	vor.u32 v4, v23;
	v55 =	vor.u32 v13, v30;
	v54 =	vld.idx.msk [tilespmem:v54+s19+$0x0], $0xffff;
	[tilespmem:v59+s21+$0x0] =	vst.idx.msk $0xffff, v48  }
0x644: {  	v26 =	vor.u32 v14, v26;
	v48 =	vor.u32 v3, v44;
	[tilespmem:v29+s21+$0x0] =	vst.idx.msk $0xffff, v53;
	v29 =	vld.idx.msk [tilespmem:v43+s19+$0x0], $0xffff  }
0x645: {  	v57 =	vor.u32 v4, v41;
	v59 =	vor.u32 v13, v28;
	v53 =	vor.u32 v8, v23;
	v56 =	vld.idx.msk [tilespmem:v56+s19+$0x0], $0xffff  }
0x646: {  	v60 =	vor.u32 v9, v36;
	v27 =	vor.u32 v14, v27;
	v43 =	vand.u32 $0x3F, v22;
	[tilespmem:v31+s21+$0x0] =	vst.idx.msk $0xffff, v58  }
0x647: {  	v31 =	vor.u32 v10, v35;
	[tilespmem:v46+s21+$0x0] =	vst.idx.msk $0xffff, v25;
	v25 =	vor.u32 v6, v23;
	v46 =	vld.idx.msk [tilespmem:v51+s19+$0x0], $0xffff  }
0x648: {  	v51 =	vld.idx.msk [tilespmem:v52+s19+$0x0], $0xffff;
	v52 =	vor.u32 v9, v38;
	[tilespmem:v55+s21+$0x0] =	vst.idx.msk $0xffff, v47;
	v47 =	vor.u32 v2, v43  }
0x649: {  	v55 =	vor.u32 v5, v39;
	[tilespmem:v48+s21+$0x0] =	vst.idx.msk $0xffff, v54;
	v48 =	vor.u32 v10, v37;
	v26 =	vld.idx.msk [tilespmem:v26+s19+$0x0], $0xffff  }
0x64a: {  	v30 =	vor.u32 v15, v30;
	v54 =	vld.idx.msk [tilespmem:v57+s19+$0x0], $0xffff;
	v57 =	vor.u32 v1, v43;
	[tilespmem:v59+s21+$0x0] =	vst.idx.msk $0xffff, v29  }
0x64b: {  	v22 =	vshll.u32 v22, $0x7;
	v58 =	vor.u32 v5, v44;
	[tilespmem:v60+s21+$0x0] =	vst.idx.msk $0xffff, v56;
	v27 =	vld.idx.msk [tilespmem:v27+s19+$0x0], $0xffff;
	v56 =	vor.u32 $0x30, v16  }
0x64c: {  	v28 =	vor.u32 v15, v28;
	v59 =	vor.u32 v6, v41;
	v16 =	vmovc v21;
	v60 =	vld.idx.msk [tilespmem:v31+s19+$0x0], $0xffff;
	v31 =	vand.u32 $0x3F, v56  }
0x64d: {  	v22 =	vand.u32 $0x1C00, v22;
	v21 =	vor.u32 v11, v36;
	[tilespmem:v52+s21+$0x0] =	vst.idx.msk $0xffff, v46;
	v46 =	vor.u32 v1, v31  }
0x64e: {  	v52 =	vor.u32 v12, v35;
	[tilespmem:v55+s21+$0x0] =	vst.idx.msk $0xffff, v51;
	v51 =	vor.u32 v7, v39;
	v48 =	vld.idx.msk [tilespmem:v48+s19+$0x0], $0xffff  }
0x64f: {  	v61 =	vor.u32 v11, v38;
	v29 =	vor.u32 v33, v22;
	v55 =	vld.idx.msk [tilespmem:v25+s19+$0x0], $0xffff;
	[tilespmem:v30+s21+$0x0] =	vst.idx.msk $0xffff, v26  }
0x650: {  	v22 =	vor.u32 $0x10, v20;
	v26 =	vor.u32 v12, v37;
	v25 =	vshll.u32 v56, $0x7;
	[tilespmem:v58+s21+$0x0] =	vst.idx.msk $0xffff, v54;
	v30 =	vld.idx.msk [tilespmem:v57+s19+$0x0], $0xffff  }
0x651: {  	v33 =	vand.u32 $0xF, v42;
	v56 =	vor.u32 v0, v29;
	v25 =	vand.u32 $0x1C00, v25;
	v54 =	vld.idx.msk [tilespmem:v59+s19+$0x0], $0xffff;
	[tilespmem:v28+s21+$0x0] =	vst.idx.msk $0xffff, v27  }
0x652: {  	v27 =	vor.u32 v7, v44;
	v25 =	vor.u32 v32, v25;
	[tilespmem:v21+s21+$0x0] =	vst.idx.msk $0xffff, v60;
	v21 =	vld.idx.msk [tilespmem:v46+s19+$0x0], $0xffff  }
0x653: {  	v28 =	vor.u32 v8, v41;
	v46 =	vor.u32 v12, v23;
	v32 =	vld.idx.msk [tilespmem:v52+s19+$0x0], $0xffff;
	v52 =	vor.u32 v0, v25  }
0x654: {  	v50 =	vor.u32 $0x20, v50;
	v57 =	vor.u32 v13, v36;
	[tilespmem:v61+s21+$0x0] =	vst.idx.msk $0xffff, v48;
	v48 =	vor.u32 v2, v31  }
0x655: {  	v35 =	vor.u32 v14, v35;
	[tilespmem:v51+s21+$0x0] =	vst.idx.msk $0xffff, v55;
	v51 =	vor.u32 v10, v23;
	v55 =	vld.idx.msk [tilespmem:v26+s19+$0x0], $0xffff  }
0x656: {  	v58 =	vor.u32 v13, v38;
	v53 =	vld.idx.msk [tilespmem:v53+s19+$0x0], $0xffff;
	[tilespmem:v56+s21+$0x0] =	vst.idx.msk $0xffff, v30;
	v56 =	vor.u32 v6, v43  }
0x657: {  	v30 =	vor.u32 v9, v39;
	[tilespmem:v27+s21+$0x0] =	vst.idx.msk $0xffff, v54;
	v27 =	vor.u32 v14, v37;
	v37 =	vld.idx.msk [tilespmem:v47+s19+$0x0], $0xffff  }
0x658: {  	v47 =	vor.u32 v3, v29;
	v54 =	vor.u32 v4, v43;
	v28 =	vld.idx.msk [tilespmem:v28+s19+$0x0], $0xffff;
	[tilespmem:v52+s21+$0x0] =	vst.idx.msk $0xffff, v21  }
0x659: {  	v26 =	vand.u32 $0x28, v50;
	v50 =	vshll.u32 v50, $0x7;
	v21 =	vor.u32 v9, v44;
	[tilespmem:v57+s21+$0x0] =	vst.idx.msk $0xffff, v32;
	v48 =	vld.idx.msk [tilespmem:v48+s19+$0x0], $0xffff  }
0x65a: {  	v26 =	vor.u32 v45, v26;
	v45 =	vor.u32 v3, v25;
	v52 =	vor.u32 v10, v41;
	v35 =	vld.idx.msk [tilespmem:v35+s19+$0x0], $0xffff  }
0x65b: {  	v24 =	vor.u32 $0x20, v24;
	v36 =	vor.u32 v15, v36;
	[tilespmem:v58+s21+$0x0] =	vst.idx.msk $0xffff, v55;
	v55 =	vor.u32 v4, v31  }
0x65c: {  	[tilespmem:v30+s21+$0x0] =	vst.idx.msk $0xffff, v53;
	v53 =	vor.u32 v1, v26;
	v30 =	vand.u32 $0x7, v16;
	v57 =	vld.idx.msk [tilespmem:v27+s19+$0x0], $0xffff;
	v27 =	vand.u32 $0x28, v24  }
0x65d: {  	v38 =	vor.u32 v15, v38;
	v51 =	vld.idx.msk [tilespmem:v51+s19+$0x0], $0xffff;
	v27 =	vor.u32 v30, v27;
	[tilespmem:v47+s21+$0x0] =	vst.idx.msk $0xffff, v37  }
0x65e: {  	v37 =	vor.u32 v11, v39;
	[tilespmem:v21+s21+$0x0] =	vst.idx.msk $0xffff, v28;
	v28 =	vor.u32 v1, v27;
	v47 =	vld.idx.msk [tilespmem:v54+s19+$0x0], $0xffff  }
0x65f: {  	v32 =	vand.u32 $0x380, v40;
	v54 =	vand.u32 $0x1400, v50;
	v50 =	vor.u32 v5, v29;
	v40 =	vld.idx.msk [tilespmem:v52+s19+$0x0], $0xffff;
	[tilespmem:v45+s21+$0x0] =	vst.idx.msk $0xffff, v48  }
0x660: {  	v45 =	vor.u32 v11, v44;
	v30 =	vor.u32 v17, v54;
	[tilespmem:v36+s21+$0x0] =	vst.idx.msk $0xffff, v35;
	v35 =	vld.idx.msk [tilespmem:v55+s19+$0x0], $0xffff  }
0x661: {  	v24 =	vshll.u32 v24, $0x7;
	v21 =	vmovc v49;
	v52 =	vor.u32 v5, v25;
	v36 =	vor.u32 v12, v41;
	v48 =	vld.idx.msk [tilespmem:v53+s19+$0x0], $0xffff  }
0x662: {  	v24 =	vand.u32 $0x1400, v24;
	v49 =	vor.u32 v0, v30;
	[tilespmem:v38+s21+$0x0] =	vst.idx.msk $0xffff, v57;
	v38 =	vor.u32 v6, v31  }
0x663: {  	[tilespmem:v37+s21+$0x0] =	vst.idx.msk $0xffff, v51;
	v37 =	vor.u32 v2, v26;
	v51 =	vld.idx.msk [tilespmem:v28+s19+$0x0], $0xffff;
	v28 =	vor.u32 v18, v24  }
0x664: {  	v24 =	vld.idx.msk [tilespmem:v46+s19+$0x0], $0xffff;
	v46 =	vor.u32 v14, v23;
	v53 =	vor.u32 v0, v28;
	[tilespmem:v50+s21+$0x0] =	vst.idx.msk $0xffff, v47  }
0x665: {  	v47 =	vor.u32 v13, v39;
	[tilespmem:v45+s21+$0x0] =	vst.idx.msk $0xffff, v40;
	v40 =	vor.u32 v2, v27;
	v45 =	vld.idx.msk [tilespmem:v56+s19+$0x0], $0xffff  }
0x666: {  	v54 =	vor.u32 v7, v29;
	v50 =	vor.u32 v1, v33;
	v36 =	vld.idx.msk [tilespmem:v36+s19+$0x0], $0xffff;
	[tilespmem:v52+s21+$0x0] =	vst.idx.msk $0xffff, v35  }
0x667: {  	v52 =	vor.u32 v13, v44;
	[tilespmem:v49+s21+$0x0] =	vst.idx.msk $0xffff, v48;
	v48 =	vor.u32 v8, v43;
	v38 =	vld.idx.msk [tilespmem:v38+s19+$0x0], $0xffff  }
0x668: {  	v56 =	vor.u32 v10, v43;
	v49 =	vor.u32 v14, v41;
	v55 =	vld.idx.msk [tilespmem:v37+s19+$0x0], $0xffff;
	v37 =	vor.u32 v7, v25  }
0x669: {  	v57 =	vor.u32 v3, v30;
	v35 =	vand.u32 $0x1F, v22;
	[tilespmem:v53+s21+$0x0] =	vst.idx.msk $0xffff, v51;
	v51 =	vor.u32 v8, v31  }
0x66a: {  	[tilespmem:v47+s21+$0x0] =	vst.idx.msk $0xffff, v24;
	v47 =	vor.u32 v2, v35;
	v24 =	vor.u32 v4, v26;
	v40 =	vld.idx.msk [tilespmem:v40+s19+$0x0], $0xffff  }
0x66b: {  	v58 =	vor.u32 v3, v28;
	v53 =	vor.u32 v1, v35;
	v46 =	vld.idx.msk [tilespmem:v46+s19+$0x0], $0xffff;
	[tilespmem:v54+s21+$0x0] =	vst.idx.msk $0xffff, v45  }
0x66c: {  	v39 =	vor.u32 v15, v39;
	v45 =	vor.u32 v4, v27;
	[tilespmem:v52+s21+$0x0] =	vst.idx.msk $0xffff, v36;
	v48 =	vld.idx.msk [tilespmem:v48+s19+$0x0], $0xffff  }
0x66d: {  	v22 =	vshll.u32 v22, $0x7;
	v54 =	vor.u32 v9, v29;
	v52 =	vor.u32 $0x10, v21;
	v49 =	vld.idx.msk [tilespmem:v49+s19+$0x0], $0xffff;
	[tilespmem:v37+s21+$0x0] =	vst.idx.msk $0xffff, v38  }
0x66e: {  	v22 =	vand.u32 $0xC00, v22;
	v38 =	vor.u32 v15, v44;
	v37 =	vand.u32 $0x1F, v52;
	[tilespmem:v57+s21+$0x0] =	vst.idx.msk $0xffff, v55;
	v44 =	vld.idx.msk [tilespmem:v51+s19+$0x0], $0xffff  }
0x66f: {  	v36 =	vor.u32 v32, v22;
	v22 =	vor.u32 v1, v37;
	v55 =	vor.u32 v9, v25;
	v51 =	vld.idx.msk [tilespmem:v24+s19+$0x0], $0xffff  }
0x670: {  	v57 =	vor.u32 v5, v30;
	v24 =	vmov v41;
	[tilespmem:v58+s21+$0x0] =	vst.idx.msk $0xffff, v40;
	v58 =	vor.u32 v10, v31  }
0x671: {  	v41 =	vor.u32 v0, v36;
	[tilespmem:v39+s21+$0x0] =	vst.idx.msk $0xffff, v46;
	v46 =	vor.u32 v6, v26;
	v45 =	vld.idx.msk [tilespmem:v45+s19+$0x0], $0xffff  }
0x672: {  	v40 =	vshll.u32 v42, $0x7;
	v39 =	vshll.u32 v52, $0x7;
	v52 =	vor.u32 v5, v28;
	v53 =	vld.idx.msk [tilespmem:v53+s19+$0x0], $0xffff;
	[tilespmem:v54+s21+$0x0] =	vst.idx.msk $0xffff, v48  }
0x673: {  	v34 =	vand.u32 $0x380, v34;
	v48 =	vor.u32 v6, v27;
	[tilespmem:v38+s21+$0x0] =	vst.idx.msk $0xffff, v49;
	v38 =	vand.u32 $0xC00, v39;
	v49 =	vld.idx.msk [tilespmem:v56+s19+$0x0], $0xffff  }
0x674: {  	v54 =	vor.u32 v11, v29;
	v56 =	vld.idx.msk [tilespmem:v22+s19+$0x0], $0xffff;
	v38 =	vor.u32 v34, v38;
	[tilespmem:v55+s21+$0x0] =	vst.idx.msk $0xffff, v44  }
0x675: {  	v55 =	vor.u32 v12, v43;
	v44 =	vor.u32 v0, v38;
	[tilespmem:v57+s21+$0x0] =	vst.idx.msk $0xffff, v51;
	v57 =	vld.idx.msk [tilespmem:v58+s19+$0x0], $0xffff  }
0x676: {  	v59 =	vor.u32 v11, v25;
	v39 =	vand.u32 $0x780, v40;
	v22 =	vmovc v19;
	v58 =	vor.u32 v2, v37;
	v46 =	vld.idx.msk [tilespmem:v46+s19+$0x0], $0xffff  }
0x677: {  	v61 =	vor.u32 v7, v30;
	v60 =	vld.idx.msk [tilespmem:v50+s19+$0x0], $0xffff;
	[tilespmem:v52+s21+$0x0] =	vst.idx.msk $0xffff, v45;
	v45 =	vor.u32 v12, v31  }
0x678: {  	v62 =	vor.u32 v0, v39;
	[tilespmem:v41+s21+$0x0] =	vst.idx.msk $0xffff, v53;
	v41 =	vor.u32 v8, v26;
	v50 =	vld.idx.msk [tilespmem:v48+s19+$0x0], $0xffff  }
.Ltmp3:
0x679: {  	v19 =	vmov v20;
	v20 =	vmov v42;
	v51 =	vor.u32 v7, v28;
	v52 =	vld.idx.msk [tilespmem:v47+s19+$0x0], $0xffff;
	[tilespmem:v54+s21+$0x0] =	vst.idx.msk $0xffff, v49;
	(pc) =	sbr.rel @p0 .LBB2_9-.Ltmp3, $4  }
0x67a: {  	v42 =	vor.u32 v8, v27;
	v54 =	vor.u32 v3, v36;
	[tilespmem:v44+s21+$0x0] =	vst.idx.msk $0xffff, v56;
	v47 =	vld.idx.msk [tilespmem:v55+s19+$0x0], $0xffff  }
0x67b: {  	v48 =	vor.u32 v13, v29;
	v55 =	vor.u32 v4, v35;
	v53 =	vld.idx.msk [tilespmem:v58+s19+$0x0], $0xffff;
	[tilespmem:v59+s21+$0x0] =	vst.idx.msk $0xffff, v57  }
0x67c: {  	v43 =	vor.u32 v14, v43;
	v56 =	vor.u32 v3, v38;
	[tilespmem:v61+s21+$0x0] =	vst.idx.msk $0xffff, v46;
	v44 =	vld.idx.msk [tilespmem:v45+s19+$0x0], $0xffff  }
0x67d: {  	s0 =	sadd.s32 $0x1, s1;
	s1 =	sadd.s32 $0x2, s1;
	v59 =	vor.u32 v4, v37;
	v46 =	vor.u32 v13, v25;
	[tilespmem:v62+s21+$0x0] =	vst.idx.msk $0xffff, v60;
	v45 =	vld.idx.msk [tilespmem:v41+s19+$0x0], $0xffff  }
0x67e: {  	v41 =	vadd.s32 s0, v0  }
0x67f: {  	v60 =	vand.u32 $0xF, v41  }
0x680: {  	v57 =	vor.u32 v1, v60;
	_ =	sdelay $0x2  }
0x681: {  	[tilespmem:$0x1FFA0] =	vst v41;
	v41 =	vshll.u32 v41, $0x7  }
0x682: {  	v61 =	vor.u32 v2, v33;
	[tilespmem:$0x1FF70] =	vst v41;
	v58 =	vand.u32 $0x780, v41  }
0x683: {  	v62 =	vor.u32 v0, v58;
	v57 =	vld.idx.msk [tilespmem:v57+s19+$0x0], $0xffff  }
0x684: {  	v63 =	vor.u32 v2, v60;
	_ =	sdelay $0x2  }
0x685: {  	v41 =	vor.u32 v3, v39;
	v61 =	vld.idx.msk [tilespmem:v61+s19+$0x0], $0xffff  }
0x686: {  	[tilespmem:v62+s21+$0x0] =	vst.idx.msk $0xffff, v57;
	v57 =	vor.u32 v4, v33  }
0x687: {  	v62 =	vld.idx.msk [tilespmem:v63+s19+$0x0], $0xffff;
	v63 =	vor.u32 v3, v58  }
0x688: {  	v49 =	vor.u32 v4, v60;
	_ =	sdelay $0x1  }
0x689: {  	[tilespmem:v41+s21+$0x0] =	vst.idx.msk $0xffff, v61  }
0x68a: {  	v41 =	vld.idx.msk [tilespmem:v57+s19+$0x0], $0xffff;
	v57 =	vor.u32 v5, v39  }
0x68b: {  	v61 =	vor.u32 v6, v33;
	[tilespmem:v63+s21+$0x0] =	vst.idx.msk $0xffff, v62  }
0x68c: {  	v62 =	vor.u32 v5, v58;
	v49 =	vld.idx.msk [tilespmem:v49+s19+$0x0], $0xffff;
	_ =	sdelay $0x2  }
0x68d: {  	v63 =	vor.u32 v6, v60;
	[tilespmem:v57+s21+$0x0] =	vst.idx.msk $0xffff, v41  }
0x68e: {  	v41 =	vor.u32 v7, v39;
	v57 =	vld.idx.msk [tilespmem:v61+s19+$0x0], $0xffff  }
0x68f: {  	[tilespmem:v62+s21+$0x0] =	vst.idx.msk $0xffff, v49;
	v49 =	vor.u32 v8, v33;
	_ =	sdelay $0x2  }
0x690: {  	v62 =	vor.u32 v7, v58;
	v61 =	vld.idx.msk [tilespmem:v63+s19+$0x0], $0xffff  }
0x691: {  	v63 =	vor.u32 v8, v60;
	[tilespmem:v41+s21+$0x0] =	vst.idx.msk $0xffff, v57  }
0x692: {  	v41 =	vld.idx.msk [tilespmem:v49+s19+$0x0], $0xffff;
	v49 =	vor.u32 v9, v39  }
0x693: {  	v57 =	vor.u32 v10, v33;
	_ =	sdelay $0x1  }
0x694: {  	[tilespmem:v62+s21+$0x0] =	vst.idx.msk $0xffff, v61  }
0x695: {  	v62 =	vor.u32 v9, v58;
	v61 =	vld.idx.msk [tilespmem:v63+s19+$0x0], $0xffff  }
0x696: {  	v63 =	vor.u32 v10, v60;
	[tilespmem:v49+s21+$0x0] =	vst.idx.msk $0xffff, v41  }
0x697: {  	v49 =	vor.u32 v11, v39;
	v41 =	vld.idx.msk [tilespmem:v57+s19+$0x0], $0xffff  }
0x698: {  	v57 =	vor.u32 v12, v33;
	_ =	sdelay $0x1  }
0x699: {  	[tilespmem:v62+s21+$0x0] =	vst.idx.msk $0xffff, v61  }
0x69a: {  	v61 =	vld.idx.msk [tilespmem:v63+s19+$0x0], $0xffff;
	[tilespmem:$0x1FF90] =	vst v60  }
0x69b: {  	[tilespmem:v49+s21+$0x0] =	vst.idx.msk $0xffff, v41  }
0x69c: {  	v41 =	vld.idx.msk [tilespmem:v57+s19+$0x0], $0xffff  }
0x69d: {  	v62 =	vor.u32 v11, v58  }
0x69e: {  	v63 =	vor.u32 v12, v60;
	_ =	sdelay $0x2  }
0x69f: {  	[tilespmem:$0x1FF50] =	vst v41  }
0x6a0: {  	[tilespmem:v62+s21+$0x0] =	vst.idx.msk $0xffff, v61  }
0x6a1: {  	v61 =	vld.idx.msk [tilespmem:v63+s19+$0x0], $0xffff  }
0x6a2: {  	v49 =	vor.u32 v13, v39;
	v63 =	vor.u32 v14, v60;
	v60 =	vld [tilespmem:$0x1FF50]  }
0x6a3: {  	v57 =	vor.u32 v14, v33;
	_ =	sdelay $0x3  }
0x6a4: {  	[tilespmem:v49+s21+$0x0] =	vst.idx.msk $0xffff, v60  }
0x6a5: {  	v57 =	vld.idx.msk [tilespmem:v57+s19+$0x0], $0xffff  }
0x6a6: {  	v62 =	vor.u32 v13, v58;
	_ =	sdelay $0x3  }
0x6a7: {  	[tilespmem:$0x1FF60] =	vst v57  }
0x6a8: {  	[tilespmem:v62+s21+$0x0] =	vst.idx.msk $0xffff, v61  }
0x6a9: {  	v57 =	vld [tilespmem:$0x1FFA0];
	_ =	sdelay $0x4  }
0x6aa: {  	v61 =	vor.u32 $0x10, v57  }
0x6ab: {  	v60 =	vor.u32 v15, v39;
	v39 =	vand.u32 $0x1F, v61  }
0x6ac: {  	v41 =	vor.u32 $0x10, v20;
	v63 =	vld.idx.msk [tilespmem:v63+s19+$0x0], $0xffff;
	v57 =	vor.u32 v15, v58;
	v58 =	vor.u32 v1, v39  }
0x6ad: {  	v49 =	vand.u32 $0x1F, v41;
	[tilespmem:$0x1FF80] =	vst v58;
	v58 =	vshll.u32 v41, $0x7;
	v41 =	vand.u32 $0x380, v40;
	v40 =	vld [tilespmem:$0x1FF60];
	_ =	sdelay $0x3  }
0x6ae: {  	[tilespmem:$0x1FFB0] =	vst v41  }
0x6af: {  	[tilespmem:v60+s21+$0x0] =	vst.idx.msk $0xffff, v40  }
0x6b0: {  	v40 =	vld [tilespmem:$0x1FF70];
	_ =	sdelay $0x4  }
0x6b1: {  	v40 =	vand.u32 $0x380, v40  }
0x6b2: {  	[tilespmem:$0x1FFC0] =	vst v40  }
0x6b3: {  	[tilespmem:v57+s21+$0x0] =	vst.idx.msk $0xffff, v63  }
0x6b4: {  	v63 =	vld [tilespmem:$0x1FF80]  }
0x6b5: {  	v62 =	vor.u32 v1, v49;
	_ =	sdelay $0x2  }
0x6b6: {  	v58 =	vand.u32 $0xC00, v58  }
0x6b7: {  	v61 =	vshll.u32 v61, $0x7;
	v58 =	vor.u32 v41, v58  }
0x6b8: {  	v41 =	vand.u32 $0xC00, v61;
	v61 =	vor.u32 v0, v58;
	v62 =	vld.idx.msk [tilespmem:v62+s19+$0x0], $0xffff  }
0x6b9: {  	v60 =	vor.u32 v2, v49;
	v57 =	vor.u32 v40, v41  }
0x6ba: {  	v40 =	vor.u32 v0, v57;
	v63 =	vld.idx.msk [tilespmem:v63+s19+$0x0], $0xffff  }
0x6bb: {  	v41 =	vor.u32 v2, v39;
	[tilespmem:v54+s21+$0x0] =	vst.idx.msk $0xffff, v52  }
0x6bc: {  	v54 =	vor.u32 v5, v36;
	[tilespmem:v56+s21+$0x0] =	vst.idx.msk $0xffff, v53;
	v52 =	vld.idx.msk [tilespmem:v55+s19+$0x0], $0xffff  }
0x6bd: {  	v53 =	vor.u32 v6, v35;
	v56 =	vor.u32 v5, v38;
	v55 =	vld.idx.msk [tilespmem:v59+s19+$0x0], $0xffff;
	[tilespmem:v61+s21+$0x0] =	vst.idx.msk $0xffff, v62  }
0x6be: {  	v59 =	vor.u32 v6, v37;
	v61 =	vor.u32 v3, v58;
	v60 =	vld.idx.msk [tilespmem:v60+s19+$0x0], $0xffff  }
0x6bf: {  	[tilespmem:v40+s21+$0x0] =	vst.idx.msk $0xffff, v63;
	v40 =	vor.u32 v4, v49  }
0x6c0: {  	v62 =	vor.u32 v3, v57;
	v41 =	vld.idx.msk [tilespmem:v41+s19+$0x0], $0xffff  }
0x6c1: {  	[tilespmem:v54+s21+$0x0] =	vst.idx.msk $0xffff, v52;
	v63 =	vor.u32 v4, v39  }
0x6c2: {  	[tilespmem:v56+s21+$0x0] =	vst.idx.msk $0xffff, v55;
	v52 =	vld.idx.msk [tilespmem:v53+s19+$0x0], $0xffff;
	v53 =	vor.u32 v7, v36  }
0x6c3: {  	v54 =	vor.u32 v8, v35;
	v56 =	vor.u32 v7, v38;
	v55 =	vld.idx.msk [tilespmem:v59+s19+$0x0], $0xffff;
	[tilespmem:v61+s21+$0x0] =	vst.idx.msk $0xffff, v60  }
0x6c4: {  	v59 =	vor.u32 v8, v37;
	v60 =	vor.u32 v5, v58;
	v40 =	vld.idx.msk [tilespmem:v40+s19+$0x0], $0xffff  }
0x6c5: {  	[tilespmem:v62+s21+$0x0] =	vst.idx.msk $0xffff, v41;
	v41 =	vor.u32 v6, v49  }
0x6c6: {  	v62 =	vor.u32 v5, v57;
	v61 =	vld.idx.msk [tilespmem:v63+s19+$0x0], $0xffff  }
0x6c7: {  	[tilespmem:v53+s21+$0x0] =	vst.idx.msk $0xffff, v52;
	v63 =	vor.u32 v6, v39  }
0x6c8: {  	v53 =	vor.u32 v9, v36;
	[tilespmem:v56+s21+$0x0] =	vst.idx.msk $0xffff, v55;
	v52 =	vld.idx.msk [tilespmem:v54+s19+$0x0], $0xffff  }
0x6c9: {  	v56 =	vor.u32 v9, v38;
	v54 =	vor.u32 v10, v35;
	v55 =	vld.idx.msk [tilespmem:v59+s19+$0x0], $0xffff;
	[tilespmem:v60+s21+$0x0] =	vst.idx.msk $0xffff, v40  }
0x6ca: {  	v59 =	vor.u32 v7, v58;
	v40 =	vor.u32 v10, v37;
	v41 =	vld.idx.msk [tilespmem:v41+s19+$0x0], $0xffff  }
0x6cb: {  	v60 =	vor.u32 v8, v49;
	[tilespmem:v62+s21+$0x0] =	vst.idx.msk $0xffff, v61  }
0x6cc: {  	v62 =	vor.u32 v7, v57;
	v61 =	vld.idx.msk [tilespmem:v63+s19+$0x0], $0xffff  }
0x6cd: {  	[tilespmem:v53+s21+$0x0] =	vst.idx.msk $0xffff, v52;
	v63 =	vor.u32 v8, v39  }
0x6ce: {  	v53 =	vor.u32 v11, v36;
	[tilespmem:v56+s21+$0x0] =	vst.idx.msk $0xffff, v55;
	v52 =	vld.idx.msk [tilespmem:v54+s19+$0x0], $0xffff  }
0x6cf: {  	v55 =	vor.u32 v11, v38;
	v40 =	vld.idx.msk [tilespmem:v40+s19+$0x0], $0xffff;
	[tilespmem:v59+s21+$0x0] =	vst.idx.msk $0xffff, v41  }
0x6d0: {  	v54 =	vor.u32 v12, v35;
	v59 =	vor.u32 v9, v58;
	v56 =	vld.idx.msk [tilespmem:v60+s19+$0x0], $0xffff  }
0x6d1: {  	v60 =	vor.u32 v10, v49;
	[tilespmem:v62+s21+$0x0] =	vst.idx.msk $0xffff, v61  }
0x6d2: {  	v41 =	vor.u32 v12, v37;
	v62 =	vor.u32 v9, v57;
	v61 =	vld.idx.msk [tilespmem:v63+s19+$0x0], $0xffff  }
0x6d3: {  	[tilespmem:v53+s21+$0x0] =	vst.idx.msk $0xffff, v52;
	v63 =	vor.u32 v10, v39  }
0x6d4: {  	[tilespmem:v55+s21+$0x0] =	vst.idx.msk $0xffff, v40  }
0x6d5: {  	v52 =	vor.u32 v13, v36;
	v40 =	vld.idx.msk [tilespmem:v54+s19+$0x0], $0xffff;
	[tilespmem:v59+s21+$0x0] =	vst.idx.msk $0xffff, v56  }
0x6d6: {  	v54 =	vor.u32 v14, v35;
	v56 =	vor.u32 v11, v58;
	v55 =	vld.idx.msk [tilespmem:v60+s19+$0x0], $0xffff  }
0x6d7: {  	v53 =	vor.u32 v13, v38;
	v41 =	vld.idx.msk [tilespmem:v41+s19+$0x0], $0xffff;
	v59 =	vor.u32 v12, v49;
	[tilespmem:v62+s21+$0x0] =	vst.idx.msk $0xffff, v61  }
0x6d8: {  	v37 =	vor.u32 v14, v37;
	v61 =	vor.u32 v11, v57;
	v60 =	vld.idx.msk [tilespmem:v63+s19+$0x0], $0xffff  }
0x6d9: {  	v23 =	vor.u32 $0x20, v23;
	[tilespmem:v51+s21+$0x0] =	vst.idx.msk $0xffff, v50;
	v50 =	vor.u32 v12, v39  }
0x6da: {  	v36 =	vor.u32 v15, v36;
	v63 =	vand.u32 $0x7, v19;
	[tilespmem:v52+s21+$0x0] =	vst.idx.msk $0xffff, v40;
	v52 =	vand.u32 $0x28, v23  }
0x6db: {  	v49 =	vor.u32 v14, v49;
	v35 =	vor.u32 v63, v52;
	v51 =	vld.idx.msk [tilespmem:v54+s19+$0x0], $0xffff;
	[tilespmem:v56+s21+$0x0] =	vst.idx.msk $0xffff, v55  }
0x6dc: {  	v62 =	vor.u32 v13, v58;
	[tilespmem:v53+s21+$0x0] =	vst.idx.msk $0xffff, v41;
	v52 =	vor.u32 v1, v35;
	v54 =	vld.idx.msk [tilespmem:v59+s19+$0x0], $0xffff  }
0x6dd: {  	v41 =	vshll.u32 v23, $0x7;
	v63 =	vor.u32 v15, v38;
	v37 =	vld.idx.msk [tilespmem:v37+s19+$0x0], $0xffff;
	[tilespmem:v61+s21+$0x0] =	vst.idx.msk $0xffff, v60  }
0x6de: {  	v56 =	vand.u32 $0x1400, v41;
	v59 =	vor.u32 v13, v57;
	v41 =	vld.idx.msk [tilespmem:v50+s19+$0x0], $0xffff  }
0x6df: {  	[tilespmem:v48+s21+$0x0] =	vst.idx.msk $0xffff, v47  }
0x6e0: {  	v39 =	vor.u32 v14, v39;
	v53 =	vor.u32 $0x20, v24;
	[tilespmem:v36+s21+$0x0] =	vst.idx.msk $0xffff, v51  }
0x6e1: {  	v23 =	vand.u32 $0x7, v21;
	v24 =	vand.u32 $0x28, v53;
	v52 =	vld.idx.msk [tilespmem:v52+s19+$0x0], $0xffff;
	[tilespmem:v62+s21+$0x0] =	vst.idx.msk $0xffff, v54  }
0x6e2: {  	v23 =	vor.u32 v23, v24;
	v24 =	vor.u32 v32, v56;
	[tilespmem:v63+s21+$0x0] =	vst.idx.msk $0xffff, v37;
	v49 =	vld.idx.msk [tilespmem:v49+s19+$0x0], $0xffff  }
0x6e3: {  	v33 =	vor.u32 $0x20, v33;
	v48 =	vor.u32 v0, v24;
	v38 =	vld [tilespmem:$0x1FF90];
	[tilespmem:v59+s21+$0x0] =	vst.idx.msk $0xffff, v41  }
0x6e4: {  	v61 =	vand.u32 $0x7, v20;
	v62 =	vand.u32 $0x28, v33;
	v54 =	vor.u32 v15, v58;
	v58 =	vld [tilespmem:$0x1FFA0]  }
0x6e5: {  	v37 =	vor.u32 v61, v62;
	v62 =	vor.u32 v15, v57;
	v39 =	vld.idx.msk [tilespmem:v39+s19+$0x0], $0xffff;
	_ =	sdelay $0x1  }
0x6e6: {  	v29 =	vor.u32 v15, v29;
	v40 =	vor.u32 v9, v30;
	v60 =	vshll.u32 v53, $0x7  }
0x6e7: {  	v53 =	vor.u32 v2, v35;
	v36 =	vor.u32 v1, v23;
	v33 =	vshll.u32 v33, $0x7;
	[tilespmem:v48+s21+$0x0] =	vst.idx.msk $0xffff, v52  }
0x6e8: {  	v51 =	vand.u32 $0x1400, v60;
	v33 =	vand.u32 $0x1400, v33;
	v63 =	vor.u32 $0x20, v38;
	[tilespmem:v54+s21+$0x0] =	vst.idx.msk $0xffff, v49  }
0x6e9: {  	v61 =	vor.u32 v1, v37;
	v60 =	vand.u32 $0x28, v63;
	v57 =	vld [tilespmem:$0x1FFB0];
	v47 =	vand.u32 $0x7, v58;
	[tilespmem:v62+s21+$0x0] =	vst.idx.msk $0xffff, v39  }
0x6ea: {  	v49 =	vor.u32 v3, v24;
	v54 =	vor.u32 v4, v35;
	v38 =	vor.u32 v47, v60;
	v56 =	vld [tilespmem:$0x1FFC0]  }
0x6eb: {  	v43 =	vld.idx.msk [tilespmem:v43+s19+$0x0], $0xffff;
	v63 =	vshll.u32 v63, $0x7;
	v62 =	vor.u32 v10, v26;
	v41 =	vor.u32 v1, v38  }
0x6ec: {  	v42 =	vld.idx.msk [tilespmem:v42+s19+$0x0], $0xffff;
	v47 =	vor.u32 v14, v31;
	v31 =	vor.u32 v34, v51;
	v60 =	vor.u32 v9, v28  }
0x6ed: {  	v52 =	vld.idx.msk [tilespmem:v36+s19+$0x0], $0xffff;
	v36 =	vand.u32 $0x1400, v63;
	v63 =	vor.u32 v10, v27;
	v48 =	vor.u32 v0, v31  }
0x6ee: {  	v53 =	vld.idx.msk [tilespmem:v53+s19+$0x0], $0xffff;
	v51 =	vor.u32 v2, v23;
	[tilespmem:v46+s21+$0x0] =	vst.idx.msk $0xffff, v44;
	v33 =	vor.u32 v57, v33  }
0x6ef: {  	v50 =	vld.idx.msk [tilespmem:v61+s19+$0x0], $0xffff;
	[tilespmem:v40+s21+$0x0] =	vst.idx.msk $0xffff, v45;
	v39 =	vor.u32 v0, v33;
	v36 =	vor.u32 v56, v36  }
0x6f0: {  	v44 =	vor.u32 v2, v37;
	[tilespmem:v29+s21+$0x0] =	vst.idx.msk $0xffff, v43;
	v41 =	vld.idx.msk [tilespmem:v41+s19+$0x0], $0xffff;
	v59 =	vor.u32 v0, v36  }
0x6f1: {  	v61 =	vor.u32 v2, v38;
	v45 =	vld.idx.msk [tilespmem:v62+s19+$0x0], $0xffff;
	[tilespmem:v60+s21+$0x0] =	vst.idx.msk $0xffff, v42;
	v60 =	vor.u32 v11, v30  }
0x6f2: {  	[tilespmem:v48+s21+$0x0] =	vst.idx.msk $0xffff, v52;
	v48 =	vld.idx.msk [tilespmem:v63+s19+$0x0], $0xffff;
	v63 =	vor.u32 v11, v28  }
0x6f3: {  	[tilespmem:v49+s21+$0x0] =	vst.idx.msk $0xffff, v53;
	v62 =	vor.u32 v12, v26;
	v52 =	vor.u32 v3, v31;
	v51 =	vld.idx.msk [tilespmem:v51+s19+$0x0], $0xffff  }
0x6f4: {  	v49 =	vor.u32 v4, v23;
	v53 =	vld.idx.msk [tilespmem:v54+s19+$0x0], $0xffff;
	v54 =	vor.u32 v5, v24;
	[tilespmem:v39+s21+$0x0] =	vst.idx.msk $0xffff, v50  }
0x6f5: {  	v39 =	vor.u32 v6, v35;
	v50 =	vor.u32 v3, v33;
	v44 =	vld.idx.msk [tilespmem:v44+s19+$0x0], $0xffff;
	[tilespmem:v59+s21+$0x0] =	vst.idx.msk $0xffff, v41  }
0x6f6: {  	v42 =	vor.u32 v3, v36;
	[tilespmem:v60+s21+$0x0] =	vst.idx.msk $0xffff, v45;
	v59 =	vor.u32 v4, v37;
	v40 =	vld.idx.msk [tilespmem:v61+s19+$0x0], $0xffff  }
0x6f7: {  	[tilespmem:v63+s21+$0x0] =	vst.idx.msk $0xffff, v48;
	v61 =	vor.u32 v4, v38  }
0x6f8: {  	v29 =	vor.u32 v15, v25;
	v25 =	vld.idx.msk [tilespmem:v62+s19+$0x0], $0xffff;
	v63 =	vor.u32 v13, v30;
	[tilespmem:v52+s21+$0x0] =	vst.idx.msk $0xffff, v51  }
0x6f9: {  	v26 =	vor.u32 v14, v26;
	[tilespmem:v54+s21+$0x0] =	vst.idx.msk $0xffff, v53;
	v52 =	vor.u32 v5, v31;
	v49 =	vld.idx.msk [tilespmem:v49+s19+$0x0], $0xffff  }
0x6fa: {  	v53 =	vor.u32 v6, v23;
	v54 =	vor.u32 v7, v24;
	v39 =	vld.idx.msk [tilespmem:v39+s19+$0x0], $0xffff;
	[tilespmem:v50+s21+$0x0] =	vst.idx.msk $0xffff, v44  }
0x6fb: {  	v44 =	vor.u32 v8, v35;
	v41 =	vld.idx.msk [tilespmem:v59+s19+$0x0], $0xffff;
	v59 =	vor.u32 v5, v33;
	[tilespmem:v42+s21+$0x0] =	vst.idx.msk $0xffff, v40  }
0x6fc: {  	v46 =	vor.u32 $0x30, v22;
	v60 =	vor.u32 v6, v37;
	v42 =	vld.idx.msk [tilespmem:v61+s19+$0x0], $0xffff;
	v61 =	vor.u32 v5, v36  }
0x6fd: {  	v22 =	vand.u32 $0x3F, v46;
	v62 =	vor.u32 v6, v38;
	[tilespmem:v63+s21+$0x0] =	vst.idx.msk $0xffff, v25  }
0x6fe: {  	v48 =	vor.u32 v2, v22;
	v30 =	vor.u32 v15, v30;
	v26 =	vld.idx.msk [tilespmem:v26+s19+$0x0], $0xffff;
	[tilespmem:v52+s21+$0x0] =	vst.idx.msk $0xffff, v49  }
0x6ff: {  	v51 =	vor.u32 v12, v27;
	v52 =	vor.u32 v7, v31;
	v49 =	vld.idx.msk [tilespmem:v53+s19+$0x0], $0xffff;
	[tilespmem:v54+s21+$0x0] =	vst.idx.msk $0xffff, v39  }
0x700: {  	v39 =	vor.u32 v8, v23;
	v53 =	vor.u32 v9, v24;
	v44 =	vld.idx.msk [tilespmem:v44+s19+$0x0], $0xffff;
	[tilespmem:v59+s21+$0x0] =	vst.idx.msk $0xffff, v41  }
0x701: {  	v59 =	vor.u32 v10, v35;
	v40 =	vld.idx.msk [tilespmem:v60+s19+$0x0], $0xffff;
	v60 =	vor.u32 v7, v33;
	[tilespmem:v61+s21+$0x0] =	vst.idx.msk $0xffff, v42  }
0x702: {  	v27 =	vor.u32 v14, v27;
	v61 =	vor.u32 v8, v37;
	v43 =	vld.idx.msk [tilespmem:v62+s19+$0x0], $0xffff;
	v62 =	vor.u32 v7, v36  }
0x703: {  	v46 =	vshll.u32 v46, $0x7;
	v50 =	vor.u32 v9, v33;
	v63 =	vor.u32 v8, v38;
	[tilespmem:v30+s21+$0x0] =	vst.idx.msk $0xffff, v26  }
0x704: {  	v51 =	vld.idx.msk [tilespmem:v51+s19+$0x0], $0xffff;
	v54 =	vor.u32 v12, v38;
	v42 =	vor.u32 v13, v28;
	[tilespmem:v52+s21+$0x0] =	vst.idx.msk $0xffff, v49  }
0x705: {  	v26 =	vor.u32 v10, v38;
	v52 =	vor.u32 v9, v31;
	v39 =	vld.idx.msk [tilespmem:v39+s19+$0x0], $0xffff;
	[tilespmem:v53+s21+$0x0] =	vst.idx.msk $0xffff, v44  }
0x706: {  	v30 =	vand.u32 $0x1C00, v46;
	v41 =	vld.idx.msk [tilespmem:v59+s19+$0x0], $0xffff;
	v59 =	vor.u32 v11, v24;
	[tilespmem:v60+s21+$0x0] =	vst.idx.msk $0xffff, v40  }
0x707: {  	v46 =	vor.u32 v11, v31;
	v44 =	vor.u32 v10, v23;
	v45 =	vld.idx.msk [tilespmem:v61+s19+$0x0], $0xffff;
	[tilespmem:v62+s21+$0x0] =	vst.idx.msk $0xffff, v43  }
0x708: {  	v38 =	vor.u32 v14, v38;
	v61 =	vor.u32 v10, v37;
	v62 =	vor.u32 v9, v36;
	v25 =	vld.idx.msk [tilespmem:v63+s19+$0x0], $0xffff  }
0x709: {  	v28 =	vor.u32 v15, v28;
	v17 =	vor.u32 v17, v30;
	[tilespmem:v42+s21+$0x0] =	vst.idx.msk $0xffff, v51  }
0x70a: {  	v49 =	vor.u32 v1, v22;
	v60 =	vor.u32 v12, v35;
	[tilespmem:v52+s21+$0x0] =	vst.idx.msk $0xffff, v39  }
0x70b: {  	v53 =	vor.u32 v11, v36;
	v35 =	vor.u32 v14, v35;
	v27 =	vld.idx.msk [tilespmem:v27+s19+$0x0], $0xffff;
	[tilespmem:v59+s21+$0x0] =	vst.idx.msk $0xffff, v41  }
0x70c: {  	v43 =	vor.u32 v13, v33;
	v63 =	vor.u32 $0x30, v16;
	v44 =	vld.idx.msk [tilespmem:v44+s19+$0x0], $0xffff;
	[tilespmem:v50+s21+$0x0] =	vst.idx.msk $0xffff, v45  }
0x70d: {  	v59 =	vor.u32 v12, v23;
	v42 =	vld.idx.msk [tilespmem:v61+s19+$0x0], $0xffff;
	v61 =	vor.u32 v11, v33;
	[tilespmem:v62+s21+$0x0] =	vst.idx.msk $0xffff, v25  }
0x70e: {  	v16 =	vand.u32 $0x3F, v63;
	v62 =	vshll.u32 v63, $0x7;
	v63 =	vor.u32 v12, v37;
	v26 =	vld.idx.msk [tilespmem:v26+s19+$0x0], $0xffff  }
0x70f: {  	v23 =	vor.u32 v14, v23;
	v39 =	vor.u32 v1, v16;
	v40 =	vld.idx.msk [tilespmem:v60+s19+$0x0], $0xffff;
	v60 =	vor.u32 v13, v24  }
0x710: {  	v24 =	vor.u32 v15, v24;
	v45 =	vor.u32 v2, v16;
	[tilespmem:v28+s21+$0x0] =	vst.idx.msk $0xffff, v27  }
0x711: {  	v28 =	vor.u32 v0, v17;
	v33 =	vor.u32 v15, v33;
	[tilespmem:v46+s21+$0x0] =	vst.idx.msk $0xffff, v44;
	v44 =	vld.idx.msk [tilespmem:v47+s19+$0x0], $0xffff  }
0x712: {  	v25 =	vand.u32 $0x1C00, v62;
	v55 =	vld.idx.msk [tilespmem:v59+s19+$0x0], $0xffff;
	v59 =	vor.u32 v13, v31;
	[tilespmem:v61+s21+$0x0] =	vst.idx.msk $0xffff, v42  }
0x713: {  	v62 =	vor.u32 v13, v36;
	v36 =	vor.u32 v15, v36;
	v42 =	vld.idx.msk [tilespmem:v63+s19+$0x0], $0xffff;
	[tilespmem:v53+s21+$0x0] =	vst.idx.msk $0xffff, v26  }
0x714: {  	[tilespmem:v60+s21+$0x0] =	vst.idx.msk $0xffff, v40;
	v60 =	vor.u32 $0x30, v19;
	v61 =	vor.u32 v14, v37;
	v27 =	vld.idx.msk [tilespmem:v54+s19+$0x0], $0xffff  }
0x715: {  	v18 =	vor.u32 v18, v25;
	v31 =	vor.u32 v15, v31;
	v35 =	vld.idx.msk [tilespmem:v35+s19+$0x0], $0xffff;
	v19 =	vand.u32 $0x3F, v60  }
0x716: {  	v30 =	vor.u32 v0, v18;
	v52 =	vshll.u32 v60, $0x7;
	v63 =	vor.u32 v1, v19;
	[tilespmem:v29+s21+$0x0] =	vst.idx.msk $0xffff, v44  }
0x717: {  	v47 =	vld.idx.msk [tilespmem:v49+s19+$0x0], $0xffff;
	v60 =	vor.u32 $0x30, v20;
	v46 =	vor.u32 v2, v19;
	v53 =	vor.u32 $0x30, v21;
	[tilespmem:v59+s21+$0x0] =	vst.idx.msk $0xffff, v55  }
0x718: {  	v50 =	vshll.u32 v60, $0x7;
	v21 =	vand.u32 $0x3F, v53;
	v54 =	vand.u32 $0x1C00, v52;
	v41 =	vld.idx.msk [tilespmem:v23+s19+$0x0], $0xffff;
	[tilespmem:v43+s21+$0x0] =	vst.idx.msk $0xffff, v42  }
0x719: {  	v55 =	vor.u32 v1, v21;
	v23 =	vand.u32 $0x3F, v60;
	v26 =	vld.idx.msk [tilespmem:v61+s19+$0x0], $0xffff;
	v61 =	vor.u32 $0x30, v58;
	[tilespmem:v62+s21+$0x0] =	vst.idx.msk $0xffff, v27  }
0x71a: {  	v59 =	vshll.u32 v53, $0x7;
	[tilespmem:v24+s21+$0x0] =	vst.idx.msk $0xffff, v35;
	v62 =	vor.u32 v1, v23;
	v25 =	vand.u32 $0x3F, v61;
	v38 =	vld.idx.msk [tilespmem:v38+s19+$0x0], $0xffff  }
0x71b: {  	v20 =	vor.u32 v32, v54;
	v24 =	vand.u32 $0x1C00, v59;
	v32 =	vld.idx.msk [tilespmem:v63+s19+$0x0], $0xffff;
	v63 =	vor.u32 v1, v25  }
0x71c: {  	v35 =	vld.idx.msk [tilespmem:v39+s19+$0x0], $0xffff;
	v52 =	vor.u32 v2, v21;
	v49 =	vor.u32 v0, v20;
	v24 =	vor.u32 v34, v24  }
0x71d: {  	v34 =	vor.u32 v0, v24;
	v27 =	vshll.u32 v61, $0x7;
	[tilespmem:v31+s21+$0x0] =	vst.idx.msk $0xffff, v41;
	v31 =	vand.u32 $0x1C00, v50  }
0x71e: {  	v27 =	vand.u32 $0x1C00, v27;
	v51 =	vld.idx.msk [tilespmem:v55+s19+$0x0], $0xffff;
	[tilespmem:v33+s21+$0x0] =	vst.idx.msk $0xffff, v26;
	v26 =	vor.u32 v57, v31  }
0x71f: {  	v27 =	vor.u32 v56, v27;
	v53 =	vld.idx.msk [tilespmem:v62+s19+$0x0], $0xffff;
	v54 =	vor.u32 v0, v26;
	[tilespmem:v36+s21+$0x0] =	vst.idx.msk $0xffff, v38  }
0x720: {  	[tilespmem:v28+s21+$0x0] =	vst.idx.msk $0xffff, v47;
	v55 =	vor.u32 v2, v23;
	v56 =	vor.u32 v0, v27;
	v36 =	vld.idx.msk [tilespmem:v63+s19+$0x0], $0xffff  }
0x721: {  	v58 =	vor.u32 v3, v17;
	[tilespmem:v30+s21+$0x0] =	vst.idx.msk $0xffff, v35;
	v59 =	vor.u32 v2, v25;
	v57 =	vld.idx.msk [tilespmem:v48+s19+$0x0], $0xffff  }
0x722: {  	v60 =	vor.u32 v4, v22;
	v61 =	vld.idx.msk [tilespmem:v45+s19+$0x0], $0xffff;
	[tilespmem:v49+s21+$0x0] =	vst.idx.msk $0xffff, v32;
	v62 =	vor.u32 v3, v18  }
0x723: {  	v43 =	vld.idx.msk [tilespmem:v46+s19+$0x0], $0xffff;
	v48 =	vor.u32 v3, v20;
	v63 =	vor.u32 v4, v16;
	[tilespmem:v34+s21+$0x0] =	vst.idx.msk $0xffff, v51  }
0x724: {  	v50 =	vor.u32 v3, v24;
	v49 =	vor.u32 v4, v19;
	v34 =	vld.idx.msk [tilespmem:v52+s19+$0x0], $0xffff;
	[tilespmem:v54+s21+$0x0] =	vst.idx.msk $0xffff, v53  }
0x725: {  	v51 =	vor.u32 v4, v21;
	v52 =	vor.u32 v3, v26;
	v28 =	vld.idx.msk [tilespmem:v55+s19+$0x0], $0xffff;
	[tilespmem:v56+s21+$0x0] =	vst.idx.msk $0xffff, v36  }
0x726: {  	[tilespmem:v58+s21+$0x0] =	vst.idx.msk $0xffff, v57;
	v53 =	vor.u32 v4, v23;
	v54 =	vor.u32 v3, v27;
	v30 =	vld.idx.msk [tilespmem:v59+s19+$0x0], $0xffff  }
0x727: {  	v35 =	vld.idx.msk [tilespmem:v60+s19+$0x0], $0xffff;
	[tilespmem:v62+s21+$0x0] =	vst.idx.msk $0xffff, v61;
	v55 =	vor.u32 v5, v17;
	v56 =	vor.u32 v4, v25  }
0x728: {  	v57 =	vor.u32 v6, v22;
	v58 =	vor.u32 v5, v18;
	[tilespmem:v48+s21+$0x0] =	vst.idx.msk $0xffff, v43;
	v32 =	vld.idx.msk [tilespmem:v63+s19+$0x0], $0xffff  }
0x729: {  	v29 =	vld.idx.msk [tilespmem:v49+s19+$0x0], $0xffff;
	v60 =	vor.u32 v5, v20;
	v59 =	vor.u32 v6, v16;
	[tilespmem:v50+s21+$0x0] =	vst.idx.msk $0xffff, v34  }
0x72a: {  	v61 =	vor.u32 v6, v19;
	v62 =	vor.u32 v5, v24;
	v31 =	vld.idx.msk [tilespmem:v51+s19+$0x0], $0xffff;
	[tilespmem:v52+s21+$0x0] =	vst.idx.msk $0xffff, v28  }
0x72b: {  	v48 =	vor.u32 v5, v26;
	v63 =	vor.u32 v6, v21;
	v33 =	vld.idx.msk [tilespmem:v53+s19+$0x0], $0xffff;
	[tilespmem:v54+s21+$0x0] =	vst.idx.msk $0xffff, v30  }
0x72c: {  	v49 =	vor.u32 v6, v23;
	v51 =	vor.u32 v5, v27;
	[tilespmem:v55+s21+$0x0] =	vst.idx.msk $0xffff, v35;
	v50 =	vld.idx.msk [tilespmem:v56+s19+$0x0], $0xffff  }
0x72d: {  	v52 =	vor.u32 v7, v17;
	v38 =	vld.idx.msk [tilespmem:v57+s19+$0x0], $0xffff;
	[tilespmem:v58+s21+$0x0] =	vst.idx.msk $0xffff, v32;
	v53 =	vor.u32 v6, v25  }
0x72e: {  	[tilespmem:v60+s21+$0x0] =	vst.idx.msk $0xffff, v29;
	v55 =	vor.u32 v7, v18;
	v54 =	vor.u32 v8, v22;
	v42 =	vld.idx.msk [tilespmem:v59+s19+$0x0], $0xffff  }
0x72f: {  	v34 =	vld.idx.msk [tilespmem:v61+s19+$0x0], $0xffff;
	v57 =	vor.u32 v7, v20;
	v56 =	vor.u32 v8, v16;
	[tilespmem:v62+s21+$0x0] =	vst.idx.msk $0xffff, v31  }
0x730: {  	v58 =	vor.u32 v8, v19;
	v59 =	vor.u32 v7, v24;
	v28 =	vld.idx.msk [tilespmem:v63+s19+$0x0], $0xffff;
	[tilespmem:v48+s21+$0x0] =	vst.idx.msk $0xffff, v33  }
0x731: {  	v60 =	vor.u32 v8, v21;
	v61 =	vor.u32 v7, v26;
	v30 =	vld.idx.msk [tilespmem:v49+s19+$0x0], $0xffff;
	[tilespmem:v51+s21+$0x0] =	vst.idx.msk $0xffff, v50  }
0x732: {  	v62 =	vor.u32 v8, v23;
	v63 =	vor.u32 v7, v27;
	[tilespmem:v52+s21+$0x0] =	vst.idx.msk $0xffff, v38;
	v32 =	vld.idx.msk [tilespmem:v53+s19+$0x0], $0xffff  }
0x733: {  	v48 =	vor.u32 v9, v17;
	v38 =	vld.idx.msk [tilespmem:v54+s19+$0x0], $0xffff;
	[tilespmem:v55+s21+$0x0] =	vst.idx.msk $0xffff, v42;
	v49 =	vor.u32 v8, v25  }
0x734: {  	[tilespmem:v57+s21+$0x0] =	vst.idx.msk $0xffff, v34;
	v50 =	vor.u32 v10, v22;
	v29 =	vld.idx.msk [tilespmem:v56+s19+$0x0], $0xffff;
	v51 =	vor.u32 v9, v18  }
0x735: {  	v52 =	vor.u32 v10, v16;
	v31 =	vld.idx.msk [tilespmem:v58+s19+$0x0], $0xffff;
	v53 =	vor.u32 v9, v20;
	[tilespmem:v59+s21+$0x0] =	vst.idx.msk $0xffff, v28  }
0x736: {  	v54 =	vor.u32 v10, v19;
	v55 =	vor.u32 v9, v24;
	v33 =	vld.idx.msk [tilespmem:v60+s19+$0x0], $0xffff;
	[tilespmem:v61+s21+$0x0] =	vst.idx.msk $0xffff, v30  }
0x737: {  	v57 =	vor.u32 v9, v26;
	v56 =	vor.u32 v10, v21;
	v35 =	vld.idx.msk [tilespmem:v62+s19+$0x0], $0xffff;
	[tilespmem:v63+s21+$0x0] =	vst.idx.msk $0xffff, v32  }
0x738: {  	v58 =	vor.u32 v10, v23;
	v59 =	vor.u32 v9, v27;
	[tilespmem:v48+s21+$0x0] =	vst.idx.msk $0xffff, v38;
	v37 =	vld.idx.msk [tilespmem:v49+s19+$0x0], $0xffff  }
0x739: {  	v60 =	vor.u32 v11, v17;
	v61 =	vor.u32 v10, v25;
	v40 =	vld.idx.msk [tilespmem:v50+s19+$0x0], $0xffff;
	[tilespmem:v51+s21+$0x0] =	vst.idx.msk $0xffff, v29  }
0x73a: {  	v62 =	vor.u32 v12, v22;
	v34 =	vld.idx.msk [tilespmem:v52+s19+$0x0], $0xffff;
	v63 =	vor.u32 v11, v18;
	[tilespmem:v53+s21+$0x0] =	vst.idx.msk $0xffff, v31  }
0x73b: {  	v48 =	vor.u32 v12, v16;
	v28 =	vld.idx.msk [tilespmem:v54+s19+$0x0], $0xffff;
	v49 =	vor.u32 v11, v20;
	[tilespmem:v55+s21+$0x0] =	vst.idx.msk $0xffff, v33  }
0x73c: {  	v50 =	vor.u32 v12, v19;
	v51 =	vor.u32 v11, v24;
	v30 =	vld.idx.msk [tilespmem:v56+s19+$0x0], $0xffff;
	[tilespmem:v57+s21+$0x0] =	vst.idx.msk $0xffff, v35  }
0x73d: {  	v52 =	vor.u32 v12, v21;
	v53 =	vor.u32 v11, v26;
	v32 =	vld.idx.msk [tilespmem:v58+s19+$0x0], $0xffff;
	[tilespmem:v59+s21+$0x0] =	vst.idx.msk $0xffff, v37  }
0x73e: {  	v54 =	vor.u32 v12, v23;
	v55 =	vor.u32 v11, v27;
	[tilespmem:v60+s21+$0x0] =	vst.idx.msk $0xffff, v40;
	v29 =	vld.idx.msk [tilespmem:v61+s19+$0x0], $0xffff  }
0x73f: {  	v56 =	vor.u32 v13, v17;
	v57 =	vor.u32 v12, v25;
	v40 =	vld.idx.msk [tilespmem:v62+s19+$0x0], $0xffff;
	[tilespmem:v63+s21+$0x0] =	vst.idx.msk $0xffff, v34  }
0x740: {  	v22 =	vor.u32 v14, v22;
	v58 =	vor.u32 v13, v18;
	v31 =	vld.idx.msk [tilespmem:v48+s19+$0x0], $0xffff;
	[tilespmem:v49+s21+$0x0] =	vst.idx.msk $0xffff, v28  }
0x741: {  	v16 =	vor.u32 v14, v16;
	v59 =	vor.u32 v13, v20;
	v28 =	vld.idx.msk [tilespmem:v50+s19+$0x0], $0xffff;
	[tilespmem:v51+s21+$0x0] =	vst.idx.msk $0xffff, v30  }
0x742: {  	v19 =	vor.u32 v14, v19;
	v60 =	vor.u32 v13, v24;
	v30 =	vld.idx.msk [tilespmem:v52+s19+$0x0], $0xffff;
	[tilespmem:v53+s21+$0x0] =	vst.idx.msk $0xffff, v32  }
0x743: {  	v21 =	vor.u32 v14, v21;
	v61 =	vor.u32 v13, v26;
	v32 =	vld.idx.msk [tilespmem:v54+s19+$0x0], $0xffff;
	[tilespmem:v55+s21+$0x0] =	vst.idx.msk $0xffff, v29  }
0x744: {  	v23 =	vor.u32 v14, v23;
	v62 =	vor.u32 v13, v27;
	[tilespmem:v56+s21+$0x0] =	vst.idx.msk $0xffff, v40;
	v29 =	vld.idx.msk [tilespmem:v57+s19+$0x0], $0xffff  }
0x745: {  	v17 =	vor.u32 v15, v17;
	v25 =	vor.u32 v14, v25;
	v22 =	vld.idx.msk [tilespmem:v22+s19+$0x0], $0xffff;
	[tilespmem:v58+s21+$0x0] =	vst.idx.msk $0xffff, v31  }
0x746: {  	v18 =	vor.u32 v15, v18;
	v16 =	vld.idx.msk [tilespmem:v16+s19+$0x0], $0xffff;
	[tilespmem:v59+s21+$0x0] =	vst.idx.msk $0xffff, v28  }
0x747: {  	v20 =	vor.u32 v15, v20;
	v19 =	vld.idx.msk [tilespmem:v19+s19+$0x0], $0xffff;
	[tilespmem:v60+s21+$0x0] =	vst.idx.msk $0xffff, v30  }
0x748: {  	v24 =	vor.u32 v15, v24;
	v21 =	vld.idx.msk [tilespmem:v21+s19+$0x0], $0xffff;
	[tilespmem:v61+s21+$0x0] =	vst.idx.msk $0xffff, v32  }
0x749: {  	v26 =	vor.u32 v15, v26;
	v23 =	vld.idx.msk [tilespmem:v23+s19+$0x0], $0xffff;
	[tilespmem:v62+s21+$0x0] =	vst.idx.msk $0xffff, v29  }
0x74a: {  	s28 =	sadd.s32 $0x1, s28;
	v63 =	vor.u32 v15, v27;
	[tilespmem:v17+s21+$0x0] =	vst.idx.msk $0xffff, v22;
	v17 =	vld.idx.msk [tilespmem:v25+s19+$0x0], $0xffff  }
0x74b: {  	p0 =	sne.s32 s28, $0x32;
	[tilespmem:v18+s21+$0x0] =	vst.idx.msk $0xffff, v16  }
.Ltmp4:
0x74c: {  	s31 =	sshll.u32 s30, $0x12;
	[tilespmem:v20+s21+$0x0] =	vst.idx.msk $0xffff, v19;
	(pc) =	sbr.rel @p0 .LBB2_2-.Ltmp4, $4  }
0x74d: {  	s0 =	sor.u32 s6, s31;
	[tilespmem:v24+s21+$0x0] =	vst.idx.msk $0xffff, v21  }
0x74e: {  	s0 =	sshrl.u32 s0, $0x3;
	[tilespmem:v26+s21+$0x0] =	vst.idx.msk $0xffff, v23  }
0x74f: {  	s0 =	sadd.s32 s2, s0;
	[tilespmem:v63+s21+$0x0] =	vst.idx.msk $0xffff, v17  }
0x750: {  	[hbm4b:s0+s17] =	stream.strided.scatter [tilespmem:s21], [sflag:$0x6], $0x2000, s18, s17, $0x38;
	[tilespmem:$0x12400] =	vst v63  }
0x751: {  	s26 =	sadd.s32 $0x1, s26  }
0x752: {  	_ =	swait.ge [sflag:s23], $0x2000;
	p0 =	sne.s32 s26, s8  }
.Ltmp5:
0x753: {  	[sflag:s23] =	ssyncset.done $0x0;
	(pc) =	sbr.rel @p0 .LBB2_1-.Ltmp5, $4  }
0x754: {  	[sflag:s23] =	ssyncadd.s32 $0xFFFFE000  }
0x755: {  	_ =	swait.ge [sflag:s25], $0x2000  }
0x756: {  	[sflag:s25] =	ssyncset.done $0x0  }
0x757: {  	[sflag:s25] =	ssyncadd.s32 $0xFFFFE000  }
0x758: {  	_ =	sfence.sel $0x180000  }
0x759: {  	[bflag:$0x0] =	sbarrier.arrive $0xFFFF  }
0x75a: {  	_ =	strace $0x90000047  }
0x75b: {  	s0 =	stileid.u32;
	[bflag:$0x2] =	sbarrier.arrive $0xFFFF  }
0x75c: {  	p0 =	sne.s32 s0, $0x0;
	s0 =	rddreg [dreg:$0x2]  }
0x75d: {  	s0 =	sadd.s32 @!p0 $0x100000, s0  }
0x75e: {  	[sflag:s0] =	ssyncadd.tile.s32 @!p0 $0x1;
	_ =	shalt  }
.Lfunc_end2:
_tile_overlayer_lowered:
.L_overlay_start_2:
0x75f: {  	(tag) =	ssettag $0x2  }
0x760: {  	s0 =	rddreg [dreg:$0x0];
	s2 =	stileid.u32  }
0x761: {  	s1 =	rddreg [dreg:$0x1];
	p0 =	sne.s32 s2, $0x0  }
0x762: {  	s3 =	rddreg [dreg:$0x2];
	[bflag:$0x3] =	sbarrier.arrive $0xFFFF;
	s2 =	simm.s32 @!p0 $0x1C07  }
0x763: {  	[timem:s3], [sflag:s2] =	dma.local @!p0 [hbm:s0], s1  }
0x764: {  	s0 =	simm.s32 @!p0 $0x7  }
0x765: {  	_ =	swait.ge @!p0 [sflag:s0], s1  }
0x766: {  	s1 =	ssub.s32 @!p0 $0x0, s1;
	[sflag:s0] =	ssyncset.done @!p0 $0x0  }
0x767: {  	[sflag:s0] =	ssyncadd.s32 @!p0 s1  }
0x768: {  	[bflag:$0x3] =	sbarrier.arrive $0xFFFF  }
0x769: {  	_ =	shalt  }

</sc_bundles>
